<compile_context>
chip_gen: v7x
topology: tpu7x:2x2x1
jax: 0.10.2.dev20260603
libtpu: 0.0.44.dev20260713+nightly
codegen_flags: <defaults>
</compile_context>

<pallas_src>
import functools

import jax
import jax.numpy as jnp
from jax import lax
from jax.experimental import pallas as pl
from jax.experimental.pallas import tpu as pltpu
from jax.experimental.pallas import tpu_sc as plsc

BATCH = 1024
SPLIT = 768
ROWS = 64
LANES = 16
NW = 32
SCROWS = BATCH - SPLIT
RW = SCROWS // NW
CH = 2
NCH = RW // CH


def _tc_body(in1, out1, in2, out2, in3, out3, in4, out4, o_ref):
    for g, (a, b) in enumerate(((in1, out1), (in2, out2), (in3, out3), (in4, out4))):
        d = b[...] - a[...]
        o_ref[:, g] = jnp.sum(d * d, axis=1)


def _tc_per_sample(i1, o1, i2, o2, i3, o3, i4, o4):
    grid = SPLIT // ROWS
    img_spec = pl.BlockSpec((ROWS, 4096), lambda i: (i, 0))
    return pl.pallas_call(
        _tc_body,
        grid=(grid,),
        in_specs=[img_spec] * 8,
        out_specs=pl.BlockSpec((ROWS, 4), lambda i: (i, 0)),
        out_shape=jax.ShapeDtypeStruct((SPLIT, 4), jnp.float32),
    )(i1, o1, i2, o2, i3, o3, i4, o4)


def _sc_sse_body(i1, o1, i2, o2, i3, o3, i4, o4, out_hbm,
                 bA0, bA1, bB0, bB1, res_v, sA0, sA1, sB0, sB1):
    c = lax.axis_index("c")
    s = lax.axis_index("s")
    wid = s * 2 + c
    base = SPLIT + wid * RW
    lane = lax.broadcasted_iota(jnp.int32, (LANES,), 0)
    pairs = ((i1, o1), (i2, o2), (i3, o3), (i4, o4))
    bufsA = (bA0, bA1)
    bufsB = (bB0, bB1)
    semsA = (sA0, sA1)
    semsB = (sB0, sB1)
    for g in range(4):
        a_hbm, b_hbm = pairs[g]
        cpA = [None, None]
        cpB = [None, None]
        cpA[0] = pltpu.async_copy(a_hbm.at[pl.ds(base, CH)], bufsA[0], semsA[0])
        cpB[0] = pltpu.async_copy(b_hbm.at[pl.ds(base, CH)], bufsB[0], semsB[0])
        vec = jnp.zeros((LANES,), jnp.float32)
        for k in range(NCH):
            slot = k % 2
            if k + 1 < NCH:
                nslot = (k + 1) % 2
                off = base + (k + 1) * CH
                cpA[nslot] = pltpu.async_copy(a_hbm.at[pl.ds(off, CH)],
                                              bufsA[nslot], semsA[nslot])
                cpB[nslot] = pltpu.async_copy(b_hbm.at[pl.ds(off, CH)],
                                              bufsB[nslot], semsB[nslot])
            cpA[slot].wait()
            cpB[slot].wait()
            bA = bufsA[slot]
            bB = bufsB[slot]

            def row_body(r, v, _k=k, _bA=bA, _bB=bB):
                rl = _k * CH + r
                z = jnp.zeros((LANES,), jnp.float32)

                def inner(i, accs):
                    a0, a1, a2, a3 = accs
                    o = i * 64
                    d0 = _bB[r, pl.ds(o, 16)] - _bA[r, pl.ds(o, 16)]
                    d1 = _bB[r, pl.ds(o + 16, 16)] - _bA[r, pl.ds(o + 16, 16)]
                    d2 = _bB[r, pl.ds(o + 32, 16)] - _bA[r, pl.ds(o + 32, 16)]
                    d3 = _bB[r, pl.ds(o + 48, 16)] - _bA[r, pl.ds(o + 48, 16)]
                    return (a0 + d0 * d0, a1 + d1 * d1,
                            a2 + d2 * d2, a3 + d3 * d3)

                a0, a1, a2, a3 = lax.fori_loop(0, 64, inner, (z, z, z, z))
                acc = (a0 + a1) + (a2 + a3)
                sse = lax.reduce_sum_p.bind(acc, axes=(0,))
                v = jnp.where(lane == rl, sse, v)

                @pl.when(rl == RW - 1)
                def _():
                    res_v[...] = v

                return v

            vec = lax.fori_loop(0, CH, row_body, vec)
        pltpu.sync_copy(res_v.at[pl.ds(0, RW)], out_hbm.at[g, pl.ds(base - SPLIT, RW)])


def _sc_per_sample(i1, o1, i2, o2, i3, o3, i4, o4):
    mesh = plsc.VectorSubcoreMesh(core_axis_name="c", subcore_axis_name="s")
    f = pl.kernel(
        _sc_sse_body,
        out_type=jax.ShapeDtypeStruct((4, SCROWS), jnp.float32),
        mesh=mesh,
        compiler_params=pltpu.CompilerParams(needs_layout_passes=False),
        scratch_types=[
            pltpu.VMEM((CH, 4096), jnp.float32),
            pltpu.VMEM((CH, 4096), jnp.float32),
            pltpu.VMEM((CH, 4096), jnp.float32),
            pltpu.VMEM((CH, 4096), jnp.float32),
            pltpu.VMEM((LANES,), jnp.float32),
            pltpu.SemaphoreType.DMA,
            pltpu.SemaphoreType.DMA,
            pltpu.SemaphoreType.DMA,
            pltpu.SemaphoreType.DMA,
        ],
    )
    return f(i1, o1, i2, o2, i3, o3, i4, o4)


def _sc_accum_body(idx_hbm, s_hbm, o_hbm, idx_v, s_v, acc_v, cnt_v, res_v):
    nvec = BATCH // LANES

    @pl.when((lax.axis_index("c") == 0) & (lax.axis_index("s") == 0))
    def _():
        zero = jnp.zeros((LANES,), jnp.float32)

        def zloop(i, _):
            acc_v[pl.ds(i * LANES, LANES)] = zero
            cnt_v[pl.ds(i * LANES, LANES)] = zero
            return 0

        lax.fori_loop(0, nvec, zloop, 0)

        ones = jnp.ones((LANES,), jnp.float32)
        for g in range(4):
            pltpu.sync_copy(idx_hbm.at[g], idx_v)
            pltpu.sync_copy(s_hbm.at[g], s_v)

            def sloop(i, _):
                iv = idx_v[pl.ds(i * LANES, LANES)]
                sv = s_v[pl.ds(i * LANES, LANES)]
                plsc.addupdate_scatter(acc_v, [iv], sv)
                plsc.addupdate_scatter(cnt_v, [iv], ones)
                return 0

            lax.fori_loop(0, nvec, sloop, 0)

        def rloop(i, t):
            a = acc_v[pl.ds(i * LANES, LANES)]
            c = cnt_v[pl.ds(i * LANES, LANES)]
            return t + a / c

        tot = lax.fori_loop(0, nvec, rloop, jnp.zeros((LANES,), jnp.float32))
        mean = lax.reduce_sum_p.bind(tot, axes=(0,)) * jnp.float32(1.0 / BATCH)
        res_v[...] = jnp.full((LANES,), mean, jnp.float32)
        pltpu.sync_copy(res_v, o_hbm)


def _sc_accum(idx4, s4):
    mesh = plsc.VectorSubcoreMesh(core_axis_name="c", subcore_axis_name="s")
    f = pl.kernel(
        _sc_accum_body,
        out_type=jax.ShapeDtypeStruct((LANES,), jnp.float32),
        mesh=mesh,
        compiler_params=pltpu.CompilerParams(needs_layout_passes=False),
        scratch_types=[
            pltpu.VMEM((BATCH,), jnp.int32),
            pltpu.VMEM((BATCH,), jnp.float32),
            pltpu.VMEM((BATCH,), jnp.float32),
            pltpu.VMEM((BATCH,), jnp.float32),
            pltpu.VMEM((LANES,), jnp.float32),
        ],
    )
    return f(idx4, s4)


def kernel(idx1, image_in1, image_out1, idx2, image_in2, image_out2,
           idx3, image_in3, image_out3, idx4, image_in4, image_out4):
    flat = [x.reshape(BATCH, 4096)
            for x in (image_in1, image_out1, image_in2, image_out2,
                      image_in3, image_out3, image_in4, image_out4)]
    s_tc = _tc_per_sample(*flat)
    s_sc = _sc_per_sample(*flat)
    s = jnp.concatenate([s_tc.T, s_sc], axis=1)
    idx4 = jnp.stack([idx1.astype(jnp.int32), idx2.astype(jnp.int32),
                      idx3.astype(jnp.int32), idx4.astype(jnp.int32)])
    out = _sc_accum(idx4, s)
    return out[0]

# --- scband reference (transcript-rebuilt; emitter-appended) ---
"""Pipeline reference for scband-masks-loss-89421219103735 (READ-ONLY COPY).

The authoritative reference and input builder live on the scoring server;
editing this copy changes nothing except your own understanding.
"""

import jax, jax.numpy as jnp
import numpy as np

BATCH_SIZE = 1024

def setup_inputs(seed: int = 0) -> dict:
    key = jax.random.key(seed)
    ks = jax.random.split(key, 8)
    inp = {}
    for ca in range(1, 5):
        # original forward takes dicts {ca: {'idx':..., 'image':...}}; flattened here
        inp[f'idx{ca}'] = jnp.arange(BATCH_SIZE, dtype=jnp.int64) if jax.config.jax_enable_x64 else jnp.arange(BATCH_SIZE, dtype=jnp.int32)
        inp[f'image_in{ca}'] = jax.random.normal(ks[2 * (ca - 1)], (BATCH_SIZE, 64, 64), dtype=jnp.float32)
        inp[f'image_out{ca}'] = jax.random.normal(ks[2 * (ca - 1) + 1], (BATCH_SIZE, 64, 64), dtype=jnp.float32)
    return inp

def _mse_mask(pred, ground):
    squared = jnp.power(pred - ground, 2)
    return jnp.sum(jnp.sum(squared, axis=2), axis=1)

def reference(idx1, image_in1, image_out1, idx2, image_in2, image_out2, idx3, image_in3, image_out3, idx4, image_in4, image_out4) -> jnp.ndarray:
    total_loss = jnp.zeros((BATCH_SIZE,), dtype=jnp.float32)
    n_masks = jnp.zeros((BATCH_SIZE,), dtype=jnp.float32)
    groups = [(idx1, image_in1, image_out1), (idx2, image_in2, image_out2), (idx3, image_in3, image_out3), (idx4, image_in4, image_out4)]
    for index, image_in, image_out in groups:
        per_sample = _mse_mask(image_out, image_in)
        total_loss = total_loss.at[index].add(per_sample)
        n_masks = n_masks.at[index].add(1.0)
    total_loss = jnp.divide(total_loss, n_masks)
    return jnp.mean(total_loss)

if __name__ == "__main__":
    import jax
    _d = setup_inputs()
    print(jax.jit(kernel)(*tuple(_d.values())))

</pallas_src>

<mosaic_0001>
#map = affine_map<(d0, d1) -> (0, 0)>
#map1 = affine_map<(d0, d1) -> (0)>
module attributes {stable_mosaic.version = 14 : i64} {
  func.func @_sc_accum_body(%arg0: i32, %arg1: i32, %arg2: memref<4x1024xi32, #tpu.memory_space<hbm>>, %arg3: memref<4x1024xf32, #tpu.memory_space<hbm>>, %arg4: memref<16xf32, #tpu.memory_space<hbm>>, %arg5: memref<1024xi32, #tpu.memory_space<vmem>>, %arg6: memref<1024xf32, #tpu.memory_space<vmem>>, %arg7: memref<1024xf32, #tpu.memory_space<vmem>>, %arg8: memref<1024xf32, #tpu.memory_space<vmem>>, %arg9: memref<16xf32, #tpu.memory_space<vmem>>) attributes {dimension_semantics = [#tpu.dimension_semantics<core_parallel>, #tpu.dimension_semantics<subcore_parallel>], iteration_bounds = array<i64: 2, 16>, scalar_prefetch = 0 : i64, scratch_operands = 5 : i64, tpu.core_type = #tpu.core_type<sc_vector_subcore>, window_params = [{transform_indices = #map}, {transform_indices = #map}, {transform_indices = #map1}]} {
    %eq3A = arith.constant 0 : i32
    %eq3A_0 = arith.cmpi eq, %arg0, %eq3A : i32
    %eq3A_1 = arith.constant 0 : i32
    %eq3A_2 = arith.cmpi eq, %arg1, %eq3A_1 : i32
    %and3A = arith.andi %eq3A_0, %eq3A_2 : i1
    %convert_element_type3A = arith.extui %and3A : i1 to i32
    %cond3A = arith.constant 0 : i32
    %cond3A_3 = arith.cmpi ne, %convert_element_type3A, %cond3A : i32
    scf.if %cond3A_3 {
      %broadcast_in_dim3A = arith.constant 0.000000e+00 : f32
      %broadcast_in_dim3A_4 = vector.broadcast %broadcast_in_dim3A : f32 to vector<16xf32>
      %scan3A = arith.constant 0 : i32
      %scan3A_5 = arith.constant 0 : i32
      %scan3A_6 = arith.constant 64 : i32
      %scan3A_7 = arith.addi %scan3A_5, %scan3A_6 : i32
      %scan3A_8 = arith.constant 1 : i32
      %scan3A_9 = scf.for %scan3A_62 = %scan3A_5 to %scan3A_7 step %scan3A_8 iter_args(%scan3A_63 = %scan3A) -> (i32)  : i32 {
        %mul3A_64 = arith.constant 16 : i32
        %mul3A_65 = arith.muli %scan3A_62, %mul3A_64 : i32
        %swap3A_66 = arith.index_cast %mul3A_65 : i32 to index
        %swap3A_67 = tpu.vector_load %arg7[%swap3A_66] {strides = array<i32>} : memref<1024xf32, #tpu.memory_space<vmem>>, vector<16xf32>,
        tpu.vector_store %arg7[%swap3A_66], %broadcast_in_dim3A_4 {strides = array<i32>} : memref<1024xf32, #tpu.memory_space<vmem>>, vector<16xf32>,
        %mul3A_68 = arith.constant 16 : i32
        %mul3A_69 = arith.muli %scan3A_62, %mul3A_68 : i32
        %swap3A_70 = arith.index_cast %mul3A_69 : i32 to index
        %swap3A_71 = tpu.vector_load %arg8[%swap3A_70] {strides = array<i32>} : memref<1024xf32, #tpu.memory_space<vmem>>, vector<16xf32>,
        tpu.vector_store %arg8[%swap3A_70], %broadcast_in_dim3A_4 {strides = array<i32>} : memref<1024xf32, #tpu.memory_space<vmem>>, vector<16xf32>,
        %scan3A_72 = arith.constant 0 : i32
        scf.yield %scan3A_72 : i32
      }
      %scan3A_10 = arith.constant 64 : i32
      %broadcast_in_dim3A_11 = arith.constant 1.000000e+00 : f32
      %broadcast_in_dim3A_12 = vector.broadcast %broadcast_in_dim3A_11 : f32 to vector<16xf32>
      %run_scoped3A = arith.constant 0 : i32
      "tpu.region"() ({
        %run_scoped3A_62 = tpu.sem_alloc : memref<!tpu.dma_semaphore, #tpu.memory_space<semaphore_mem>>
        %dma_start3A = arith.constant 0 : i32
        %dma_start3A_63 = tpu.memref_slice %arg2[%run_scoped3A, %dma_start3A] : memref<4x1024xi32, #tpu.memory_space<hbm>> -> memref<1x1024xi32, #tpu.memory_space<hbm>>
        %dma_start3A_64 = tpu.memref_squeeze %dma_start3A_63 : memref<1x1024xi32, #tpu.memory_space<hbm>> -> memref<1024xi32, #tpu.memory_space<hbm>>
        %dma_start3A_65 = arith.constant 0 : i32
        %dma_start3A_66 = tpu.memref_slice %arg2[%run_scoped3A, %dma_start3A_65] : memref<4x1024xi32, #tpu.memory_space<hbm>> -> memref<1x1024xi32, #tpu.memory_space<hbm>>
        %dma_start3A_67 = tpu.memref_squeeze %dma_start3A_66 : memref<1x1024xi32, #tpu.memory_space<hbm>> -> memref<1024xi32, #tpu.memory_space<hbm>>
        tpu.enqueue_dma source(%dma_start3A_67 : memref<1024xi32, #tpu.memory_space<hbm>>) target(%arg5 : memref<1024xi32, #tpu.memory_space<vmem>>) target_semaphore(%run_scoped3A_62 : memref<!tpu.dma_semaphore, #tpu.memory_space<semaphore_mem>>)
        %dma_wait3A = arith.constant 0 : i32
        %dma_wait3A_68 = tpu.memref_slice %arg2[%run_scoped3A, %dma_wait3A] : memref<4x1024xi32, #tpu.memory_space<hbm>> -> memref<1x1024xi32, #tpu.memory_space<hbm>>
        %dma_wait3A_69 = tpu.memref_squeeze %dma_wait3A_68 : memref<1x1024xi32, #tpu.memory_space<hbm>> -> memref<1024xi32, #tpu.memory_space<hbm>>
        %dma_wait3A_70 = arith.constant 0 : i32
        %dma_wait3A_71 = tpu.memref_slice %arg2[%run_scoped3A, %dma_wait3A_70] : memref<4x1024xi32, #tpu.memory_space<hbm>> -> memref<1x1024xi32, #tpu.memory_space<hbm>>
        %dma_wait3A_72 = tpu.memref_squeeze %dma_wait3A_71 : memref<1x1024xi32, #tpu.memory_space<hbm>> -> memref<1024xi32, #tpu.memory_space<hbm>>
        tpu.wait_dma2 semaphore(%run_scoped3A_62 : memref<!tpu.dma_semaphore, #tpu.memory_space<semaphore_mem>>) src(%dma_wait3A_72 : memref<1024xi32, #tpu.memory_space<hbm>>) dst(%arg5 : memref<1024xi32, #tpu.memory_space<vmem>>)
        tpu.yield
      }) : () -> ()
      %run_scoped3A_13 = arith.constant 0 : i32
      "tpu.region"() ({
        %run_scoped3A_62 = tpu.sem_alloc : memref<!tpu.dma_semaphore, #tpu.memory_space<semaphore_mem>>
        %dma_start3A = arith.constant 0 : i32
        %dma_start3A_63 = tpu.memref_slice %arg3[%run_scoped3A_13, %dma_start3A] : memref<4x1024xf32, #tpu.memory_space<hbm>> -> memref<1x1024xf32, #tpu.memory_space<hbm>>
        %dma_start3A_64 = tpu.memref_squeeze %dma_start3A_63 : memref<1x1024xf32, #tpu.memory_space<hbm>> -> memref<1024xf32, #tpu.memory_space<hbm>>
        %dma_start3A_65 = arith.constant 0 : i32
        %dma_start3A_66 = tpu.memref_slice %arg3[%run_scoped3A_13, %dma_start3A_65] : memref<4x1024xf32, #tpu.memory_space<hbm>> -> memref<1x1024xf32, #tpu.memory_space<hbm>>
        %dma_start3A_67 = tpu.memref_squeeze %dma_start3A_66 : memref<1x1024xf32, #tpu.memory_space<hbm>> -> memref<1024xf32, #tpu.memory_space<hbm>>
        tpu.enqueue_dma source(%dma_start3A_67 : memref<1024xf32, #tpu.memory_space<hbm>>) target(%arg6 : memref<1024xf32, #tpu.memory_space<vmem>>) target_semaphore(%run_scoped3A_62 : memref<!tpu.dma_semaphore, #tpu.memory_space<semaphore_mem>>)
        %dma_wait3A = arith.constant 0 : i32
        %dma_wait3A_68 = tpu.memref_slice %arg3[%run_scoped3A_13, %dma_wait3A] : memref<4x1024xf32, #tpu.memory_space<hbm>> -> memref<1x1024xf32, #tpu.memory_space<hbm>>
        %dma_wait3A_69 = tpu.memref_squeeze %dma_wait3A_68 : memref<1x1024xf32, #tpu.memory_space<hbm>> -> memref<1024xf32, #tpu.memory_space<hbm>>
        %dma_wait3A_70 = arith.constant 0 : i32
        %dma_wait3A_71 = tpu.memref_slice %arg3[%run_scoped3A_13, %dma_wait3A_70] : memref<4x1024xf32, #tpu.memory_space<hbm>> -> memref<1x1024xf32, #tpu.memory_space<hbm>>
        %dma_wait3A_72 = tpu.memref_squeeze %dma_wait3A_71 : memref<1x1024xf32, #tpu.memory_space<hbm>> -> memref<1024xf32, #tpu.memory_space<hbm>>
        tpu.wait_dma2 semaphore(%run_scoped3A_62 : memref<!tpu.dma_semaphore, #tpu.memory_space<semaphore_mem>>) src(%dma_wait3A_72 : memref<1024xf32, #tpu.memory_space<hbm>>) dst(%arg6 : memref<1024xf32, #tpu.memory_space<vmem>>)
        tpu.yield
      }) : () -> ()
      %scan3A_14 = arith.constant 0 : i32
      %scan3A_15 = arith.constant 0 : i32
      %scan3A_16 = arith.constant 64 : i32
      %scan3A_17 = arith.addi %scan3A_15, %scan3A_16 : i32
      %scan3A_18 = arith.constant 1 : i32
      %scan3A_19 = scf.for %scan3A_62 = %scan3A_15 to %scan3A_17 step %scan3A_18 iter_args(%scan3A_63 = %scan3A_14) -> (i32)  : i32 {
        %mul3A_64 = arith.constant 16 : i32
        %mul3A_65 = arith.muli %scan3A_62, %mul3A_64 : i32
        %get3A = arith.index_cast %mul3A_65 : i32 to index
        %get3A_66 = tpu.vector_load %arg5[%get3A] {strides = array<i32>} : memref<1024xi32, #tpu.memory_space<vmem>>, vector<16xi32>,
        %mul3A_67 = arith.constant 16 : i32
        %mul3A_68 = arith.muli %scan3A_62, %mul3A_67 : i32
        %get3A_69 = arith.index_cast %mul3A_68 : i32 to index
        %get3A_70 = tpu.vector_load %arg6[%get3A_69] {strides = array<i32>} : memref<1024xf32, #tpu.memory_space<vmem>>, vector<16xf32>,
        tpu.vector_store_idx %arg7[%get3A_66], %get3A_70 {add = true} : memref<1024xf32, #tpu.memory_space<vmem>>[vector<16xi32>], vector<16xf32>,
        tpu.vector_store_idx %arg8[%get3A_66], %broadcast_in_dim3A_12 {add = true} : memref<1024xf32, #tpu.memory_space<vmem>>[vector<16xi32>], vector<16xf32>,
        %scan3A_71 = arith.constant 0 : i32
        scf.yield %scan3A_71 : i32
      }
      %scan3A_20 = arith.constant 64 : i32
      %run_scoped3A_21 = arith.constant 1 : i32
      "tpu.region"() ({
        %run_scoped3A_62 = tpu.sem_alloc : memref<!tpu.dma_semaphore, #tpu.memory_space<semaphore_mem>>
        %dma_start3A = arith.constant 0 : i32
        %dma_start3A_63 = tpu.memref_slice %arg2[%run_scoped3A_21, %dma_start3A] : memref<4x1024xi32, #tpu.memory_space<hbm>> -> memref<1x1024xi32, #tpu.memory_space<hbm>>
        %dma_start3A_64 = tpu.memref_squeeze %dma_start3A_63 : memref<1x1024xi32, #tpu.memory_space<hbm>> -> memref<1024xi32, #tpu.memory_space<hbm>>
        %dma_start3A_65 = arith.constant 0 : i32
        %dma_start3A_66 = tpu.memref_slice %arg2[%run_scoped3A_21, %dma_start3A_65] : memref<4x1024xi32, #tpu.memory_space<hbm>> -> memref<1x1024xi32, #tpu.memory_space<hbm>>
        %dma_start3A_67 = tpu.memref_squeeze %dma_start3A_66 : memref<1x1024xi32, #tpu.memory_space<hbm>> -> memref<1024xi32, #tpu.memory_space<hbm>>
        tpu.enqueue_dma source(%dma_start3A_67 : memref<1024xi32, #tpu.memory_space<hbm>>) target(%arg5 : memref<1024xi32, #tpu.memory_space<vmem>>) target_semaphore(%run_scoped3A_62 : memref<!tpu.dma_semaphore, #tpu.memory_space<semaphore_mem>>)
        %dma_wait3A = arith.constant 0 : i32
        %dma_wait3A_68 = tpu.memref_slice %arg2[%run_scoped3A_21, %dma_wait3A] : memref<4x1024xi32, #tpu.memory_space<hbm>> -> memref<1x1024xi32, #tpu.memory_space<hbm>>
        %dma_wait3A_69 = tpu.memref_squeeze %dma_wait3A_68 : memref<1x1024xi32, #tpu.memory_space<hbm>> -> memref<1024xi32, #tpu.memory_space<hbm>>
        %dma_wait3A_70 = arith.constant 0 : i32
        %dma_wait3A_71 = tpu.memref_slice %arg2[%run_scoped3A_21, %dma_wait3A_70] : memref<4x1024xi32, #tpu.memory_space<hbm>> -> memref<1x1024xi32, #tpu.memory_space<hbm>>
        %dma_wait3A_72 = tpu.memref_squeeze %dma_wait3A_71 : memref<1x1024xi32, #tpu.memory_space<hbm>> -> memref<1024xi32, #tpu.memory_space<hbm>>
        tpu.wait_dma2 semaphore(%run_scoped3A_62 : memref<!tpu.dma_semaphore, #tpu.memory_space<semaphore_mem>>) src(%dma_wait3A_72 : memref<1024xi32, #tpu.memory_space<hbm>>) dst(%arg5 : memref<1024xi32, #tpu.memory_space<vmem>>)
        tpu.yield
      }) : () -> ()
      %run_scoped3A_22 = arith.constant 1 : i32
      "tpu.region"() ({
        %run_scoped3A_62 = tpu.sem_alloc : memref<!tpu.dma_semaphore, #tpu.memory_space<semaphore_mem>>
        %dma_start3A = arith.constant 0 : i32
        %dma_start3A_63 = tpu.memref_slice %arg3[%run_scoped3A_22, %dma_start3A] : memref<4x1024xf32, #tpu.memory_space<hbm>> -> memref<1x1024xf32, #tpu.memory_space<hbm>>
        %dma_start3A_64 = tpu.memref_squeeze %dma_start3A_63 : memref<1x1024xf32, #tpu.memory_space<hbm>> -> memref<1024xf32, #tpu.memory_space<hbm>>
        %dma_start3A_65 = arith.constant 0 : i32
        %dma_start3A_66 = tpu.memref_slice %arg3[%run_scoped3A_22, %dma_start3A_65] : memref<4x1024xf32, #tpu.memory_space<hbm>> -> memref<1x1024xf32, #tpu.memory_space<hbm>>
        %dma_start3A_67 = tpu.memref_squeeze %dma_start3A_66 : memref<1x1024xf32, #tpu.memory_space<hbm>> -> memref<1024xf32, #tpu.memory_space<hbm>>
        tpu.enqueue_dma source(%dma_start3A_67 : memref<1024xf32, #tpu.memory_space<hbm>>) target(%arg6 : memref<1024xf32, #tpu.memory_space<vmem>>) target_semaphore(%run_scoped3A_62 : memref<!tpu.dma_semaphore, #tpu.memory_space<semaphore_mem>>)
        %dma_wait3A = arith.constant 0 : i32
        %dma_wait3A_68 = tpu.memref_slice %arg3[%run_scoped3A_22, %dma_wait3A] : memref<4x1024xf32, #tpu.memory_space<hbm>> -> memref<1x1024xf32, #tpu.memory_space<hbm>>
        %dma_wait3A_69 = tpu.memref_squeeze %dma_wait3A_68 : memref<1x1024xf32, #tpu.memory_space<hbm>> -> memref<1024xf32, #tpu.memory_space<hbm>>
        %dma_wait3A_70 = arith.constant 0 : i32
        %dma_wait3A_71 = tpu.memref_slice %arg3[%run_scoped3A_22, %dma_wait3A_70] : memref<4x1024xf32, #tpu.memory_space<hbm>> -> memref<1x1024xf32, #tpu.memory_space<hbm>>
        %dma_wait3A_72 = tpu.memref_squeeze %dma_wait3A_71 : memref<1x1024xf32, #tpu.memory_space<hbm>> -> memref<1024xf32, #tpu.memory_space<hbm>>
        tpu.wait_dma2 semaphore(%run_scoped3A_62 : memref<!tpu.dma_semaphore, #tpu.memory_space<semaphore_mem>>) src(%dma_wait3A_72 : memref<1024xf32, #tpu.memory_space<hbm>>) dst(%arg6 : memref<1024xf32, #tpu.memory_space<vmem>>)
        tpu.yield
      }) : () -> ()
      %scan3A_23 = arith.constant 0 : i32
      %scan3A_24 = arith.constant 0 : i32
      %scan3A_25 = arith.constant 64 : i32
      %scan3A_26 = arith.addi %scan3A_24, %scan3A_25 : i32
      %scan3A_27 = arith.constant 1 : i32
      %scan3A_28 = scf.for %scan3A_62 = %scan3A_24 to %scan3A_26 step %scan3A_27 iter_args(%scan3A_63 = %scan3A_23) -> (i32)  : i32 {
        %mul3A_64 = arith.constant 16 : i32
        %mul3A_65 = arith.muli %scan3A_62, %mul3A_64 : i32
        %get3A = arith.index_cast %mul3A_65 : i32 to index
        %get3A_66 = tpu.vector_load %arg5[%get3A] {strides = array<i32>} : memref<1024xi32, #tpu.memory_space<vmem>>, vector<16xi32>,
        %mul3A_67 = arith.constant 16 : i32
        %mul3A_68 = arith.muli %scan3A_62, %mul3A_67 : i32
        %get3A_69 = arith.index_cast %mul3A_68 : i32 to index
        %get3A_70 = tpu.vector_load %arg6[%get3A_69] {strides = array<i32>} : memref<1024xf32, #tpu.memory_space<vmem>>, vector<16xf32>,
        tpu.vector_store_idx %arg7[%get3A_66], %get3A_70 {add = true} : memref<1024xf32, #tpu.memory_space<vmem>>[vector<16xi32>], vector<16xf32>,
        tpu.vector_store_idx %arg8[%get3A_66], %broadcast_in_dim3A_12 {add = true} : memref<1024xf32, #tpu.memory_space<vmem>>[vector<16xi32>], vector<16xf32>,
        %scan3A_71 = arith.constant 0 : i32
        scf.yield %scan3A_71 : i32
      }
      %scan3A_29 = arith.constant 64 : i32
      %run_scoped3A_30 = arith.constant 2 : i32
      "tpu.region"() ({
        %run_scoped3A_62 = tpu.sem_alloc : memref<!tpu.dma_semaphore, #tpu.memory_space<semaphore_mem>>
        %dma_start3A = arith.constant 0 : i32
        %dma_start3A_63 = tpu.memref_slice %arg2[%run_scoped3A_30, %dma_start3A] : memref<4x1024xi32, #tpu.memory_space<hbm>> -> memref<1x1024xi32, #tpu.memory_space<hbm>>
        %dma_start3A_64 = tpu.memref_squeeze %dma_start3A_63 : memref<1x1024xi32, #tpu.memory_space<hbm>> -> memref<1024xi32, #tpu.memory_space<hbm>>
        %dma_start3A_65 = arith.constant 0 : i32
        %dma_start3A_66 = tpu.memref_slice %arg2[%run_scoped3A_30, %dma_start3A_65] : memref<4x1024xi32, #tpu.memory_space<hbm>> -> memref<1x1024xi32, #tpu.memory_space<hbm>>
        %dma_start3A_67 = tpu.memref_squeeze %dma_start3A_66 : memref<1x1024xi32, #tpu.memory_space<hbm>> -> memref<1024xi32, #tpu.memory_space<hbm>>
        tpu.enqueue_dma source(%dma_start3A_67 : memref<1024xi32, #tpu.memory_space<hbm>>) target(%arg5 : memref<1024xi32, #tpu.memory_space<vmem>>) target_semaphore(%run_scoped3A_62 : memref<!tpu.dma_semaphore, #tpu.memory_space<semaphore_mem>>)
        %dma_wait3A = arith.constant 0 : i32
        %dma_wait3A_68 = tpu.memref_slice %arg2[%run_scoped3A_30, %dma_wait3A] : memref<4x1024xi32, #tpu.memory_space<hbm>> -> memref<1x1024xi32, #tpu.memory_space<hbm>>
        %dma_wait3A_69 = tpu.memref_squeeze %dma_wait3A_68 : memref<1x1024xi32, #tpu.memory_space<hbm>> -> memref<1024xi32, #tpu.memory_space<hbm>>
        %dma_wait3A_70 = arith.constant 0 : i32
        %dma_wait3A_71 = tpu.memref_slice %arg2[%run_scoped3A_30, %dma_wait3A_70] : memref<4x1024xi32, #tpu.memory_space<hbm>> -> memref<1x1024xi32, #tpu.memory_space<hbm>>
        %dma_wait3A_72 = tpu.memref_squeeze %dma_wait3A_71 : memref<1x1024xi32, #tpu.memory_space<hbm>> -> memref<1024xi32, #tpu.memory_space<hbm>>
        tpu.wait_dma2 semaphore(%run_scoped3A_62 : memref<!tpu.dma_semaphore, #tpu.memory_space<semaphore_mem>>) src(%dma_wait3A_72 : memref<1024xi32, #tpu.memory_space<hbm>>) dst(%arg5 : memref<1024xi32, #tpu.memory_space<vmem>>)
        tpu.yield
      }) : () -> ()
      %run_scoped3A_31 = arith.constant 2 : i32
      "tpu.region"() ({
        %run_scoped3A_62 = tpu.sem_alloc : memref<!tpu.dma_semaphore, #tpu.memory_space<semaphore_mem>>
        %dma_start3A = arith.constant 0 : i32
        %dma_start3A_63 = tpu.memref_slice %arg3[%run_scoped3A_31, %dma_start3A] : memref<4x1024xf32, #tpu.memory_space<hbm>> -> memref<1x1024xf32, #tpu.memory_space<hbm>>
        %dma_start3A_64 = tpu.memref_squeeze %dma_start3A_63 : memref<1x1024xf32, #tpu.memory_space<hbm>> -> memref<1024xf32, #tpu.memory_space<hbm>>
        %dma_start3A_65 = arith.constant 0 : i32
        %dma_start3A_66 = tpu.memref_slice %arg3[%run_scoped3A_31, %dma_start3A_65] : memref<4x1024xf32, #tpu.memory_space<hbm>> -> memref<1x1024xf32, #tpu.memory_space<hbm>>
        %dma_start3A_67 = tpu.memref_squeeze %dma_start3A_66 : memref<1x1024xf32, #tpu.memory_space<hbm>> -> memref<1024xf32, #tpu.memory_space<hbm>>
        tpu.enqueue_dma source(%dma_start3A_67 : memref<1024xf32, #tpu.memory_space<hbm>>) target(%arg6 : memref<1024xf32, #tpu.memory_space<vmem>>) target_semaphore(%run_scoped3A_62 : memref<!tpu.dma_semaphore, #tpu.memory_space<semaphore_mem>>)
        %dma_wait3A = arith.constant 0 : i32
        %dma_wait3A_68 = tpu.memref_slice %arg3[%run_scoped3A_31, %dma_wait3A] : memref<4x1024xf32, #tpu.memory_space<hbm>> -> memref<1x1024xf32, #tpu.memory_space<hbm>>
        %dma_wait3A_69 = tpu.memref_squeeze %dma_wait3A_68 : memref<1x1024xf32, #tpu.memory_space<hbm>> -> memref<1024xf32, #tpu.memory_space<hbm>>
        %dma_wait3A_70 = arith.constant 0 : i32
        %dma_wait3A_71 = tpu.memref_slice %arg3[%run_scoped3A_31, %dma_wait3A_70] : memref<4x1024xf32, #tpu.memory_space<hbm>> -> memref<1x1024xf32, #tpu.memory_space<hbm>>
        %dma_wait3A_72 = tpu.memref_squeeze %dma_wait3A_71 : memref<1x1024xf32, #tpu.memory_space<hbm>> -> memref<1024xf32, #tpu.memory_space<hbm>>
        tpu.wait_dma2 semaphore(%run_scoped3A_62 : memref<!tpu.dma_semaphore, #tpu.memory_space<semaphore_mem>>) src(%dma_wait3A_72 : memref<1024xf32, #tpu.memory_space<hbm>>) dst(%arg6 : memref<1024xf32, #tpu.memory_space<vmem>>)
        tpu.yield
      }) : () -> ()
      %scan3A_32 = arith.constant 0 : i32
      %scan3A_33 = arith.constant 0 : i32
      %scan3A_34 = arith.constant 64 : i32
      %scan3A_35 = arith.addi %scan3A_33, %scan3A_34 : i32
      %scan3A_36 = arith.constant 1 : i32
      %scan3A_37 = scf.for %scan3A_62 = %scan3A_33 to %scan3A_35 step %scan3A_36 iter_args(%scan3A_63 = %scan3A_32) -> (i32)  : i32 {
        %mul3A_64 = arith.constant 16 : i32
        %mul3A_65 = arith.muli %scan3A_62, %mul3A_64 : i32
        %get3A = arith.index_cast %mul3A_65 : i32 to index
        %get3A_66 = tpu.vector_load %arg5[%get3A] {strides = array<i32>} : memref<1024xi32, #tpu.memory_space<vmem>>, vector<16xi32>,
        %mul3A_67 = arith.constant 16 : i32
        %mul3A_68 = arith.muli %scan3A_62, %mul3A_67 : i32
        %get3A_69 = arith.index_cast %mul3A_68 : i32 to index
        %get3A_70 = tpu.vector_load %arg6[%get3A_69] {strides = array<i32>} : memref<1024xf32, #tpu.memory_space<vmem>>, vector<16xf32>,
        tpu.vector_store_idx %arg7[%get3A_66], %get3A_70 {add = true} : memref<1024xf32, #tpu.memory_space<vmem>>[vector<16xi32>], vector<16xf32>,
        tpu.vector_store_idx %arg8[%get3A_66], %broadcast_in_dim3A_12 {add = true} : memref<1024xf32, #tpu.memory_space<vmem>>[vector<16xi32>], vector<16xf32>,
        %scan3A_71 = arith.constant 0 : i32
        scf.yield %scan3A_71 : i32
      }
      %scan3A_38 = arith.constant 64 : i32
      %run_scoped3A_39 = arith.constant 3 : i32
      "tpu.region"() ({
        %run_scoped3A_62 = tpu.sem_alloc : memref<!tpu.dma_semaphore, #tpu.memory_space<semaphore_mem>>
        %dma_start3A = arith.constant 0 : i32
        %dma_start3A_63 = tpu.memref_slice %arg2[%run_scoped3A_39, %dma_start3A] : memref<4x1024xi32, #tpu.memory_space<hbm>> -> memref<1x1024xi32, #tpu.memory_space<hbm>>
        %dma_start3A_64 = tpu.memref_squeeze %dma_start3A_63 : memref<1x1024xi32, #tpu.memory_space<hbm>> -> memref<1024xi32, #tpu.memory_space<hbm>>
        %dma_start3A_65 = arith.constant 0 : i32
        %dma_start3A_66 = tpu.memref_slice %arg2[%run_scoped3A_39, %dma_start3A_65] : memref<4x1024xi32, #tpu.memory_space<hbm>> -> memref<1x1024xi32, #tpu.memory_space<hbm>>
        %dma_start3A_67 = tpu.memref_squeeze %dma_start3A_66 : memref<1x1024xi32, #tpu.memory_space<hbm>> -> memref<1024xi32, #tpu.memory_space<hbm>>
        tpu.enqueue_dma source(%dma_start3A_67 : memref<1024xi32, #tpu.memory_space<hbm>>) target(%arg5 : memref<1024xi32, #tpu.memory_space<vmem>>) target_semaphore(%run_scoped3A_62 : memref<!tpu.dma_semaphore, #tpu.memory_space<semaphore_mem>>)
        %dma_wait3A = arith.constant 0 : i32
        %dma_wait3A_68 = tpu.memref_slice %arg2[%run_scoped3A_39, %dma_wait3A] : memref<4x1024xi32, #tpu.memory_space<hbm>> -> memref<1x1024xi32, #tpu.memory_space<hbm>>
        %dma_wait3A_69 = tpu.memref_squeeze %dma_wait3A_68 : memref<1x1024xi32, #tpu.memory_space<hbm>> -> memref<1024xi32, #tpu.memory_space<hbm>>
        %dma_wait3A_70 = arith.constant 0 : i32
        %dma_wait3A_71 = tpu.memref_slice %arg2[%run_scoped3A_39, %dma_wait3A_70] : memref<4x1024xi32, #tpu.memory_space<hbm>> -> memref<1x1024xi32, #tpu.memory_space<hbm>>
        %dma_wait3A_72 = tpu.memref_squeeze %dma_wait3A_71 : memref<1x1024xi32, #tpu.memory_space<hbm>> -> memref<1024xi32, #tpu.memory_space<hbm>>
        tpu.wait_dma2 semaphore(%run_scoped3A_62 : memref<!tpu.dma_semaphore, #tpu.memory_space<semaphore_mem>>) src(%dma_wait3A_72 : memref<1024xi32, #tpu.memory_space<hbm>>) dst(%arg5 : memref<1024xi32, #tpu.memory_space<vmem>>)
        tpu.yield
      }) : () -> ()
      %run_scoped3A_40 = arith.constant 3 : i32
      "tpu.region"() ({
        %run_scoped3A_62 = tpu.sem_alloc : memref<!tpu.dma_semaphore, #tpu.memory_space<semaphore_mem>>
        %dma_start3A = arith.constant 0 : i32
        %dma_start3A_63 = tpu.memref_slice %arg3[%run_scoped3A_40, %dma_start3A] : memref<4x1024xf32, #tpu.memory_space<hbm>> -> memref<1x1024xf32, #tpu.memory_space<hbm>>
        %dma_start3A_64 = tpu.memref_squeeze %dma_start3A_63 : memref<1x1024xf32, #tpu.memory_space<hbm>> -> memref<1024xf32, #tpu.memory_space<hbm>>
        %dma_start3A_65 = arith.constant 0 : i32
        %dma_start3A_66 = tpu.memref_slice %arg3[%run_scoped3A_40, %dma_start3A_65] : memref<4x1024xf32, #tpu.memory_space<hbm>> -> memref<1x1024xf32, #tpu.memory_space<hbm>>
        %dma_start3A_67 = tpu.memref_squeeze %dma_start3A_66 : memref<1x1024xf32, #tpu.memory_space<hbm>> -> memref<1024xf32, #tpu.memory_space<hbm>>
        tpu.enqueue_dma source(%dma_start3A_67 : memref<1024xf32, #tpu.memory_space<hbm>>) target(%arg6 : memref<1024xf32, #tpu.memory_space<vmem>>) target_semaphore(%run_scoped3A_62 : memref<!tpu.dma_semaphore, #tpu.memory_space<semaphore_mem>>)
        %dma_wait3A = arith.constant 0 : i32
        %dma_wait3A_68 = tpu.memref_slice %arg3[%run_scoped3A_40, %dma_wait3A] : memref<4x1024xf32, #tpu.memory_space<hbm>> -> memref<1x1024xf32, #tpu.memory_space<hbm>>
        %dma_wait3A_69 = tpu.memref_squeeze %dma_wait3A_68 : memref<1x1024xf32, #tpu.memory_space<hbm>> -> memref<1024xf32, #tpu.memory_space<hbm>>
        %dma_wait3A_70 = arith.constant 0 : i32
        %dma_wait3A_71 = tpu.memref_slice %arg3[%run_scoped3A_40, %dma_wait3A_70] : memref<4x1024xf32, #tpu.memory_space<hbm>> -> memref<1x1024xf32, #tpu.memory_space<hbm>>
        %dma_wait3A_72 = tpu.memref_squeeze %dma_wait3A_71 : memref<1x1024xf32, #tpu.memory_space<hbm>> -> memref<1024xf32, #tpu.memory_space<hbm>>
        tpu.wait_dma2 semaphore(%run_scoped3A_62 : memref<!tpu.dma_semaphore, #tpu.memory_space<semaphore_mem>>) src(%dma_wait3A_72 : memref<1024xf32, #tpu.memory_space<hbm>>) dst(%arg6 : memref<1024xf32, #tpu.memory_space<vmem>>)
        tpu.yield
      }) : () -> ()
      %scan3A_41 = arith.constant 0 : i32
      %scan3A_42 = arith.constant 0 : i32
      %scan3A_43 = arith.constant 64 : i32
      %scan3A_44 = arith.addi %scan3A_42, %scan3A_43 : i32
      %scan3A_45 = arith.constant 1 : i32
      %scan3A_46 = scf.for %scan3A_62 = %scan3A_42 to %scan3A_44 step %scan3A_45 iter_args(%scan3A_63 = %scan3A_41) -> (i32)  : i32 {
        %mul3A_64 = arith.constant 16 : i32
        %mul3A_65 = arith.muli %scan3A_62, %mul3A_64 : i32
        %get3A = arith.index_cast %mul3A_65 : i32 to index
        %get3A_66 = tpu.vector_load %arg5[%get3A] {strides = array<i32>} : memref<1024xi32, #tpu.memory_space<vmem>>, vector<16xi32>,
        %mul3A_67 = arith.constant 16 : i32
        %mul3A_68 = arith.muli %scan3A_62, %mul3A_67 : i32
        %get3A_69 = arith.index_cast %mul3A_68 : i32 to index
        %get3A_70 = tpu.vector_load %arg6[%get3A_69] {strides = array<i32>} : memref<1024xf32, #tpu.memory_space<vmem>>, vector<16xf32>,
        tpu.vector_store_idx %arg7[%get3A_66], %get3A_70 {add = true} : memref<1024xf32, #tpu.memory_space<vmem>>[vector<16xi32>], vector<16xf32>,
        tpu.vector_store_idx %arg8[%get3A_66], %broadcast_in_dim3A_12 {add = true} : memref<1024xf32, #tpu.memory_space<vmem>>[vector<16xi32>], vector<16xf32>,
        %scan3A_71 = arith.constant 0 : i32
        scf.yield %scan3A_71 : i32
      }
      %scan3A_47 = arith.constant 64 : i32
      %broadcast_in_dim3A_48 = arith.constant 0.000000e+00 : f32
      %broadcast_in_dim3A_49 = vector.broadcast %broadcast_in_dim3A_48 : f32 to vector<16xf32>
      %scan3A_50 = arith.constant 0 : i32
      %scan3A_51 = arith.constant 64 : i32
      %scan3A_52 = arith.addi %scan3A_50, %scan3A_51 : i32
      %scan3A_53 = arith.constant 1 : i32
      %scan3A_54 = scf.for %scan3A_62 = %scan3A_50 to %scan3A_52 step %scan3A_53 iter_args(%scan3A_63 = %broadcast_in_dim3A_49) -> (vector<16xf32>)  : i32 {
        %mul3A_64 = arith.constant 16 : i32
        %mul3A_65 = arith.muli %scan3A_62, %mul3A_64 : i32
        %get3A = arith.index_cast %mul3A_65 : i32 to index
        %get3A_66 = tpu.vector_load %arg7[%get3A] {strides = array<i32>} : memref<1024xf32, #tpu.memory_space<vmem>>, vector<16xf32>,
        %mul3A_67 = arith.constant 16 : i32
        %mul3A_68 = arith.muli %scan3A_62, %mul3A_67 : i32
        %get3A_69 = arith.index_cast %mul3A_68 : i32 to index
        %get3A_70 = tpu.vector_load %arg8[%get3A_69] {strides = array<i32>} : memref<1024xf32, #tpu.memory_space<vmem>>, vector<16xf32>,
        %div3A = arith.divf %get3A_66, %get3A_70 : vector<16xf32>
        %add3A = arith.addf %scan3A_63, %div3A : vector<16xf32>
        scf.yield %add3A : vector<16xf32>
      }
      %scan3A_55 = arith.constant 64 : i32
      %reduce_sum3A = arith.constant true
      %reduce_sum3A_56 = vector.broadcast %reduce_sum3A : i1 to vector<16xi1>
      %reduce_sum3A_57 = tpu.scan <sum>, %scan3A_54 masked %reduce_sum3A_56 : vector<16xf32>, vector<16xi1> -> vector<16xf32>
      %reduce_sum3A_58 = vector.extract %reduce_sum3A_57[15] : f32 from vector<16xf32>
      %mul3A = arith.constant 9.765625E-4 : f32
      %mul3A_59 = arith.mulf %reduce_sum3A_58, %mul3A : f32
      %broadcast_in_dim3A_60 = vector.broadcast %mul3A_59 : f32 to vector<16xf32>
      %swap3A = arith.constant 0 : index
      %swap3A_61 = tpu.vector_load %arg9[%swap3A] {strides = array<i32>} : memref<16xf32, #tpu.memory_space<vmem>>, vector<16xf32>,
      tpu.vector_store %arg9[%swap3A], %broadcast_in_dim3A_60 {strides = array<i32>} : memref<16xf32, #tpu.memory_space<vmem>>, vector<16xf32>,
      "tpu.region"() ({
        %run_scoped3A_62 = tpu.sem_alloc : memref<!tpu.dma_semaphore, #tpu.memory_space<semaphore_mem>>
        tpu.enqueue_dma source(%arg9 : memref<16xf32, #tpu.memory_space<vmem>>) target(%arg4 : memref<16xf32, #tpu.memory_space<hbm>>) target_semaphore(%run_scoped3A_62 : memref<!tpu.dma_semaphore, #tpu.memory_space<semaphore_mem>>)
        tpu.wait_dma2 semaphore(%run_scoped3A_62 : memref<!tpu.dma_semaphore, #tpu.memory_space<semaphore_mem>>) src(%arg9 : memref<16xf32, #tpu.memory_space<vmem>>) dst(%arg4 : memref<16xf32, #tpu.memory_space<hbm>>)
        tpu.yield
      }) : () -> ()
    } else {
    }
    return
  }
}

#map = affine_map<(d0, d1) -> (0, 0)>
module attributes {stable_mosaic.version = 14 : i64} {
  func.func @_sc_sse_body(%arg0: i32, %arg1: i32, %arg2: memref<1024x4096xf32, #tpu.memory_space<hbm>>, %arg3: memref<1024x4096xf32, #tpu.memory_space<hbm>>, %arg4: memref<1024x4096xf32, #tpu.memory_space<hbm>>, %arg5: memref<1024x4096xf32, #tpu.memory_space<hbm>>, %arg6: memref<1024x4096xf32, #tpu.memory_space<hbm>>, %arg7: memref<1024x4096xf32, #tpu.memory_space<hbm>>, %arg8: memref<1024x4096xf32, #tpu.memory_space<hbm>>, %arg9: memref<1024x4096xf32, #tpu.memory_space<hbm>>, %arg10: memref<4x256xf32, #tpu.memory_space<hbm>>, %arg11: memref<2x4096xf32, #tpu.memory_space<vmem>>, %arg12: memref<2x4096xf32, #tpu.memory_space<vmem>>, %arg13: memref<2x4096xf32, #tpu.memory_space<vmem>>, %arg14: memref<2x4096xf32, #tpu.memory_space<vmem>>, %arg15: memref<16xf32, #tpu.memory_space<vmem>>, %arg16: memref<!tpu.dma_semaphore, #tpu.memory_space<semaphore_mem>>, %arg17: memref<!tpu.dma_semaphore, #tpu.memory_space<semaphore_mem>>, %arg18: memref<!tpu.dma_semaphore, #tpu.memory_space<semaphore_mem>>, %arg19: memref<!tpu.dma_semaphore, #tpu.memory_space<semaphore_mem>>) attributes {dimension_semantics = [#tpu.dimension_semantics<core_parallel>, #tpu.dimension_semantics<subcore_parallel>], iteration_bounds = array<i64: 2, 16>, scalar_prefetch = 0 : i64, scratch_operands = 9 : i64, tpu.core_type = #tpu.core_type<sc_vector_subcore>, window_params = [{transform_indices = #map}, {transform_indices = #map}, {transform_indices = #map}, {transform_indices = #map}, {transform_indices = #map}, {transform_indices = #map}, {transform_indices = #map}, {transform_indices = #map}, {transform_indices = #map}]} {
    %mul3A = arith.constant 2 : i32
    %mul3A_0 = arith.muli %arg1, %mul3A : i32
    %add3A = arith.addi %mul3A_0, %arg0 : i32
    %mul3A_1 = arith.constant 8 : i32
    %mul3A_2 = arith.muli %add3A, %mul3A_1 : i32
    %add3A_3 = arith.constant 768 : i32
    %add3A_4 = arith.addi %add3A_3, %mul3A_2 : i32
    %iota3A = tpu.iota {dimensions = array<i32: 0>} : vector<16xi32>
    %dma_start3A = arith.constant 0 : i32
    %dma_start3A_5 = tpu.memref_slice %arg2[%add3A_4, %dma_start3A] : memref<1024x4096xf32, #tpu.memory_space<hbm>> -> memref<2x4096xf32, #tpu.memory_space<hbm>>
    %dma_start3A_6 = arith.constant 0 : i32
    %dma_start3A_7 = tpu.memref_slice %arg2[%add3A_4, %dma_start3A_6] : memref<1024x4096xf32, #tpu.memory_space<hbm>> -> memref<2x4096xf32, #tpu.memory_space<hbm>>
    tpu.enqueue_dma source(%dma_start3A_7 : memref<2x4096xf32, #tpu.memory_space<hbm>>) target(%arg11 : memref<2x4096xf32, #tpu.memory_space<vmem>>) target_semaphore(%arg16 : memref<!tpu.dma_semaphore, #tpu.memory_space<semaphore_mem>>)
    %dma_start3A_8 = arith.constant 0 : i32
    %dma_start3A_9 = tpu.memref_slice %arg3[%add3A_4, %dma_start3A_8] : memref<1024x4096xf32, #tpu.memory_space<hbm>> -> memref<2x4096xf32, #tpu.memory_space<hbm>>
    %dma_start3A_10 = arith.constant 0 : i32
    %dma_start3A_11 = tpu.memref_slice %arg3[%add3A_4, %dma_start3A_10] : memref<1024x4096xf32, #tpu.memory_space<hbm>> -> memref<2x4096xf32, #tpu.memory_space<hbm>>
    tpu.enqueue_dma source(%dma_start3A_11 : memref<2x4096xf32, #tpu.memory_space<hbm>>) target(%arg13 : memref<2x4096xf32, #tpu.memory_space<vmem>>) target_semaphore(%arg18 : memref<!tpu.dma_semaphore, #tpu.memory_space<semaphore_mem>>)
    %broadcast_in_dim3A = arith.constant 0.000000e+00 : f32
    %broadcast_in_dim3A_12 = vector.broadcast %broadcast_in_dim3A : f32 to vector<16xf32>
    %add3A_13 = arith.constant 2 : i32
    %add3A_14 = arith.addi %add3A_4, %add3A_13 : i32
    %dma_start3A_15 = arith.constant 0 : i32
    %dma_start3A_16 = tpu.memref_slice %arg2[%add3A_14, %dma_start3A_15] : memref<1024x4096xf32, #tpu.memory_space<hbm>> -> memref<2x4096xf32, #tpu.memory_space<hbm>>
    %dma_start3A_17 = arith.constant 0 : i32
    %dma_start3A_18 = tpu.memref_slice %arg2[%add3A_14, %dma_start3A_17] : memref<1024x4096xf32, #tpu.memory_space<hbm>> -> memref<2x4096xf32, #tpu.memory_space<hbm>>
    tpu.enqueue_dma source(%dma_start3A_18 : memref<2x4096xf32, #tpu.memory_space<hbm>>) target(%arg12 : memref<2x4096xf32, #tpu.memory_space<vmem>>) target_semaphore(%arg17 : memref<!tpu.dma_semaphore, #tpu.memory_space<semaphore_mem>>)
    %dma_start3A_19 = arith.constant 0 : i32
    %dma_start3A_20 = tpu.memref_slice %arg3[%add3A_14, %dma_start3A_19] : memref<1024x4096xf32, #tpu.memory_space<hbm>> -> memref<2x4096xf32, #tpu.memory_space<hbm>>
    %dma_start3A_21 = arith.constant 0 : i32
    %dma_start3A_22 = tpu.memref_slice %arg3[%add3A_14, %dma_start3A_21] : memref<1024x4096xf32, #tpu.memory_space<hbm>> -> memref<2x4096xf32, #tpu.memory_space<hbm>>
    tpu.enqueue_dma source(%dma_start3A_22 : memref<2x4096xf32, #tpu.memory_space<hbm>>) target(%arg14 : memref<2x4096xf32, #tpu.memory_space<vmem>>) target_semaphore(%arg19 : memref<!tpu.dma_semaphore, #tpu.memory_space<semaphore_mem>>)
    %dma_wait3A = arith.constant 0 : i32
    %dma_wait3A_23 = tpu.memref_slice %arg2[%add3A_4, %dma_wait3A] : memref<1024x4096xf32, #tpu.memory_space<hbm>> -> memref<2x4096xf32, #tpu.memory_space<hbm>>
    %dma_wait3A_24 = arith.constant 0 : i32
    %dma_wait3A_25 = tpu.memref_slice %arg2[%add3A_4, %dma_wait3A_24] : memref<1024x4096xf32, #tpu.memory_space<hbm>> -> memref<2x4096xf32, #tpu.memory_space<hbm>>
    tpu.wait_dma2 semaphore(%arg16 : memref<!tpu.dma_semaphore, #tpu.memory_space<semaphore_mem>>) src(%dma_wait3A_25 : memref<2x4096xf32, #tpu.memory_space<hbm>>) dst(%arg11 : memref<2x4096xf32, #tpu.memory_space<vmem>>)
    %dma_wait3A_26 = arith.constant 0 : i32
    %dma_wait3A_27 = tpu.memref_slice %arg3[%add3A_4, %dma_wait3A_26] : memref<1024x4096xf32, #tpu.memory_space<hbm>> -> memref<2x4096xf32, #tpu.memory_space<hbm>>
    %dma_wait3A_28 = arith.constant 0 : i32
    %dma_wait3A_29 = tpu.memref_slice %arg3[%add3A_4, %dma_wait3A_28] : memref<1024x4096xf32, #tpu.memory_space<hbm>> -> memref<2x4096xf32, #tpu.memory_space<hbm>>
    tpu.wait_dma2 semaphore(%arg18 : memref<!tpu.dma_semaphore, #tpu.memory_space<semaphore_mem>>) src(%dma_wait3A_29 : memref<2x4096xf32, #tpu.memory_space<hbm>>) dst(%arg13 : memref<2x4096xf32, #tpu.memory_space<vmem>>)
    %scan3A = arith.constant 0 : i32
    %scan3A_30 = arith.constant 2 : i32
    %scan3A_31 = arith.addi %scan3A, %scan3A_30 : i32
    %scan3A_32 = arith.constant 1 : i32
    %scan3A_33 = scf.for %scan3A_395 = %scan3A to %scan3A_31 step %scan3A_32 iter_args(%scan3A_396 = %broadcast_in_dim3A_12) -> (vector<16xf32>)  : i32 {
      %add3A_397 = arith.constant 0 : i32
      %add3A_398 = arith.addi %add3A_397, %scan3A_395 : i32
      %broadcast_in_dim3A_399 = arith.constant 0.000000e+00 : f32
      %broadcast_in_dim3A_400 = vector.broadcast %broadcast_in_dim3A_399 : f32 to vector<16xf32>
      %scan3A_401 = arith.constant 0 : i32
      %scan3A_402 = arith.constant 64 : i32
      %scan3A_403 = arith.addi %scan3A_401, %scan3A_402 : i32
      %scan3A_404 = arith.constant 1 : i32
      %scan3A_405:4 = scf.for %scan3A_418 = %scan3A_401 to %scan3A_403 step %scan3A_404 iter_args(%scan3A_419 = %broadcast_in_dim3A_400, %scan3A_420 = %broadcast_in_dim3A_400, %scan3A_421 = %broadcast_in_dim3A_400, %scan3A_422 = %broadcast_in_dim3A_400) -> (vector<16xf32>, vector<16xf32>, vector<16xf32>, vector<16xf32>)  : i32 {
        %mul3A_423 = arith.constant 64 : i32
        %mul3A_424 = arith.muli %scan3A_418, %mul3A_423 : i32
        %get3A = arith.index_cast %scan3A_395 : i32 to index
        %get3A_425 = arith.index_cast %mul3A_424 : i32 to index
        %get3A_426 = tpu.vector_load %arg13[%get3A, %get3A_425] {strides = array<i32>} : memref<2x4096xf32, #tpu.memory_space<vmem>>, vector<16xf32>,
        %get3A_427 = arith.index_cast %scan3A_395 : i32 to index
        %get3A_428 = arith.index_cast %mul3A_424 : i32 to index
        %get3A_429 = tpu.vector_load %arg11[%get3A_427, %get3A_428] {strides = array<i32>} : memref<2x4096xf32, #tpu.memory_space<vmem>>, vector<16xf32>,
        %sub3A_430 = arith.subf %get3A_426, %get3A_429 : vector<16xf32>
        %add3A_431 = arith.constant 16 : i32
        %add3A_432 = arith.addi %mul3A_424, %add3A_431 : i32
        %get3A_433 = arith.index_cast %scan3A_395 : i32 to index
        %get3A_434 = arith.index_cast %add3A_432 : i32 to index
        %get3A_435 = tpu.vector_load %arg13[%get3A_433, %get3A_434] {strides = array<i32>} : memref<2x4096xf32, #tpu.memory_space<vmem>>, vector<16xf32>,
        %add3A_436 = arith.constant 16 : i32
        %add3A_437 = arith.addi %mul3A_424, %add3A_436 : i32
        %get3A_438 = arith.index_cast %scan3A_395 : i32 to index
        %get3A_439 = arith.index_cast %add3A_437 : i32 to index
        %get3A_440 = tpu.vector_load %arg11[%get3A_438, %get3A_439] {strides = array<i32>} : memref<2x4096xf32, #tpu.memory_space<vmem>>, vector<16xf32>,
        %sub3A_441 = arith.subf %get3A_435, %get3A_440 : vector<16xf32>
        %add3A_442 = arith.constant 32 : i32
        %add3A_443 = arith.addi %mul3A_424, %add3A_442 : i32
        %get3A_444 = arith.index_cast %scan3A_395 : i32 to index
        %get3A_445 = arith.index_cast %add3A_443 : i32 to index
        %get3A_446 = tpu.vector_load %arg13[%get3A_444, %get3A_445] {strides = array<i32>} : memref<2x4096xf32, #tpu.memory_space<vmem>>, vector<16xf32>,
        %add3A_447 = arith.constant 32 : i32
        %add3A_448 = arith.addi %mul3A_424, %add3A_447 : i32
        %get3A_449 = arith.index_cast %scan3A_395 : i32 to index
        %get3A_450 = arith.index_cast %add3A_448 : i32 to index
        %get3A_451 = tpu.vector_load %arg11[%get3A_449, %get3A_450] {strides = array<i32>} : memref<2x4096xf32, #tpu.memory_space<vmem>>, vector<16xf32>,
        %sub3A_452 = arith.subf %get3A_446, %get3A_451 : vector<16xf32>
        %add3A_453 = arith.constant 48 : i32
        %add3A_454 = arith.addi %mul3A_424, %add3A_453 : i32
        %get3A_455 = arith.index_cast %scan3A_395 : i32 to index
        %get3A_456 = arith.index_cast %add3A_454 : i32 to index
        %get3A_457 = tpu.vector_load %arg13[%get3A_455, %get3A_456] {strides = array<i32>} : memref<2x4096xf32, #tpu.memory_space<vmem>>, vector<16xf32>,
        %add3A_458 = arith.constant 48 : i32
        %add3A_459 = arith.addi %mul3A_424, %add3A_458 : i32
        %get3A_460 = arith.index_cast %scan3A_395 : i32 to index
        %get3A_461 = arith.index_cast %add3A_459 : i32 to index
        %get3A_462 = tpu.vector_load %arg11[%get3A_460, %get3A_461] {strides = array<i32>} : memref<2x4096xf32, #tpu.memory_space<vmem>>, vector<16xf32>,
        %sub3A_463 = arith.subf %get3A_457, %get3A_462 : vector<16xf32>
        %mul3A_464 = arith.mulf %sub3A_430, %sub3A_430 : vector<16xf32>
        %add3A_465 = arith.addf %scan3A_419, %mul3A_464 : vector<16xf32>
        %mul3A_466 = arith.mulf %sub3A_441, %sub3A_441 : vector<16xf32>
        %add3A_467 = arith.addf %scan3A_420, %mul3A_466 : vector<16xf32>
        %mul3A_468 = arith.mulf %sub3A_452, %sub3A_452 : vector<16xf32>
        %add3A_469 = arith.addf %scan3A_421, %mul3A_468 : vector<16xf32>
        %mul3A_470 = arith.mulf %sub3A_463, %sub3A_463 : vector<16xf32>
        %add3A_471 = arith.addf %scan3A_422, %mul3A_470 : vector<16xf32>
        scf.yield %add3A_465, %add3A_467, %add3A_469, %add3A_471 : vector<16xf32>, vector<16xf32>, vector<16xf32>, vector<16xf32>
      }
      %scan3A_406 = arith.constant 64 : i32
      %add3A_407 = arith.addf %scan3A_405#0, %scan3A_405#1 : vector<16xf32>
      %add3A_408 = arith.addf %scan3A_405#2, %scan3A_405#3 : vector<16xf32>
      %add3A_409 = arith.addf %add3A_407, %add3A_408 : vector<16xf32>
      %reduce_sum3A = arith.constant true
      %reduce_sum3A_410 = vector.broadcast %reduce_sum3A : i1 to vector<16xi1>
      %reduce_sum3A_411 = tpu.scan <sum>, %add3A_409 masked %reduce_sum3A_410 : vector<16xf32>, vector<16xi1> -> vector<16xf32>
      %reduce_sum3A_412 = vector.extract %reduce_sum3A_411[15] : f32 from vector<16xf32>
      %eq3A = vector.broadcast %add3A_398 : i32 to vector<16xi32>
      %eq3A_413 = arith.cmpi eq, %iota3A, %eq3A : vector<16xi32>
      %broadcast_in_dim3A_414 = vector.broadcast %reduce_sum3A_412 : f32 to vector<16xf32>
      %select_n3A = arith.select %eq3A_413, %broadcast_in_dim3A_414, %scan3A_396 : vector<16xi1>, vector<16xf32>
      %eq3A_415 = arith.constant 7 : i32
      %eq3A_416 = arith.cmpi eq, %add3A_398, %eq3A_415 : i32
      %convert_element_type3A = arith.extui %eq3A_416 : i1 to i32
      %cond3A = arith.constant 0 : i32
      %cond3A_417 = arith.cmpi ne, %convert_element_type3A, %cond3A : i32
      scf.if %cond3A_417 {
        %swap3A = arith.constant 0 : index
        %swap3A_418 = tpu.vector_load %arg15[%swap3A] {strides = array<i32>} : memref<16xf32, #tpu.memory_space<vmem>>, vector<16xf32>,
        tpu.vector_store %arg15[%swap3A], %select_n3A {strides = array<i32>} : memref<16xf32, #tpu.memory_space<vmem>>, vector<16xf32>,
      } else {
      }
      scf.yield %select_n3A : vector<16xf32>
    }
    %scan3A_34 = arith.constant 2 : i32
    %add3A_35 = arith.constant 4 : i32
    %add3A_36 = arith.addi %add3A_4, %add3A_35 : i32
    %dma_start3A_37 = arith.constant 0 : i32
    %dma_start3A_38 = tpu.memref_slice %arg2[%add3A_36, %dma_start3A_37] : memref<1024x4096xf32, #tpu.memory_space<hbm>> -> memref<2x4096xf32, #tpu.memory_space<hbm>>
    %dma_start3A_39 = arith.constant 0 : i32
    %dma_start3A_40 = tpu.memref_slice %arg2[%add3A_36, %dma_start3A_39] : memref<1024x4096xf32, #tpu.memory_space<hbm>> -> memref<2x4096xf32, #tpu.memory_space<hbm>>
    tpu.enqueue_dma source(%dma_start3A_40 : memref<2x4096xf32, #tpu.memory_space<hbm>>) target(%arg11 : memref<2x4096xf32, #tpu.memory_space<vmem>>) target_semaphore(%arg16 : memref<!tpu.dma_semaphore, #tpu.memory_space<semaphore_mem>>)
    %dma_start3A_41 = arith.constant 0 : i32
    %dma_start3A_42 = tpu.memref_slice %arg3[%add3A_36, %dma_start3A_41] : memref<1024x4096xf32, #tpu.memory_space<hbm>> -> memref<2x4096xf32, #tpu.memory_space<hbm>>
    %dma_start3A_43 = arith.constant 0 : i32
    %dma_start3A_44 = tpu.memref_slice %arg3[%add3A_36, %dma_start3A_43] : memref<1024x4096xf32, #tpu.memory_space<hbm>> -> memref<2x4096xf32, #tpu.memory_space<hbm>>
    tpu.enqueue_dma source(%dma_start3A_44 : memref<2x4096xf32, #tpu.memory_space<hbm>>) target(%arg13 : memref<2x4096xf32, #tpu.memory_space<vmem>>) target_semaphore(%arg18 : memref<!tpu.dma_semaphore, #tpu.memory_space<semaphore_mem>>)
    %dma_wait3A_45 = arith.constant 0 : i32
    %dma_wait3A_46 = tpu.memref_slice %arg2[%add3A_14, %dma_wait3A_45] : memref<1024x4096xf32, #tpu.memory_space<hbm>> -> memref<2x4096xf32, #tpu.memory_space<hbm>>
    %dma_wait3A_47 = arith.constant 0 : i32
    %dma_wait3A_48 = tpu.memref_slice %arg2[%add3A_14, %dma_wait3A_47] : memref<1024x4096xf32, #tpu.memory_space<hbm>> -> memref<2x4096xf32, #tpu.memory_space<hbm>>
    tpu.wait_dma2 semaphore(%arg17 : memref<!tpu.dma_semaphore, #tpu.memory_space<semaphore_mem>>) src(%dma_wait3A_48 : memref<2x4096xf32, #tpu.memory_space<hbm>>) dst(%arg12 : memref<2x4096xf32, #tpu.memory_space<vmem>>)
    %dma_wait3A_49 = arith.constant 0 : i32
    %dma_wait3A_50 = tpu.memref_slice %arg3[%add3A_14, %dma_wait3A_49] : memref<1024x4096xf32, #tpu.memory_space<hbm>> -> memref<2x4096xf32, #tpu.memory_space<hbm>>
    %dma_wait3A_51 = arith.constant 0 : i32
    %dma_wait3A_52 = tpu.memref_slice %arg3[%add3A_14, %dma_wait3A_51] : memref<1024x4096xf32, #tpu.memory_space<hbm>> -> memref<2x4096xf32, #tpu.memory_space<hbm>>
    tpu.wait_dma2 semaphore(%arg19 : memref<!tpu.dma_semaphore, #tpu.memory_space<semaphore_mem>>) src(%dma_wait3A_52 : memref<2x4096xf32, #tpu.memory_space<hbm>>) dst(%arg14 : memref<2x4096xf32, #tpu.memory_space<vmem>>)
    %scan3A_53 = arith.constant 0 : i32
    %scan3A_54 = arith.constant 2 : i32
    %scan3A_55 = arith.addi %scan3A_53, %scan3A_54 : i32
    %scan3A_56 = arith.constant 1 : i32
    %scan3A_57 = scf.for %scan3A_395 = %scan3A_53 to %scan3A_55 step %scan3A_56 iter_args(%scan3A_396 = %scan3A_33) -> (vector<16xf32>)  : i32 {
      %add3A_397 = arith.constant 2 : i32
      %add3A_398 = arith.addi %add3A_397, %scan3A_395 : i32
      %broadcast_in_dim3A_399 = arith.constant 0.000000e+00 : f32
      %broadcast_in_dim3A_400 = vector.broadcast %broadcast_in_dim3A_399 : f32 to vector<16xf32>
      %scan3A_401 = arith.constant 0 : i32
      %scan3A_402 = arith.constant 64 : i32
      %scan3A_403 = arith.addi %scan3A_401, %scan3A_402 : i32
      %scan3A_404 = arith.constant 1 : i32
      %scan3A_405:4 = scf.for %scan3A_418 = %scan3A_401 to %scan3A_403 step %scan3A_404 iter_args(%scan3A_419 = %broadcast_in_dim3A_400, %scan3A_420 = %broadcast_in_dim3A_400, %scan3A_421 = %broadcast_in_dim3A_400, %scan3A_422 = %broadcast_in_dim3A_400) -> (vector<16xf32>, vector<16xf32>, vector<16xf32>, vector<16xf32>)  : i32 {
        %mul3A_423 = arith.constant 64 : i32
        %mul3A_424 = arith.muli %scan3A_418, %mul3A_423 : i32
        %get3A = arith.index_cast %scan3A_395 : i32 to index
        %get3A_425 = arith.index_cast %mul3A_424 : i32 to index
        %get3A_426 = tpu.vector_load %arg14[%get3A, %get3A_425] {strides = array<i32>} : memref<2x4096xf32, #tpu.memory_space<vmem>>, vector<16xf32>,
        %get3A_427 = arith.index_cast %scan3A_395 : i32 to index
        %get3A_428 = arith.index_cast %mul3A_424 : i32 to index
        %get3A_429 = tpu.vector_load %arg12[%get3A_427, %get3A_428] {strides = array<i32>} : memref<2x4096xf32, #tpu.memory_space<vmem>>, vector<16xf32>,
        %sub3A_430 = arith.subf %get3A_426, %get3A_429 : vector<16xf32>
        %add3A_431 = arith.constant 16 : i32
        %add3A_432 = arith.addi %mul3A_424, %add3A_431 : i32
        %get3A_433 = arith.index_cast %scan3A_395 : i32 to index
        %get3A_434 = arith.index_cast %add3A_432 : i32 to index
        %get3A_435 = tpu.vector_load %arg14[%get3A_433, %get3A_434] {strides = array<i32>} : memref<2x4096xf32, #tpu.memory_space<vmem>>, vector<16xf32>,
        %add3A_436 = arith.constant 16 : i32
        %add3A_437 = arith.addi %mul3A_424, %add3A_436 : i32
        %get3A_438 = arith.index_cast %scan3A_395 : i32 to index
        %get3A_439 = arith.index_cast %add3A_437 : i32 to index
        %get3A_440 = tpu.vector_load %arg12[%get3A_438, %get3A_439] {strides = array<i32>} : memref<2x4096xf32, #tpu.memory_space<vmem>>, vector<16xf32>,
        %sub3A_441 = arith.subf %get3A_435, %get3A_440 : vector<16xf32>
        %add3A_442 = arith.constant 32 : i32
        %add3A_443 = arith.addi %mul3A_424, %add3A_442 : i32
        %get3A_444 = arith.index_cast %scan3A_395 : i32 to index
        %get3A_445 = arith.index_cast %add3A_443 : i32 to index
        %get3A_446 = tpu.vector_load %arg14[%get3A_444, %get3A_445] {strides = array<i32>} : memref<2x4096xf32, #tpu.memory_space<vmem>>, vector<16xf32>,
        %add3A_447 = arith.constant 32 : i32
        %add3A_448 = arith.addi %mul3A_424, %add3A_447 : i32
        %get3A_449 = arith.index_cast %scan3A_395 : i32 to index
        %get3A_450 = arith.index_cast %add3A_448 : i32 to index
        %get3A_451 = tpu.vector_load %arg12[%get3A_449, %get3A_450] {strides = array<i32>} : memref<2x4096xf32, #tpu.memory_space<vmem>>, vector<16xf32>,
        %sub3A_452 = arith.subf %get3A_446, %get3A_451 : vector<16xf32>
        %add3A_453 = arith.constant 48 : i32
        %add3A_454 = arith.addi %mul3A_424, %add3A_453 : i32
        %get3A_455 = arith.index_cast %scan3A_395 : i32 to index
        %get3A_456 = arith.index_cast %add3A_454 : i32 to index
        %get3A_457 = tpu.vector_load %arg14[%get3A_455, %get3A_456] {strides = array<i32>} : memref<2x4096xf32, #tpu.memory_space<vmem>>, vector<16xf32>,
        %add3A_458 = arith.constant 48 : i32
        %add3A_459 = arith.addi %mul3A_424, %add3A_458 : i32
        %get3A_460 = arith.index_cast %scan3A_395 : i32 to index
        %get3A_461 = arith.index_cast %add3A_459 : i32 to index
        %get3A_462 = tpu.vector_load %arg12[%get3A_460, %get3A_461] {strides = array<i32>} : memref<2x4096xf32, #tpu.memory_space<vmem>>, vector<16xf32>,
        %sub3A_463 = arith.subf %get3A_457, %get3A_462 : vector<16xf32>
        %mul3A_464 = arith.mulf %sub3A_430, %sub3A_430 : vector<16xf32>
        %add3A_465 = arith.addf %scan3A_419, %mul3A_464 : vector<16xf32>
        %mul3A_466 = arith.mulf %sub3A_441, %sub3A_441 : vector<16xf32>
        %add3A_467 = arith.addf %scan3A_420, %mul3A_466 : vector<16xf32>
        %mul3A_468 = arith.mulf %sub3A_452, %sub3A_452 : vector<16xf32>
        %add3A_469 = arith.addf %scan3A_421, %mul3A_468 : vector<16xf32>
        %mul3A_470 = arith.mulf %sub3A_463, %sub3A_463 : vector<16xf32>
        %add3A_471 = arith.addf %scan3A_422, %mul3A_470 : vector<16xf32>
        scf.yield %add3A_465, %add3A_467, %add3A_469, %add3A_471 : vector<16xf32>, vector<16xf32>, vector<16xf32>, vector<16xf32>
      }
      %scan3A_406 = arith.constant 64 : i32
      %add3A_407 = arith.addf %scan3A_405#0, %scan3A_405#1 : vector<16xf32>
      %add3A_408 = arith.addf %scan3A_405#2, %scan3A_405#3 : vector<16xf32>
      %add3A_409 = arith.addf %add3A_407, %add3A_408 : vector<16xf32>
      %reduce_sum3A = arith.constant true
      %reduce_sum3A_410 = vector.broadcast %reduce_sum3A : i1 to vector<16xi1>
      %reduce_sum3A_411 = tpu.scan <sum>, %add3A_409 masked %reduce_sum3A_410 : vector<16xf32>, vector<16xi1> -> vector<16xf32>
      %reduce_sum3A_412 = vector.extract %reduce_sum3A_411[15] : f32 from vector<16xf32>
      %eq3A = vector.broadcast %add3A_398 : i32 to vector<16xi32>
      %eq3A_413 = arith.cmpi eq, %iota3A, %eq3A : vector<16xi32>
      %broadcast_in_dim3A_414 = vector.broadcast %reduce_sum3A_412 : f32 to vector<16xf32>
      %select_n3A = arith.select %eq3A_413, %broadcast_in_dim3A_414, %scan3A_396 : vector<16xi1>, vector<16xf32>
      %eq3A_415 = arith.constant 7 : i32
      %eq3A_416 = arith.cmpi eq, %add3A_398, %eq3A_415 : i32
      %convert_element_type3A = arith.extui %eq3A_416 : i1 to i32
      %cond3A = arith.constant 0 : i32
      %cond3A_417 = arith.cmpi ne, %convert_element_type3A, %cond3A : i32
      scf.if %cond3A_417 {
        %swap3A = arith.constant 0 : index
        %swap3A_418 = tpu.vector_load %arg15[%swap3A] {strides = array<i32>} : memref<16xf32, #tpu.memory_space<vmem>>, vector<16xf32>,
        tpu.vector_store %arg15[%swap3A], %select_n3A {strides = array<i32>} : memref<16xf32, #tpu.memory_space<vmem>>, vector<16xf32>,
      } else {
      }
      scf.yield %select_n3A : vector<16xf32>
    }
    %scan3A_58 = arith.constant 2 : i32
    %add3A_59 = arith.constant 6 : i32
    %add3A_60 = arith.addi %add3A_4, %add3A_59 : i32
    %dma_start3A_61 = arith.constant 0 : i32
    %dma_start3A_62 = tpu.memref_slice %arg2[%add3A_60, %dma_start3A_61] : memref<1024x4096xf32, #tpu.memory_space<hbm>> -> memref<2x4096xf32, #tpu.memory_space<hbm>>
    %dma_start3A_63 = arith.constant 0 : i32
    %dma_start3A_64 = tpu.memref_slice %arg2[%add3A_60, %dma_start3A_63] : memref<1024x4096xf32, #tpu.memory_space<hbm>> -> memref<2x4096xf32, #tpu.memory_space<hbm>>
    tpu.enqueue_dma source(%dma_start3A_64 : memref<2x4096xf32, #tpu.memory_space<hbm>>) target(%arg12 : memref<2x4096xf32, #tpu.memory_space<vmem>>) target_semaphore(%arg17 : memref<!tpu.dma_semaphore, #tpu.memory_space<semaphore_mem>>)
    %dma_start3A_65 = arith.constant 0 : i32
    %dma_start3A_66 = tpu.memref_slice %arg3[%add3A_60, %dma_start3A_65] : memref<1024x4096xf32, #tpu.memory_space<hbm>> -> memref<2x4096xf32, #tpu.memory_space<hbm>>
    %dma_start3A_67 = arith.constant 0 : i32
    %dma_start3A_68 = tpu.memref_slice %arg3[%add3A_60, %dma_start3A_67] : memref<1024x4096xf32, #tpu.memory_space<hbm>> -> memref<2x4096xf32, #tpu.memory_space<hbm>>
    tpu.enqueue_dma source(%dma_start3A_68 : memref<2x4096xf32, #tpu.memory_space<hbm>>) target(%arg14 : memref<2x4096xf32, #tpu.memory_space<vmem>>) target_semaphore(%arg19 : memref<!tpu.dma_semaphore, #tpu.memory_space<semaphore_mem>>)
    %dma_wait3A_69 = arith.constant 0 : i32
    %dma_wait3A_70 = tpu.memref_slice %arg2[%add3A_36, %dma_wait3A_69] : memref<1024x4096xf32, #tpu.memory_space<hbm>> -> memref<2x4096xf32, #tpu.memory_space<hbm>>
    %dma_wait3A_71 = arith.constant 0 : i32
    %dma_wait3A_72 = tpu.memref_slice %arg2[%add3A_36, %dma_wait3A_71] : memref<1024x4096xf32, #tpu.memory_space<hbm>> -> memref<2x4096xf32, #tpu.memory_space<hbm>>
    tpu.wait_dma2 semaphore(%arg16 : memref<!tpu.dma_semaphore, #tpu.memory_space<semaphore_mem>>) src(%dma_wait3A_72 : memref<2x4096xf32, #tpu.memory_space<hbm>>) dst(%arg11 : memref<2x4096xf32, #tpu.memory_space<vmem>>)
    %dma_wait3A_73 = arith.constant 0 : i32
    %dma_wait3A_74 = tpu.memref_slice %arg3[%add3A_36, %dma_wait3A_73] : memref<1024x4096xf32, #tpu.memory_space<hbm>> -> memref<2x4096xf32, #tpu.memory_space<hbm>>
    %dma_wait3A_75 = arith.constant 0 : i32
    %dma_wait3A_76 = tpu.memref_slice %arg3[%add3A_36, %dma_wait3A_75] : memref<1024x4096xf32, #tpu.memory_space<hbm>> -> memref<2x4096xf32, #tpu.memory_space<hbm>>
    tpu.wait_dma2 semaphore(%arg18 : memref<!tpu.dma_semaphore, #tpu.memory_space<semaphore_mem>>) src(%dma_wait3A_76 : memref<2x4096xf32, #tpu.memory_space<hbm>>) dst(%arg13 : memref<2x4096xf32, #tpu.memory_space<vmem>>)
    %scan3A_77 = arith.constant 0 : i32
    %scan3A_78 = arith.constant 2 : i32
    %scan3A_79 = arith.addi %scan3A_77, %scan3A_78 : i32
    %scan3A_80 = arith.constant 1 : i32
    %scan3A_81 = scf.for %scan3A_395 = %scan3A_77 to %scan3A_79 step %scan3A_80 iter_args(%scan3A_396 = %scan3A_57) -> (vector<16xf32>)  : i32 {
      %add3A_397 = arith.constant 4 : i32
      %add3A_398 = arith.addi %add3A_397, %scan3A_395 : i32
      %broadcast_in_dim3A_399 = arith.constant 0.000000e+00 : f32
      %broadcast_in_dim3A_400 = vector.broadcast %broadcast_in_dim3A_399 : f32 to vector<16xf32>
      %scan3A_401 = arith.constant 0 : i32
      %scan3A_402 = arith.constant 64 : i32
      %scan3A_403 = arith.addi %scan3A_401, %scan3A_402 : i32
      %scan3A_404 = arith.constant 1 : i32
      %scan3A_405:4 = scf.for %scan3A_418 = %scan3A_401 to %scan3A_403 step %scan3A_404 iter_args(%scan3A_419 = %broadcast_in_dim3A_400, %scan3A_420 = %broadcast_in_dim3A_400, %scan3A_421 = %broadcast_in_dim3A_400, %scan3A_422 = %broadcast_in_dim3A_400) -> (vector<16xf32>, vector<16xf32>, vector<16xf32>, vector<16xf32>)  : i32 {
        %mul3A_423 = arith.constant 64 : i32
        %mul3A_424 = arith.muli %scan3A_418, %mul3A_423 : i32
        %get3A = arith.index_cast %scan3A_395 : i32 to index
        %get3A_425 = arith.index_cast %mul3A_424 : i32 to index
        %get3A_426 = tpu.vector_load %arg13[%get3A, %get3A_425] {strides = array<i32>} : memref<2x4096xf32, #tpu.memory_space<vmem>>, vector<16xf32>,
        %get3A_427 = arith.index_cast %scan3A_395 : i32 to index
        %get3A_428 = arith.index_cast %mul3A_424 : i32 to index
        %get3A_429 = tpu.vector_load %arg11[%get3A_427, %get3A_428] {strides = array<i32>} : memref<2x4096xf32, #tpu.memory_space<vmem>>, vector<16xf32>,
        %sub3A_430 = arith.subf %get3A_426, %get3A_429 : vector<16xf32>
        %add3A_431 = arith.constant 16 : i32
        %add3A_432 = arith.addi %mul3A_424, %add3A_431 : i32
        %get3A_433 = arith.index_cast %scan3A_395 : i32 to index
        %get3A_434 = arith.index_cast %add3A_432 : i32 to index
        %get3A_435 = tpu.vector_load %arg13[%get3A_433, %get3A_434] {strides = array<i32>} : memref<2x4096xf32, #tpu.memory_space<vmem>>, vector<16xf32>,
        %add3A_436 = arith.constant 16 : i32
        %add3A_437 = arith.addi %mul3A_424, %add3A_436 : i32
        %get3A_438 = arith.index_cast %scan3A_395 : i32 to index
        %get3A_439 = arith.index_cast %add3A_437 : i32 to index
        %get3A_440 = tpu.vector_load %arg11[%get3A_438, %get3A_439] {strides = array<i32>} : memref<2x4096xf32, #tpu.memory_space<vmem>>, vector<16xf32>,
        %sub3A_441 = arith.subf %get3A_435, %get3A_440 : vector<16xf32>
        %add3A_442 = arith.constant 32 : i32
        %add3A_443 = arith.addi %mul3A_424, %add3A_442 : i32
        %get3A_444 = arith.index_cast %scan3A_395 : i32 to index
        %get3A_445 = arith.index_cast %add3A_443 : i32 to index
        %get3A_446 = tpu.vector_load %arg13[%get3A_444, %get3A_445] {strides = array<i32>} : memref<2x4096xf32, #tpu.memory_space<vmem>>, vector<16xf32>,
        %add3A_447 = arith.constant 32 : i32
        %add3A_448 = arith.addi %mul3A_424, %add3A_447 : i32
        %get3A_449 = arith.index_cast %scan3A_395 : i32 to index
        %get3A_450 = arith.index_cast %add3A_448 : i32 to index
        %get3A_451 = tpu.vector_load %arg11[%get3A_449, %get3A_450] {strides = array<i32>} : memref<2x4096xf32, #tpu.memory_space<vmem>>, vector<16xf32>,
        %sub3A_452 = arith.subf %get3A_446, %get3A_451 : vector<16xf32>
        %add3A_453 = arith.constant 48 : i32
        %add3A_454 = arith.addi %mul3A_424, %add3A_453 : i32
        %get3A_455 = arith.index_cast %scan3A_395 : i32 to index
        %get3A_456 = arith.index_cast %add3A_454 : i32 to index
        %get3A_457 = tpu.vector_load %arg13[%get3A_455, %get3A_456] {strides = array<i32>} : memref<2x4096xf32, #tpu.memory_space<vmem>>, vector<16xf32>,
        %add3A_458 = arith.constant 48 : i32
        %add3A_459 = arith.addi %mul3A_424, %add3A_458 : i32
        %get3A_460 = arith.index_cast %scan3A_395 : i32 to index
        %get3A_461 = arith.index_cast %add3A_459 : i32 to index
        %get3A_462 = tpu.vector_load %arg11[%get3A_460, %get3A_461] {strides = array<i32>} : memref<2x4096xf32, #tpu.memory_space<vmem>>, vector<16xf32>,
        %sub3A_463 = arith.subf %get3A_457, %get3A_462 : vector<16xf32>
        %mul3A_464 = arith.mulf %sub3A_430, %sub3A_430 : vector<16xf32>
        %add3A_465 = arith.addf %scan3A_419, %mul3A_464 : vector<16xf32>
        %mul3A_466 = arith.mulf %sub3A_441, %sub3A_441 : vector<16xf32>
        %add3A_467 = arith.addf %scan3A_420, %mul3A_466 : vector<16xf32>
        %mul3A_468 = arith.mulf %sub3A_452, %sub3A_452 : vector<16xf32>
        %add3A_469 = arith.addf %scan3A_421, %mul3A_468 : vector<16xf32>
        %mul3A_470 = arith.mulf %sub3A_463, %sub3A_463 : vector<16xf32>
        %add3A_471 = arith.addf %scan3A_422, %mul3A_470 : vector<16xf32>
        scf.yield %add3A_465, %add3A_467, %add3A_469, %add3A_471 : vector<16xf32>, vector<16xf32>, vector<16xf32>, vector<16xf32>
      }
      %scan3A_406 = arith.constant 64 : i32
      %add3A_407 = arith.addf %scan3A_405#0, %scan3A_405#1 : vector<16xf32>
      %add3A_408 = arith.addf %scan3A_405#2, %scan3A_405#3 : vector<16xf32>
      %add3A_409 = arith.addf %add3A_407, %add3A_408 : vector<16xf32>
      %reduce_sum3A = arith.constant true
      %reduce_sum3A_410 = vector.broadcast %reduce_sum3A : i1 to vector<16xi1>
      %reduce_sum3A_411 = tpu.scan <sum>, %add3A_409 masked %reduce_sum3A_410 : vector<16xf32>, vector<16xi1> -> vector<16xf32>
      %reduce_sum3A_412 = vector.extract %reduce_sum3A_411[15] : f32 from vector<16xf32>
      %eq3A = vector.broadcast %add3A_398 : i32 to vector<16xi32>
      %eq3A_413 = arith.cmpi eq, %iota3A, %eq3A : vector<16xi32>
      %broadcast_in_dim3A_414 = vector.broadcast %reduce_sum3A_412 : f32 to vector<16xf32>
      %select_n3A = arith.select %eq3A_413, %broadcast_in_dim3A_414, %scan3A_396 : vector<16xi1>, vector<16xf32>
      %eq3A_415 = arith.constant 7 : i32
      %eq3A_416 = arith.cmpi eq, %add3A_398, %eq3A_415 : i32
      %convert_element_type3A = arith.extui %eq3A_416 : i1 to i32
      %cond3A = arith.constant 0 : i32
      %cond3A_417 = arith.cmpi ne, %convert_element_type3A, %cond3A : i32
      scf.if %cond3A_417 {
        %swap3A = arith.constant 0 : index
        %swap3A_418 = tpu.vector_load %arg15[%swap3A] {strides = array<i32>} : memref<16xf32, #tpu.memory_space<vmem>>, vector<16xf32>,
        tpu.vector_store %arg15[%swap3A], %select_n3A {strides = array<i32>} : memref<16xf32, #tpu.memory_space<vmem>>, vector<16xf32>,
      } else {
      }
      scf.yield %select_n3A : vector<16xf32>
    }
    %scan3A_82 = arith.constant 2 : i32
    %dma_wait3A_83 = arith.constant 0 : i32
    %dma_wait3A_84 = tpu.memref_slice %arg2[%add3A_60, %dma_wait3A_83] : memref<1024x4096xf32, #tpu.memory_space<hbm>> -> memref<2x4096xf32, #tpu.memory_space<hbm>>
    %dma_wait3A_85 = arith.constant 0 : i32
    %dma_wait3A_86 = tpu.memref_slice %arg2[%add3A_60, %dma_wait3A_85] : memref<1024x4096xf32, #tpu.memory_space<hbm>> -> memref<2x4096xf32, #tpu.memory_space<hbm>>
    tpu.wait_dma2 semaphore(%arg17 : memref<!tpu.dma_semaphore, #tpu.memory_space<semaphore_mem>>) src(%dma_wait3A_86 : memref<2x4096xf32, #tpu.memory_space<hbm>>) dst(%arg12 : memref<2x4096xf32, #tpu.memory_space<vmem>>)
    %dma_wait3A_87 = arith.constant 0 : i32
    %dma_wait3A_88 = tpu.memref_slice %arg3[%add3A_60, %dma_wait3A_87] : memref<1024x4096xf32, #tpu.memory_space<hbm>> -> memref<2x4096xf32, #tpu.memory_space<hbm>>
    %dma_wait3A_89 = arith.constant 0 : i32
    %dma_wait3A_90 = tpu.memref_slice %arg3[%add3A_60, %dma_wait3A_89] : memref<1024x4096xf32, #tpu.memory_space<hbm>> -> memref<2x4096xf32, #tpu.memory_space<hbm>>
    tpu.wait_dma2 semaphore(%arg19 : memref<!tpu.dma_semaphore, #tpu.memory_space<semaphore_mem>>) src(%dma_wait3A_90 : memref<2x4096xf32, #tpu.memory_space<hbm>>) dst(%arg14 : memref<2x4096xf32, #tpu.memory_space<vmem>>)
    %scan3A_91 = arith.constant 0 : i32
    %scan3A_92 = arith.constant 2 : i32
    %scan3A_93 = arith.addi %scan3A_91, %scan3A_92 : i32
    %scan3A_94 = arith.constant 1 : i32
    %scan3A_95 = scf.for %scan3A_395 = %scan3A_91 to %scan3A_93 step %scan3A_94 iter_args(%scan3A_396 = %scan3A_81) -> (vector<16xf32>)  : i32 {
      %add3A_397 = arith.constant 6 : i32
      %add3A_398 = arith.addi %add3A_397, %scan3A_395 : i32
      %broadcast_in_dim3A_399 = arith.constant 0.000000e+00 : f32
      %broadcast_in_dim3A_400 = vector.broadcast %broadcast_in_dim3A_399 : f32 to vector<16xf32>
      %scan3A_401 = arith.constant 0 : i32
      %scan3A_402 = arith.constant 64 : i32
      %scan3A_403 = arith.addi %scan3A_401, %scan3A_402 : i32
      %scan3A_404 = arith.constant 1 : i32
      %scan3A_405:4 = scf.for %scan3A_418 = %scan3A_401 to %scan3A_403 step %scan3A_404 iter_args(%scan3A_419 = %broadcast_in_dim3A_400, %scan3A_420 = %broadcast_in_dim3A_400, %scan3A_421 = %broadcast_in_dim3A_400, %scan3A_422 = %broadcast_in_dim3A_400) -> (vector<16xf32>, vector<16xf32>, vector<16xf32>, vector<16xf32>)  : i32 {
        %mul3A_423 = arith.constant 64 : i32
        %mul3A_424 = arith.muli %scan3A_418, %mul3A_423 : i32
        %get3A = arith.index_cast %scan3A_395 : i32 to index
        %get3A_425 = arith.index_cast %mul3A_424 : i32 to index
        %get3A_426 = tpu.vector_load %arg14[%get3A, %get3A_425] {strides = array<i32>} : memref<2x4096xf32, #tpu.memory_space<vmem>>, vector<16xf32>,
        %get3A_427 = arith.index_cast %scan3A_395 : i32 to index
        %get3A_428 = arith.index_cast %mul3A_424 : i32 to index
        %get3A_429 = tpu.vector_load %arg12[%get3A_427, %get3A_428] {strides = array<i32>} : memref<2x4096xf32, #tpu.memory_space<vmem>>, vector<16xf32>,
        %sub3A_430 = arith.subf %get3A_426, %get3A_429 : vector<16xf32>
        %add3A_431 = arith.constant 16 : i32
        %add3A_432 = arith.addi %mul3A_424, %add3A_431 : i32
        %get3A_433 = arith.index_cast %scan3A_395 : i32 to index
        %get3A_434 = arith.index_cast %add3A_432 : i32 to index
        %get3A_435 = tpu.vector_load %arg14[%get3A_433, %get3A_434] {strides = array<i32>} : memref<2x4096xf32, #tpu.memory_space<vmem>>, vector<16xf32>,
        %add3A_436 = arith.constant 16 : i32
        %add3A_437 = arith.addi %mul3A_424, %add3A_436 : i32
        %get3A_438 = arith.index_cast %scan3A_395 : i32 to index
        %get3A_439 = arith.index_cast %add3A_437 : i32 to index
        %get3A_440 = tpu.vector_load %arg12[%get3A_438, %get3A_439] {strides = array<i32>} : memref<2x4096xf32, #tpu.memory_space<vmem>>, vector<16xf32>,
        %sub3A_441 = arith.subf %get3A_435, %get3A_440 : vector<16xf32>
        %add3A_442 = arith.constant 32 : i32
        %add3A_443 = arith.addi %mul3A_424, %add3A_442 : i32
        %get3A_444 = arith.index_cast %scan3A_395 : i32 to index
        %get3A_445 = arith.index_cast %add3A_443 : i32 to index
        %get3A_446 = tpu.vector_load %arg14[%get3A_444, %get3A_445] {strides = array<i32>} : memref<2x4096xf32, #tpu.memory_space<vmem>>, vector<16xf32>,
        %add3A_447 = arith.constant 32 : i32
        %add3A_448 = arith.addi %mul3A_424, %add3A_447 : i32
        %get3A_449 = arith.index_cast %scan3A_395 : i32 to index
        %get3A_450 = arith.index_cast %add3A_448 : i32 to index
        %get3A_451 = tpu.vector_load %arg12[%get3A_449, %get3A_450] {strides = array<i32>} : memref<2x4096xf32, #tpu.memory_space<vmem>>, vector<16xf32>,
        %sub3A_452 = arith.subf %get3A_446, %get3A_451 : vector<16xf32>
        %add3A_453 = arith.constant 48 : i32
        %add3A_454 = arith.addi %mul3A_424, %add3A_453 : i32
        %get3A_455 = arith.index_cast %scan3A_395 : i32 to index
        %get3A_456 = arith.index_cast %add3A_454 : i32 to index
        %get3A_457 = tpu.vector_load %arg14[%get3A_455, %get3A_456] {strides = array<i32>} : memref<2x4096xf32, #tpu.memory_space<vmem>>, vector<16xf32>,
        %add3A_458 = arith.constant 48 : i32
        %add3A_459 = arith.addi %mul3A_424, %add3A_458 : i32
        %get3A_460 = arith.index_cast %scan3A_395 : i32 to index
        %get3A_461 = arith.index_cast %add3A_459 : i32 to index
        %get3A_462 = tpu.vector_load %arg12[%get3A_460, %get3A_461] {strides = array<i32>} : memref<2x4096xf32, #tpu.memory_space<vmem>>, vector<16xf32>,
        %sub3A_463 = arith.subf %get3A_457, %get3A_462 : vector<16xf32>
        %mul3A_464 = arith.mulf %sub3A_430, %sub3A_430 : vector<16xf32>
        %add3A_465 = arith.addf %scan3A_419, %mul3A_464 : vector<16xf32>
        %mul3A_466 = arith.mulf %sub3A_441, %sub3A_441 : vector<16xf32>
        %add3A_467 = arith.addf %scan3A_420, %mul3A_466 : vector<16xf32>
        %mul3A_468 = arith.mulf %sub3A_452, %sub3A_452 : vector<16xf32>
        %add3A_469 = arith.addf %scan3A_421, %mul3A_468 : vector<16xf32>
        %mul3A_470 = arith.mulf %sub3A_463, %sub3A_463 : vector<16xf32>
        %add3A_471 = arith.addf %scan3A_422, %mul3A_470 : vector<16xf32>
        scf.yield %add3A_465, %add3A_467, %add3A_469, %add3A_471 : vector<16xf32>, vector<16xf32>, vector<16xf32>, vector<16xf32>
      }
      %scan3A_406 = arith.constant 64 : i32
      %add3A_407 = arith.addf %scan3A_405#0, %scan3A_405#1 : vector<16xf32>
      %add3A_408 = arith.addf %scan3A_405#2, %scan3A_405#3 : vector<16xf32>
      %add3A_409 = arith.addf %add3A_407, %add3A_408 : vector<16xf32>
      %reduce_sum3A = arith.constant true
      %reduce_sum3A_410 = vector.broadcast %reduce_sum3A : i1 to vector<16xi1>
      %reduce_sum3A_411 = tpu.scan <sum>, %add3A_409 masked %reduce_sum3A_410 : vector<16xf32>, vector<16xi1> -> vector<16xf32>
      %reduce_sum3A_412 = vector.extract %reduce_sum3A_411[15] : f32 from vector<16xf32>
      %eq3A = vector.broadcast %add3A_398 : i32 to vector<16xi32>
      %eq3A_413 = arith.cmpi eq, %iota3A, %eq3A : vector<16xi32>
      %broadcast_in_dim3A_414 = vector.broadcast %reduce_sum3A_412 : f32 to vector<16xf32>
      %select_n3A = arith.select %eq3A_413, %broadcast_in_dim3A_414, %scan3A_396 : vector<16xi1>, vector<16xf32>
      %eq3A_415 = arith.constant 7 : i32
      %eq3A_416 = arith.cmpi eq, %add3A_398, %eq3A_415 : i32
      %convert_element_type3A = arith.extui %eq3A_416 : i1 to i32
      %cond3A = arith.constant 0 : i32
      %cond3A_417 = arith.cmpi ne, %convert_element_type3A, %cond3A : i32
      scf.if %cond3A_417 {
        %swap3A = arith.constant 0 : index
        %swap3A_418 = tpu.vector_load %arg15[%swap3A] {strides = array<i32>} : memref<16xf32, #tpu.memory_space<vmem>>, vector<16xf32>,
        tpu.vector_store %arg15[%swap3A], %select_n3A {strides = array<i32>} : memref<16xf32, #tpu.memory_space<vmem>>, vector<16xf32>,
      } else {
      }
      scf.yield %select_n3A : vector<16xf32>
    }
    %scan3A_96 = arith.constant 2 : i32
    %sub3A = arith.constant 768 : i32
    %sub3A_97 = arith.subi %add3A_4, %sub3A : i32
    %run_scoped3A = arith.constant 0 : i32
    "tpu.region"() ({
      %run_scoped3A_395 = tpu.sem_alloc : memref<!tpu.dma_semaphore, #tpu.memory_space<semaphore_mem>>
      %dma_start3A_396 = arith.constant 0 : i32
      %dma_start3A_397 = tpu.memref_slice %arg15[%dma_start3A_396] : memref<16xf32, #tpu.memory_space<vmem>> -> memref<8xf32, #tpu.memory_space<vmem>>
      %dma_start3A_398 = tpu.memref_slice %arg10[%run_scoped3A, %sub3A_97] : memref<4x256xf32, #tpu.memory_space<hbm>> -> memref<1x8xf32, #tpu.memory_space<hbm>>
      %dma_start3A_399 = tpu.memref_squeeze %dma_start3A_398 : memref<1x8xf32, #tpu.memory_space<hbm>> -> memref<8xf32, #tpu.memory_space<hbm>>
      %dma_start3A_400 = tpu.memref_slice %arg10[%run_scoped3A, %sub3A_97] : memref<4x256xf32, #tpu.memory_space<hbm>> -> memref<1x8xf32, #tpu.memory_space<hbm>>
      %dma_start3A_401 = tpu.memref_squeeze %dma_start3A_400 : memref<1x8xf32, #tpu.memory_space<hbm>> -> memref<8xf32, #tpu.memory_space<hbm>>
      %dma_start3A_402 = arith.constant 0 : i32
      %dma_start3A_403 = tpu.memref_slice %arg15[%dma_start3A_402] : memref<16xf32, #tpu.memory_space<vmem>> -> memref<8xf32, #tpu.memory_space<vmem>>
      tpu.enqueue_dma source(%dma_start3A_403 : memref<8xf32, #tpu.memory_space<vmem>>) target(%dma_start3A_401 : memref<8xf32, #tpu.memory_space<hbm>>) target_semaphore(%run_scoped3A_395 : memref<!tpu.dma_semaphore, #tpu.memory_space<semaphore_mem>>)
      %dma_wait3A_404 = arith.constant 0 : i32
      %dma_wait3A_405 = tpu.memref_slice %arg15[%dma_wait3A_404] : memref<16xf32, #tpu.memory_space<vmem>> -> memref<8xf32, #tpu.memory_space<vmem>>
      %dma_wait3A_406 = tpu.memref_slice %arg10[%run_scoped3A, %sub3A_97] : memref<4x256xf32, #tpu.memory_space<hbm>> -> memref<1x8xf32, #tpu.memory_space<hbm>>
      %dma_wait3A_407 = tpu.memref_squeeze %dma_wait3A_406 : memref<1x8xf32, #tpu.memory_space<hbm>> -> memref<8xf32, #tpu.memory_space<hbm>>
      %dma_wait3A_408 = tpu.memref_slice %arg10[%run_scoped3A, %sub3A_97] : memref<4x256xf32, #tpu.memory_space<hbm>> -> memref<1x8xf32, #tpu.memory_space<hbm>>
      %dma_wait3A_409 = tpu.memref_squeeze %dma_wait3A_408 : memref<1x8xf32, #tpu.memory_space<hbm>> -> memref<8xf32, #tpu.memory_space<hbm>>
      %dma_wait3A_410 = arith.constant 0 : i32
      %dma_wait3A_411 = tpu.memref_slice %arg15[%dma_wait3A_410] : memref<16xf32, #tpu.memory_space<vmem>> -> memref<8xf32, #tpu.memory_space<vmem>>
      tpu.wait_dma2 semaphore(%run_scoped3A_395 : memref<!tpu.dma_semaphore, #tpu.memory_space<semaphore_mem>>) src(%dma_wait3A_411 : memref<8xf32, #tpu.memory_space<vmem>>) dst(%dma_wait3A_409 : memref<8xf32, #tpu.memory_space<hbm>>)
      tpu.yield
    }) : () -> ()
    %dma_start3A_98 = arith.constant 0 : i32
    %dma_start3A_99 = tpu.memref_slice %arg4[%add3A_4, %dma_start3A_98] : memref<1024x4096xf32, #tpu.memory_space<hbm>> -> memref<2x4096xf32, #tpu.memory_space<hbm>>
    %dma_start3A_100 = arith.constant 0 : i32
    %dma_start3A_101 = tpu.memref_slice %arg4[%add3A_4, %dma_start3A_100] : memref<1024x4096xf32, #tpu.memory_space<hbm>> -> memref<2x4096xf32, #tpu.memory_space<hbm>>
    tpu.enqueue_dma source(%dma_start3A_101 : memref<2x4096xf32, #tpu.memory_space<hbm>>) target(%arg11 : memref<2x4096xf32, #tpu.memory_space<vmem>>) target_semaphore(%arg16 : memref<!tpu.dma_semaphore, #tpu.memory_space<semaphore_mem>>)
    %dma_start3A_102 = arith.constant 0 : i32
    %dma_start3A_103 = tpu.memref_slice %arg5[%add3A_4, %dma_start3A_102] : memref<1024x4096xf32, #tpu.memory_space<hbm>> -> memref<2x4096xf32, #tpu.memory_space<hbm>>
    %dma_start3A_104 = arith.constant 0 : i32
    %dma_start3A_105 = tpu.memref_slice %arg5[%add3A_4, %dma_start3A_104] : memref<1024x4096xf32, #tpu.memory_space<hbm>> -> memref<2x4096xf32, #tpu.memory_space<hbm>>
    tpu.enqueue_dma source(%dma_start3A_105 : memref<2x4096xf32, #tpu.memory_space<hbm>>) target(%arg13 : memref<2x4096xf32, #tpu.memory_space<vmem>>) target_semaphore(%arg18 : memref<!tpu.dma_semaphore, #tpu.memory_space<semaphore_mem>>)
    %broadcast_in_dim3A_106 = arith.constant 0.000000e+00 : f32
    %broadcast_in_dim3A_107 = vector.broadcast %broadcast_in_dim3A_106 : f32 to vector<16xf32>
    %add3A_108 = arith.constant 2 : i32
    %add3A_109 = arith.addi %add3A_4, %add3A_108 : i32
    %dma_start3A_110 = arith.constant 0 : i32
    %dma_start3A_111 = tpu.memref_slice %arg4[%add3A_109, %dma_start3A_110] : memref<1024x4096xf32, #tpu.memory_space<hbm>> -> memref<2x4096xf32, #tpu.memory_space<hbm>>
    %dma_start3A_112 = arith.constant 0 : i32
    %dma_start3A_113 = tpu.memref_slice %arg4[%add3A_109, %dma_start3A_112] : memref<1024x4096xf32, #tpu.memory_space<hbm>> -> memref<2x4096xf32, #tpu.memory_space<hbm>>
    tpu.enqueue_dma source(%dma_start3A_113 : memref<2x4096xf32, #tpu.memory_space<hbm>>) target(%arg12 : memref<2x4096xf32, #tpu.memory_space<vmem>>) target_semaphore(%arg17 : memref<!tpu.dma_semaphore, #tpu.memory_space<semaphore_mem>>)
    %dma_start3A_114 = arith.constant 0 : i32
    %dma_start3A_115 = tpu.memref_slice %arg5[%add3A_109, %dma_start3A_114] : memref<1024x4096xf32, #tpu.memory_space<hbm>> -> memref<2x4096xf32, #tpu.memory_space<hbm>>
    %dma_start3A_116 = arith.constant 0 : i32
    %dma_start3A_117 = tpu.memref_slice %arg5[%add3A_109, %dma_start3A_116] : memref<1024x4096xf32, #tpu.memory_space<hbm>> -> memref<2x4096xf32, #tpu.memory_space<hbm>>
    tpu.enqueue_dma source(%dma_start3A_117 : memref<2x4096xf32, #tpu.memory_space<hbm>>) target(%arg14 : memref<2x4096xf32, #tpu.memory_space<vmem>>) target_semaphore(%arg19 : memref<!tpu.dma_semaphore, #tpu.memory_space<semaphore_mem>>)
    %dma_wait3A_118 = arith.constant 0 : i32
    %dma_wait3A_119 = tpu.memref_slice %arg4[%add3A_4, %dma_wait3A_118] : memref<1024x4096xf32, #tpu.memory_space<hbm>> -> memref<2x4096xf32, #tpu.memory_space<hbm>>
    %dma_wait3A_120 = arith.constant 0 : i32
    %dma_wait3A_121 = tpu.memref_slice %arg4[%add3A_4, %dma_wait3A_120] : memref<1024x4096xf32, #tpu.memory_space<hbm>> -> memref<2x4096xf32, #tpu.memory_space<hbm>>
    tpu.wait_dma2 semaphore(%arg16 : memref<!tpu.dma_semaphore, #tpu.memory_space<semaphore_mem>>) src(%dma_wait3A_121 : memref<2x4096xf32, #tpu.memory_space<hbm>>) dst(%arg11 : memref<2x4096xf32, #tpu.memory_space<vmem>>)
    %dma_wait3A_122 = arith.constant 0 : i32
    %dma_wait3A_123 = tpu.memref_slice %arg5[%add3A_4, %dma_wait3A_122] : memref<1024x4096xf32, #tpu.memory_space<hbm>> -> memref<2x4096xf32, #tpu.memory_space<hbm>>
    %dma_wait3A_124 = arith.constant 0 : i32
    %dma_wait3A_125 = tpu.memref_slice %arg5[%add3A_4, %dma_wait3A_124] : memref<1024x4096xf32, #tpu.memory_space<hbm>> -> memref<2x4096xf32, #tpu.memory_space<hbm>>
    tpu.wait_dma2 semaphore(%arg18 : memref<!tpu.dma_semaphore, #tpu.memory_space<semaphore_mem>>) src(%dma_wait3A_125 : memref<2x4096xf32, #tpu.memory_space<hbm>>) dst(%arg13 : memref<2x4096xf32, #tpu.memory_space<vmem>>)
    %scan3A_126 = arith.constant 0 : i32
    %scan3A_127 = arith.constant 2 : i32
    %scan3A_128 = arith.addi %scan3A_126, %scan3A_127 : i32
    %scan3A_129 = arith.constant 1 : i32
    %scan3A_130 = scf.for %scan3A_395 = %scan3A_126 to %scan3A_128 step %scan3A_129 iter_args(%scan3A_396 = %broadcast_in_dim3A_107) -> (vector<16xf32>)  : i32 {
      %add3A_397 = arith.constant 0 : i32
      %add3A_398 = arith.addi %add3A_397, %scan3A_395 : i32
      %broadcast_in_dim3A_399 = arith.constant 0.000000e+00 : f32
      %broadcast_in_dim3A_400 = vector.broadcast %broadcast_in_dim3A_399 : f32 to vector<16xf32>
      %scan3A_401 = arith.constant 0 : i32
      %scan3A_402 = arith.constant 64 : i32
      %scan3A_403 = arith.addi %scan3A_401, %scan3A_402 : i32
      %scan3A_404 = arith.constant 1 : i32
      %scan3A_405:4 = scf.for %scan3A_418 = %scan3A_401 to %scan3A_403 step %scan3A_404 iter_args(%scan3A_419 = %broadcast_in_dim3A_400, %scan3A_420 = %broadcast_in_dim3A_400, %scan3A_421 = %broadcast_in_dim3A_400, %scan3A_422 = %broadcast_in_dim3A_400) -> (vector<16xf32>, vector<16xf32>, vector<16xf32>, vector<16xf32>)  : i32 {
        %mul3A_423 = arith.constant 64 : i32
        %mul3A_424 = arith.muli %scan3A_418, %mul3A_423 : i32
        %get3A = arith.index_cast %scan3A_395 : i32 to index
        %get3A_425 = arith.index_cast %mul3A_424 : i32 to index
        %get3A_426 = tpu.vector_load %arg13[%get3A, %get3A_425] {strides = array<i32>} : memref<2x4096xf32, #tpu.memory_space<vmem>>, vector<16xf32>,
        %get3A_427 = arith.index_cast %scan3A_395 : i32 to index
        %get3A_428 = arith.index_cast %mul3A_424 : i32 to index
        %get3A_429 = tpu.vector_load %arg11[%get3A_427, %get3A_428] {strides = array<i32>} : memref<2x4096xf32, #tpu.memory_space<vmem>>, vector<16xf32>,
        %sub3A_430 = arith.subf %get3A_426, %get3A_429 : vector<16xf32>
        %add3A_431 = arith.constant 16 : i32
        %add3A_432 = arith.addi %mul3A_424, %add3A_431 : i32
        %get3A_433 = arith.index_cast %scan3A_395 : i32 to index
        %get3A_434 = arith.index_cast %add3A_432 : i32 to index
        %get3A_435 = tpu.vector_load %arg13[%get3A_433, %get3A_434] {strides = array<i32>} : memref<2x4096xf32, #tpu.memory_space<vmem>>, vector<16xf32>,
        %add3A_436 = arith.constant 16 : i32
        %add3A_437 = arith.addi %mul3A_424, %add3A_436 : i32
        %get3A_438 = arith.index_cast %scan3A_395 : i32 to index
        %get3A_439 = arith.index_cast %add3A_437 : i32 to index
        %get3A_440 = tpu.vector_load %arg11[%get3A_438, %get3A_439] {strides = array<i32>} : memref<2x4096xf32, #tpu.memory_space<vmem>>, vector<16xf32>,
        %sub3A_441 = arith.subf %get3A_435, %get3A_440 : vector<16xf32>
        %add3A_442 = arith.constant 32 : i32
        %add3A_443 = arith.addi %mul3A_424, %add3A_442 : i32
        %get3A_444 = arith.index_cast %scan3A_395 : i32 to index
        %get3A_445 = arith.index_cast %add3A_443 : i32 to index
        %get3A_446 = tpu.vector_load %arg13[%get3A_444, %get3A_445] {strides = array<i32>} : memref<2x4096xf32, #tpu.memory_space<vmem>>, vector<16xf32>,
        %add3A_447 = arith.constant 32 : i32
        %add3A_448 = arith.addi %mul3A_424, %add3A_447 : i32
        %get3A_449 = arith.index_cast %scan3A_395 : i32 to index
        %get3A_450 = arith.index_cast %add3A_448 : i32 to index
        %get3A_451 = tpu.vector_load %arg11[%get3A_449, %get3A_450] {strides = array<i32>} : memref<2x4096xf32, #tpu.memory_space<vmem>>, vector<16xf32>,
        %sub3A_452 = arith.subf %get3A_446, %get3A_451 : vector<16xf32>
        %add3A_453 = arith.constant 48 : i32
        %add3A_454 = arith.addi %mul3A_424, %add3A_453 : i32
        %get3A_455 = arith.index_cast %scan3A_395 : i32 to index
        %get3A_456 = arith.index_cast %add3A_454 : i32 to index
        %get3A_457 = tpu.vector_load %arg13[%get3A_455, %get3A_456] {strides = array<i32>} : memref<2x4096xf32, #tpu.memory_space<vmem>>, vector<16xf32>,
        %add3A_458 = arith.constant 48 : i32
        %add3A_459 = arith.addi %mul3A_424, %add3A_458 : i32
        %get3A_460 = arith.index_cast %scan3A_395 : i32 to index
        %get3A_461 = arith.index_cast %add3A_459 : i32 to index
        %get3A_462 = tpu.vector_load %arg11[%get3A_460, %get3A_461] {strides = array<i32>} : memref<2x4096xf32, #tpu.memory_space<vmem>>, vector<16xf32>,
        %sub3A_463 = arith.subf %get3A_457, %get3A_462 : vector<16xf32>
        %mul3A_464 = arith.mulf %sub3A_430, %sub3A_430 : vector<16xf32>
        %add3A_465 = arith.addf %scan3A_419, %mul3A_464 : vector<16xf32>
        %mul3A_466 = arith.mulf %sub3A_441, %sub3A_441 : vector<16xf32>
        %add3A_467 = arith.addf %scan3A_420, %mul3A_466 : vector<16xf32>
        %mul3A_468 = arith.mulf %sub3A_452, %sub3A_452 : vector<16xf32>
        %add3A_469 = arith.addf %scan3A_421, %mul3A_468 : vector<16xf32>
        %mul3A_470 = arith.mulf %sub3A_463, %sub3A_463 : vector<16xf32>
        %add3A_471 = arith.addf %scan3A_422, %mul3A_470 : vector<16xf32>
        scf.yield %add3A_465, %add3A_467, %add3A_469, %add3A_471 : vector<16xf32>, vector<16xf32>, vector<16xf32>, vector<16xf32>
      }
      %scan3A_406 = arith.constant 64 : i32
      %add3A_407 = arith.addf %scan3A_405#0, %scan3A_405#1 : vector<16xf32>
      %add3A_408 = arith.addf %scan3A_405#2, %scan3A_405#3 : vector<16xf32>
      %add3A_409 = arith.addf %add3A_407, %add3A_408 : vector<16xf32>
      %reduce_sum3A = arith.constant true
      %reduce_sum3A_410 = vector.broadcast %reduce_sum3A : i1 to vector<16xi1>
      %reduce_sum3A_411 = tpu.scan <sum>, %add3A_409 masked %reduce_sum3A_410 : vector<16xf32>, vector<16xi1> -> vector<16xf32>
      %reduce_sum3A_412 = vector.extract %reduce_sum3A_411[15] : f32 from vector<16xf32>
      %eq3A = vector.broadcast %add3A_398 : i32 to vector<16xi32>
      %eq3A_413 = arith.cmpi eq, %iota3A, %eq3A : vector<16xi32>
      %broadcast_in_dim3A_414 = vector.broadcast %reduce_sum3A_412 : f32 to vector<16xf32>
      %select_n3A = arith.select %eq3A_413, %broadcast_in_dim3A_414, %scan3A_396 : vector<16xi1>, vector<16xf32>
      %eq3A_415 = arith.constant 7 : i32
      %eq3A_416 = arith.cmpi eq, %add3A_398, %eq3A_415 : i32
      %convert_element_type3A = arith.extui %eq3A_416 : i1 to i32
      %cond3A = arith.constant 0 : i32
      %cond3A_417 = arith.cmpi ne, %convert_element_type3A, %cond3A : i32
      scf.if %cond3A_417 {
        %swap3A = arith.constant 0 : index
        %swap3A_418 = tpu.vector_load %arg15[%swap3A] {strides = array<i32>} : memref<16xf32, #tpu.memory_space<vmem>>, vector<16xf32>,
        tpu.vector_store %arg15[%swap3A], %select_n3A {strides = array<i32>} : memref<16xf32, #tpu.memory_space<vmem>>, vector<16xf32>,
      } else {
      }
      scf.yield %select_n3A : vector<16xf32>
    }
    %scan3A_131 = arith.constant 2 : i32
    %add3A_132 = arith.constant 4 : i32
    %add3A_133 = arith.addi %add3A_4, %add3A_132 : i32
    %dma_start3A_134 = arith.constant 0 : i32
    %dma_start3A_135 = tpu.memref_slice %arg4[%add3A_133, %dma_start3A_134] : memref<1024x4096xf32, #tpu.memory_space<hbm>> -> memref<2x4096xf32, #tpu.memory_space<hbm>>
    %dma_start3A_136 = arith.constant 0 : i32
    %dma_start3A_137 = tpu.memref_slice %arg4[%add3A_133, %dma_start3A_136] : memref<1024x4096xf32, #tpu.memory_space<hbm>> -> memref<2x4096xf32, #tpu.memory_space<hbm>>
    tpu.enqueue_dma source(%dma_start3A_137 : memref<2x4096xf32, #tpu.memory_space<hbm>>) target(%arg11 : memref<2x4096xf32, #tpu.memory_space<vmem>>) target_semaphore(%arg16 : memref<!tpu.dma_semaphore, #tpu.memory_space<semaphore_mem>>)
    %dma_start3A_138 = arith.constant 0 : i32
    %dma_start3A_139 = tpu.memref_slice %arg5[%add3A_133, %dma_start3A_138] : memref<1024x4096xf32, #tpu.memory_space<hbm>> -> memref<2x4096xf32, #tpu.memory_space<hbm>>
    %dma_start3A_140 = arith.constant 0 : i32
    %dma_start3A_141 = tpu.memref_slice %arg5[%add3A_133, %dma_start3A_140] : memref<1024x4096xf32, #tpu.memory_space<hbm>> -> memref<2x4096xf32, #tpu.memory_space<hbm>>
    tpu.enqueue_dma source(%dma_start3A_141 : memref<2x4096xf32, #tpu.memory_space<hbm>>) target(%arg13 : memref<2x4096xf32, #tpu.memory_space<vmem>>) target_semaphore(%arg18 : memref<!tpu.dma_semaphore, #tpu.memory_space<semaphore_mem>>)
    %dma_wait3A_142 = arith.constant 0 : i32
    %dma_wait3A_143 = tpu.memref_slice %arg4[%add3A_109, %dma_wait3A_142] : memref<1024x4096xf32, #tpu.memory_space<hbm>> -> memref<2x4096xf32, #tpu.memory_space<hbm>>
    %dma_wait3A_144 = arith.constant 0 : i32
    %dma_wait3A_145 = tpu.memref_slice %arg4[%add3A_109, %dma_wait3A_144] : memref<1024x4096xf32, #tpu.memory_space<hbm>> -> memref<2x4096xf32, #tpu.memory_space<hbm>>
    tpu.wait_dma2 semaphore(%arg17 : memref<!tpu.dma_semaphore, #tpu.memory_space<semaphore_mem>>) src(%dma_wait3A_145 : memref<2x4096xf32, #tpu.memory_space<hbm>>) dst(%arg12 : memref<2x4096xf32, #tpu.memory_space<vmem>>)
    %dma_wait3A_146 = arith.constant 0 : i32
    %dma_wait3A_147 = tpu.memref_slice %arg5[%add3A_109, %dma_wait3A_146] : memref<1024x4096xf32, #tpu.memory_space<hbm>> -> memref<2x4096xf32, #tpu.memory_space<hbm>>
    %dma_wait3A_148 = arith.constant 0 : i32
    %dma_wait3A_149 = tpu.memref_slice %arg5[%add3A_109, %dma_wait3A_148] : memref<1024x4096xf32, #tpu.memory_space<hbm>> -> memref<2x4096xf32, #tpu.memory_space<hbm>>
    tpu.wait_dma2 semaphore(%arg19 : memref<!tpu.dma_semaphore, #tpu.memory_space<semaphore_mem>>) src(%dma_wait3A_149 : memref<2x4096xf32, #tpu.memory_space<hbm>>) dst(%arg14 : memref<2x4096xf32, #tpu.memory_space<vmem>>)
    %scan3A_150 = arith.constant 0 : i32
    %scan3A_151 = arith.constant 2 : i32
    %scan3A_152 = arith.addi %scan3A_150, %scan3A_151 : i32
    %scan3A_153 = arith.constant 1 : i32
    %scan3A_154 = scf.for %scan3A_395 = %scan3A_150 to %scan3A_152 step %scan3A_153 iter_args(%scan3A_396 = %scan3A_130) -> (vector<16xf32>)  : i32 {
      %add3A_397 = arith.constant 2 : i32
      %add3A_398 = arith.addi %add3A_397, %scan3A_395 : i32
      %broadcast_in_dim3A_399 = arith.constant 0.000000e+00 : f32
      %broadcast_in_dim3A_400 = vector.broadcast %broadcast_in_dim3A_399 : f32 to vector<16xf32>
      %scan3A_401 = arith.constant 0 : i32
      %scan3A_402 = arith.constant 64 : i32
      %scan3A_403 = arith.addi %scan3A_401, %scan3A_402 : i32
      %scan3A_404 = arith.constant 1 : i32
      %scan3A_405:4 = scf.for %scan3A_418 = %scan3A_401 to %scan3A_403 step %scan3A_404 iter_args(%scan3A_419 = %broadcast_in_dim3A_400, %scan3A_420 = %broadcast_in_dim3A_400, %scan3A_421 = %broadcast_in_dim3A_400, %scan3A_422 = %broadcast_in_dim3A_400) -> (vector<16xf32>, vector<16xf32>, vector<16xf32>, vector<16xf32>)  : i32 {
        %mul3A_423 = arith.constant 64 : i32
        %mul3A_424 = arith.muli %scan3A_418, %mul3A_423 : i32
        %get3A = arith.index_cast %scan3A_395 : i32 to index
        %get3A_425 = arith.index_cast %mul3A_424 : i32 to index
        %get3A_426 = tpu.vector_load %arg14[%get3A, %get3A_425] {strides = array<i32>} : memref<2x4096xf32, #tpu.memory_space<vmem>>, vector<16xf32>,
        %get3A_427 = arith.index_cast %scan3A_395 : i32 to index
        %get3A_428 = arith.index_cast %mul3A_424 : i32 to index
        %get3A_429 = tpu.vector_load %arg12[%get3A_427, %get3A_428] {strides = array<i32>} : memref<2x4096xf32, #tpu.memory_space<vmem>>, vector<16xf32>,
        %sub3A_430 = arith.subf %get3A_426, %get3A_429 : vector<16xf32>
        %add3A_431 = arith.constant 16 : i32
        %add3A_432 = arith.addi %mul3A_424, %add3A_431 : i32
        %get3A_433 = arith.index_cast %scan3A_395 : i32 to index
        %get3A_434 = arith.index_cast %add3A_432 : i32 to index
        %get3A_435 = tpu.vector_load %arg14[%get3A_433, %get3A_434] {strides = array<i32>} : memref<2x4096xf32, #tpu.memory_space<vmem>>, vector<16xf32>,
        %add3A_436 = arith.constant 16 : i32
        %add3A_437 = arith.addi %mul3A_424, %add3A_436 : i32
        %get3A_438 = arith.index_cast %scan3A_395 : i32 to index
        %get3A_439 = arith.index_cast %add3A_437 : i32 to index
        %get3A_440 = tpu.vector_load %arg12[%get3A_438, %get3A_439] {strides = array<i32>} : memref<2x4096xf32, #tpu.memory_space<vmem>>, vector<16xf32>,
        %sub3A_441 = arith.subf %get3A_435, %get3A_440 : vector<16xf32>
        %add3A_442 = arith.constant 32 : i32
        %add3A_443 = arith.addi %mul3A_424, %add3A_442 : i32
        %get3A_444 = arith.index_cast %scan3A_395 : i32 to index
        %get3A_445 = arith.index_cast %add3A_443 : i32 to index
        %get3A_446 = tpu.vector_load %arg14[%get3A_444, %get3A_445] {strides = array<i32>} : memref<2x4096xf32, #tpu.memory_space<vmem>>, vector<16xf32>,
        %add3A_447 = arith.constant 32 : i32
        %add3A_448 = arith.addi %mul3A_424, %add3A_447 : i32
        %get3A_449 = arith.index_cast %scan3A_395 : i32 to index
        %get3A_450 = arith.index_cast %add3A_448 : i32 to index
        %get3A_451 = tpu.vector_load %arg12[%get3A_449, %get3A_450] {strides = array<i32>} : memref<2x4096xf32, #tpu.memory_space<vmem>>, vector<16xf32>,
        %sub3A_452 = arith.subf %get3A_446, %get3A_451 : vector<16xf32>
        %add3A_453 = arith.constant 48 : i32
        %add3A_454 = arith.addi %mul3A_424, %add3A_453 : i32
        %get3A_455 = arith.index_cast %scan3A_395 : i32 to index
        %get3A_456 = arith.index_cast %add3A_454 : i32 to index
        %get3A_457 = tpu.vector_load %arg14[%get3A_455, %get3A_456] {strides = array<i32>} : memref<2x4096xf32, #tpu.memory_space<vmem>>, vector<16xf32>,
        %add3A_458 = arith.constant 48 : i32
        %add3A_459 = arith.addi %mul3A_424, %add3A_458 : i32
        %get3A_460 = arith.index_cast %scan3A_395 : i32 to index
        %get3A_461 = arith.index_cast %add3A_459 : i32 to index
        %get3A_462 = tpu.vector_load %arg12[%get3A_460, %get3A_461] {strides = array<i32>} : memref<2x4096xf32, #tpu.memory_space<vmem>>, vector<16xf32>,
        %sub3A_463 = arith.subf %get3A_457, %get3A_462 : vector<16xf32>
        %mul3A_464 = arith.mulf %sub3A_430, %sub3A_430 : vector<16xf32>
        %add3A_465 = arith.addf %scan3A_419, %mul3A_464 : vector<16xf32>
        %mul3A_466 = arith.mulf %sub3A_441, %sub3A_441 : vector<16xf32>
        %add3A_467 = arith.addf %scan3A_420, %mul3A_466 : vector<16xf32>
        %mul3A_468 = arith.mulf %sub3A_452, %sub3A_452 : vector<16xf32>
        %add3A_469 = arith.addf %scan3A_421, %mul3A_468 : vector<16xf32>
        %mul3A_470 = arith.mulf %sub3A_463, %sub3A_463 : vector<16xf32>
        %add3A_471 = arith.addf %scan3A_422, %mul3A_470 : vector<16xf32>
        scf.yield %add3A_465, %add3A_467, %add3A_469, %add3A_471 : vector<16xf32>, vector<16xf32>, vector<16xf32>, vector<16xf32>
      }
      %scan3A_406 = arith.constant 64 : i32
      %add3A_407 = arith.addf %scan3A_405#0, %scan3A_405#1 : vector<16xf32>
      %add3A_408 = arith.addf %scan3A_405#2, %scan3A_405#3 : vector<16xf32>
      %add3A_409 = arith.addf %add3A_407, %add3A_408 : vector<16xf32>
      %reduce_sum3A = arith.constant true
      %reduce_sum3A_410 = vector.broadcast %reduce_sum3A : i1 to vector<16xi1>
      %reduce_sum3A_411 = tpu.scan <sum>, %add3A_409 masked %reduce_sum3A_410 : vector<16xf32>, vector<16xi1> -> vector<16xf32>
      %reduce_sum3A_412 = vector.extract %reduce_sum3A_411[15] : f32 from vector<16xf32>
      %eq3A = vector.broadcast %add3A_398 : i32 to vector<16xi32>
      %eq3A_413 = arith.cmpi eq, %iota3A, %eq3A : vector<16xi32>
      %broadcast_in_dim3A_414 = vector.broadcast %reduce_sum3A_412 : f32 to vector<16xf32>
      %select_n3A = arith.select %eq3A_413, %broadcast_in_dim3A_414, %scan3A_396 : vector<16xi1>, vector<16xf32>
      %eq3A_415 = arith.constant 7 : i32
      %eq3A_416 = arith.cmpi eq, %add3A_398, %eq3A_415 : i32
      %convert_element_type3A = arith.extui %eq3A_416 : i1 to i32
      %cond3A = arith.constant 0 : i32
      %cond3A_417 = arith.cmpi ne, %convert_element_type3A, %cond3A : i32
      scf.if %cond3A_417 {
        %swap3A = arith.constant 0 : index
        %swap3A_418 = tpu.vector_load %arg15[%swap3A] {strides = array<i32>} : memref<16xf32, #tpu.memory_space<vmem>>, vector<16xf32>,
        tpu.vector_store %arg15[%swap3A], %select_n3A {strides = array<i32>} : memref<16xf32, #tpu.memory_space<vmem>>, vector<16xf32>,
      } else {
      }
      scf.yield %select_n3A : vector<16xf32>
    }
    %scan3A_155 = arith.constant 2 : i32
    %add3A_156 = arith.constant 6 : i32
    %add3A_157 = arith.addi %add3A_4, %add3A_156 : i32
    %dma_start3A_158 = arith.constant 0 : i32
    %dma_start3A_159 = tpu.memref_slice %arg4[%add3A_157, %dma_start3A_158] : memref<1024x4096xf32, #tpu.memory_space<hbm>> -> memref<2x4096xf32, #tpu.memory_space<hbm>>
    %dma_start3A_160 = arith.constant 0 : i32
    %dma_start3A_161 = tpu.memref_slice %arg4[%add3A_157, %dma_start3A_160] : memref<1024x4096xf32, #tpu.memory_space<hbm>> -> memref<2x4096xf32, #tpu.memory_space<hbm>>
    tpu.enqueue_dma source(%dma_start3A_161 : memref<2x4096xf32, #tpu.memory_space<hbm>>) target(%arg12 : memref<2x4096xf32, #tpu.memory_space<vmem>>) target_semaphore(%arg17 : memref<!tpu.dma_semaphore, #tpu.memory_space<semaphore_mem>>)
    %dma_start3A_162 = arith.constant 0 : i32
    %dma_start3A_163 = tpu.memref_slice %arg5[%add3A_157, %dma_start3A_162] : memref<1024x4096xf32, #tpu.memory_space<hbm>> -> memref<2x4096xf32, #tpu.memory_space<hbm>>
    %dma_start3A_164 = arith.constant 0 : i32
    %dma_start3A_165 = tpu.memref_slice %arg5[%add3A_157, %dma_start3A_164] : memref<1024x4096xf32, #tpu.memory_space<hbm>> -> memref<2x4096xf32, #tpu.memory_space<hbm>>
    tpu.enqueue_dma source(%dma_start3A_165 : memref<2x4096xf32, #tpu.memory_space<hbm>>) target(%arg14 : memref<2x4096xf32, #tpu.memory_space<vmem>>) target_semaphore(%arg19 : memref<!tpu.dma_semaphore, #tpu.memory_space<semaphore_mem>>)
    %dma_wait3A_166 = arith.constant 0 : i32
    %dma_wait3A_167 = tpu.memref_slice %arg4[%add3A_133, %dma_wait3A_166] : memref<1024x4096xf32, #tpu.memory_space<hbm>> -> memref<2x4096xf32, #tpu.memory_space<hbm>>
    %dma_wait3A_168 = arith.constant 0 : i32
    %dma_wait3A_169 = tpu.memref_slice %arg4[%add3A_133, %dma_wait3A_168] : memref<1024x4096xf32, #tpu.memory_space<hbm>> -> memref<2x4096xf32, #tpu.memory_space<hbm>>
    tpu.wait_dma2 semaphore(%arg16 : memref<!tpu.dma_semaphore, #tpu.memory_space<semaphore_mem>>) src(%dma_wait3A_169 : memref<2x4096xf32, #tpu.memory_space<hbm>>) dst(%arg11 : memref<2x4096xf32, #tpu.memory_space<vmem>>)
    %dma_wait3A_170 = arith.constant 0 : i32
    %dma_wait3A_171 = tpu.memref_slice %arg5[%add3A_133, %dma_wait3A_170] : memref<1024x4096xf32, #tpu.memory_space<hbm>> -> memref<2x4096xf32, #tpu.memory_space<hbm>>
    %dma_wait3A_172 = arith.constant 0 : i32
    %dma_wait3A_173 = tpu.memref_slice %arg5[%add3A_133, %dma_wait3A_172] : memref<1024x4096xf32, #tpu.memory_space<hbm>> -> memref<2x4096xf32, #tpu.memory_space<hbm>>
    tpu.wait_dma2 semaphore(%arg18 : memref<!tpu.dma_semaphore, #tpu.memory_space<semaphore_mem>>) src(%dma_wait3A_173 : memref<2x4096xf32, #tpu.memory_space<hbm>>) dst(%arg13 : memref<2x4096xf32, #tpu.memory_space<vmem>>)
    %scan3A_174 = arith.constant 0 : i32
    %scan3A_175 = arith.constant 2 : i32
    %scan3A_176 = arith.addi %scan3A_174, %scan3A_175 : i32
    %scan3A_177 = arith.constant 1 : i32
    %scan3A_178 = scf.for %scan3A_395 = %scan3A_174 to %scan3A_176 step %scan3A_177 iter_args(%scan3A_396 = %scan3A_154) -> (vector<16xf32>)  : i32 {
      %add3A_397 = arith.constant 4 : i32
      %add3A_398 = arith.addi %add3A_397, %scan3A_395 : i32
      %broadcast_in_dim3A_399 = arith.constant 0.000000e+00 : f32
      %broadcast_in_dim3A_400 = vector.broadcast %broadcast_in_dim3A_399 : f32 to vector<16xf32>
      %scan3A_401 = arith.constant 0 : i32
      %scan3A_402 = arith.constant 64 : i32
      %scan3A_403 = arith.addi %scan3A_401, %scan3A_402 : i32
      %scan3A_404 = arith.constant 1 : i32
      %scan3A_405:4 = scf.for %scan3A_418 = %scan3A_401 to %scan3A_403 step %scan3A_404 iter_args(%scan3A_419 = %broadcast_in_dim3A_400, %scan3A_420 = %broadcast_in_dim3A_400, %scan3A_421 = %broadcast_in_dim3A_400, %scan3A_422 = %broadcast_in_dim3A_400) -> (vector<16xf32>, vector<16xf32>, vector<16xf32>, vector<16xf32>)  : i32 {
        %mul3A_423 = arith.constant 64 : i32
        %mul3A_424 = arith.muli %scan3A_418, %mul3A_423 : i32
        %get3A = arith.index_cast %scan3A_395 : i32 to index
        %get3A_425 = arith.index_cast %mul3A_424 : i32 to index
        %get3A_426 = tpu.vector_load %arg13[%get3A, %get3A_425] {strides = array<i32>} : memref<2x4096xf32, #tpu.memory_space<vmem>>, vector<16xf32>,
        %get3A_427 = arith.index_cast %scan3A_395 : i32 to index
        %get3A_428 = arith.index_cast %mul3A_424 : i32 to index
        %get3A_429 = tpu.vector_load %arg11[%get3A_427, %get3A_428] {strides = array<i32>} : memref<2x4096xf32, #tpu.memory_space<vmem>>, vector<16xf32>,
        %sub3A_430 = arith.subf %get3A_426, %get3A_429 : vector<16xf32>
        %add3A_431 = arith.constant 16 : i32
        %add3A_432 = arith.addi %mul3A_424, %add3A_431 : i32
        %get3A_433 = arith.index_cast %scan3A_395 : i32 to index
        %get3A_434 = arith.index_cast %add3A_432 : i32 to index
        %get3A_435 = tpu.vector_load %arg13[%get3A_433, %get3A_434] {strides = array<i32>} : memref<2x4096xf32, #tpu.memory_space<vmem>>, vector<16xf32>,
        %add3A_436 = arith.constant 16 : i32
        %add3A_437 = arith.addi %mul3A_424, %add3A_436 : i32
        %get3A_438 = arith.index_cast %scan3A_395 : i32 to index
        %get3A_439 = arith.index_cast %add3A_437 : i32 to index
        %get3A_440 = tpu.vector_load %arg11[%get3A_438, %get3A_439] {strides = array<i32>} : memref<2x4096xf32, #tpu.memory_space<vmem>>, vector<16xf32>,
        %sub3A_441 = arith.subf %get3A_435, %get3A_440 : vector<16xf32>
        %add3A_442 = arith.constant 32 : i32
        %add3A_443 = arith.addi %mul3A_424, %add3A_442 : i32
        %get3A_444 = arith.index_cast %scan3A_395 : i32 to index
        %get3A_445 = arith.index_cast %add3A_443 : i32 to index
        %get3A_446 = tpu.vector_load %arg13[%get3A_444, %get3A_445] {strides = array<i32>} : memref<2x4096xf32, #tpu.memory_space<vmem>>, vector<16xf32>,
        %add3A_447 = arith.constant 32 : i32
        %add3A_448 = arith.addi %mul3A_424, %add3A_447 : i32
        %get3A_449 = arith.index_cast %scan3A_395 : i32 to index
        %get3A_450 = arith.index_cast %add3A_448 : i32 to index
        %get3A_451 = tpu.vector_load %arg11[%get3A_449, %get3A_450] {strides = array<i32>} : memref<2x4096xf32, #tpu.memory_space<vmem>>, vector<16xf32>,
        %sub3A_452 = arith.subf %get3A_446, %get3A_451 : vector<16xf32>
        %add3A_453 = arith.constant 48 : i32
        %add3A_454 = arith.addi %mul3A_424, %add3A_453 : i32
        %get3A_455 = arith.index_cast %scan3A_395 : i32 to index
        %get3A_456 = arith.index_cast %add3A_454 : i32 to index
        %get3A_457 = tpu.vector_load %arg13[%get3A_455, %get3A_456] {strides = array<i32>} : memref<2x4096xf32, #tpu.memory_space<vmem>>, vector<16xf32>,
        %add3A_458 = arith.constant 48 : i32
        %add3A_459 = arith.addi %mul3A_424, %add3A_458 : i32
        %get3A_460 = arith.index_cast %scan3A_395 : i32 to index
        %get3A_461 = arith.index_cast %add3A_459 : i32 to index
        %get3A_462 = tpu.vector_load %arg11[%get3A_460, %get3A_461] {strides = array<i32>} : memref<2x4096xf32, #tpu.memory_space<vmem>>, vector<16xf32>,
        %sub3A_463 = arith.subf %get3A_457, %get3A_462 : vector<16xf32>
        %mul3A_464 = arith.mulf %sub3A_430, %sub3A_430 : vector<16xf32>
        %add3A_465 = arith.addf %scan3A_419, %mul3A_464 : vector<16xf32>
        %mul3A_466 = arith.mulf %sub3A_441, %sub3A_441 : vector<16xf32>
        %add3A_467 = arith.addf %scan3A_420, %mul3A_466 : vector<16xf32>
        %mul3A_468 = arith.mulf %sub3A_452, %sub3A_452 : vector<16xf32>
        %add3A_469 = arith.addf %scan3A_421, %mul3A_468 : vector<16xf32>
        %mul3A_470 = arith.mulf %sub3A_463, %sub3A_463 : vector<16xf32>
        %add3A_471 = arith.addf %scan3A_422, %mul3A_470 : vector<16xf32>
        scf.yield %add3A_465, %add3A_467, %add3A_469, %add3A_471 : vector<16xf32>, vector<16xf32>, vector<16xf32>, vector<16xf32>
      }
      %scan3A_406 = arith.constant 64 : i32
      %add3A_407 = arith.addf %scan3A_405#0, %scan3A_405#1 : vector<16xf32>
      %add3A_408 = arith.addf %scan3A_405#2, %scan3A_405#3 : vector<16xf32>
      %add3A_409 = arith.addf %add3A_407, %add3A_408 : vector<16xf32>
      %reduce_sum3A = arith.constant true
      %reduce_sum3A_410 = vector.broadcast %reduce_sum3A : i1 to vector<16xi1>
      %reduce_sum3A_411 = tpu.scan <sum>, %add3A_409 masked %reduce_sum3A_410 : vector<16xf32>, vector<16xi1> -> vector<16xf32>
      %reduce_sum3A_412 = vector.extract %reduce_sum3A_411[15] : f32 from vector<16xf32>
      %eq3A = vector.broadcast %add3A_398 : i32 to vector<16xi32>
      %eq3A_413 = arith.cmpi eq, %iota3A, %eq3A : vector<16xi32>
      %broadcast_in_dim3A_414 = vector.broadcast %reduce_sum3A_412 : f32 to vector<16xf32>
      %select_n3A = arith.select %eq3A_413, %broadcast_in_dim3A_414, %scan3A_396 : vector<16xi1>, vector<16xf32>
      %eq3A_415 = arith.constant 7 : i32
      %eq3A_416 = arith.cmpi eq, %add3A_398, %eq3A_415 : i32
      %convert_element_type3A = arith.extui %eq3A_416 : i1 to i32
      %cond3A = arith.constant 0 : i32
      %cond3A_417 = arith.cmpi ne, %convert_element_type3A, %cond3A : i32
      scf.if %cond3A_417 {
        %swap3A = arith.constant 0 : index
        %swap3A_418 = tpu.vector_load %arg15[%swap3A] {strides = array<i32>} : memref<16xf32, #tpu.memory_space<vmem>>, vector<16xf32>,
        tpu.vector_store %arg15[%swap3A], %select_n3A {strides = array<i32>} : memref<16xf32, #tpu.memory_space<vmem>>, vector<16xf32>,
      } else {
      }
      scf.yield %select_n3A : vector<16xf32>
    }
    %scan3A_179 = arith.constant 2 : i32
    %dma_wait3A_180 = arith.constant 0 : i32
    %dma_wait3A_181 = tpu.memref_slice %arg4[%add3A_157, %dma_wait3A_180] : memref<1024x4096xf32, #tpu.memory_space<hbm>> -> memref<2x4096xf32, #tpu.memory_space<hbm>>
    %dma_wait3A_182 = arith.constant 0 : i32
    %dma_wait3A_183 = tpu.memref_slice %arg4[%add3A_157, %dma_wait3A_182] : memref<1024x4096xf32, #tpu.memory_space<hbm>> -> memref<2x4096xf32, #tpu.memory_space<hbm>>
    tpu.wait_dma2 semaphore(%arg17 : memref<!tpu.dma_semaphore, #tpu.memory_space<semaphore_mem>>) src(%dma_wait3A_183 : memref<2x4096xf32, #tpu.memory_space<hbm>>) dst(%arg12 : memref<2x4096xf32, #tpu.memory_space<vmem>>)
    %dma_wait3A_184 = arith.constant 0 : i32
    %dma_wait3A_185 = tpu.memref_slice %arg5[%add3A_157, %dma_wait3A_184] : memref<1024x4096xf32, #tpu.memory_space<hbm>> -> memref<2x4096xf32, #tpu.memory_space<hbm>>
    %dma_wait3A_186 = arith.constant 0 : i32
    %dma_wait3A_187 = tpu.memref_slice %arg5[%add3A_157, %dma_wait3A_186] : memref<1024x4096xf32, #tpu.memory_space<hbm>> -> memref<2x4096xf32, #tpu.memory_space<hbm>>
    tpu.wait_dma2 semaphore(%arg19 : memref<!tpu.dma_semaphore, #tpu.memory_space<semaphore_mem>>) src(%dma_wait3A_187 : memref<2x4096xf32, #tpu.memory_space<hbm>>) dst(%arg14 : memref<2x4096xf32, #tpu.memory_space<vmem>>)
    %scan3A_188 = arith.constant 0 : i32
    %scan3A_189 = arith.constant 2 : i32
    %scan3A_190 = arith.addi %scan3A_188, %scan3A_189 : i32
    %scan3A_191 = arith.constant 1 : i32
    %scan3A_192 = scf.for %scan3A_395 = %scan3A_188 to %scan3A_190 step %scan3A_191 iter_args(%scan3A_396 = %scan3A_178) -> (vector<16xf32>)  : i32 {
      %add3A_397 = arith.constant 6 : i32
      %add3A_398 = arith.addi %add3A_397, %scan3A_395 : i32
      %broadcast_in_dim3A_399 = arith.constant 0.000000e+00 : f32
      %broadcast_in_dim3A_400 = vector.broadcast %broadcast_in_dim3A_399 : f32 to vector<16xf32>
      %scan3A_401 = arith.constant 0 : i32
      %scan3A_402 = arith.constant 64 : i32
      %scan3A_403 = arith.addi %scan3A_401, %scan3A_402 : i32
      %scan3A_404 = arith.constant 1 : i32
      %scan3A_405:4 = scf.for %scan3A_418 = %scan3A_401 to %scan3A_403 step %scan3A_404 iter_args(%scan3A_419 = %broadcast_in_dim3A_400, %scan3A_420 = %broadcast_in_dim3A_400, %scan3A_421 = %broadcast_in_dim3A_400, %scan3A_422 = %broadcast_in_dim3A_400) -> (vector<16xf32>, vector<16xf32>, vector<16xf32>, vector<16xf32>)  : i32 {
        %mul3A_423 = arith.constant 64 : i32
        %mul3A_424 = arith.muli %scan3A_418, %mul3A_423 : i32
        %get3A = arith.index_cast %scan3A_395 : i32 to index
        %get3A_425 = arith.index_cast %mul3A_424 : i32 to index
        %get3A_426 = tpu.vector_load %arg14[%get3A, %get3A_425] {strides = array<i32>} : memref<2x4096xf32, #tpu.memory_space<vmem>>, vector<16xf32>,
        %get3A_427 = arith.index_cast %scan3A_395 : i32 to index
        %get3A_428 = arith.index_cast %mul3A_424 : i32 to index
        %get3A_429 = tpu.vector_load %arg12[%get3A_427, %get3A_428] {strides = array<i32>} : memref<2x4096xf32, #tpu.memory_space<vmem>>, vector<16xf32>,
        %sub3A_430 = arith.subf %get3A_426, %get3A_429 : vector<16xf32>
        %add3A_431 = arith.constant 16 : i32
        %add3A_432 = arith.addi %mul3A_424, %add3A_431 : i32
        %get3A_433 = arith.index_cast %scan3A_395 : i32 to index
        %get3A_434 = arith.index_cast %add3A_432 : i32 to index
        %get3A_435 = tpu.vector_load %arg14[%get3A_433, %get3A_434] {strides = array<i32>} : memref<2x4096xf32, #tpu.memory_space<vmem>>, vector<16xf32>,
        %add3A_436 = arith.constant 16 : i32
        %add3A_437 = arith.addi %mul3A_424, %add3A_436 : i32
        %get3A_438 = arith.index_cast %scan3A_395 : i32 to index
        %get3A_439 = arith.index_cast %add3A_437 : i32 to index
        %get3A_440 = tpu.vector_load %arg12[%get3A_438, %get3A_439] {strides = array<i32>} : memref<2x4096xf32, #tpu.memory_space<vmem>>, vector<16xf32>,
        %sub3A_441 = arith.subf %get3A_435, %get3A_440 : vector<16xf32>
        %add3A_442 = arith.constant 32 : i32
        %add3A_443 = arith.addi %mul3A_424, %add3A_442 : i32
        %get3A_444 = arith.index_cast %scan3A_395 : i32 to index
        %get3A_445 = arith.index_cast %add3A_443 : i32 to index
        %get3A_446 = tpu.vector_load %arg14[%get3A_444, %get3A_445] {strides = array<i32>} : memref<2x4096xf32, #tpu.memory_space<vmem>>, vector<16xf32>,
        %add3A_447 = arith.constant 32 : i32
        %add3A_448 = arith.addi %mul3A_424, %add3A_447 : i32
        %get3A_449 = arith.index_cast %scan3A_395 : i32 to index
        %get3A_450 = arith.index_cast %add3A_448 : i32 to index
        %get3A_451 = tpu.vector_load %arg12[%get3A_449, %get3A_450] {strides = array<i32>} : memref<2x4096xf32, #tpu.memory_space<vmem>>, vector<16xf32>,
        %sub3A_452 = arith.subf %get3A_446, %get3A_451 : vector<16xf32>
        %add3A_453 = arith.constant 48 : i32
        %add3A_454 = arith.addi %mul3A_424, %add3A_453 : i32
        %get3A_455 = arith.index_cast %scan3A_395 : i32 to index
        %get3A_456 = arith.index_cast %add3A_454 : i32 to index
        %get3A_457 = tpu.vector_load %arg14[%get3A_455, %get3A_456] {strides = array<i32>} : memref<2x4096xf32, #tpu.memory_space<vmem>>, vector<16xf32>,
        %add3A_458 = arith.constant 48 : i32
        %add3A_459 = arith.addi %mul3A_424, %add3A_458 : i32
        %get3A_460 = arith.index_cast %scan3A_395 : i32 to index
        %get3A_461 = arith.index_cast %add3A_459 : i32 to index
        %get3A_462 = tpu.vector_load %arg12[%get3A_460, %get3A_461] {strides = array<i32>} : memref<2x4096xf32, #tpu.memory_space<vmem>>, vector<16xf32>,
        %sub3A_463 = arith.subf %get3A_457, %get3A_462 : vector<16xf32>
        %mul3A_464 = arith.mulf %sub3A_430, %sub3A_430 : vector<16xf32>
        %add3A_465 = arith.addf %scan3A_419, %mul3A_464 : vector<16xf32>
        %mul3A_466 = arith.mulf %sub3A_441, %sub3A_441 : vector<16xf32>
        %add3A_467 = arith.addf %scan3A_420, %mul3A_466 : vector<16xf32>
        %mul3A_468 = arith.mulf %sub3A_452, %sub3A_452 : vector<16xf32>
        %add3A_469 = arith.addf %scan3A_421, %mul3A_468 : vector<16xf32>
        %mul3A_470 = arith.mulf %sub3A_463, %sub3A_463 : vector<16xf32>
        %add3A_471 = arith.addf %scan3A_422, %mul3A_470 : vector<16xf32>
        scf.yield %add3A_465, %add3A_467, %add3A_469, %add3A_471 : vector<16xf32>, vector<16xf32>, vector<16xf32>, vector<16xf32>
      }
      %scan3A_406 = arith.constant 64 : i32
      %add3A_407 = arith.addf %scan3A_405#0, %scan3A_405#1 : vector<16xf32>
      %add3A_408 = arith.addf %scan3A_405#2, %scan3A_405#3 : vector<16xf32>
      %add3A_409 = arith.addf %add3A_407, %add3A_408 : vector<16xf32>
      %reduce_sum3A = arith.constant true
      %reduce_sum3A_410 = vector.broadcast %reduce_sum3A : i1 to vector<16xi1>
      %reduce_sum3A_411 = tpu.scan <sum>, %add3A_409 masked %reduce_sum3A_410 : vector<16xf32>, vector<16xi1> -> vector<16xf32>
      %reduce_sum3A_412 = vector.extract %reduce_sum3A_411[15] : f32 from vector<16xf32>
      %eq3A = vector.broadcast %add3A_398 : i32 to vector<16xi32>
      %eq3A_413 = arith.cmpi eq, %iota3A, %eq3A : vector<16xi32>
      %broadcast_in_dim3A_414 = vector.broadcast %reduce_sum3A_412 : f32 to vector<16xf32>
      %select_n3A = arith.select %eq3A_413, %broadcast_in_dim3A_414, %scan3A_396 : vector<16xi1>, vector<16xf32>
      %eq3A_415 = arith.constant 7 : i32
      %eq3A_416 = arith.cmpi eq, %add3A_398, %eq3A_415 : i32
      %convert_element_type3A = arith.extui %eq3A_416 : i1 to i32
      %cond3A = arith.constant 0 : i32
      %cond3A_417 = arith.cmpi ne, %convert_element_type3A, %cond3A : i32
      scf.if %cond3A_417 {
        %swap3A = arith.constant 0 : index
        %swap3A_418 = tpu.vector_load %arg15[%swap3A] {strides = array<i32>} : memref<16xf32, #tpu.memory_space<vmem>>, vector<16xf32>,
        tpu.vector_store %arg15[%swap3A], %select_n3A {strides = array<i32>} : memref<16xf32, #tpu.memory_space<vmem>>, vector<16xf32>,
      } else {
      }
      scf.yield %select_n3A : vector<16xf32>
    }
    %scan3A_193 = arith.constant 2 : i32
    %sub3A_194 = arith.constant 768 : i32
    %sub3A_195 = arith.subi %add3A_4, %sub3A_194 : i32
    %run_scoped3A_196 = arith.constant 1 : i32
    "tpu.region"() ({
      %run_scoped3A_395 = tpu.sem_alloc : memref<!tpu.dma_semaphore, #tpu.memory_space<semaphore_mem>>
      %dma_start3A_396 = arith.constant 0 : i32
      %dma_start3A_397 = tpu.memref_slice %arg15[%dma_start3A_396] : memref<16xf32, #tpu.memory_space<vmem>> -> memref<8xf32, #tpu.memory_space<vmem>>
      %dma_start3A_398 = tpu.memref_slice %arg10[%run_scoped3A_196, %sub3A_195] : memref<4x256xf32, #tpu.memory_space<hbm>> -> memref<1x8xf32, #tpu.memory_space<hbm>>
      %dma_start3A_399 = tpu.memref_squeeze %dma_start3A_398 : memref<1x8xf32, #tpu.memory_space<hbm>> -> memref<8xf32, #tpu.memory_space<hbm>>
      %dma_start3A_400 = tpu.memref_slice %arg10[%run_scoped3A_196, %sub3A_195] : memref<4x256xf32, #tpu.memory_space<hbm>> -> memref<1x8xf32, #tpu.memory_space<hbm>>
      %dma_start3A_401 = tpu.memref_squeeze %dma_start3A_400 : memref<1x8xf32, #tpu.memory_space<hbm>> -> memref<8xf32, #tpu.memory_space<hbm>>
      %dma_start3A_402 = arith.constant 0 : i32
      %dma_start3A_403 = tpu.memref_slice %arg15[%dma_start3A_402] : memref<16xf32, #tpu.memory_space<vmem>> -> memref<8xf32, #tpu.memory_space<vmem>>
      tpu.enqueue_dma source(%dma_start3A_403 : memref<8xf32, #tpu.memory_space<vmem>>) target(%dma_start3A_401 : memref<8xf32, #tpu.memory_space<hbm>>) target_semaphore(%run_scoped3A_395 : memref<!tpu.dma_semaphore, #tpu.memory_space<semaphore_mem>>)
      %dma_wait3A_404 = arith.constant 0 : i32
      %dma_wait3A_405 = tpu.memref_slice %arg15[%dma_wait3A_404] : memref<16xf32, #tpu.memory_space<vmem>> -> memref<8xf32, #tpu.memory_space<vmem>>
      %dma_wait3A_406 = tpu.memref_slice %arg10[%run_scoped3A_196, %sub3A_195] : memref<4x256xf32, #tpu.memory_space<hbm>> -> memref<1x8xf32, #tpu.memory_space<hbm>>
      %dma_wait3A_407 = tpu.memref_squeeze %dma_wait3A_406 : memref<1x8xf32, #tpu.memory_space<hbm>> -> memref<8xf32, #tpu.memory_space<hbm>>
      %dma_wait3A_408 = tpu.memref_slice %arg10[%run_scoped3A_196, %sub3A_195] : memref<4x256xf32, #tpu.memory_space<hbm>> -> memref<1x8xf32, #tpu.memory_space<hbm>>
      %dma_wait3A_409 = tpu.memref_squeeze %dma_wait3A_408 : memref<1x8xf32, #tpu.memory_space<hbm>> -> memref<8xf32, #tpu.memory_space<hbm>>
      %dma_wait3A_410 = arith.constant 0 : i32
      %dma_wait3A_411 = tpu.memref_slice %arg15[%dma_wait3A_410] : memref<16xf32, #tpu.memory_space<vmem>> -> memref<8xf32, #tpu.memory_space<vmem>>
      tpu.wait_dma2 semaphore(%run_scoped3A_395 : memref<!tpu.dma_semaphore, #tpu.memory_space<semaphore_mem>>) src(%dma_wait3A_411 : memref<8xf32, #tpu.memory_space<vmem>>) dst(%dma_wait3A_409 : memref<8xf32, #tpu.memory_space<hbm>>)
      tpu.yield
    }) : () -> ()
    %dma_start3A_197 = arith.constant 0 : i32
    %dma_start3A_198 = tpu.memref_slice %arg6[%add3A_4, %dma_start3A_197] : memref<1024x4096xf32, #tpu.memory_space<hbm>> -> memref<2x4096xf32, #tpu.memory_space<hbm>>
    %dma_start3A_199 = arith.constant 0 : i32
    %dma_start3A_200 = tpu.memref_slice %arg6[%add3A_4, %dma_start3A_199] : memref<1024x4096xf32, #tpu.memory_space<hbm>> -> memref<2x4096xf32, #tpu.memory_space<hbm>>
    tpu.enqueue_dma source(%dma_start3A_200 : memref<2x4096xf32, #tpu.memory_space<hbm>>) target(%arg11 : memref<2x4096xf32, #tpu.memory_space<vmem>>) target_semaphore(%arg16 : memref<!tpu.dma_semaphore, #tpu.memory_space<semaphore_mem>>)
    %dma_start3A_201 = arith.constant 0 : i32
    %dma_start3A_202 = tpu.memref_slice %arg7[%add3A_4, %dma_start3A_201] : memref<1024x4096xf32, #tpu.memory_space<hbm>> -> memref<2x4096xf32, #tpu.memory_space<hbm>>
    %dma_start3A_203 = arith.constant 0 : i32
    %dma_start3A_204 = tpu.memref_slice %arg7[%add3A_4, %dma_start3A_203] : memref<1024x4096xf32, #tpu.memory_space<hbm>> -> memref<2x4096xf32, #tpu.memory_space<hbm>>
    tpu.enqueue_dma source(%dma_start3A_204 : memref<2x4096xf32, #tpu.memory_space<hbm>>) target(%arg13 : memref<2x4096xf32, #tpu.memory_space<vmem>>) target_semaphore(%arg18 : memref<!tpu.dma_semaphore, #tpu.memory_space<semaphore_mem>>)
    %broadcast_in_dim3A_205 = arith.constant 0.000000e+00 : f32
    %broadcast_in_dim3A_206 = vector.broadcast %broadcast_in_dim3A_205 : f32 to vector<16xf32>
    %add3A_207 = arith.constant 2 : i32
    %add3A_208 = arith.addi %add3A_4, %add3A_207 : i32
    %dma_start3A_209 = arith.constant 0 : i32
    %dma_start3A_210 = tpu.memref_slice %arg6[%add3A_208, %dma_start3A_209] : memref<1024x4096xf32, #tpu.memory_space<hbm>> -> memref<2x4096xf32, #tpu.memory_space<hbm>>
    %dma_start3A_211 = arith.constant 0 : i32
    %dma_start3A_212 = tpu.memref_slice %arg6[%add3A_208, %dma_start3A_211] : memref<1024x4096xf32, #tpu.memory_space<hbm>> -> memref<2x4096xf32, #tpu.memory_space<hbm>>
    tpu.enqueue_dma source(%dma_start3A_212 : memref<2x4096xf32, #tpu.memory_space<hbm>>) target(%arg12 : memref<2x4096xf32, #tpu.memory_space<vmem>>) target_semaphore(%arg17 : memref<!tpu.dma_semaphore, #tpu.memory_space<semaphore_mem>>)
    %dma_start3A_213 = arith.constant 0 : i32
    %dma_start3A_214 = tpu.memref_slice %arg7[%add3A_208, %dma_start3A_213] : memref<1024x4096xf32, #tpu.memory_space<hbm>> -> memref<2x4096xf32, #tpu.memory_space<hbm>>
    %dma_start3A_215 = arith.constant 0 : i32
    %dma_start3A_216 = tpu.memref_slice %arg7[%add3A_208, %dma_start3A_215] : memref<1024x4096xf32, #tpu.memory_space<hbm>> -> memref<2x4096xf32, #tpu.memory_space<hbm>>
    tpu.enqueue_dma source(%dma_start3A_216 : memref<2x4096xf32, #tpu.memory_space<hbm>>) target(%arg14 : memref<2x4096xf32, #tpu.memory_space<vmem>>) target_semaphore(%arg19 : memref<!tpu.dma_semaphore, #tpu.memory_space<semaphore_mem>>)
    %dma_wait3A_217 = arith.constant 0 : i32
    %dma_wait3A_218 = tpu.memref_slice %arg6[%add3A_4, %dma_wait3A_217] : memref<1024x4096xf32, #tpu.memory_space<hbm>> -> memref<2x4096xf32, #tpu.memory_space<hbm>>
    %dma_wait3A_219 = arith.constant 0 : i32
    %dma_wait3A_220 = tpu.memref_slice %arg6[%add3A_4, %dma_wait3A_219] : memref<1024x4096xf32, #tpu.memory_space<hbm>> -> memref<2x4096xf32, #tpu.memory_space<hbm>>
    tpu.wait_dma2 semaphore(%arg16 : memref<!tpu.dma_semaphore, #tpu.memory_space<semaphore_mem>>) src(%dma_wait3A_220 : memref<2x4096xf32, #tpu.memory_space<hbm>>) dst(%arg11 : memref<2x4096xf32, #tpu.memory_space<vmem>>)
    %dma_wait3A_221 = arith.constant 0 : i32
    %dma_wait3A_222 = tpu.memref_slice %arg7[%add3A_4, %dma_wait3A_221] : memref<1024x4096xf32, #tpu.memory_space<hbm>> -> memref<2x4096xf32, #tpu.memory_space<hbm>>
    %dma_wait3A_223 = arith.constant 0 : i32
    %dma_wait3A_224 = tpu.memref_slice %arg7[%add3A_4, %dma_wait3A_223] : memref<1024x4096xf32, #tpu.memory_space<hbm>> -> memref<2x4096xf32, #tpu.memory_space<hbm>>
    tpu.wait_dma2 semaphore(%arg18 : memref<!tpu.dma_semaphore, #tpu.memory_space<semaphore_mem>>) src(%dma_wait3A_224 : memref<2x4096xf32, #tpu.memory_space<hbm>>) dst(%arg13 : memref<2x4096xf32, #tpu.memory_space<vmem>>)
    %scan3A_225 = arith.constant 0 : i32
    %scan3A_226 = arith.constant 2 : i32
    %scan3A_227 = arith.addi %scan3A_225, %scan3A_226 : i32
    %scan3A_228 = arith.constant 1 : i32
    %scan3A_229 = scf.for %scan3A_395 = %scan3A_225 to %scan3A_227 step %scan3A_228 iter_args(%scan3A_396 = %broadcast_in_dim3A_206) -> (vector<16xf32>)  : i32 {
      %add3A_397 = arith.constant 0 : i32
      %add3A_398 = arith.addi %add3A_397, %scan3A_395 : i32
      %broadcast_in_dim3A_399 = arith.constant 0.000000e+00 : f32
      %broadcast_in_dim3A_400 = vector.broadcast %broadcast_in_dim3A_399 : f32 to vector<16xf32>
      %scan3A_401 = arith.constant 0 : i32
      %scan3A_402 = arith.constant 64 : i32
      %scan3A_403 = arith.addi %scan3A_401, %scan3A_402 : i32
      %scan3A_404 = arith.constant 1 : i32
      %scan3A_405:4 = scf.for %scan3A_418 = %scan3A_401 to %scan3A_403 step %scan3A_404 iter_args(%scan3A_419 = %broadcast_in_dim3A_400, %scan3A_420 = %broadcast_in_dim3A_400, %scan3A_421 = %broadcast_in_dim3A_400, %scan3A_422 = %broadcast_in_dim3A_400) -> (vector<16xf32>, vector<16xf32>, vector<16xf32>, vector<16xf32>)  : i32 {
        %mul3A_423 = arith.constant 64 : i32
        %mul3A_424 = arith.muli %scan3A_418, %mul3A_423 : i32
        %get3A = arith.index_cast %scan3A_395 : i32 to index
        %get3A_425 = arith.index_cast %mul3A_424 : i32 to index
        %get3A_426 = tpu.vector_load %arg13[%get3A, %get3A_425] {strides = array<i32>} : memref<2x4096xf32, #tpu.memory_space<vmem>>, vector<16xf32>,
        %get3A_427 = arith.index_cast %scan3A_395 : i32 to index
        %get3A_428 = arith.index_cast %mul3A_424 : i32 to index
        %get3A_429 = tpu.vector_load %arg11[%get3A_427, %get3A_428] {strides = array<i32>} : memref<2x4096xf32, #tpu.memory_space<vmem>>, vector<16xf32>,
        %sub3A_430 = arith.subf %get3A_426, %get3A_429 : vector<16xf32>
        %add3A_431 = arith.constant 16 : i32
        %add3A_432 = arith.addi %mul3A_424, %add3A_431 : i32
        %get3A_433 = arith.index_cast %scan3A_395 : i32 to index
        %get3A_434 = arith.index_cast %add3A_432 : i32 to index
        %get3A_435 = tpu.vector_load %arg13[%get3A_433, %get3A_434] {strides = array<i32>} : memref<2x4096xf32, #tpu.memory_space<vmem>>, vector<16xf32>,
        %add3A_436 = arith.constant 16 : i32
        %add3A_437 = arith.addi %mul3A_424, %add3A_436 : i32
        %get3A_438 = arith.index_cast %scan3A_395 : i32 to index
        %get3A_439 = arith.index_cast %add3A_437 : i32 to index
        %get3A_440 = tpu.vector_load %arg11[%get3A_438, %get3A_439] {strides = array<i32>} : memref<2x4096xf32, #tpu.memory_space<vmem>>, vector<16xf32>,
        %sub3A_441 = arith.subf %get3A_435, %get3A_440 : vector<16xf32>
        %add3A_442 = arith.constant 32 : i32
        %add3A_443 = arith.addi %mul3A_424, %add3A_442 : i32
        %get3A_444 = arith.index_cast %scan3A_395 : i32 to index
        %get3A_445 = arith.index_cast %add3A_443 : i32 to index
        %get3A_446 = tpu.vector_load %arg13[%get3A_444, %get3A_445] {strides = array<i32>} : memref<2x4096xf32, #tpu.memory_space<vmem>>, vector<16xf32>,
        %add3A_447 = arith.constant 32 : i32
        %add3A_448 = arith.addi %mul3A_424, %add3A_447 : i32
        %get3A_449 = arith.index_cast %scan3A_395 : i32 to index
        %get3A_450 = arith.index_cast %add3A_448 : i32 to index
        %get3A_451 = tpu.vector_load %arg11[%get3A_449, %get3A_450] {strides = array<i32>} : memref<2x4096xf32, #tpu.memory_space<vmem>>, vector<16xf32>,
        %sub3A_452 = arith.subf %get3A_446, %get3A_451 : vector<16xf32>
        %add3A_453 = arith.constant 48 : i32
        %add3A_454 = arith.addi %mul3A_424, %add3A_453 : i32
        %get3A_455 = arith.index_cast %scan3A_395 : i32 to index
        %get3A_456 = arith.index_cast %add3A_454 : i32 to index
        %get3A_457 = tpu.vector_load %arg13[%get3A_455, %get3A_456] {strides = array<i32>} : memref<2x4096xf32, #tpu.memory_space<vmem>>, vector<16xf32>,
        %add3A_458 = arith.constant 48 : i32
        %add3A_459 = arith.addi %mul3A_424, %add3A_458 : i32
        %get3A_460 = arith.index_cast %scan3A_395 : i32 to index
        %get3A_461 = arith.index_cast %add3A_459 : i32 to index
        %get3A_462 = tpu.vector_load %arg11[%get3A_460, %get3A_461] {strides = array<i32>} : memref<2x4096xf32, #tpu.memory_space<vmem>>, vector<16xf32>,
        %sub3A_463 = arith.subf %get3A_457, %get3A_462 : vector<16xf32>
        %mul3A_464 = arith.mulf %sub3A_430, %sub3A_430 : vector<16xf32>
        %add3A_465 = arith.addf %scan3A_419, %mul3A_464 : vector<16xf32>
        %mul3A_466 = arith.mulf %sub3A_441, %sub3A_441 : vector<16xf32>
        %add3A_467 = arith.addf %scan3A_420, %mul3A_466 : vector<16xf32>
        %mul3A_468 = arith.mulf %sub3A_452, %sub3A_452 : vector<16xf32>
        %add3A_469 = arith.addf %scan3A_421, %mul3A_468 : vector<16xf32>
        %mul3A_470 = arith.mulf %sub3A_463, %sub3A_463 : vector<16xf32>
        %add3A_471 = arith.addf %scan3A_422, %mul3A_470 : vector<16xf32>
        scf.yield %add3A_465, %add3A_467, %add3A_469, %add3A_471 : vector<16xf32>, vector<16xf32>, vector<16xf32>, vector<16xf32>
      }
      %scan3A_406 = arith.constant 64 : i32
      %add3A_407 = arith.addf %scan3A_405#0, %scan3A_405#1 : vector<16xf32>
      %add3A_408 = arith.addf %scan3A_405#2, %scan3A_405#3 : vector<16xf32>
      %add3A_409 = arith.addf %add3A_407, %add3A_408 : vector<16xf32>
      %reduce_sum3A = arith.constant true
      %reduce_sum3A_410 = vector.broadcast %reduce_sum3A : i1 to vector<16xi1>
      %reduce_sum3A_411 = tpu.scan <sum>, %add3A_409 masked %reduce_sum3A_410 : vector<16xf32>, vector<16xi1> -> vector<16xf32>
      %reduce_sum3A_412 = vector.extract %reduce_sum3A_411[15] : f32 from vector<16xf32>
      %eq3A = vector.broadcast %add3A_398 : i32 to vector<16xi32>
      %eq3A_413 = arith.cmpi eq, %iota3A, %eq3A : vector<16xi32>
      %broadcast_in_dim3A_414 = vector.broadcast %reduce_sum3A_412 : f32 to vector<16xf32>
      %select_n3A = arith.select %eq3A_413, %broadcast_in_dim3A_414, %scan3A_396 : vector<16xi1>, vector<16xf32>
      %eq3A_415 = arith.constant 7 : i32
      %eq3A_416 = arith.cmpi eq, %add3A_398, %eq3A_415 : i32
      %convert_element_type3A = arith.extui %eq3A_416 : i1 to i32
      %cond3A = arith.constant 0 : i32
      %cond3A_417 = arith.cmpi ne, %convert_element_type3A, %cond3A : i32
      scf.if %cond3A_417 {
        %swap3A = arith.constant 0 : index
        %swap3A_418 = tpu.vector_load %arg15[%swap3A] {strides = array<i32>} : memref<16xf32, #tpu.memory_space<vmem>>, vector<16xf32>,
        tpu.vector_store %arg15[%swap3A], %select_n3A {strides = array<i32>} : memref<16xf32, #tpu.memory_space<vmem>>, vector<16xf32>,
      } else {
      }
      scf.yield %select_n3A : vector<16xf32>
    }
    %scan3A_230 = arith.constant 2 : i32
    %add3A_231 = arith.constant 4 : i32
    %add3A_232 = arith.addi %add3A_4, %add3A_231 : i32
    %dma_start3A_233 = arith.constant 0 : i32
    %dma_start3A_234 = tpu.memref_slice %arg6[%add3A_232, %dma_start3A_233] : memref<1024x4096xf32, #tpu.memory_space<hbm>> -> memref<2x4096xf32, #tpu.memory_space<hbm>>
    %dma_start3A_235 = arith.constant 0 : i32
    %dma_start3A_236 = tpu.memref_slice %arg6[%add3A_232, %dma_start3A_235] : memref<1024x4096xf32, #tpu.memory_space<hbm>> -> memref<2x4096xf32, #tpu.memory_space<hbm>>
    tpu.enqueue_dma source(%dma_start3A_236 : memref<2x4096xf32, #tpu.memory_space<hbm>>) target(%arg11 : memref<2x4096xf32, #tpu.memory_space<vmem>>) target_semaphore(%arg16 : memref<!tpu.dma_semaphore, #tpu.memory_space<semaphore_mem>>)
    %dma_start3A_237 = arith.constant 0 : i32
    %dma_start3A_238 = tpu.memref_slice %arg7[%add3A_232, %dma_start3A_237] : memref<1024x4096xf32, #tpu.memory_space<hbm>> -> memref<2x4096xf32, #tpu.memory_space<hbm>>
    %dma_start3A_239 = arith.constant 0 : i32
    %dma_start3A_240 = tpu.memref_slice %arg7[%add3A_232, %dma_start3A_239] : memref<1024x4096xf32, #tpu.memory_space<hbm>> -> memref<2x4096xf32, #tpu.memory_space<hbm>>
    tpu.enqueue_dma source(%dma_start3A_240 : memref<2x4096xf32, #tpu.memory_space<hbm>>) target(%arg13 : memref<2x4096xf32, #tpu.memory_space<vmem>>) target_semaphore(%arg18 : memref<!tpu.dma_semaphore, #tpu.memory_space<semaphore_mem>>)
    %dma_wait3A_241 = arith.constant 0 : i32
    %dma_wait3A_242 = tpu.memref_slice %arg6[%add3A_208, %dma_wait3A_241] : memref<1024x4096xf32, #tpu.memory_space<hbm>> -> memref<2x4096xf32, #tpu.memory_space<hbm>>
    %dma_wait3A_243 = arith.constant 0 : i32
    %dma_wait3A_244 = tpu.memref_slice %arg6[%add3A_208, %dma_wait3A_243] : memref<1024x4096xf32, #tpu.memory_space<hbm>> -> memref<2x4096xf32, #tpu.memory_space<hbm>>
    tpu.wait_dma2 semaphore(%arg17 : memref<!tpu.dma_semaphore, #tpu.memory_space<semaphore_mem>>) src(%dma_wait3A_244 : memref<2x4096xf32, #tpu.memory_space<hbm>>) dst(%arg12 : memref<2x4096xf32, #tpu.memory_space<vmem>>)
    %dma_wait3A_245 = arith.constant 0 : i32
    %dma_wait3A_246 = tpu.memref_slice %arg7[%add3A_208, %dma_wait3A_245] : memref<1024x4096xf32, #tpu.memory_space<hbm>> -> memref<2x4096xf32, #tpu.memory_space<hbm>>
    %dma_wait3A_247 = arith.constant 0 : i32
    %dma_wait3A_248 = tpu.memref_slice %arg7[%add3A_208, %dma_wait3A_247] : memref<1024x4096xf32, #tpu.memory_space<hbm>> -> memref<2x4096xf32, #tpu.memory_space<hbm>>
    tpu.wait_dma2 semaphore(%arg19 : memref<!tpu.dma_semaphore, #tpu.memory_space<semaphore_mem>>) src(%dma_wait3A_248 : memref<2x4096xf32, #tpu.memory_space<hbm>>) dst(%arg14 : memref<2x4096xf32, #tpu.memory_space<vmem>>)
    %scan3A_249 = arith.constant 0 : i32
    %scan3A_250 = arith.constant 2 : i32
    %scan3A_251 = arith.addi %scan3A_249, %scan3A_250 : i32
    %scan3A_252 = arith.constant 1 : i32
    %scan3A_253 = scf.for %scan3A_395 = %scan3A_249 to %scan3A_251 step %scan3A_252 iter_args(%scan3A_396 = %scan3A_229) -> (vector<16xf32>)  : i32 {
      %add3A_397 = arith.constant 2 : i32
      %add3A_398 = arith.addi %add3A_397, %scan3A_395 : i32
      %broadcast_in_dim3A_399 = arith.constant 0.000000e+00 : f32
      %broadcast_in_dim3A_400 = vector.broadcast %broadcast_in_dim3A_399 : f32 to vector<16xf32>
      %scan3A_401 = arith.constant 0 : i32
      %scan3A_402 = arith.constant 64 : i32
      %scan3A_403 = arith.addi %scan3A_401, %scan3A_402 : i32
      %scan3A_404 = arith.constant 1 : i32
      %scan3A_405:4 = scf.for %scan3A_418 = %scan3A_401 to %scan3A_403 step %scan3A_404 iter_args(%scan3A_419 = %broadcast_in_dim3A_400, %scan3A_420 = %broadcast_in_dim3A_400, %scan3A_421 = %broadcast_in_dim3A_400, %scan3A_422 = %broadcast_in_dim3A_400) -> (vector<16xf32>, vector<16xf32>, vector<16xf32>, vector<16xf32>)  : i32 {
        %mul3A_423 = arith.constant 64 : i32
        %mul3A_424 = arith.muli %scan3A_418, %mul3A_423 : i32
        %get3A = arith.index_cast %scan3A_395 : i32 to index
        %get3A_425 = arith.index_cast %mul3A_424 : i32 to index
        %get3A_426 = tpu.vector_load %arg14[%get3A, %get3A_425] {strides = array<i32>} : memref<2x4096xf32, #tpu.memory_space<vmem>>, vector<16xf32>,
        %get3A_427 = arith.index_cast %scan3A_395 : i32 to index
        %get3A_428 = arith.index_cast %mul3A_424 : i32 to index
        %get3A_429 = tpu.vector_load %arg12[%get3A_427, %get3A_428] {strides = array<i32>} : memref<2x4096xf32, #tpu.memory_space<vmem>>, vector<16xf32>,
        %sub3A_430 = arith.subf %get3A_426, %get3A_429 : vector<16xf32>
        %add3A_431 = arith.constant 16 : i32
        %add3A_432 = arith.addi %mul3A_424, %add3A_431 : i32
        %get3A_433 = arith.index_cast %scan3A_395 : i32 to index
        %get3A_434 = arith.index_cast %add3A_432 : i32 to index
        %get3A_435 = tpu.vector_load %arg14[%get3A_433, %get3A_434] {strides = array<i32>} : memref<2x4096xf32, #tpu.memory_space<vmem>>, vector<16xf32>,
        %add3A_436 = arith.constant 16 : i32
        %add3A_437 = arith.addi %mul3A_424, %add3A_436 : i32
        %get3A_438 = arith.index_cast %scan3A_395 : i32 to index
        %get3A_439 = arith.index_cast %add3A_437 : i32 to index
        %get3A_440 = tpu.vector_load %arg12[%get3A_438, %get3A_439] {strides = array<i32>} : memref<2x4096xf32, #tpu.memory_space<vmem>>, vector<16xf32>,
        %sub3A_441 = arith.subf %get3A_435, %get3A_440 : vector<16xf32>
        %add3A_442 = arith.constant 32 : i32
        %add3A_443 = arith.addi %mul3A_424, %add3A_442 : i32
        %get3A_444 = arith.index_cast %scan3A_395 : i32 to index
        %get3A_445 = arith.index_cast %add3A_443 : i32 to index
        %get3A_446 = tpu.vector_load %arg14[%get3A_444, %get3A_445] {strides = array<i32>} : memref<2x4096xf32, #tpu.memory_space<vmem>>, vector<16xf32>,
        %add3A_447 = arith.constant 32 : i32
        %add3A_448 = arith.addi %mul3A_424, %add3A_447 : i32
        %get3A_449 = arith.index_cast %scan3A_395 : i32 to index
        %get3A_450 = arith.index_cast %add3A_448 : i32 to index
        %get3A_451 = tpu.vector_load %arg12[%get3A_449, %get3A_450] {strides = array<i32>} : memref<2x4096xf32, #tpu.memory_space<vmem>>, vector<16xf32>,
        %sub3A_452 = arith.subf %get3A_446, %get3A_451 : vector<16xf32>
        %add3A_453 = arith.constant 48 : i32
        %add3A_454 = arith.addi %mul3A_424, %add3A_453 : i32
        %get3A_455 = arith.index_cast %scan3A_395 : i32 to index
        %get3A_456 = arith.index_cast %add3A_454 : i32 to index
        %get3A_457 = tpu.vector_load %arg14[%get3A_455, %get3A_456] {strides = array<i32>} : memref<2x4096xf32, #tpu.memory_space<vmem>>, vector<16xf32>,
        %add3A_458 = arith.constant 48 : i32
        %add3A_459 = arith.addi %mul3A_424, %add3A_458 : i32
        %get3A_460 = arith.index_cast %scan3A_395 : i32 to index
        %get3A_461 = arith.index_cast %add3A_459 : i32 to index
        %get3A_462 = tpu.vector_load %arg12[%get3A_460, %get3A_461] {strides = array<i32>} : memref<2x4096xf32, #tpu.memory_space<vmem>>, vector<16xf32>,
        %sub3A_463 = arith.subf %get3A_457, %get3A_462 : vector<16xf32>
        %mul3A_464 = arith.mulf %sub3A_430, %sub3A_430 : vector<16xf32>
        %add3A_465 = arith.addf %scan3A_419, %mul3A_464 : vector<16xf32>
        %mul3A_466 = arith.mulf %sub3A_441, %sub3A_441 : vector<16xf32>
        %add3A_467 = arith.addf %scan3A_420, %mul3A_466 : vector<16xf32>
        %mul3A_468 = arith.mulf %sub3A_452, %sub3A_452 : vector<16xf32>
        %add3A_469 = arith.addf %scan3A_421, %mul3A_468 : vector<16xf32>
        %mul3A_470 = arith.mulf %sub3A_463, %sub3A_463 : vector<16xf32>
        %add3A_471 = arith.addf %scan3A_422, %mul3A_470 : vector<16xf32>
        scf.yield %add3A_465, %add3A_467, %add3A_469, %add3A_471 : vector<16xf32>, vector<16xf32>, vector<16xf32>, vector<16xf32>
      }
      %scan3A_406 = arith.constant 64 : i32
      %add3A_407 = arith.addf %scan3A_405#0, %scan3A_405#1 : vector<16xf32>
      %add3A_408 = arith.addf %scan3A_405#2, %scan3A_405#3 : vector<16xf32>
      %add3A_409 = arith.addf %add3A_407, %add3A_408 : vector<16xf32>
      %reduce_sum3A = arith.constant true
      %reduce_sum3A_410 = vector.broadcast %reduce_sum3A : i1 to vector<16xi1>
      %reduce_sum3A_411 = tpu.scan <sum>, %add3A_409 masked %reduce_sum3A_410 : vector<16xf32>, vector<16xi1> -> vector<16xf32>
      %reduce_sum3A_412 = vector.extract %reduce_sum3A_411[15] : f32 from vector<16xf32>
      %eq3A = vector.broadcast %add3A_398 : i32 to vector<16xi32>
      %eq3A_413 = arith.cmpi eq, %iota3A, %eq3A : vector<16xi32>
      %broadcast_in_dim3A_414 = vector.broadcast %reduce_sum3A_412 : f32 to vector<16xf32>
      %select_n3A = arith.select %eq3A_413, %broadcast_in_dim3A_414, %scan3A_396 : vector<16xi1>, vector<16xf32>
      %eq3A_415 = arith.constant 7 : i32
      %eq3A_416 = arith.cmpi eq, %add3A_398, %eq3A_415 : i32
      %convert_element_type3A = arith.extui %eq3A_416 : i1 to i32
      %cond3A = arith.constant 0 : i32
      %cond3A_417 = arith.cmpi ne, %convert_element_type3A, %cond3A : i32
      scf.if %cond3A_417 {
        %swap3A = arith.constant 0 : index
        %swap3A_418 = tpu.vector_load %arg15[%swap3A] {strides = array<i32>} : memref<16xf32, #tpu.memory_space<vmem>>, vector<16xf32>,
        tpu.vector_store %arg15[%swap3A], %select_n3A {strides = array<i32>} : memref<16xf32, #tpu.memory_space<vmem>>, vector<16xf32>,
      } else {
      }
      scf.yield %select_n3A : vector<16xf32>
    }
    %scan3A_254 = arith.constant 2 : i32
    %add3A_255 = arith.constant 6 : i32
    %add3A_256 = arith.addi %add3A_4, %add3A_255 : i32
    %dma_start3A_257 = arith.constant 0 : i32
    %dma_start3A_258 = tpu.memref_slice %arg6[%add3A_256, %dma_start3A_257] : memref<1024x4096xf32, #tpu.memory_space<hbm>> -> memref<2x4096xf32, #tpu.memory_space<hbm>>
    %dma_start3A_259 = arith.constant 0 : i32
    %dma_start3A_260 = tpu.memref_slice %arg6[%add3A_256, %dma_start3A_259] : memref<1024x4096xf32, #tpu.memory_space<hbm>> -> memref<2x4096xf32, #tpu.memory_space<hbm>>
    tpu.enqueue_dma source(%dma_start3A_260 : memref<2x4096xf32, #tpu.memory_space<hbm>>) target(%arg12 : memref<2x4096xf32, #tpu.memory_space<vmem>>) target_semaphore(%arg17 : memref<!tpu.dma_semaphore, #tpu.memory_space<semaphore_mem>>)
    %dma_start3A_261 = arith.constant 0 : i32
    %dma_start3A_262 = tpu.memref_slice %arg7[%add3A_256, %dma_start3A_261] : memref<1024x4096xf32, #tpu.memory_space<hbm>> -> memref<2x4096xf32, #tpu.memory_space<hbm>>
    %dma_start3A_263 = arith.constant 0 : i32
    %dma_start3A_264 = tpu.memref_slice %arg7[%add3A_256, %dma_start3A_263] : memref<1024x4096xf32, #tpu.memory_space<hbm>> -> memref<2x4096xf32, #tpu.memory_space<hbm>>
    tpu.enqueue_dma source(%dma_start3A_264 : memref<2x4096xf32, #tpu.memory_space<hbm>>) target(%arg14 : memref<2x4096xf32, #tpu.memory_space<vmem>>) target_semaphore(%arg19 : memref<!tpu.dma_semaphore, #tpu.memory_space<semaphore_mem>>)
    %dma_wait3A_265 = arith.constant 0 : i32
    %dma_wait3A_266 = tpu.memref_slice %arg6[%add3A_232, %dma_wait3A_265] : memref<1024x4096xf32, #tpu.memory_space<hbm>> -> memref<2x4096xf32, #tpu.memory_space<hbm>>
    %dma_wait3A_267 = arith.constant 0 : i32
    %dma_wait3A_268 = tpu.memref_slice %arg6[%add3A_232, %dma_wait3A_267] : memref<1024x4096xf32, #tpu.memory_space<hbm>> -> memref<2x4096xf32, #tpu.memory_space<hbm>>
    tpu.wait_dma2 semaphore(%arg16 : memref<!tpu.dma_semaphore, #tpu.memory_space<semaphore_mem>>) src(%dma_wait3A_268 : memref<2x4096xf32, #tpu.memory_space<hbm>>) dst(%arg11 : memref<2x4096xf32, #tpu.memory_space<vmem>>)
    %dma_wait3A_269 = arith.constant 0 : i32
    %dma_wait3A_270 = tpu.memref_slice %arg7[%add3A_232, %dma_wait3A_269] : memref<1024x4096xf32, #tpu.memory_space<hbm>> -> memref<2x4096xf32, #tpu.memory_space<hbm>>
    %dma_wait3A_271 = arith.constant 0 : i32
    %dma_wait3A_272 = tpu.memref_slice %arg7[%add3A_232, %dma_wait3A_271] : memref<1024x4096xf32, #tpu.memory_space<hbm>> -> memref<2x4096xf32, #tpu.memory_space<hbm>>
    tpu.wait_dma2 semaphore(%arg18 : memref<!tpu.dma_semaphore, #tpu.memory_space<semaphore_mem>>) src(%dma_wait3A_272 : memref<2x4096xf32, #tpu.memory_space<hbm>>) dst(%arg13 : memref<2x4096xf32, #tpu.memory_space<vmem>>)
    %scan3A_273 = arith.constant 0 : i32
    %scan3A_274 = arith.constant 2 : i32
    %scan3A_275 = arith.addi %scan3A_273, %scan3A_274 : i32
    %scan3A_276 = arith.constant 1 : i32
    %scan3A_277 = scf.for %scan3A_395 = %scan3A_273 to %scan3A_275 step %scan3A_276 iter_args(%scan3A_396 = %scan3A_253) -> (vector<16xf32>)  : i32 {
      %add3A_397 = arith.constant 4 : i32
      %add3A_398 = arith.addi %add3A_397, %scan3A_395 : i32
      %broadcast_in_dim3A_399 = arith.constant 0.000000e+00 : f32
      %broadcast_in_dim3A_400 = vector.broadcast %broadcast_in_dim3A_399 : f32 to vector<16xf32>
      %scan3A_401 = arith.constant 0 : i32
      %scan3A_402 = arith.constant 64 : i32
      %scan3A_403 = arith.addi %scan3A_401, %scan3A_402 : i32
      %scan3A_404 = arith.constant 1 : i32
      %scan3A_405:4 = scf.for %scan3A_418 = %scan3A_401 to %scan3A_403 step %scan3A_404 iter_args(%scan3A_419 = %broadcast_in_dim3A_400, %scan3A_420 = %broadcast_in_dim3A_400, %scan3A_421 = %broadcast_in_dim3A_400, %scan3A_422 = %broadcast_in_dim3A_400) -> (vector<16xf32>, vector<16xf32>, vector<16xf32>, vector<16xf32>)  : i32 {
        %mul3A_423 = arith.constant 64 : i32
        %mul3A_424 = arith.muli %scan3A_418, %mul3A_423 : i32
        %get3A = arith.index_cast %scan3A_395 : i32 to index
        %get3A_425 = arith.index_cast %mul3A_424 : i32 to index
        %get3A_426 = tpu.vector_load %arg13[%get3A, %get3A_425] {strides = array<i32>} : memref<2x4096xf32, #tpu.memory_space<vmem>>, vector<16xf32>,
        %get3A_427 = arith.index_cast %scan3A_395 : i32 to index
        %get3A_428 = arith.index_cast %mul3A_424 : i32 to index
        %get3A_429 = tpu.vector_load %arg11[%get3A_427, %get3A_428] {strides = array<i32>} : memref<2x4096xf32, #tpu.memory_space<vmem>>, vector<16xf32>,
        %sub3A_430 = arith.subf %get3A_426, %get3A_429 : vector<16xf32>
        %add3A_431 = arith.constant 16 : i32
        %add3A_432 = arith.addi %mul3A_424, %add3A_431 : i32
        %get3A_433 = arith.index_cast %scan3A_395 : i32 to index
        %get3A_434 = arith.index_cast %add3A_432 : i32 to index
        %get3A_435 = tpu.vector_load %arg13[%get3A_433, %get3A_434] {strides = array<i32>} : memref<2x4096xf32, #tpu.memory_space<vmem>>, vector<16xf32>,
        %add3A_436 = arith.constant 16 : i32
        %add3A_437 = arith.addi %mul3A_424, %add3A_436 : i32
        %get3A_438 = arith.index_cast %scan3A_395 : i32 to index
        %get3A_439 = arith.index_cast %add3A_437 : i32 to index
        %get3A_440 = tpu.vector_load %arg11[%get3A_438, %get3A_439] {strides = array<i32>} : memref<2x4096xf32, #tpu.memory_space<vmem>>, vector<16xf32>,
        %sub3A_441 = arith.subf %get3A_435, %get3A_440 : vector<16xf32>
        %add3A_442 = arith.constant 32 : i32
        %add3A_443 = arith.addi %mul3A_424, %add3A_442 : i32
        %get3A_444 = arith.index_cast %scan3A_395 : i32 to index
        %get3A_445 = arith.index_cast %add3A_443 : i32 to index
        %get3A_446 = tpu.vector_load %arg13[%get3A_444, %get3A_445] {strides = array<i32>} : memref<2x4096xf32, #tpu.memory_space<vmem>>, vector<16xf32>,
        %add3A_447 = arith.constant 32 : i32
        %add3A_448 = arith.addi %mul3A_424, %add3A_447 : i32
        %get3A_449 = arith.index_cast %scan3A_395 : i32 to index
        %get3A_450 = arith.index_cast %add3A_448 : i32 to index
        %get3A_451 = tpu.vector_load %arg11[%get3A_449, %get3A_450] {strides = array<i32>} : memref<2x4096xf32, #tpu.memory_space<vmem>>, vector<16xf32>,
        %sub3A_452 = arith.subf %get3A_446, %get3A_451 : vector<16xf32>
        %add3A_453 = arith.constant 48 : i32
        %add3A_454 = arith.addi %mul3A_424, %add3A_453 : i32
        %get3A_455 = arith.index_cast %scan3A_395 : i32 to index
        %get3A_456 = arith.index_cast %add3A_454 : i32 to index
        %get3A_457 = tpu.vector_load %arg13[%get3A_455, %get3A_456] {strides = array<i32>} : memref<2x4096xf32, #tpu.memory_space<vmem>>, vector<16xf32>,
        %add3A_458 = arith.constant 48 : i32
        %add3A_459 = arith.addi %mul3A_424, %add3A_458 : i32
        %get3A_460 = arith.index_cast %scan3A_395 : i32 to index
        %get3A_461 = arith.index_cast %add3A_459 : i32 to index
        %get3A_462 = tpu.vector_load %arg11[%get3A_460, %get3A_461] {strides = array<i32>} : memref<2x4096xf32, #tpu.memory_space<vmem>>, vector<16xf32>,
        %sub3A_463 = arith.subf %get3A_457, %get3A_462 : vector<16xf32>
        %mul3A_464 = arith.mulf %sub3A_430, %sub3A_430 : vector<16xf32>
        %add3A_465 = arith.addf %scan3A_419, %mul3A_464 : vector<16xf32>
        %mul3A_466 = arith.mulf %sub3A_441, %sub3A_441 : vector<16xf32>
        %add3A_467 = arith.addf %scan3A_420, %mul3A_466 : vector<16xf32>
        %mul3A_468 = arith.mulf %sub3A_452, %sub3A_452 : vector<16xf32>
        %add3A_469 = arith.addf %scan3A_421, %mul3A_468 : vector<16xf32>
        %mul3A_470 = arith.mulf %sub3A_463, %sub3A_463 : vector<16xf32>
        %add3A_471 = arith.addf %scan3A_422, %mul3A_470 : vector<16xf32>
        scf.yield %add3A_465, %add3A_467, %add3A_469, %add3A_471 : vector<16xf32>, vector<16xf32>, vector<16xf32>, vector<16xf32>
      }
      %scan3A_406 = arith.constant 64 : i32
      %add3A_407 = arith.addf %scan3A_405#0, %scan3A_405#1 : vector<16xf32>
      %add3A_408 = arith.addf %scan3A_405#2, %scan3A_405#3 : vector<16xf32>
      %add3A_409 = arith.addf %add3A_407, %add3A_408 : vector<16xf32>
      %reduce_sum3A = arith.constant true
      %reduce_sum3A_410 = vector.broadcast %reduce_sum3A : i1 to vector<16xi1>
      %reduce_sum3A_411 = tpu.scan <sum>, %add3A_409 masked %reduce_sum3A_410 : vector<16xf32>, vector<16xi1> -> vector<16xf32>
      %reduce_sum3A_412 = vector.extract %reduce_sum3A_411[15] : f32 from vector<16xf32>
      %eq3A = vector.broadcast %add3A_398 : i32 to vector<16xi32>
      %eq3A_413 = arith.cmpi eq, %iota3A, %eq3A : vector<16xi32>
      %broadcast_in_dim3A_414 = vector.broadcast %reduce_sum3A_412 : f32 to vector<16xf32>
      %select_n3A = arith.select %eq3A_413, %broadcast_in_dim3A_414, %scan3A_396 : vector<16xi1>, vector<16xf32>
      %eq3A_415 = arith.constant 7 : i32
      %eq3A_416 = arith.cmpi eq, %add3A_398, %eq3A_415 : i32
      %convert_element_type3A = arith.extui %eq3A_416 : i1 to i32
      %cond3A = arith.constant 0 : i32
      %cond3A_417 = arith.cmpi ne, %convert_element_type3A, %cond3A : i32
      scf.if %cond3A_417 {
        %swap3A = arith.constant 0 : index
        %swap3A_418 = tpu.vector_load %arg15[%swap3A] {strides = array<i32>} : memref<16xf32, #tpu.memory_space<vmem>>, vector<16xf32>,
        tpu.vector_store %arg15[%swap3A], %select_n3A {strides = array<i32>} : memref<16xf32, #tpu.memory_space<vmem>>, vector<16xf32>,
      } else {
      }
      scf.yield %select_n3A : vector<16xf32>
    }
    %scan3A_278 = arith.constant 2 : i32
    %dma_wait3A_279 = arith.constant 0 : i32
    %dma_wait3A_280 = tpu.memref_slice %arg6[%add3A_256, %dma_wait3A_279] : memref<1024x4096xf32, #tpu.memory_space<hbm>> -> memref<2x4096xf32, #tpu.memory_space<hbm>>
    %dma_wait3A_281 = arith.constant 0 : i32
    %dma_wait3A_282 = tpu.memref_slice %arg6[%add3A_256, %dma_wait3A_281] : memref<1024x4096xf32, #tpu.memory_space<hbm>> -> memref<2x4096xf32, #tpu.memory_space<hbm>>
    tpu.wait_dma2 semaphore(%arg17 : memref<!tpu.dma_semaphore, #tpu.memory_space<semaphore_mem>>) src(%dma_wait3A_282 : memref<2x4096xf32, #tpu.memory_space<hbm>>) dst(%arg12 : memref<2x4096xf32, #tpu.memory_space<vmem>>)
    %dma_wait3A_283 = arith.constant 0 : i32
    %dma_wait3A_284 = tpu.memref_slice %arg7[%add3A_256, %dma_wait3A_283] : memref<1024x4096xf32, #tpu.memory_space<hbm>> -> memref<2x4096xf32, #tpu.memory_space<hbm>>
    %dma_wait3A_285 = arith.constant 0 : i32
    %dma_wait3A_286 = tpu.memref_slice %arg7[%add3A_256, %dma_wait3A_285] : memref<1024x4096xf32, #tpu.memory_space<hbm>> -> memref<2x4096xf32, #tpu.memory_space<hbm>>
    tpu.wait_dma2 semaphore(%arg19 : memref<!tpu.dma_semaphore, #tpu.memory_space<semaphore_mem>>) src(%dma_wait3A_286 : memref<2x4096xf32, #tpu.memory_space<hbm>>) dst(%arg14 : memref<2x4096xf32, #tpu.memory_space<vmem>>)
    %scan3A_287 = arith.constant 0 : i32
    %scan3A_288 = arith.constant 2 : i32
    %scan3A_289 = arith.addi %scan3A_287, %scan3A_288 : i32
    %scan3A_290 = arith.constant 1 : i32
    %scan3A_291 = scf.for %scan3A_395 = %scan3A_287 to %scan3A_289 step %scan3A_290 iter_args(%scan3A_396 = %scan3A_277) -> (vector<16xf32>)  : i32 {
      %add3A_397 = arith.constant 6 : i32
      %add3A_398 = arith.addi %add3A_397, %scan3A_395 : i32
      %broadcast_in_dim3A_399 = arith.constant 0.000000e+00 : f32
      %broadcast_in_dim3A_400 = vector.broadcast %broadcast_in_dim3A_399 : f32 to vector<16xf32>
      %scan3A_401 = arith.constant 0 : i32
      %scan3A_402 = arith.constant 64 : i32
      %scan3A_403 = arith.addi %scan3A_401, %scan3A_402 : i32
      %scan3A_404 = arith.constant 1 : i32
      %scan3A_405:4 = scf.for %scan3A_418 = %scan3A_401 to %scan3A_403 step %scan3A_404 iter_args(%scan3A_419 = %broadcast_in_dim3A_400, %scan3A_420 = %broadcast_in_dim3A_400, %scan3A_421 = %broadcast_in_dim3A_400, %scan3A_422 = %broadcast_in_dim3A_400) -> (vector<16xf32>, vector<16xf32>, vector<16xf32>, vector<16xf32>)  : i32 {
        %mul3A_423 = arith.constant 64 : i32
        %mul3A_424 = arith.muli %scan3A_418, %mul3A_423 : i32
        %get3A = arith.index_cast %scan3A_395 : i32 to index
        %get3A_425 = arith.index_cast %mul3A_424 : i32 to index
        %get3A_426 = tpu.vector_load %arg14[%get3A, %get3A_425] {strides = array<i32>} : memref<2x4096xf32, #tpu.memory_space<vmem>>, vector<16xf32>,
        %get3A_427 = arith.index_cast %scan3A_395 : i32 to index
        %get3A_428 = arith.index_cast %mul3A_424 : i32 to index
        %get3A_429 = tpu.vector_load %arg12[%get3A_427, %get3A_428] {strides = array<i32>} : memref<2x4096xf32, #tpu.memory_space<vmem>>, vector<16xf32>,
        %sub3A_430 = arith.subf %get3A_426, %get3A_429 : vector<16xf32>
        %add3A_431 = arith.constant 16 : i32
        %add3A_432 = arith.addi %mul3A_424, %add3A_431 : i32
        %get3A_433 = arith.index_cast %scan3A_395 : i32 to index
        %get3A_434 = arith.index_cast %add3A_432 : i32 to index
        %get3A_435 = tpu.vector_load %arg14[%get3A_433, %get3A_434] {strides = array<i32>} : memref<2x4096xf32, #tpu.memory_space<vmem>>, vector<16xf32>,
        %add3A_436 = arith.constant 16 : i32
        %add3A_437 = arith.addi %mul3A_424, %add3A_436 : i32
        %get3A_438 = arith.index_cast %scan3A_395 : i32 to index
        %get3A_439 = arith.index_cast %add3A_437 : i32 to index
        %get3A_440 = tpu.vector_load %arg12[%get3A_438, %get3A_439] {strides = array<i32>} : memref<2x4096xf32, #tpu.memory_space<vmem>>, vector<16xf32>,
        %sub3A_441 = arith.subf %get3A_435, %get3A_440 : vector<16xf32>
        %add3A_442 = arith.constant 32 : i32
        %add3A_443 = arith.addi %mul3A_424, %add3A_442 : i32
        %get3A_444 = arith.index_cast %scan3A_395 : i32 to index
        %get3A_445 = arith.index_cast %add3A_443 : i32 to index
        %get3A_446 = tpu.vector_load %arg14[%get3A_444, %get3A_445] {strides = array<i32>} : memref<2x4096xf32, #tpu.memory_space<vmem>>, vector<16xf32>,
        %add3A_447 = arith.constant 32 : i32
        %add3A_448 = arith.addi %mul3A_424, %add3A_447 : i32
        %get3A_449 = arith.index_cast %scan3A_395 : i32 to index
        %get3A_450 = arith.index_cast %add3A_448 : i32 to index
        %get3A_451 = tpu.vector_load %arg12[%get3A_449, %get3A_450] {strides = array<i32>} : memref<2x4096xf32, #tpu.memory_space<vmem>>, vector<16xf32>,
        %sub3A_452 = arith.subf %get3A_446, %get3A_451 : vector<16xf32>
        %add3A_453 = arith.constant 48 : i32
        %add3A_454 = arith.addi %mul3A_424, %add3A_453 : i32
        %get3A_455 = arith.index_cast %scan3A_395 : i32 to index
        %get3A_456 = arith.index_cast %add3A_454 : i32 to index
        %get3A_457 = tpu.vector_load %arg14[%get3A_455, %get3A_456] {strides = array<i32>} : memref<2x4096xf32, #tpu.memory_space<vmem>>, vector<16xf32>,
        %add3A_458 = arith.constant 48 : i32
        %add3A_459 = arith.addi %mul3A_424, %add3A_458 : i32
        %get3A_460 = arith.index_cast %scan3A_395 : i32 to index
        %get3A_461 = arith.index_cast %add3A_459 : i32 to index
        %get3A_462 = tpu.vector_load %arg12[%get3A_460, %get3A_461] {strides = array<i32>} : memref<2x4096xf32, #tpu.memory_space<vmem>>, vector<16xf32>,
        %sub3A_463 = arith.subf %get3A_457, %get3A_462 : vector<16xf32>
        %mul3A_464 = arith.mulf %sub3A_430, %sub3A_430 : vector<16xf32>
        %add3A_465 = arith.addf %scan3A_419, %mul3A_464 : vector<16xf32>
        %mul3A_466 = arith.mulf %sub3A_441, %sub3A_441 : vector<16xf32>
        %add3A_467 = arith.addf %scan3A_420, %mul3A_466 : vector<16xf32>
        %mul3A_468 = arith.mulf %sub3A_452, %sub3A_452 : vector<16xf32>
        %add3A_469 = arith.addf %scan3A_421, %mul3A_468 : vector<16xf32>
        %mul3A_470 = arith.mulf %sub3A_463, %sub3A_463 : vector<16xf32>
        %add3A_471 = arith.addf %scan3A_422, %mul3A_470 : vector<16xf32>
        scf.yield %add3A_465, %add3A_467, %add3A_469, %add3A_471 : vector<16xf32>, vector<16xf32>, vector<16xf32>, vector<16xf32>
      }
      %scan3A_406 = arith.constant 64 : i32
      %add3A_407 = arith.addf %scan3A_405#0, %scan3A_405#1 : vector<16xf32>
      %add3A_408 = arith.addf %scan3A_405#2, %scan3A_405#3 : vector<16xf32>
      %add3A_409 = arith.addf %add3A_407, %add3A_408 : vector<16xf32>
      %reduce_sum3A = arith.constant true
      %reduce_sum3A_410 = vector.broadcast %reduce_sum3A : i1 to vector<16xi1>
      %reduce_sum3A_411 = tpu.scan <sum>, %add3A_409 masked %reduce_sum3A_410 : vector<16xf32>, vector<16xi1> -> vector<16xf32>
      %reduce_sum3A_412 = vector.extract %reduce_sum3A_411[15] : f32 from vector<16xf32>
      %eq3A = vector.broadcast %add3A_398 : i32 to vector<16xi32>
      %eq3A_413 = arith.cmpi eq, %iota3A, %eq3A : vector<16xi32>
      %broadcast_in_dim3A_414 = vector.broadcast %reduce_sum3A_412 : f32 to vector<16xf32>
      %select_n3A = arith.select %eq3A_413, %broadcast_in_dim3A_414, %scan3A_396 : vector<16xi1>, vector<16xf32>
      %eq3A_415 = arith.constant 7 : i32
      %eq3A_416 = arith.cmpi eq, %add3A_398, %eq3A_415 : i32
      %convert_element_type3A = arith.extui %eq3A_416 : i1 to i32
      %cond3A = arith.constant 0 : i32
      %cond3A_417 = arith.cmpi ne, %convert_element_type3A, %cond3A : i32
      scf.if %cond3A_417 {
        %swap3A = arith.constant 0 : index
        %swap3A_418 = tpu.vector_load %arg15[%swap3A] {strides = array<i32>} : memref<16xf32, #tpu.memory_space<vmem>>, vector<16xf32>,
        tpu.vector_store %arg15[%swap3A], %select_n3A {strides = array<i32>} : memref<16xf32, #tpu.memory_space<vmem>>, vector<16xf32>,
      } else {
      }
      scf.yield %select_n3A : vector<16xf32>
    }
    %scan3A_292 = arith.constant 2 : i32
    %sub3A_293 = arith.constant 768 : i32
    %sub3A_294 = arith.subi %add3A_4, %sub3A_293 : i32
    %run_scoped3A_295 = arith.constant 2 : i32
    "tpu.region"() ({
      %run_scoped3A_395 = tpu.sem_alloc : memref<!tpu.dma_semaphore, #tpu.memory_space<semaphore_mem>>
      %dma_start3A_396 = arith.constant 0 : i32
      %dma_start3A_397 = tpu.memref_slice %arg15[%dma_start3A_396] : memref<16xf32, #tpu.memory_space<vmem>> -> memref<8xf32, #tpu.memory_space<vmem>>
      %dma_start3A_398 = tpu.memref_slice %arg10[%run_scoped3A_295, %sub3A_294] : memref<4x256xf32, #tpu.memory_space<hbm>> -> memref<1x8xf32, #tpu.memory_space<hbm>>
      %dma_start3A_399 = tpu.memref_squeeze %dma_start3A_398 : memref<1x8xf32, #tpu.memory_space<hbm>> -> memref<8xf32, #tpu.memory_space<hbm>>
      %dma_start3A_400 = tpu.memref_slice %arg10[%run_scoped3A_295, %sub3A_294] : memref<4x256xf32, #tpu.memory_space<hbm>> -> memref<1x8xf32, #tpu.memory_space<hbm>>
      %dma_start3A_401 = tpu.memref_squeeze %dma_start3A_400 : memref<1x8xf32, #tpu.memory_space<hbm>> -> memref<8xf32, #tpu.memory_space<hbm>>
      %dma_start3A_402 = arith.constant 0 : i32
      %dma_start3A_403 = tpu.memref_slice %arg15[%dma_start3A_402] : memref<16xf32, #tpu.memory_space<vmem>> -> memref<8xf32, #tpu.memory_space<vmem>>
      tpu.enqueue_dma source(%dma_start3A_403 : memref<8xf32, #tpu.memory_space<vmem>>) target(%dma_start3A_401 : memref<8xf32, #tpu.memory_space<hbm>>) target_semaphore(%run_scoped3A_395 : memref<!tpu.dma_semaphore, #tpu.memory_space<semaphore_mem>>)
      %dma_wait3A_404 = arith.constant 0 : i32
      %dma_wait3A_405 = tpu.memref_slice %arg15[%dma_wait3A_404] : memref<16xf32, #tpu.memory_space<vmem>> -> memref<8xf32, #tpu.memory_space<vmem>>
      %dma_wait3A_406 = tpu.memref_slice %arg10[%run_scoped3A_295, %sub3A_294] : memref<4x256xf32, #tpu.memory_space<hbm>> -> memref<1x8xf32, #tpu.memory_space<hbm>>
      %dma_wait3A_407 = tpu.memref_squeeze %dma_wait3A_406 : memref<1x8xf32, #tpu.memory_space<hbm>> -> memref<8xf32, #tpu.memory_space<hbm>>
      %dma_wait3A_408 = tpu.memref_slice %arg10[%run_scoped3A_295, %sub3A_294] : memref<4x256xf32, #tpu.memory_space<hbm>> -> memref<1x8xf32, #tpu.memory_space<hbm>>
      %dma_wait3A_409 = tpu.memref_squeeze %dma_wait3A_408 : memref<1x8xf32, #tpu.memory_space<hbm>> -> memref<8xf32, #tpu.memory_space<hbm>>
      %dma_wait3A_410 = arith.constant 0 : i32
      %dma_wait3A_411 = tpu.memref_slice %arg15[%dma_wait3A_410] : memref<16xf32, #tpu.memory_space<vmem>> -> memref<8xf32, #tpu.memory_space<vmem>>
      tpu.wait_dma2 semaphore(%run_scoped3A_395 : memref<!tpu.dma_semaphore, #tpu.memory_space<semaphore_mem>>) src(%dma_wait3A_411 : memref<8xf32, #tpu.memory_space<vmem>>) dst(%dma_wait3A_409 : memref<8xf32, #tpu.memory_space<hbm>>)
      tpu.yield
    }) : () -> ()
    %dma_start3A_296 = arith.constant 0 : i32
    %dma_start3A_297 = tpu.memref_slice %arg8[%add3A_4, %dma_start3A_296] : memref<1024x4096xf32, #tpu.memory_space<hbm>> -> memref<2x4096xf32, #tpu.memory_space<hbm>>
    %dma_start3A_298 = arith.constant 0 : i32
    %dma_start3A_299 = tpu.memref_slice %arg8[%add3A_4, %dma_start3A_298] : memref<1024x4096xf32, #tpu.memory_space<hbm>> -> memref<2x4096xf32, #tpu.memory_space<hbm>>
    tpu.enqueue_dma source(%dma_start3A_299 : memref<2x4096xf32, #tpu.memory_space<hbm>>) target(%arg11 : memref<2x4096xf32, #tpu.memory_space<vmem>>) target_semaphore(%arg16 : memref<!tpu.dma_semaphore, #tpu.memory_space<semaphore_mem>>)
    %dma_start3A_300 = arith.constant 0 : i32
    %dma_start3A_301 = tpu.memref_slice %arg9[%add3A_4, %dma_start3A_300] : memref<1024x4096xf32, #tpu.memory_space<hbm>> -> memref<2x4096xf32, #tpu.memory_space<hbm>>
    %dma_start3A_302 = arith.constant 0 : i32
    %dma_start3A_303 = tpu.memref_slice %arg9[%add3A_4, %dma_start3A_302] : memref<1024x4096xf32, #tpu.memory_space<hbm>> -> memref<2x4096xf32, #tpu.memory_space<hbm>>
    tpu.enqueue_dma source(%dma_start3A_303 : memref<2x4096xf32, #tpu.memory_space<hbm>>) target(%arg13 : memref<2x4096xf32, #tpu.memory_space<vmem>>) target_semaphore(%arg18 : memref<!tpu.dma_semaphore, #tpu.memory_space<semaphore_mem>>)
    %broadcast_in_dim3A_304 = arith.constant 0.000000e+00 : f32
    %broadcast_in_dim3A_305 = vector.broadcast %broadcast_in_dim3A_304 : f32 to vector<16xf32>
    %add3A_306 = arith.constant 2 : i32
    %add3A_307 = arith.addi %add3A_4, %add3A_306 : i32
    %dma_start3A_308 = arith.constant 0 : i32
    %dma_start3A_309 = tpu.memref_slice %arg8[%add3A_307, %dma_start3A_308] : memref<1024x4096xf32, #tpu.memory_space<hbm>> -> memref<2x4096xf32, #tpu.memory_space<hbm>>
    %dma_start3A_310 = arith.constant 0 : i32
    %dma_start3A_311 = tpu.memref_slice %arg8[%add3A_307, %dma_start3A_310] : memref<1024x4096xf32, #tpu.memory_space<hbm>> -> memref<2x4096xf32, #tpu.memory_space<hbm>>
    tpu.enqueue_dma source(%dma_start3A_311 : memref<2x4096xf32, #tpu.memory_space<hbm>>) target(%arg12 : memref<2x4096xf32, #tpu.memory_space<vmem>>) target_semaphore(%arg17 : memref<!tpu.dma_semaphore, #tpu.memory_space<semaphore_mem>>)
    %dma_start3A_312 = arith.constant 0 : i32
    %dma_start3A_313 = tpu.memref_slice %arg9[%add3A_307, %dma_start3A_312] : memref<1024x4096xf32, #tpu.memory_space<hbm>> -> memref<2x4096xf32, #tpu.memory_space<hbm>>
    %dma_start3A_314 = arith.constant 0 : i32
    %dma_start3A_315 = tpu.memref_slice %arg9[%add3A_307, %dma_start3A_314] : memref<1024x4096xf32, #tpu.memory_space<hbm>> -> memref<2x4096xf32, #tpu.memory_space<hbm>>
    tpu.enqueue_dma source(%dma_start3A_315 : memref<2x4096xf32, #tpu.memory_space<hbm>>) target(%arg14 : memref<2x4096xf32, #tpu.memory_space<vmem>>) target_semaphore(%arg19 : memref<!tpu.dma_semaphore, #tpu.memory_space<semaphore_mem>>)
    %dma_wait3A_316 = arith.constant 0 : i32
    %dma_wait3A_317 = tpu.memref_slice %arg8[%add3A_4, %dma_wait3A_316] : memref<1024x4096xf32, #tpu.memory_space<hbm>> -> memref<2x4096xf32, #tpu.memory_space<hbm>>
    %dma_wait3A_318 = arith.constant 0 : i32
    %dma_wait3A_319 = tpu.memref_slice %arg8[%add3A_4, %dma_wait3A_318] : memref<1024x4096xf32, #tpu.memory_space<hbm>> -> memref<2x4096xf32, #tpu.memory_space<hbm>>
    tpu.wait_dma2 semaphore(%arg16 : memref<!tpu.dma_semaphore, #tpu.memory_space<semaphore_mem>>) src(%dma_wait3A_319 : memref<2x4096xf32, #tpu.memory_space<hbm>>) dst(%arg11 : memref<2x4096xf32, #tpu.memory_space<vmem>>)
    %dma_wait3A_320 = arith.constant 0 : i32
    %dma_wait3A_321 = tpu.memref_slice %arg9[%add3A_4, %dma_wait3A_320] : memref<1024x4096xf32, #tpu.memory_space<hbm>> -> memref<2x4096xf32, #tpu.memory_space<hbm>>
    %dma_wait3A_322 = arith.constant 0 : i32
    %dma_wait3A_323 = tpu.memref_slice %arg9[%add3A_4, %dma_wait3A_322] : memref<1024x4096xf32, #tpu.memory_space<hbm>> -> memref<2x4096xf32, #tpu.memory_space<hbm>>
    tpu.wait_dma2 semaphore(%arg18 : memref<!tpu.dma_semaphore, #tpu.memory_space<semaphore_mem>>) src(%dma_wait3A_323 : memref<2x4096xf32, #tpu.memory_space<hbm>>) dst(%arg13 : memref<2x4096xf32, #tpu.memory_space<vmem>>)
    %scan3A_324 = arith.constant 0 : i32
    %scan3A_325 = arith.constant 2 : i32
    %scan3A_326 = arith.addi %scan3A_324, %scan3A_325 : i32
    %scan3A_327 = arith.constant 1 : i32
    %scan3A_328 = scf.for %scan3A_395 = %scan3A_324 to %scan3A_326 step %scan3A_327 iter_args(%scan3A_396 = %broadcast_in_dim3A_305) -> (vector<16xf32>)  : i32 {
      %add3A_397 = arith.constant 0 : i32
      %add3A_398 = arith.addi %add3A_397, %scan3A_395 : i32
      %broadcast_in_dim3A_399 = arith.constant 0.000000e+00 : f32
      %broadcast_in_dim3A_400 = vector.broadcast %broadcast_in_dim3A_399 : f32 to vector<16xf32>
      %scan3A_401 = arith.constant 0 : i32
      %scan3A_402 = arith.constant 64 : i32
      %scan3A_403 = arith.addi %scan3A_401, %scan3A_402 : i32
      %scan3A_404 = arith.constant 1 : i32
      %scan3A_405:4 = scf.for %scan3A_418 = %scan3A_401 to %scan3A_403 step %scan3A_404 iter_args(%scan3A_419 = %broadcast_in_dim3A_400, %scan3A_420 = %broadcast_in_dim3A_400, %scan3A_421 = %broadcast_in_dim3A_400, %scan3A_422 = %broadcast_in_dim3A_400) -> (vector<16xf32>, vector<16xf32>, vector<16xf32>, vector<16xf32>)  : i32 {
        %mul3A_423 = arith.constant 64 : i32
        %mul3A_424 = arith.muli %scan3A_418, %mul3A_423 : i32
        %get3A = arith.index_cast %scan3A_395 : i32 to index
        %get3A_425 = arith.index_cast %mul3A_424 : i32 to index
        %get3A_426 = tpu.vector_load %arg13[%get3A, %get3A_425] {strides = array<i32>} : memref<2x4096xf32, #tpu.memory_space<vmem>>, vector<16xf32>,
        %get3A_427 = arith.index_cast %scan3A_395 : i32 to index
        %get3A_428 = arith.index_cast %mul3A_424 : i32 to index
        %get3A_429 = tpu.vector_load %arg11[%get3A_427, %get3A_428] {strides = array<i32>} : memref<2x4096xf32, #tpu.memory_space<vmem>>, vector<16xf32>,
        %sub3A_430 = arith.subf %get3A_426, %get3A_429 : vector<16xf32>
        %add3A_431 = arith.constant 16 : i32
        %add3A_432 = arith.addi %mul3A_424, %add3A_431 : i32
        %get3A_433 = arith.index_cast %scan3A_395 : i32 to index
        %get3A_434 = arith.index_cast %add3A_432 : i32 to index
        %get3A_435 = tpu.vector_load %arg13[%get3A_433, %get3A_434] {strides = array<i32>} : memref<2x4096xf32, #tpu.memory_space<vmem>>, vector<16xf32>,
        %add3A_436 = arith.constant 16 : i32
        %add3A_437 = arith.addi %mul3A_424, %add3A_436 : i32
        %get3A_438 = arith.index_cast %scan3A_395 : i32 to index
        %get3A_439 = arith.index_cast %add3A_437 : i32 to index
        %get3A_440 = tpu.vector_load %arg11[%get3A_438, %get3A_439] {strides = array<i32>} : memref<2x4096xf32, #tpu.memory_space<vmem>>, vector<16xf32>,
        %sub3A_441 = arith.subf %get3A_435, %get3A_440 : vector<16xf32>
        %add3A_442 = arith.constant 32 : i32
        %add3A_443 = arith.addi %mul3A_424, %add3A_442 : i32
        %get3A_444 = arith.index_cast %scan3A_395 : i32 to index
        %get3A_445 = arith.index_cast %add3A_443 : i32 to index
        %get3A_446 = tpu.vector_load %arg13[%get3A_444, %get3A_445] {strides = array<i32>} : memref<2x4096xf32, #tpu.memory_space<vmem>>, vector<16xf32>,
        %add3A_447 = arith.constant 32 : i32
        %add3A_448 = arith.addi %mul3A_424, %add3A_447 : i32
        %get3A_449 = arith.index_cast %scan3A_395 : i32 to index
        %get3A_450 = arith.index_cast %add3A_448 : i32 to index
        %get3A_451 = tpu.vector_load %arg11[%get3A_449, %get3A_450] {strides = array<i32>} : memref<2x4096xf32, #tpu.memory_space<vmem>>, vector<16xf32>,
        %sub3A_452 = arith.subf %get3A_446, %get3A_451 : vector<16xf32>
        %add3A_453 = arith.constant 48 : i32
        %add3A_454 = arith.addi %mul3A_424, %add3A_453 : i32
        %get3A_455 = arith.index_cast %scan3A_395 : i32 to index
        %get3A_456 = arith.index_cast %add3A_454 : i32 to index
        %get3A_457 = tpu.vector_load %arg13[%get3A_455, %get3A_456] {strides = array<i32>} : memref<2x4096xf32, #tpu.memory_space<vmem>>, vector<16xf32>,
        %add3A_458 = arith.constant 48 : i32
        %add3A_459 = arith.addi %mul3A_424, %add3A_458 : i32
        %get3A_460 = arith.index_cast %scan3A_395 : i32 to index
        %get3A_461 = arith.index_cast %add3A_459 : i32 to index
        %get3A_462 = tpu.vector_load %arg11[%get3A_460, %get3A_461] {strides = array<i32>} : memref<2x4096xf32, #tpu.memory_space<vmem>>, vector<16xf32>,
        %sub3A_463 = arith.subf %get3A_457, %get3A_462 : vector<16xf32>
        %mul3A_464 = arith.mulf %sub3A_430, %sub3A_430 : vector<16xf32>
        %add3A_465 = arith.addf %scan3A_419, %mul3A_464 : vector<16xf32>
        %mul3A_466 = arith.mulf %sub3A_441, %sub3A_441 : vector<16xf32>
        %add3A_467 = arith.addf %scan3A_420, %mul3A_466 : vector<16xf32>
        %mul3A_468 = arith.mulf %sub3A_452, %sub3A_452 : vector<16xf32>
        %add3A_469 = arith.addf %scan3A_421, %mul3A_468 : vector<16xf32>
        %mul3A_470 = arith.mulf %sub3A_463, %sub3A_463 : vector<16xf32>
        %add3A_471 = arith.addf %scan3A_422, %mul3A_470 : vector<16xf32>
        scf.yield %add3A_465, %add3A_467, %add3A_469, %add3A_471 : vector<16xf32>, vector<16xf32>, vector<16xf32>, vector<16xf32>
      }
      %scan3A_406 = arith.constant 64 : i32
      %add3A_407 = arith.addf %scan3A_405#0, %scan3A_405#1 : vector<16xf32>
      %add3A_408 = arith.addf %scan3A_405#2, %scan3A_405#3 : vector<16xf32>
      %add3A_409 = arith.addf %add3A_407, %add3A_408 : vector<16xf32>
      %reduce_sum3A = arith.constant true
      %reduce_sum3A_410 = vector.broadcast %reduce_sum3A : i1 to vector<16xi1>
      %reduce_sum3A_411 = tpu.scan <sum>, %add3A_409 masked %reduce_sum3A_410 : vector<16xf32>, vector<16xi1> -> vector<16xf32>
      %reduce_sum3A_412 = vector.extract %reduce_sum3A_411[15] : f32 from vector<16xf32>
      %eq3A = vector.broadcast %add3A_398 : i32 to vector<16xi32>
      %eq3A_413 = arith.cmpi eq, %iota3A, %eq3A : vector<16xi32>
      %broadcast_in_dim3A_414 = vector.broadcast %reduce_sum3A_412 : f32 to vector<16xf32>
      %select_n3A = arith.select %eq3A_413, %broadcast_in_dim3A_414, %scan3A_396 : vector<16xi1>, vector<16xf32>
      %eq3A_415 = arith.constant 7 : i32
      %eq3A_416 = arith.cmpi eq, %add3A_398, %eq3A_415 : i32
      %convert_element_type3A = arith.extui %eq3A_416 : i1 to i32
      %cond3A = arith.constant 0 : i32
      %cond3A_417 = arith.cmpi ne, %convert_element_type3A, %cond3A : i32
      scf.if %cond3A_417 {
        %swap3A = arith.constant 0 : index
        %swap3A_418 = tpu.vector_load %arg15[%swap3A] {strides = array<i32>} : memref<16xf32, #tpu.memory_space<vmem>>, vector<16xf32>,
        tpu.vector_store %arg15[%swap3A], %select_n3A {strides = array<i32>} : memref<16xf32, #tpu.memory_space<vmem>>, vector<16xf32>,
      } else {
      }
      scf.yield %select_n3A : vector<16xf32>
    }
    %scan3A_329 = arith.constant 2 : i32
    %add3A_330 = arith.constant 4 : i32
    %add3A_331 = arith.addi %add3A_4, %add3A_330 : i32
    %dma_start3A_332 = arith.constant 0 : i32
    %dma_start3A_333 = tpu.memref_slice %arg8[%add3A_331, %dma_start3A_332] : memref<1024x4096xf32, #tpu.memory_space<hbm>> -> memref<2x4096xf32, #tpu.memory_space<hbm>>
    %dma_start3A_334 = arith.constant 0 : i32
    %dma_start3A_335 = tpu.memref_slice %arg8[%add3A_331, %dma_start3A_334] : memref<1024x4096xf32, #tpu.memory_space<hbm>> -> memref<2x4096xf32, #tpu.memory_space<hbm>>
    tpu.enqueue_dma source(%dma_start3A_335 : memref<2x4096xf32, #tpu.memory_space<hbm>>) target(%arg11 : memref<2x4096xf32, #tpu.memory_space<vmem>>) target_semaphore(%arg16 : memref<!tpu.dma_semaphore, #tpu.memory_space<semaphore_mem>>)
    %dma_start3A_336 = arith.constant 0 : i32
    %dma_start3A_337 = tpu.memref_slice %arg9[%add3A_331, %dma_start3A_336] : memref<1024x4096xf32, #tpu.memory_space<hbm>> -> memref<2x4096xf32, #tpu.memory_space<hbm>>
    %dma_start3A_338 = arith.constant 0 : i32
    %dma_start3A_339 = tpu.memref_slice %arg9[%add3A_331, %dma_start3A_338] : memref<1024x4096xf32, #tpu.memory_space<hbm>> -> memref<2x4096xf32, #tpu.memory_space<hbm>>
    tpu.enqueue_dma source(%dma_start3A_339 : memref<2x4096xf32, #tpu.memory_space<hbm>>) target(%arg13 : memref<2x4096xf32, #tpu.memory_space<vmem>>) target_semaphore(%arg18 : memref<!tpu.dma_semaphore, #tpu.memory_space<semaphore_mem>>)
    %dma_wait3A_340 = arith.constant 0 : i32
    %dma_wait3A_341 = tpu.memref_slice %arg8[%add3A_307, %dma_wait3A_340] : memref<1024x4096xf32, #tpu.memory_space<hbm>> -> memref<2x4096xf32, #tpu.memory_space<hbm>>
    %dma_wait3A_342 = arith.constant 0 : i32
    %dma_wait3A_343 = tpu.memref_slice %arg8[%add3A_307, %dma_wait3A_342] : memref<1024x4096xf32, #tpu.memory_space<hbm>> -> memref<2x4096xf32, #tpu.memory_space<hbm>>
    tpu.wait_dma2 semaphore(%arg17 : memref<!tpu.dma_semaphore, #tpu.memory_space<semaphore_mem>>) src(%dma_wait3A_343 : memref<2x4096xf32, #tpu.memory_space<hbm>>) dst(%arg12 : memref<2x4096xf32, #tpu.memory_space<vmem>>)
    %dma_wait3A_344 = arith.constant 0 : i32
    %dma_wait3A_345 = tpu.memref_slice %arg9[%add3A_307, %dma_wait3A_344] : memref<1024x4096xf32, #tpu.memory_space<hbm>> -> memref<2x4096xf32, #tpu.memory_space<hbm>>
    %dma_wait3A_346 = arith.constant 0 : i32
    %dma_wait3A_347 = tpu.memref_slice %arg9[%add3A_307, %dma_wait3A_346] : memref<1024x4096xf32, #tpu.memory_space<hbm>> -> memref<2x4096xf32, #tpu.memory_space<hbm>>
    tpu.wait_dma2 semaphore(%arg19 : memref<!tpu.dma_semaphore, #tpu.memory_space<semaphore_mem>>) src(%dma_wait3A_347 : memref<2x4096xf32, #tpu.memory_space<hbm>>) dst(%arg14 : memref<2x4096xf32, #tpu.memory_space<vmem>>)
    %scan3A_348 = arith.constant 0 : i32
    %scan3A_349 = arith.constant 2 : i32
    %scan3A_350 = arith.addi %scan3A_348, %scan3A_349 : i32
    %scan3A_351 = arith.constant 1 : i32
    %scan3A_352 = scf.for %scan3A_395 = %scan3A_348 to %scan3A_350 step %scan3A_351 iter_args(%scan3A_396 = %scan3A_328) -> (vector<16xf32>)  : i32 {
      %add3A_397 = arith.constant 2 : i32
      %add3A_398 = arith.addi %add3A_397, %scan3A_395 : i32
      %broadcast_in_dim3A_399 = arith.constant 0.000000e+00 : f32
      %broadcast_in_dim3A_400 = vector.broadcast %broadcast_in_dim3A_399 : f32 to vector<16xf32>
      %scan3A_401 = arith.constant 0 : i32
      %scan3A_402 = arith.constant 64 : i32
      %scan3A_403 = arith.addi %scan3A_401, %scan3A_402 : i32
      %scan3A_404 = arith.constant 1 : i32
      %scan3A_405:4 = scf.for %scan3A_418 = %scan3A_401 to %scan3A_403 step %scan3A_404 iter_args(%scan3A_419 = %broadcast_in_dim3A_400, %scan3A_420 = %broadcast_in_dim3A_400, %scan3A_421 = %broadcast_in_dim3A_400, %scan3A_422 = %broadcast_in_dim3A_400) -> (vector<16xf32>, vector<16xf32>, vector<16xf32>, vector<16xf32>)  : i32 {
        %mul3A_423 = arith.constant 64 : i32
        %mul3A_424 = arith.muli %scan3A_418, %mul3A_423 : i32
        %get3A = arith.index_cast %scan3A_395 : i32 to index
        %get3A_425 = arith.index_cast %mul3A_424 : i32 to index
        %get3A_426 = tpu.vector_load %arg14[%get3A, %get3A_425] {strides = array<i32>} : memref<2x4096xf32, #tpu.memory_space<vmem>>, vector<16xf32>,
        %get3A_427 = arith.index_cast %scan3A_395 : i32 to index
        %get3A_428 = arith.index_cast %mul3A_424 : i32 to index
        %get3A_429 = tpu.vector_load %arg12[%get3A_427, %get3A_428] {strides = array<i32>} : memref<2x4096xf32, #tpu.memory_space<vmem>>, vector<16xf32>,
        %sub3A_430 = arith.subf %get3A_426, %get3A_429 : vector<16xf32>
        %add3A_431 = arith.constant 16 : i32
        %add3A_432 = arith.addi %mul3A_424, %add3A_431 : i32
        %get3A_433 = arith.index_cast %scan3A_395 : i32 to index
        %get3A_434 = arith.index_cast %add3A_432 : i32 to index
        %get3A_435 = tpu.vector_load %arg14[%get3A_433, %get3A_434] {strides = array<i32>} : memref<2x4096xf32, #tpu.memory_space<vmem>>, vector<16xf32>,
        %add3A_436 = arith.constant 16 : i32
        %add3A_437 = arith.addi %mul3A_424, %add3A_436 : i32
        %get3A_438 = arith.index_cast %scan3A_395 : i32 to index
        %get3A_439 = arith.index_cast %add3A_437 : i32 to index
        %get3A_440 = tpu.vector_load %arg12[%get3A_438, %get3A_439] {strides = array<i32>} : memref<2x4096xf32, #tpu.memory_space<vmem>>, vector<16xf32>,
        %sub3A_441 = arith.subf %get3A_435, %get3A_440 : vector<16xf32>
        %add3A_442 = arith.constant 32 : i32
        %add3A_443 = arith.addi %mul3A_424, %add3A_442 : i32
        %get3A_444 = arith.index_cast %scan3A_395 : i32 to index
        %get3A_445 = arith.index_cast %add3A_443 : i32 to index
        %get3A_446 = tpu.vector_load %arg14[%get3A_444, %get3A_445] {strides = array<i32>} : memref<2x4096xf32, #tpu.memory_space<vmem>>, vector<16xf32>,
        %add3A_447 = arith.constant 32 : i32
        %add3A_448 = arith.addi %mul3A_424, %add3A_447 : i32
        %get3A_449 = arith.index_cast %scan3A_395 : i32 to index
        %get3A_450 = arith.index_cast %add3A_448 : i32 to index
        %get3A_451 = tpu.vector_load %arg12[%get3A_449, %get3A_450] {strides = array<i32>} : memref<2x4096xf32, #tpu.memory_space<vmem>>, vector<16xf32>,
        %sub3A_452 = arith.subf %get3A_446, %get3A_451 : vector<16xf32>
        %add3A_453 = arith.constant 48 : i32
        %add3A_454 = arith.addi %mul3A_424, %add3A_453 : i32
        %get3A_455 = arith.index_cast %scan3A_395 : i32 to index
        %get3A_456 = arith.index_cast %add3A_454 : i32 to index
        %get3A_457 = tpu.vector_load %arg14[%get3A_455, %get3A_456] {strides = array<i32>} : memref<2x4096xf32, #tpu.memory_space<vmem>>, vector<16xf32>,
        %add3A_458 = arith.constant 48 : i32
        %add3A_459 = arith.addi %mul3A_424, %add3A_458 : i32
        %get3A_460 = arith.index_cast %scan3A_395 : i32 to index
        %get3A_461 = arith.index_cast %add3A_459 : i32 to index
        %get3A_462 = tpu.vector_load %arg12[%get3A_460, %get3A_461] {strides = array<i32>} : memref<2x4096xf32, #tpu.memory_space<vmem>>, vector<16xf32>,
        %sub3A_463 = arith.subf %get3A_457, %get3A_462 : vector<16xf32>
        %mul3A_464 = arith.mulf %sub3A_430, %sub3A_430 : vector<16xf32>
        %add3A_465 = arith.addf %scan3A_419, %mul3A_464 : vector<16xf32>
        %mul3A_466 = arith.mulf %sub3A_441, %sub3A_441 : vector<16xf32>
        %add3A_467 = arith.addf %scan3A_420, %mul3A_466 : vector<16xf32>
        %mul3A_468 = arith.mulf %sub3A_452, %sub3A_452 : vector<16xf32>
        %add3A_469 = arith.addf %scan3A_421, %mul3A_468 : vector<16xf32>
        %mul3A_470 = arith.mulf %sub3A_463, %sub3A_463 : vector<16xf32>
        %add3A_471 = arith.addf %scan3A_422, %mul3A_470 : vector<16xf32>
        scf.yield %add3A_465, %add3A_467, %add3A_469, %add3A_471 : vector<16xf32>, vector<16xf32>, vector<16xf32>, vector<16xf32>
      }
      %scan3A_406 = arith.constant 64 : i32
      %add3A_407 = arith.addf %scan3A_405#0, %scan3A_405#1 : vector<16xf32>
      %add3A_408 = arith.addf %scan3A_405#2, %scan3A_405#3 : vector<16xf32>
      %add3A_409 = arith.addf %add3A_407, %add3A_408 : vector<16xf32>
      %reduce_sum3A = arith.constant true
      %reduce_sum3A_410 = vector.broadcast %reduce_sum3A : i1 to vector<16xi1>
      %reduce_sum3A_411 = tpu.scan <sum>, %add3A_409 masked %reduce_sum3A_410 : vector<16xf32>, vector<16xi1> -> vector<16xf32>
      %reduce_sum3A_412 = vector.extract %reduce_sum3A_411[15] : f32 from vector<16xf32>
      %eq3A = vector.broadcast %add3A_398 : i32 to vector<16xi32>
      %eq3A_413 = arith.cmpi eq, %iota3A, %eq3A : vector<16xi32>
      %broadcast_in_dim3A_414 = vector.broadcast %reduce_sum3A_412 : f32 to vector<16xf32>
      %select_n3A = arith.select %eq3A_413, %broadcast_in_dim3A_414, %scan3A_396 : vector<16xi1>, vector<16xf32>
      %eq3A_415 = arith.constant 7 : i32
      %eq3A_416 = arith.cmpi eq, %add3A_398, %eq3A_415 : i32
      %convert_element_type3A = arith.extui %eq3A_416 : i1 to i32
      %cond3A = arith.constant 0 : i32
      %cond3A_417 = arith.cmpi ne, %convert_element_type3A, %cond3A : i32
      scf.if %cond3A_417 {
        %swap3A = arith.constant 0 : index
        %swap3A_418 = tpu.vector_load %arg15[%swap3A] {strides = array<i32>} : memref<16xf32, #tpu.memory_space<vmem>>, vector<16xf32>,
        tpu.vector_store %arg15[%swap3A], %select_n3A {strides = array<i32>} : memref<16xf32, #tpu.memory_space<vmem>>, vector<16xf32>,
      } else {
      }
      scf.yield %select_n3A : vector<16xf32>
    }
    %scan3A_353 = arith.constant 2 : i32
    %add3A_354 = arith.constant 6 : i32
    %add3A_355 = arith.addi %add3A_4, %add3A_354 : i32
    %dma_start3A_356 = arith.constant 0 : i32
    %dma_start3A_357 = tpu.memref_slice %arg8[%add3A_355, %dma_start3A_356] : memref<1024x4096xf32, #tpu.memory_space<hbm>> -> memref<2x4096xf32, #tpu.memory_space<hbm>>
    %dma_start3A_358 = arith.constant 0 : i32
    %dma_start3A_359 = tpu.memref_slice %arg8[%add3A_355, %dma_start3A_358] : memref<1024x4096xf32, #tpu.memory_space<hbm>> -> memref<2x4096xf32, #tpu.memory_space<hbm>>
    tpu.enqueue_dma source(%dma_start3A_359 : memref<2x4096xf32, #tpu.memory_space<hbm>>) target(%arg12 : memref<2x4096xf32, #tpu.memory_space<vmem>>) target_semaphore(%arg17 : memref<!tpu.dma_semaphore, #tpu.memory_space<semaphore_mem>>)
    %dma_start3A_360 = arith.constant 0 : i32
    %dma_start3A_361 = tpu.memref_slice %arg9[%add3A_355, %dma_start3A_360] : memref<1024x4096xf32, #tpu.memory_space<hbm>> -> memref<2x4096xf32, #tpu.memory_space<hbm>>
    %dma_start3A_362 = arith.constant 0 : i32
    %dma_start3A_363 = tpu.memref_slice %arg9[%add3A_355, %dma_start3A_362] : memref<1024x4096xf32, #tpu.memory_space<hbm>> -> memref<2x4096xf32, #tpu.memory_space<hbm>>
    tpu.enqueue_dma source(%dma_start3A_363 : memref<2x4096xf32, #tpu.memory_space<hbm>>) target(%arg14 : memref<2x4096xf32, #tpu.memory_space<vmem>>) target_semaphore(%arg19 : memref<!tpu.dma_semaphore, #tpu.memory_space<semaphore_mem>>)
    %dma_wait3A_364 = arith.constant 0 : i32
    %dma_wait3A_365 = tpu.memref_slice %arg8[%add3A_331, %dma_wait3A_364] : memref<1024x4096xf32, #tpu.memory_space<hbm>> -> memref<2x4096xf32, #tpu.memory_space<hbm>>
    %dma_wait3A_366 = arith.constant 0 : i32
    %dma_wait3A_367 = tpu.memref_slice %arg8[%add3A_331, %dma_wait3A_366] : memref<1024x4096xf32, #tpu.memory_space<hbm>> -> memref<2x4096xf32, #tpu.memory_space<hbm>>
    tpu.wait_dma2 semaphore(%arg16 : memref<!tpu.dma_semaphore, #tpu.memory_space<semaphore_mem>>) src(%dma_wait3A_367 : memref<2x4096xf32, #tpu.memory_space<hbm>>) dst(%arg11 : memref<2x4096xf32, #tpu.memory_space<vmem>>)
    %dma_wait3A_368 = arith.constant 0 : i32
    %dma_wait3A_369 = tpu.memref_slice %arg9[%add3A_331, %dma_wait3A_368] : memref<1024x4096xf32, #tpu.memory_space<hbm>> -> memref<2x4096xf32, #tpu.memory_space<hbm>>
    %dma_wait3A_370 = arith.constant 0 : i32
    %dma_wait3A_371 = tpu.memref_slice %arg9[%add3A_331, %dma_wait3A_370] : memref<1024x4096xf32, #tpu.memory_space<hbm>> -> memref<2x4096xf32, #tpu.memory_space<hbm>>
    tpu.wait_dma2 semaphore(%arg18 : memref<!tpu.dma_semaphore, #tpu.memory_space<semaphore_mem>>) src(%dma_wait3A_371 : memref<2x4096xf32, #tpu.memory_space<hbm>>) dst(%arg13 : memref<2x4096xf32, #tpu.memory_space<vmem>>)
    %scan3A_372 = arith.constant 0 : i32
    %scan3A_373 = arith.constant 2 : i32
    %scan3A_374 = arith.addi %scan3A_372, %scan3A_373 : i32
    %scan3A_375 = arith.constant 1 : i32
    %scan3A_376 = scf.for %scan3A_395 = %scan3A_372 to %scan3A_374 step %scan3A_375 iter_args(%scan3A_396 = %scan3A_352) -> (vector<16xf32>)  : i32 {
      %add3A_397 = arith.constant 4 : i32
      %add3A_398 = arith.addi %add3A_397, %scan3A_395 : i32
      %broadcast_in_dim3A_399 = arith.constant 0.000000e+00 : f32
      %broadcast_in_dim3A_400 = vector.broadcast %broadcast_in_dim3A_399 : f32 to vector<16xf32>
      %scan3A_401 = arith.constant 0 : i32
      %scan3A_402 = arith.constant 64 : i32
      %scan3A_403 = arith.addi %scan3A_401, %scan3A_402 : i32
      %scan3A_404 = arith.constant 1 : i32
      %scan3A_405:4 = scf.for %scan3A_418 = %scan3A_401 to %scan3A_403 step %scan3A_404 iter_args(%scan3A_419 = %broadcast_in_dim3A_400, %scan3A_420 = %broadcast_in_dim3A_400, %scan3A_421 = %broadcast_in_dim3A_400, %scan3A_422 = %broadcast_in_dim3A_400) -> (vector<16xf32>, vector<16xf32>, vector<16xf32>, vector<16xf32>)  : i32 {
        %mul3A_423 = arith.constant 64 : i32
        %mul3A_424 = arith.muli %scan3A_418, %mul3A_423 : i32
        %get3A = arith.index_cast %scan3A_395 : i32 to index
        %get3A_425 = arith.index_cast %mul3A_424 : i32 to index
        %get3A_426 = tpu.vector_load %arg13[%get3A, %get3A_425] {strides = array<i32>} : memref<2x4096xf32, #tpu.memory_space<vmem>>, vector<16xf32>,
        %get3A_427 = arith.index_cast %scan3A_395 : i32 to index
        %get3A_428 = arith.index_cast %mul3A_424 : i32 to index
        %get3A_429 = tpu.vector_load %arg11[%get3A_427, %get3A_428] {strides = array<i32>} : memref<2x4096xf32, #tpu.memory_space<vmem>>, vector<16xf32>,
        %sub3A_430 = arith.subf %get3A_426, %get3A_429 : vector<16xf32>
        %add3A_431 = arith.constant 16 : i32
        %add3A_432 = arith.addi %mul3A_424, %add3A_431 : i32
        %get3A_433 = arith.index_cast %scan3A_395 : i32 to index
        %get3A_434 = arith.index_cast %add3A_432 : i32 to index
        %get3A_435 = tpu.vector_load %arg13[%get3A_433, %get3A_434] {strides = array<i32>} : memref<2x4096xf32, #tpu.memory_space<vmem>>, vector<16xf32>,
        %add3A_436 = arith.constant 16 : i32
        %add3A_437 = arith.addi %mul3A_424, %add3A_436 : i32
        %get3A_438 = arith.index_cast %scan3A_395 : i32 to index
        %get3A_439 = arith.index_cast %add3A_437 : i32 to index
        %get3A_440 = tpu.vector_load %arg11[%get3A_438, %get3A_439] {strides = array<i32>} : memref<2x4096xf32, #tpu.memory_space<vmem>>, vector<16xf32>,
        %sub3A_441 = arith.subf %get3A_435, %get3A_440 : vector<16xf32>
        %add3A_442 = arith.constant 32 : i32
        %add3A_443 = arith.addi %mul3A_424, %add3A_442 : i32
        %get3A_444 = arith.index_cast %scan3A_395 : i32 to index
        %get3A_445 = arith.index_cast %add3A_443 : i32 to index
        %get3A_446 = tpu.vector_load %arg13[%get3A_444, %get3A_445] {strides = array<i32>} : memref<2x4096xf32, #tpu.memory_space<vmem>>, vector<16xf32>,
        %add3A_447 = arith.constant 32 : i32
        %add3A_448 = arith.addi %mul3A_424, %add3A_447 : i32
        %get3A_449 = arith.index_cast %scan3A_395 : i32 to index
        %get3A_450 = arith.index_cast %add3A_448 : i32 to index
        %get3A_451 = tpu.vector_load %arg11[%get3A_449, %get3A_450] {strides = array<i32>} : memref<2x4096xf32, #tpu.memory_space<vmem>>, vector<16xf32>,
        %sub3A_452 = arith.subf %get3A_446, %get3A_451 : vector<16xf32>
        %add3A_453 = arith.constant 48 : i32
        %add3A_454 = arith.addi %mul3A_424, %add3A_453 : i32
        %get3A_455 = arith.index_cast %scan3A_395 : i32 to index
        %get3A_456 = arith.index_cast %add3A_454 : i32 to index
        %get3A_457 = tpu.vector_load %arg13[%get3A_455, %get3A_456] {strides = array<i32>} : memref<2x4096xf32, #tpu.memory_space<vmem>>, vector<16xf32>,
        %add3A_458 = arith.constant 48 : i32
        %add3A_459 = arith.addi %mul3A_424, %add3A_458 : i32
        %get3A_460 = arith.index_cast %scan3A_395 : i32 to index
        %get3A_461 = arith.index_cast %add3A_459 : i32 to index
        %get3A_462 = tpu.vector_load %arg11[%get3A_460, %get3A_461] {strides = array<i32>} : memref<2x4096xf32, #tpu.memory_space<vmem>>, vector<16xf32>,
        %sub3A_463 = arith.subf %get3A_457, %get3A_462 : vector<16xf32>
        %mul3A_464 = arith.mulf %sub3A_430, %sub3A_430 : vector<16xf32>
        %add3A_465 = arith.addf %scan3A_419, %mul3A_464 : vector<16xf32>
        %mul3A_466 = arith.mulf %sub3A_441, %sub3A_441 : vector<16xf32>
        %add3A_467 = arith.addf %scan3A_420, %mul3A_466 : vector<16xf32>
        %mul3A_468 = arith.mulf %sub3A_452, %sub3A_452 : vector<16xf32>
        %add3A_469 = arith.addf %scan3A_421, %mul3A_468 : vector<16xf32>
        %mul3A_470 = arith.mulf %sub3A_463, %sub3A_463 : vector<16xf32>
        %add3A_471 = arith.addf %scan3A_422, %mul3A_470 : vector<16xf32>
        scf.yield %add3A_465, %add3A_467, %add3A_469, %add3A_471 : vector<16xf32>, vector<16xf32>, vector<16xf32>, vector<16xf32>
      }
      %scan3A_406 = arith.constant 64 : i32
      %add3A_407 = arith.addf %scan3A_405#0, %scan3A_405#1 : vector<16xf32>
      %add3A_408 = arith.addf %scan3A_405#2, %scan3A_405#3 : vector<16xf32>
      %add3A_409 = arith.addf %add3A_407, %add3A_408 : vector<16xf32>
      %reduce_sum3A = arith.constant true
      %reduce_sum3A_410 = vector.broadcast %reduce_sum3A : i1 to vector<16xi1>
      %reduce_sum3A_411 = tpu.scan <sum>, %add3A_409 masked %reduce_sum3A_410 : vector<16xf32>, vector<16xi1> -> vector<16xf32>
      %reduce_sum3A_412 = vector.extract %reduce_sum3A_411[15] : f32 from vector<16xf32>
      %eq3A = vector.broadcast %add3A_398 : i32 to vector<16xi32>
      %eq3A_413 = arith.cmpi eq, %iota3A, %eq3A : vector<16xi32>
      %broadcast_in_dim3A_414 = vector.broadcast %reduce_sum3A_412 : f32 to vector<16xf32>
      %select_n3A = arith.select %eq3A_413, %broadcast_in_dim3A_414, %scan3A_396 : vector<16xi1>, vector<16xf32>
      %eq3A_415 = arith.constant 7 : i32
      %eq3A_416 = arith.cmpi eq, %add3A_398, %eq3A_415 : i32
      %convert_element_type3A = arith.extui %eq3A_416 : i1 to i32
      %cond3A = arith.constant 0 : i32
      %cond3A_417 = arith.cmpi ne, %convert_element_type3A, %cond3A : i32
      scf.if %cond3A_417 {
        %swap3A = arith.constant 0 : index
        %swap3A_418 = tpu.vector_load %arg15[%swap3A] {strides = array<i32>} : memref<16xf32, #tpu.memory_space<vmem>>, vector<16xf32>,
        tpu.vector_store %arg15[%swap3A], %select_n3A {strides = array<i32>} : memref<16xf32, #tpu.memory_space<vmem>>, vector<16xf32>,
      } else {
      }
      scf.yield %select_n3A : vector<16xf32>
    }
    %scan3A_377 = arith.constant 2 : i32
    %dma_wait3A_378 = arith.constant 0 : i32
    %dma_wait3A_379 = tpu.memref_slice %arg8[%add3A_355, %dma_wait3A_378] : memref<1024x4096xf32, #tpu.memory_space<hbm>> -> memref<2x4096xf32, #tpu.memory_space<hbm>>
    %dma_wait3A_380 = arith.constant 0 : i32
    %dma_wait3A_381 = tpu.memref_slice %arg8[%add3A_355, %dma_wait3A_380] : memref<1024x4096xf32, #tpu.memory_space<hbm>> -> memref<2x4096xf32, #tpu.memory_space<hbm>>
    tpu.wait_dma2 semaphore(%arg17 : memref<!tpu.dma_semaphore, #tpu.memory_space<semaphore_mem>>) src(%dma_wait3A_381 : memref<2x4096xf32, #tpu.memory_space<hbm>>) dst(%arg12 : memref<2x4096xf32, #tpu.memory_space<vmem>>)
    %dma_wait3A_382 = arith.constant 0 : i32
    %dma_wait3A_383 = tpu.memref_slice %arg9[%add3A_355, %dma_wait3A_382] : memref<1024x4096xf32, #tpu.memory_space<hbm>> -> memref<2x4096xf32, #tpu.memory_space<hbm>>
    %dma_wait3A_384 = arith.constant 0 : i32
    %dma_wait3A_385 = tpu.memref_slice %arg9[%add3A_355, %dma_wait3A_384] : memref<1024x4096xf32, #tpu.memory_space<hbm>> -> memref<2x4096xf32, #tpu.memory_space<hbm>>
    tpu.wait_dma2 semaphore(%arg19 : memref<!tpu.dma_semaphore, #tpu.memory_space<semaphore_mem>>) src(%dma_wait3A_385 : memref<2x4096xf32, #tpu.memory_space<hbm>>) dst(%arg14 : memref<2x4096xf32, #tpu.memory_space<vmem>>)
    %scan3A_386 = arith.constant 0 : i32
    %scan3A_387 = arith.constant 2 : i32
    %scan3A_388 = arith.addi %scan3A_386, %scan3A_387 : i32
    %scan3A_389 = arith.constant 1 : i32
    %scan3A_390 = scf.for %scan3A_395 = %scan3A_386 to %scan3A_388 step %scan3A_389 iter_args(%scan3A_396 = %scan3A_376) -> (vector<16xf32>)  : i32 {
      %add3A_397 = arith.constant 6 : i32
      %add3A_398 = arith.addi %add3A_397, %scan3A_395 : i32
      %broadcast_in_dim3A_399 = arith.constant 0.000000e+00 : f32
      %broadcast_in_dim3A_400 = vector.broadcast %broadcast_in_dim3A_399 : f32 to vector<16xf32>
      %scan3A_401 = arith.constant 0 : i32
      %scan3A_402 = arith.constant 64 : i32
      %scan3A_403 = arith.addi %scan3A_401, %scan3A_402 : i32
      %scan3A_404 = arith.constant 1 : i32
      %scan3A_405:4 = scf.for %scan3A_418 = %scan3A_401 to %scan3A_403 step %scan3A_404 iter_args(%scan3A_419 = %broadcast_in_dim3A_400, %scan3A_420 = %broadcast_in_dim3A_400, %scan3A_421 = %broadcast_in_dim3A_400, %scan3A_422 = %broadcast_in_dim3A_400) -> (vector<16xf32>, vector<16xf32>, vector<16xf32>, vector<16xf32>)  : i32 {
        %mul3A_423 = arith.constant 64 : i32
        %mul3A_424 = arith.muli %scan3A_418, %mul3A_423 : i32
        %get3A = arith.index_cast %scan3A_395 : i32 to index
        %get3A_425 = arith.index_cast %mul3A_424 : i32 to index
        %get3A_426 = tpu.vector_load %arg14[%get3A, %get3A_425] {strides = array<i32>} : memref<2x4096xf32, #tpu.memory_space<vmem>>, vector<16xf32>,
        %get3A_427 = arith.index_cast %scan3A_395 : i32 to index
        %get3A_428 = arith.index_cast %mul3A_424 : i32 to index
        %get3A_429 = tpu.vector_load %arg12[%get3A_427, %get3A_428] {strides = array<i32>} : memref<2x4096xf32, #tpu.memory_space<vmem>>, vector<16xf32>,
        %sub3A_430 = arith.subf %get3A_426, %get3A_429 : vector<16xf32>
        %add3A_431 = arith.constant 16 : i32
        %add3A_432 = arith.addi %mul3A_424, %add3A_431 : i32
        %get3A_433 = arith.index_cast %scan3A_395 : i32 to index
        %get3A_434 = arith.index_cast %add3A_432 : i32 to index
        %get3A_435 = tpu.vector_load %arg14[%get3A_433, %get3A_434] {strides = array<i32>} : memref<2x4096xf32, #tpu.memory_space<vmem>>, vector<16xf32>,
        %add3A_436 = arith.constant 16 : i32
        %add3A_437 = arith.addi %mul3A_424, %add3A_436 : i32
        %get3A_438 = arith.index_cast %scan3A_395 : i32 to index
        %get3A_439 = arith.index_cast %add3A_437 : i32 to index
        %get3A_440 = tpu.vector_load %arg12[%get3A_438, %get3A_439] {strides = array<i32>} : memref<2x4096xf32, #tpu.memory_space<vmem>>, vector<16xf32>,
        %sub3A_441 = arith.subf %get3A_435, %get3A_440 : vector<16xf32>
        %add3A_442 = arith.constant 32 : i32
        %add3A_443 = arith.addi %mul3A_424, %add3A_442 : i32
        %get3A_444 = arith.index_cast %scan3A_395 : i32 to index
        %get3A_445 = arith.index_cast %add3A_443 : i32 to index
        %get3A_446 = tpu.vector_load %arg14[%get3A_444, %get3A_445] {strides = array<i32>} : memref<2x4096xf32, #tpu.memory_space<vmem>>, vector<16xf32>,
        %add3A_447 = arith.constant 32 : i32
        %add3A_448 = arith.addi %mul3A_424, %add3A_447 : i32
        %get3A_449 = arith.index_cast %scan3A_395 : i32 to index
        %get3A_450 = arith.index_cast %add3A_448 : i32 to index
        %get3A_451 = tpu.vector_load %arg12[%get3A_449, %get3A_450] {strides = array<i32>} : memref<2x4096xf32, #tpu.memory_space<vmem>>, vector<16xf32>,
        %sub3A_452 = arith.subf %get3A_446, %get3A_451 : vector<16xf32>
        %add3A_453 = arith.constant 48 : i32
        %add3A_454 = arith.addi %mul3A_424, %add3A_453 : i32
        %get3A_455 = arith.index_cast %scan3A_395 : i32 to index
        %get3A_456 = arith.index_cast %add3A_454 : i32 to index
        %get3A_457 = tpu.vector_load %arg14[%get3A_455, %get3A_456] {strides = array<i32>} : memref<2x4096xf32, #tpu.memory_space<vmem>>, vector<16xf32>,
        %add3A_458 = arith.constant 48 : i32
        %add3A_459 = arith.addi %mul3A_424, %add3A_458 : i32
        %get3A_460 = arith.index_cast %scan3A_395 : i32 to index
        %get3A_461 = arith.index_cast %add3A_459 : i32 to index
        %get3A_462 = tpu.vector_load %arg12[%get3A_460, %get3A_461] {strides = array<i32>} : memref<2x4096xf32, #tpu.memory_space<vmem>>, vector<16xf32>,
        %sub3A_463 = arith.subf %get3A_457, %get3A_462 : vector<16xf32>
        %mul3A_464 = arith.mulf %sub3A_430, %sub3A_430 : vector<16xf32>
        %add3A_465 = arith.addf %scan3A_419, %mul3A_464 : vector<16xf32>
        %mul3A_466 = arith.mulf %sub3A_441, %sub3A_441 : vector<16xf32>
        %add3A_467 = arith.addf %scan3A_420, %mul3A_466 : vector<16xf32>
        %mul3A_468 = arith.mulf %sub3A_452, %sub3A_452 : vector<16xf32>
        %add3A_469 = arith.addf %scan3A_421, %mul3A_468 : vector<16xf32>
        %mul3A_470 = arith.mulf %sub3A_463, %sub3A_463 : vector<16xf32>
        %add3A_471 = arith.addf %scan3A_422, %mul3A_470 : vector<16xf32>
        scf.yield %add3A_465, %add3A_467, %add3A_469, %add3A_471 : vector<16xf32>, vector<16xf32>, vector<16xf32>, vector<16xf32>
      }
      %scan3A_406 = arith.constant 64 : i32
      %add3A_407 = arith.addf %scan3A_405#0, %scan3A_405#1 : vector<16xf32>
      %add3A_408 = arith.addf %scan3A_405#2, %scan3A_405#3 : vector<16xf32>
      %add3A_409 = arith.addf %add3A_407, %add3A_408 : vector<16xf32>
      %reduce_sum3A = arith.constant true
      %reduce_sum3A_410 = vector.broadcast %reduce_sum3A : i1 to vector<16xi1>
      %reduce_sum3A_411 = tpu.scan <sum>, %add3A_409 masked %reduce_sum3A_410 : vector<16xf32>, vector<16xi1> -> vector<16xf32>
      %reduce_sum3A_412 = vector.extract %reduce_sum3A_411[15] : f32 from vector<16xf32>
      %eq3A = vector.broadcast %add3A_398 : i32 to vector<16xi32>
      %eq3A_413 = arith.cmpi eq, %iota3A, %eq3A : vector<16xi32>
      %broadcast_in_dim3A_414 = vector.broadcast %reduce_sum3A_412 : f32 to vector<16xf32>
      %select_n3A = arith.select %eq3A_413, %broadcast_in_dim3A_414, %scan3A_396 : vector<16xi1>, vector<16xf32>
      %eq3A_415 = arith.constant 7 : i32
      %eq3A_416 = arith.cmpi eq, %add3A_398, %eq3A_415 : i32
      %convert_element_type3A = arith.extui %eq3A_416 : i1 to i32
      %cond3A = arith.constant 0 : i32
      %cond3A_417 = arith.cmpi ne, %convert_element_type3A, %cond3A : i32
      scf.if %cond3A_417 {
        %swap3A = arith.constant 0 : index
        %swap3A_418 = tpu.vector_load %arg15[%swap3A] {strides = array<i32>} : memref<16xf32, #tpu.memory_space<vmem>>, vector<16xf32>,
        tpu.vector_store %arg15[%swap3A], %select_n3A {strides = array<i32>} : memref<16xf32, #tpu.memory_space<vmem>>, vector<16xf32>,
      } else {
      }
      scf.yield %select_n3A : vector<16xf32>
    }
    %scan3A_391 = arith.constant 2 : i32
    %sub3A_392 = arith.constant 768 : i32
    %sub3A_393 = arith.subi %add3A_4, %sub3A_392 : i32
    %run_scoped3A_394 = arith.constant 3 : i32
    "tpu.region"() ({
      %run_scoped3A_395 = tpu.sem_alloc : memref<!tpu.dma_semaphore, #tpu.memory_space<semaphore_mem>>
      %dma_start3A_396 = arith.constant 0 : i32
      %dma_start3A_397 = tpu.memref_slice %arg15[%dma_start3A_396] : memref<16xf32, #tpu.memory_space<vmem>> -> memref<8xf32, #tpu.memory_space<vmem>>
      %dma_start3A_398 = tpu.memref_slice %arg10[%run_scoped3A_394, %sub3A_393] : memref<4x256xf32, #tpu.memory_space<hbm>> -> memref<1x8xf32, #tpu.memory_space<hbm>>
      %dma_start3A_399 = tpu.memref_squeeze %dma_start3A_398 : memref<1x8xf32, #tpu.memory_space<hbm>> -> memref<8xf32, #tpu.memory_space<hbm>>
      %dma_start3A_400 = tpu.memref_slice %arg10[%run_scoped3A_394, %sub3A_393] : memref<4x256xf32, #tpu.memory_space<hbm>> -> memref<1x8xf32, #tpu.memory_space<hbm>>
      %dma_start3A_401 = tpu.memref_squeeze %dma_start3A_400 : memref<1x8xf32, #tpu.memory_space<hbm>> -> memref<8xf32, #tpu.memory_space<hbm>>
      %dma_start3A_402 = arith.constant 0 : i32
      %dma_start3A_403 = tpu.memref_slice %arg15[%dma_start3A_402] : memref<16xf32, #tpu.memory_space<vmem>> -> memref<8xf32, #tpu.memory_space<vmem>>
      tpu.enqueue_dma source(%dma_start3A_403 : memref<8xf32, #tpu.memory_space<vmem>>) target(%dma_start3A_401 : memref<8xf32, #tpu.memory_space<hbm>>) target_semaphore(%run_scoped3A_395 : memref<!tpu.dma_semaphore, #tpu.memory_space<semaphore_mem>>)
      %dma_wait3A_404 = arith.constant 0 : i32
      %dma_wait3A_405 = tpu.memref_slice %arg15[%dma_wait3A_404] : memref<16xf32, #tpu.memory_space<vmem>> -> memref<8xf32, #tpu.memory_space<vmem>>
      %dma_wait3A_406 = tpu.memref_slice %arg10[%run_scoped3A_394, %sub3A_393] : memref<4x256xf32, #tpu.memory_space<hbm>> -> memref<1x8xf32, #tpu.memory_space<hbm>>
      %dma_wait3A_407 = tpu.memref_squeeze %dma_wait3A_406 : memref<1x8xf32, #tpu.memory_space<hbm>> -> memref<8xf32, #tpu.memory_space<hbm>>
      %dma_wait3A_408 = tpu.memref_slice %arg10[%run_scoped3A_394, %sub3A_393] : memref<4x256xf32, #tpu.memory_space<hbm>> -> memref<1x8xf32, #tpu.memory_space<hbm>>
      %dma_wait3A_409 = tpu.memref_squeeze %dma_wait3A_408 : memref<1x8xf32, #tpu.memory_space<hbm>> -> memref<8xf32, #tpu.memory_space<hbm>>
      %dma_wait3A_410 = arith.constant 0 : i32
      %dma_wait3A_411 = tpu.memref_slice %arg15[%dma_wait3A_410] : memref<16xf32, #tpu.memory_space<vmem>> -> memref<8xf32, #tpu.memory_space<vmem>>
      tpu.wait_dma2 semaphore(%run_scoped3A_395 : memref<!tpu.dma_semaphore, #tpu.memory_space<semaphore_mem>>) src(%dma_wait3A_411 : memref<8xf32, #tpu.memory_space<vmem>>) dst(%dma_wait3A_409 : memref<8xf32, #tpu.memory_space<hbm>>)
      tpu.yield
    }) : () -> ()
    return
  }
}

module attributes {stable_mosaic.version = 14 : i64} {
  func.func @_tc_body(%arg0: i32, %arg1: memref<64x4096xf32, #tpu.memory_space<vmem>>, %arg2: memref<64x4096xf32, #tpu.memory_space<vmem>>, %arg3: memref<64x4096xf32, #tpu.memory_space<vmem>>, %arg4: memref<64x4096xf32, #tpu.memory_space<vmem>>, %arg5: memref<64x4096xf32, #tpu.memory_space<vmem>>, %arg6: memref<64x4096xf32, #tpu.memory_space<vmem>>, %arg7: memref<64x4096xf32, #tpu.memory_space<vmem>>, %arg8: memref<64x4096xf32, #tpu.memory_space<vmem>>, %arg9: memref<64x4xf32, #tpu.memory_space<vmem>>) attributes {dimension_semantics = [#tpu.dimension_semantics<arbitrary>], iteration_bounds = array<i64: 12>, scalar_prefetch = 0 : i64, scratch_operands = 0 : i64, tpu.core_type = #tpu.core_type<tc>, window_params = [{transform_indices = @transform_0, window_bounds = array<i64: 64, 4096>}, {transform_indices = @transform_1, window_bounds = array<i64: 64, 4096>}, {transform_indices = @transform_2, window_bounds = array<i64: 64, 4096>}, {transform_indices = @transform_3, window_bounds = array<i64: 64, 4096>}, {transform_indices = @transform_4, window_bounds = array<i64: 64, 4096>}, {transform_indices = @transform_5, window_bounds = array<i64: 64, 4096>}, {transform_indices = @transform_6, window_bounds = array<i64: 64, 4096>}, {transform_indices = @transform_7, window_bounds = array<i64: 64, 4096>}, {transform_indices = @transform_8, window_bounds = array<i64: 64, 4>}]} {
    %get3A = arith.constant 0 : index
    %get3A_0 = arith.constant 0 : index
    %get3A_1 = vector.load %arg2[%get3A, %get3A_0] : memref<64x4096xf32, #tpu.memory_space<vmem>>, vector<64x4096xf32>
    %get3A_2 = arith.constant 0 : index
    %get3A_3 = arith.constant 0 : index
    %get3A_4 = vector.load %arg1[%get3A_2, %get3A_3] : memref<64x4096xf32, #tpu.memory_space<vmem>>, vector<64x4096xf32>
    %sub3A = arith.subf %get3A_1, %get3A_4 : vector<64x4096xf32>
    %mul3A = arith.mulf %sub3A, %sub3A : vector<64x4096xf32>
    %reduce_sum3A = arith.constant dense<0.000000e+00> : vector<64xf32>
    %reduce_sum3A_5 = vector.multi_reduction <add>, %mul3A, %reduce_sum3A [1] : vector<64x4096xf32> to vector<64xf32>
    %swap3A = arith.constant 0 : index
    %swap3A_6 = arith.constant 0 : index
    %swap3A_7 = vector.load %arg9[%swap3A, %swap3A_6] : memref<64x4xf32, #tpu.memory_space<vmem>>, vector<64x1xf32>
    %swap3A_8 = vector.shape_cast %swap3A_7 : vector<64x1xf32> to vector<64xf32>
    %swap3A_9 = vector.shape_cast %reduce_sum3A_5 : vector<64xf32> to vector<64x1xf32>
    tpu.vector_store %arg9[%swap3A, %swap3A_6], %swap3A_9 {strides = array<i32>} : memref<64x4xf32, #tpu.memory_space<vmem>>, vector<64x1xf32>,
    %get3A_10 = arith.constant 0 : index
    %get3A_11 = arith.constant 0 : index
    %get3A_12 = vector.load %arg4[%get3A_10, %get3A_11] : memref<64x4096xf32, #tpu.memory_space<vmem>>, vector<64x4096xf32>
    %get3A_13 = arith.constant 0 : index
    %get3A_14 = arith.constant 0 : index
    %get3A_15 = vector.load %arg3[%get3A_13, %get3A_14] : memref<64x4096xf32, #tpu.memory_space<vmem>>, vector<64x4096xf32>
    %sub3A_16 = arith.subf %get3A_12, %get3A_15 : vector<64x4096xf32>
    %mul3A_17 = arith.mulf %sub3A_16, %sub3A_16 : vector<64x4096xf32>
    %reduce_sum3A_18 = arith.constant dense<0.000000e+00> : vector<64xf32>
    %reduce_sum3A_19 = vector.multi_reduction <add>, %mul3A_17, %reduce_sum3A_18 [1] : vector<64x4096xf32> to vector<64xf32>
    %swap3A_20 = arith.constant 0 : index
    %swap3A_21 = arith.constant 1 : index
    %swap3A_22 = vector.load %arg9[%swap3A_20, %swap3A_21] : memref<64x4xf32, #tpu.memory_space<vmem>>, vector<64x1xf32>
    %swap3A_23 = vector.shape_cast %swap3A_22 : vector<64x1xf32> to vector<64xf32>
    %swap3A_24 = vector.shape_cast %reduce_sum3A_19 : vector<64xf32> to vector<64x1xf32>
    tpu.vector_store %arg9[%swap3A_20, %swap3A_21], %swap3A_24 {strides = array<i32>} : memref<64x4xf32, #tpu.memory_space<vmem>>, vector<64x1xf32>,
    %get3A_25 = arith.constant 0 : index
    %get3A_26 = arith.constant 0 : index
    %get3A_27 = vector.load %arg6[%get3A_25, %get3A_26] : memref<64x4096xf32, #tpu.memory_space<vmem>>, vector<64x4096xf32>
    %get3A_28 = arith.constant 0 : index
    %get3A_29 = arith.constant 0 : index
    %get3A_30 = vector.load %arg5[%get3A_28, %get3A_29] : memref<64x4096xf32, #tpu.memory_space<vmem>>, vector<64x4096xf32>
    %sub3A_31 = arith.subf %get3A_27, %get3A_30 : vector<64x4096xf32>
    %mul3A_32 = arith.mulf %sub3A_31, %sub3A_31 : vector<64x4096xf32>
    %reduce_sum3A_33 = arith.constant dense<0.000000e+00> : vector<64xf32>
    %reduce_sum3A_34 = vector.multi_reduction <add>, %mul3A_32, %reduce_sum3A_33 [1] : vector<64x4096xf32> to vector<64xf32>
    %swap3A_35 = arith.constant 0 : index
    %swap3A_36 = arith.constant 2 : index
    %swap3A_37 = vector.load %arg9[%swap3A_35, %swap3A_36] : memref<64x4xf32, #tpu.memory_space<vmem>>, vector<64x1xf32>
    %swap3A_38 = vector.shape_cast %swap3A_37 : vector<64x1xf32> to vector<64xf32>
    %swap3A_39 = vector.shape_cast %reduce_sum3A_34 : vector<64xf32> to vector<64x1xf32>
    tpu.vector_store %arg9[%swap3A_35, %swap3A_36], %swap3A_39 {strides = array<i32>} : memref<64x4xf32, #tpu.memory_space<vmem>>, vector<64x1xf32>,
    %get3A_40 = arith.constant 0 : index
    %get3A_41 = arith.constant 0 : index
    %get3A_42 = vector.load %arg8[%get3A_40, %get3A_41] : memref<64x4096xf32, #tpu.memory_space<vmem>>, vector<64x4096xf32>
    %get3A_43 = arith.constant 0 : index
    %get3A_44 = arith.constant 0 : index
    %get3A_45 = vector.load %arg7[%get3A_43, %get3A_44] : memref<64x4096xf32, #tpu.memory_space<vmem>>, vector<64x4096xf32>
    %sub3A_46 = arith.subf %get3A_42, %get3A_45 : vector<64x4096xf32>
    %mul3A_47 = arith.mulf %sub3A_46, %sub3A_46 : vector<64x4096xf32>
    %reduce_sum3A_48 = arith.constant dense<0.000000e+00> : vector<64xf32>
    %reduce_sum3A_49 = vector.multi_reduction <add>, %mul3A_47, %reduce_sum3A_48 [1] : vector<64x4096xf32> to vector<64xf32>
    %swap3A_50 = arith.constant 0 : index
    %swap3A_51 = arith.constant 3 : index
    %swap3A_52 = vector.load %arg9[%swap3A_50, %swap3A_51] : memref<64x4xf32, #tpu.memory_space<vmem>>, vector<64x1xf32>
    %swap3A_53 = vector.shape_cast %swap3A_52 : vector<64x1xf32> to vector<64xf32>
    %swap3A_54 = vector.shape_cast %reduce_sum3A_49 : vector<64xf32> to vector<64x1xf32>
    tpu.vector_store %arg9[%swap3A_50, %swap3A_51], %swap3A_54 {strides = array<i32>} : memref<64x4xf32, #tpu.memory_space<vmem>>, vector<64x1xf32>,
    return
  }
  func.func @transform_0(%arg0: i32) -> (i32, i32) {
    %c0_i32 = arith.constant 0 : i32
    %c0_i32_0 = arith.constant 0 : i32
    return %arg0, %c0_i32 : i32, i32
  }
  func.func @transform_1(%arg0: i32) -> (i32, i32) {
    %c0_i32 = arith.constant 0 : i32
    %c0_i32_0 = arith.constant 0 : i32
    return %arg0, %c0_i32 : i32, i32
  }
  func.func @transform_2(%arg0: i32) -> (i32, i32) {
    %c0_i32 = arith.constant 0 : i32
    %c0_i32_0 = arith.constant 0 : i32
    return %arg0, %c0_i32 : i32, i32
  }
  func.func @transform_3(%arg0: i32) -> (i32, i32) {
    %c0_i32 = arith.constant 0 : i32
    %c0_i32_0 = arith.constant 0 : i32
    return %arg0, %c0_i32 : i32, i32
  }
  func.func @transform_4(%arg0: i32) -> (i32, i32) {
    %c0_i32 = arith.constant 0 : i32
    %c0_i32_0 = arith.constant 0 : i32
    return %arg0, %c0_i32 : i32, i32
  }
  func.func @transform_5(%arg0: i32) -> (i32, i32) {
    %c0_i32 = arith.constant 0 : i32
    %c0_i32_0 = arith.constant 0 : i32
    return %arg0, %c0_i32 : i32, i32
  }
  func.func @transform_6(%arg0: i32) -> (i32, i32) {
    %c0_i32 = arith.constant 0 : i32
    %c0_i32_0 = arith.constant 0 : i32
    return %arg0, %c0_i32 : i32, i32
  }
  func.func @transform_7(%arg0: i32) -> (i32, i32) {
    %c0_i32 = arith.constant 0 : i32
    %c0_i32_0 = arith.constant 0 : i32
    return %arg0, %c0_i32 : i32, i32
  }
  func.func @transform_8(%arg0: i32) -> (i32, i32) {
    %c0_i32 = arith.constant 0 : i32
    %c0_i32_0 = arith.constant 0 : i32
    return %arg0, %c0_i32 : i32, i32
  }
}

</mosaic_0001>

<sc_bundles>
// kernel: kernel.5.cloned.1.call-start
scs
__scs_entry_jumppad:
0x0: {  	(pc) =	sbr.rel $0x88, $3  }
0x1: {  	(tag) =	ssettag $0x0;
	lr =	simm.s32 $0x1  }
0x2: {  	[smem:$0x3F95] =	sst lr;
	_ =	strace $0xD0000000  }
0x3: {  	_ = 	snop  }
0x4: {  	_ = 	snop  }
0x5: {  	_ = 	snop  }
0x6: {  	_ = 	snop  }
0x7: {  	_ = 	snop  }
__scs_overlays_trampoline_lowered:
0x8: {  	[smem:$0x3FA4] =	sst s0  }
0x9: {  	[smem:$0x3FA5] =	sst s1  }
0xa: {  	[smem:$0x3FA6] =	sst s2  }
0xb: {  	[smem:$0x3FA7] =	sst s3  }
0xc: {  	[smem:$0x3FA8] =	sst s4  }
0xd: {  	[smem:$0x3FA9] =	sst s5  }
0xe: {  	[smem:$0x3FAA] =	sst s6  }
0xf: {  	[smem:$0x3FAB] =	sst s7  }
0x10: {  	[smem:$0x3FAC] =	sst s8  }
0x11: {  	[smem:$0x3FAD] =	sst s9;
	s0 =	simm.s32 @!p0 $0x0  }
0x12: {  	s1 =	sld [smem:$0x3F93];
	s0 =	simm.s32 @p0 $0x1  }
0x13: {  	[smem:$0x3FAE] =	sst s0;
	s0 =	simm.s32 @!p1 $0x0  }
0x14: {  	s2 =	sld [smem:$0x3F92];
	s0 =	simm.s32 @p1 $0x1  }
0x15: {  	[smem:$0x3FAF] =	sst s0;
	s0 =	simm.s32 @!p2 $0x0  }
0x16: {  	s3 =	sld [smem:$0x3FDB];
	s0 =	simm.s32 @p2 $0x1  }
0x17: {  	s4 =	simm.s32 $0x1BF5;
	[smem:$0x3FB1] =	sst s0  }
0x18: {  	s0 =	sld [smem:$0x3F94];
	_ =	swait.ge [sflag:s4], $0x0  }
0x19: {  	s7 =	sld [smem:$0x3F95]  }
0x1a: {  	s8 =	sadd.s32 $0xFFFFE003, lr  }
0x1b: {  	s9 =	sadd.s32 $0xFFFFFEF7, lr;
	s5 =	simm.s32 $0xFFFFFFFF;
	p2 =	slt.u32 s8, $0xFFFFF086  }
0x1c: {  	p1 =	slt.u32 s9, $0xF7A;
	s5 =	simm.s32 @!p2 $0x0  }
0x1d: {  	s5 =	simm.s32 @p1 $0x1;
	p0 =	seq.s32 s7, s2  }
0x1e: {  	s7 =	smul.u32 @!p0 $0xF7A, s2;
	p2 =	seq.s32 @!p0 s5, $0x0  }
0x1f: {  	s9 =	smul.u32 $0xF7A, s1;
	s8 =	simm.s32 @!p0 $0x1BF5;
	p2 =	por !p2, p0  }
0x20: {  	[sflag:s8] =	ssyncset.s32 @!p0 $0xFFFFF086;
	s6 =	sadd.s32 @!p0 s3, s7;
	s7 =	simm.s32 @!p0 $0x108  }
0x21: {  	s3 =	sadd.s32 s3, s9;
	s6 =	sadd.s32 @!p0 $0x88, s6;
	s7 =	simm.s32 @p2 $0x1082  }
0x22: {  	[simem:s7], [sflag:s8] =	dma.local @!p0 [hbm:s6], $0xF7A  }
0x23: {  	s9 =	sor.u32 $0xD0000000, s2;
	s6 =	simm.s32 $0x108;
	_ =	swait.ge @!p0 [sflag:s8], $0x0  }
0x24: {  	s3 =	sadd.s32 $0x88, s3;
	s6 =	simm.s32 @!p1 $0x1082;
	[sflag:s4] =	ssyncset.s32 $0xFFFFF086  }
0x25: {  	[simem:s6], [sflag:s4] =	dma.local [hbm:s3], $0xF7A  }
0x26: {  	[smem:$0x3F95] =	sst s1;
	(tag) =	ssettag s2;
	_ =	strace s9  }
0x27: {  	s1 =	sld [smem:$0x3FA5]  }
0x28: {  	s2 =	sld [smem:$0x3FA6]  }
0x29: {  	s4 =	sld [smem:$0x3FA8]  }
0x2a: {  	p0 =	seq.s32 s5, $0x0;
	s5 =	sld [smem:$0x3FA9]  }
0x2b: {  	s6 =	sld [smem:$0x3FAA]  }
0x2c: {  	s7 =	sld [smem:$0x3FAB]  }
0x2d: {  	s3 =	simm.s32 $0x108;
	s8 =	sld [smem:$0x3FAC]  }
0x2e: {  	s3 =	simm.s32 @!p0 $0x1082;
	s9 =	sld [smem:$0x3FAD]  }
0x2f: {  	lr =	sadd.s32 s0, s3;
	s0 =	sld [smem:$0x3FA4]  }
0x30: {  	s3 =	sld [smem:$0x3FA7]  }
0x31: {  	[smem:$0x3FB0] =	sst s10  }
0x32: {  	s10 =	sld [smem:$0x3FAE];
	_ =	sdelay $0x3  }
0x33: {  	p0 =	seq.s32 s10, $0x1;
	s10 =	sld [smem:$0x3FB0];
	_ =	sdelay $0x3  }
0x34: {  	[smem:$0x3FB0] =	sst s10  }
0x35: {  	s10 =	sld [smem:$0x3FAF];
	_ =	sdelay $0x3  }
0x36: {  	p1 =	seq.s32 s10, $0x1;
	s10 =	sld [smem:$0x3FB0];
	_ =	sdelay $0x3  }
0x37: {  	[smem:$0x3FB0] =	sst s10  }
0x38: {  	s10 =	sld [smem:$0x3FB1]  }
0x39: {  	_ = 	snop;
	(pc) =	sbr.ind lr, $3  }
0x3a: {  	_ = 	snop  }
0x3b: {  	_ = 	snop  }
0x3c: {  	p2 =	seq.s32 s10, $0x1;
	s10 =	sld [smem:$0x3FB0]  }
0x3d: {  	_ =	shalt  }
0x3e: {  	_ =	shalt  }
0x3f: {  	_ =	shalt  }
0x40: {  	_ =	shalt  }
0x41: {  	_ =	shalt  }
0x42: {  	_ =	shalt  }
0x43: {  	_ =	shalt  }
0x44: {  	_ =	shalt  }
0x45: {  	_ =	shalt  }
0x46: {  	_ =	shalt  }
0x47: {  	_ =	shalt  }
0x48: {  	_ =	shalt  }
0x49: {  	_ =	shalt  }
0x4a: {  	_ =	shalt  }
0x4b: {  	_ =	shalt  }
0x4c: {  	_ =	shalt  }
0x4d: {  	_ =	shalt  }
0x4e: {  	_ =	shalt  }
0x4f: {  	_ =	shalt  }
0x50: {  	_ =	shalt  }
0x51: {  	_ =	shalt  }
0x52: {  	_ =	shalt  }
0x53: {  	_ =	shalt  }
0x54: {  	_ =	shalt  }
0x55: {  	_ =	shalt  }
0x56: {  	_ =	shalt  }
0x57: {  	_ =	shalt  }
0x58: {  	_ =	shalt  }
0x59: {  	_ =	shalt  }
0x5a: {  	_ =	shalt  }
0x5b: {  	_ =	shalt  }
0x5c: {  	_ =	shalt  }
0x5d: {  	_ =	shalt  }
0x5e: {  	_ =	shalt  }
0x5f: {  	_ =	shalt  }
0x60: {  	_ =	shalt  }
0x61: {  	_ =	shalt  }
0x62: {  	_ =	shalt  }
0x63: {  	_ =	shalt  }
0x64: {  	_ =	shalt  }
0x65: {  	_ =	shalt  }
0x66: {  	_ =	shalt  }
0x67: {  	_ =	shalt  }
0x68: {  	_ =	shalt  }
0x69: {  	_ =	shalt  }
0x6a: {  	_ =	shalt  }
0x6b: {  	_ =	shalt  }
0x6c: {  	_ =	shalt  }
0x6d: {  	_ =	shalt  }
0x6e: {  	_ =	shalt  }
0x6f: {  	_ =	shalt  }
0x70: {  	_ =	shalt  }
0x71: {  	_ =	shalt  }
0x72: {  	_ =	shalt  }
0x73: {  	_ =	shalt  }
0x74: {  	_ =	shalt  }
0x75: {  	_ =	shalt  }
0x76: {  	_ =	shalt  }
0x77: {  	_ =	shalt  }
0x78: {  	_ =	shalt  }
0x79: {  	_ =	shalt  }
0x7a: {  	_ =	shalt  }
0x7b: {  	_ =	shalt  }
0x7c: {  	_ =	shalt  }
0x7d: {  	_ =	shalt  }
0x7e: {  	_ =	shalt  }
0x7f: {  	_ =	shalt  }
0x80: {  	_ =	shalt  }
0x81: {  	_ =	shalt  }
0x82: {  	_ =	shalt  }
0x83: {  	_ =	shalt  }
0x84: {  	_ =	shalt  }
0x85: {  	_ =	shalt  }
0x86: {  	_ =	shalt  }
0x87: {  	_ =	shalt  }
.Lfunc_end0:
.L_simem_size_0:
called_computation_lowered:
.L_overlay_start_0:
0x88: {  	s2 =	sld [smem:$0x3FD9]  }
0x89: {  	s3 =	sld [smem:$0x3FFE];
	_ =	sdelay $0x1  }
0x8a: {  	s1 =	srdreg.scid  }
0x8b: {  	s0 =	sand.u32 $0x1, s1  }
0x8c: {  	s16 =	sshll.u32 s0, $0xA;
	s2 =	sadd.s32 s3, s2  }
0x8d: {  	s2 =	sadd.s32 s2, s16  }
0x8e: {  	[smem:$0x3FBC] =	sst s2  }
0x8f: {  	_ = 	snop  }
0x90: {  	(tm) =	ssettm $0x1  }
0x91: {  	s17 =	sld [smem:$0x3FFB];
	_ =	sdelay $0x3  }
0x92: {  	_ =	strace s17  }
0x93: {  	s2 =	sld [smem:$0x3FFC];
	_ =	sdelay $0x3  }
0x94: {  	_ =	strace s2  }
0x95: {  	s2 =	sld [smem:$0x3FFD];
	_ =	sdelay $0x3  }
0x96: {  	_ =	strace s2  }
0x97: {  	_ =	strace $0x8FFFFFFF  }
0x98: {  	s18 =	sld [smem:$0x3FDB];
	_ =	sdelay $0x1  }
0x99: {  	s19 =	simm.s32 $_scs_section_size  }
0x9a: {  	s4 =	simm.s32 $_size__tile_overlayer_lowered;
	s5 =	simm.s32 $_tile_overlayer_lowered  }
0x9b: {  	s22 =	simm.s32 $0x1BFF;
	s21 =	sshll.u32 s5, $0x1;
	s2 =	sadd.s32 s19, s18  }
0x9c: {  	s6 =	simm.s32 $0x0;
	s20 =	sshll.u32 s4, $0x1;
	s4 =	sadd.s32 s21, s2  }
0x9d: {  	[timem:s6], [sflag:s22] =	dma.local [hbm:s4], s20  }
0x9e: {  	_ =	swait.ge [sflag:s22], s20  }
0x9f: {  	s3 =	ssub.s32 $0x0, s20;
	[sflag:s22] =	ssyncset.done $0x0  }
0xa0: {  	[sflag:s22] =	ssyncadd.s32 s3;
	_ =	sdelay $0x1  }
0xa1: {  	s23 =	simm.s32 $0x1B8B  }
0xa2: {  	_ =	swait.ge [sflag:s23], $0x1  }
0xa3: {  	[sflag:s23] =	ssyncset.done $0x0  }
0xa4: {  	s25 =	simm.s32 $0x1B8E;
	s24 =	sld [smem:$0x3FFE];
	[sflag:s23] =	ssyncadd.s32 $0xFFFFFFFF  }
0xa5: {  	s26 =	simm.s32 $execute0_lowered;
	[smem:$0x3FD2] =	sst s25  }
0xa6: {  	s4 =	sshll.u32 s26, $0x1;
	_ =	strace $0x80000046;
	[dreg:$0x1] =	wrdreg $0xFFFFFFFF  }
0xa7: {  	s28 =	simm.s32 $_size_execute0_lowered;
	s2 =	sadd.s32 s2, s4;
	[dreg:$0x0] =	wrdreg $0x0  }
0xa8: {  	s4 =	sshll.u32 s28, $0x1;
	[dreg:$0x2] =	wrdreg s2  }
0xa9: {  	[dreg:$0x3] =	wrdreg s4  }
0xaa: {  	[dreg:$0x4] =	wrdreg $0xC0  }
0xab: {  	_ =	task [dreg:s6], $0x5FFFF  }
0xac: {  	[dreg:$0x1] =	wrdreg $0xFFFFFFFF  }
0xad: {  	[dreg:$0x0] =	wrdreg $0x60  }
0xae: {  	[dreg:$0x2] =	wrdreg s24  }
0xaf: {  	[dreg:$0x3] =	wrdreg $0x9  }
0xb0: {  	_ =	task.clear_ibuf [dreg:s6], $0x4FFFF;
	_ =	strace $0x90000046  }
0xb1: {  	s29 =	simm.s32 $0x9;
	_ =	strace $0x80000048  }
0xb2: {  	_ =	swait.ge [sflag:s29], $0x1  }
0xb3: {  	[sflag:s29] =	ssyncadd.s32 $0xFFFFFFFF  }
0xb4: {  	_ =	strace $0x90000048  }
0xb5: {  	_ =	sfence  }
0xb6: {  	s30 =	sld [smem:$0x0];
	_ =	sdelay $0x2  }
0xb7: {  	s31 =	sshll.u32 s1, $0xD;
	s1 =	sshrl.u32 s1, $0x2  }
0xb8: {  	s3 =	sand.u32 $0x4000, s31;
	s1 =	sadd.s32 s1, s30  }
0xb9: {  	s0 =	sor.u32 s3, s0;
	s1 =	sshll.u32 s1, $0x11  }
0xba: {  	s0 =	sor.u32 s1, s0  }
0xbb: {  	s0 =	sadd.s32 $0x8F2B, s0  }
0xbc: {  	[sflag:s0] =	ssyncadd.remote.s32 $0x1  }
0xbd: {  	_ =	sfence.sel $0xFFFF  }
0xbe: {  	[dreg:$0x0] =	wrdreg $0xFFFFFFFF;
	(pc) =	sbr.abs _section_cstart, $3  }
0xbf: {  	[dreg:$0x1] =	wrdreg $0xFFFFFFFF  }
0xc0: {  	_ =	task.clear_ibuf [dreg:s6], $0x2FFFF;
	_ =	strace $0x9FFFFFFF  }
0xc1: {  	(tm) =	ssettm $0x7FFFFFFF  }
tec
execute0_lowered:
.L_overlay_start_1:
0x0: {  	(tag) =	ssettag $0x1  }
0x1: {  	s0 =	rddreg [dreg:$0x0];
	s21 =	simm.s32 $0x0;
	s2 =	srdreg.scid  }
0x2: {  	s8 =	stileid.u32;
	[smem:$0x7FF] =	sst s21;
	s1 =	sadd.s32 $0x384400, s0  }
0x3: {  	s3 =	sadd.s32 $0x4400, s0;
	s2 =	sand.u32 $0x1, s2;
	s4 =	sadd.s32 $0x84400, s0  }
0x4: {  	s5 =	sshll.u32 s8, $0x4;
	s7 =	sadd.s32 $0x104400, s0;
	s17 =	sshll.u32 s8, $0x6  }
0x5: {  	s18 =	sadd.s32 $0x184400, s0;
	s10 =	sadd.s32 $0x204400, s0;
	s6 =	sshll.u32 s2, $0x3  }
0x6: {  	s11 =	sadd.s32 $0x284400, s0;
	_ =	strace $0x80000047;
	s5 =	sor.u32 s6, s5  }
0x7: {  	s2 =	ssub.s32 $0x2, s2;
	s9 =	sand.u32 $0x78, s5;
	s5 =	sshll.u32 s5, $0x9  }
0x8: {  	s6 =	sand.u32 $0x200, s17;
	s19 =	sshrl.u32 s2, $0x1;
	s12 =	sor.u32 $0x60020, s5  }
0x9: {  	s2 =	ssub.s32 s2, s19;
	s6 =	sor.u32 s6, s9;
	s22 =	sadd.s32 s1, s12  }
0xa: {  	s9 =	sadd.s32 $0x304400, s0;
	s23 =	sadd.s32 s3, s12;
	[dreg:$0x4] =	wrdreg s22  }
0xb: {  	s6 =	sshrl.u32 s6, $0x3;
	s28 =	sadd.s32 s4, s12;
	[dreg:$0x5] =	wrdreg s23  }
0xc: {  	s15 =	sadd.s32 s18, s12;
	s19 =	sadd.s32 s10, s12;
	[dreg:$0xb] =	wrdreg s28  }
0xd: {  	s0 =	sadd.s32 s6, s0;
	s6 =	sor.u32 $0x60000, s5;
	[dreg:$0x13] =	wrdreg s15  }
0xe: {  	[dreg:$0x17] =	wrdreg s19;
	s13 =	sadd.s32 s1, s6  }
0xf: {  	s20 =	sadd.s32 s3, s6;
	[dreg:$0x2] =	wrdreg s13  }
0x10: {  	s26 =	sadd.s32 s4, s6;
	[dreg:$0x3] =	wrdreg s20  }
0x11: {  	s31 =	sadd.s32 s7, s6;
	[dreg:$0xa] =	wrdreg s26  }
0x12: {  	s23 =	sadd.s32 s11, s6;
	[dreg:$0xe] =	wrdreg s31  }
0x13: {  	s13 =	sor.u32 $0x60040, s5;
	[dreg:$0x1a] =	wrdreg s23;
	s26 =	sadd.s32 s9, s12  }
0x14: {  	s14 =	sadd.s32 s1, s13;
	[dreg:$0x1d] =	wrdreg s26  }
0x15: {  	s5 =	sor.u32 $0x60060, s5;
	s24 =	sadd.s32 s3, s13;
	[dreg:$0x6] =	wrdreg s14  }
0x16: {  	s1 =	sadd.s32 s1, s5;
	[dreg:$0x7] =	wrdreg s24  }
0x17: {  	s25 =	sadd.s32 s3, s5;
	[dreg:$0x8] =	wrdreg s1  }
0x18: {  	s29 =	sadd.s32 s4, s13;
	[dreg:$0x9] =	wrdreg s25  }
0x19: {  	s30 =	sadd.s32 s4, s5;
	[dreg:$0xc] =	wrdreg s29  }
0x1a: {  	s3 =	sadd.s32 s7, s12;
	[dreg:$0xd] =	wrdreg s30  }
0x1b: {  	s4 =	sadd.s32 s7, s13;
	[dreg:$0xf] =	wrdreg s3  }
0x1c: {  	s7 =	sadd.s32 s7, s5;
	[dreg:$0x10] =	wrdreg s4  }
0x1d: {  	s8 =	smax.u32 s2, $0x1;
	s16 =	sadd.s32 s18, s13;
	[dreg:$0x11] =	wrdreg s7  }
0x1e: {  	s15 =	simm.s32 $0x3;
	s17 =	sadd.s32 s18, s5;
	[dreg:$0x14] =	wrdreg s16  }
0x1f: {  	s19 =	simm.s32 $0x5;
	s20 =	sadd.s32 s10, s13;
	[dreg:$0x15] =	wrdreg s17  }
0x20: {  	s22 =	sadd.s32 s10, s5;
	s28 =	sadd.s32 s11, s13;
	[dreg:$0x18] =	wrdreg s20  }
0x21: {  	s31 =	sadd.s32 s9, s5;
	s14 =	sadd.s32 s18, s6;
	[dreg:$0x19] =	wrdreg s22  }
0x22: {  	s18 =	sadd.s32 s10, s6;
	s24 =	sadd.s32 s9, s6;
	[dreg:$0x1e] =	wrdreg s28  }
0x23: {  	s25 =	sadd.s32 s11, s12;
	s29 =	sadd.s32 s9, s13;
	[smem:$0x7FD] =	sst s31  }
0x24: {  	s30 =	sadd.s32 s11, s5;
	s4 =	sadd.s32 $0x404400, s0;
	s5 =	sadd.s32 $0x404410, s0  }
0x25: {  	s6 =	sadd.s32 $0x404420, s0;
	s7 =	sadd.s32 $0x404430, s0;
	[dreg:$0x12] =	wrdreg s14  }
0x26: {  	s9 =	simm.s32 $0x100;
	s10 =	simm.s32 $0x400;
	[dreg:$0x16] =	wrdreg s18  }
0x27: {  	s11 =	simm.s32 $0x4000;
	s12 =	simm.s32 $0x2000;
	[dreg:$0x1b] =	wrdreg s24  }
0x28: {  	s13 =	simm.s32 $0x6000;
	s16 =	simm.s32 $0x2;
	[dreg:$0x1c] =	wrdreg s25  }
0x29: {  	s17 =	simm.s32 $0x4;
	s20 =	simm.s32 $0x0;
	[dreg:$0x1f] =	wrdreg s29  }
0x2a: {  	v0 =	vlaneseq.u32;
	[smem:$0x7FC] =	sst s30;
	s14 =	simm.s32 $0x1;
	s18 =	simm.s32 $0x8000  }
.LBB2_1:
0x2b: {  	s0 =	rddreg [dreg:$0x2]  }
0x2c: {  	[tilespmem:s21], [sflag:$0x1] =	stream.strided.gather [hbm4b:s0+s9], $0x2000, s10, s9, $0x38;
	[tilespmem:$0x8080] =	vst v63  }
0x2d: {  	s29 =	rddreg [dreg:$0x3]  }
0x2e: {  	[tilespmem:s11], [sflag:$0x3] =	stream.strided.gather [hbm4b:s29+s9], $0x2000, s10, s9, $0x38;
	[tilespmem:$0x8080] =	vst v63  }
0x2f: {  	s30 =	rddreg [dreg:$0x4]  }
0x30: {  	[tilespmem:s12], [sflag:$0x2] =	stream.strided.gather [hbm4b:s30+s9], $0x2000, s10, s9, $0x38;
	[tilespmem:$0x8080] =	vst v63  }
0x31: {  	s31 =	rddreg [dreg:$0x5]  }
0x32: {  	[tilespmem:s13], [sflag:$0x4] =	stream.strided.gather [hbm4b:s31+s9], $0x2000, s10, s9, $0x38;
	[tilespmem:$0x8080] =	vst v63  }
0x33: {  	_ =	swait.ge [sflag:s14], $0x2000  }
0x34: {  	[sflag:s14] =	ssyncset.done $0x0  }
0x35: {  	[sflag:s14] =	ssyncadd.s32 $0xFFFFE000  }
0x36: {  	_ =	swait.ge [sflag:s15], $0x2000  }
0x37: {  	[sflag:s15] =	ssyncset.done $0x0  }
0x38: {  	p1 =	por $0x1, $0x1;
	v2 =	vimm.f32 $0.0e+00;
	v1 =	vimm.f32 $0.0e+00;
	s21 =	simm.s32 $0x0;
	[sflag:s15] =	ssyncadd.s32 $0xFFFFE000  }
.LBB2_2:
0x39: {  	s22 =	sshll.u32 s21, $0x7;
	s0 =	simm.s32 $0x0  }
0x3a: {  	s24 =	sor.u32 $0x30, s22;
	s2 =	sand.u32 $0x40, s0  }
0x3b: {  	s0 =	sand.u32 $0x1F00, s0;
	s23 =	sor.u32 s24, s2  }
0x3c: {  	s25 =	sor.u32 s0, s23  }
0x3d: {  	s26 =	sor.u32 s22, s2;
	v3 =	vld [tilespmem:s25+$0x4000]  }
0x3e: {  	s23 =	sor.u32 $0x10, s22;
	s26 =	sor.u32 s0, s26;
	v4 =	vld [tilespmem:s25+$0x0]  }
0x3f: {  	s28 =	sor.u32 s23, s2;
	v5 =	vld [tilespmem:s26+$0x4000]  }
0x40: {  	s25 =	sor.u32 $0x20, s22;
	v6 =	vld [tilespmem:s26+$0x0];
	s28 =	sor.u32 s0, s28  }
0x41: {  	s1 =	simm.s32 $0x40;
	s2 =	sor.u32 s25, s2;
	v7 =	vld [tilespmem:s28+$0x4000]  }
0x42: {  	s3 =	simm.s32 $0x80;
	s0 =	sor.u32 s0, s2;
	s2 =	sand.u32 $0x40, s1;
	v8 =	vld [tilespmem:s28+$0x0]  }
0x43: {  	s26 =	sand.u32 $0x1F00, s3;
	s28 =	sor.u32 s24, s2;
	v9 =	vld [tilespmem:s0+$0x4000]  }
0x44: {  	v10 =	vld [tilespmem:s0+$0x0];
	s28 =	sor.u32 s26, s28  }
0x45: {  	v11 =	vld [tilespmem:s28+$0x4000]  }
0x46: {  	s1 =	sor.u32 s22, s2;
	v3 =	vsub.f32 v3, v4;
	v12 =	vld [tilespmem:s28+$0x0]  }
0x47: {  	s0 =	sor.u32 s26, s1;
	v4 =	vsub.f32 v5, v6  }
0x48: {  	s28 =	sor.u32 s23, s2;
	v6 =	vld [tilespmem:s0+$0x4000];
	v3 =	vmul.f32 v3, v3;
	v5 =	vsub.f32 v7, v8  }
0x49: {  	s29 =	sor.u32 s26, s28;
	v4 =	vmul.f32 v4, v4;
	v8 =	vld [tilespmem:s0+$0x0]  }
0x4a: {  	p0 =	por p1, p1;
	s3 =	simm.s32 $0x80;
	s2 =	sor.u32 s25, s2;
	v7 =	vld [tilespmem:s29+$0x4000];
	v9 =	vsub.f32 v9, v10;
	v3 =	vadd.f32 v3, v2;
	v5 =	vmul.f32 v5, v5  }
0x4b: {  	s30 =	sand.u32 $0x40, s3;
	s28 =	sor.u32 s26, s2;
	s26 =	simm.s32 $0x100;
	v10 =	vld [tilespmem:s29+$0x0];
	v4 =	vadd.f32 v4, v2;
	v12 =	vsub.f32 v11, v12  }
0x4c: {  	s31 =	sand.u32 $0x1F00, s26;
	s0 =	sor.u32 s24, s30;
	s29 =	simm.s32 $0xC0;
	v11 =	vld [tilespmem:s28+$0x4000];
	v13 =	vmul.f32 v9, v9;
	v9 =	vimm.f32 $0.0e+00;
	v5 =	vadd.f32 v5, v2  }
.LBB2_3:
0x4d: {  	p1 =	sne.s32 s29, $0xFC0;
	s2 =	sor.u32 s22, s30;
	s0 =	sor.u32 s31, s0;
	v14 =	vld [tilespmem:s28+$0x0]  }
0x4e: {  	s28 =	sor.u32 s23, s30;
	s30 =	sor.u32 s25, s30;
	s2 =	sor.u32 s31, s2;
	v15 =	vld [tilespmem:s0+$0x4000];
	v8 =	vsub.f32 v6, v8;
	v12 =	vmul.f32 v12, v12;
	v9 =	vadd.f32 v13, v9  }
0x4f: {  	s1 =	sor.u32 s31, s28;
	s28 =	sor.u32 s31, s30;
	v13 =	vld [tilespmem:s0+$0x0]  }
.Ltmp0:
0x50: {  	v6 =	vld [tilespmem:s2+$0x4000];
	v10 =	vsub.f32 v7, v10;
	v16 =	vmul.f32 v8, v8;
	v3 =	vadd.f32 v12, v3;
	(pc) =	sbr.rel @p1 .LBB2_3-.Ltmp0, $4  }
0x51: {  	v8 =	vld [tilespmem:s2+$0x0]  }
0x52: {  	v7 =	vld [tilespmem:s1+$0x4000];
	v14 =	vsub.f32 v11, v14;
	v4 =	vadd.f32 v16, v4;
	v16 =	vmul.f32 v10, v10  }
0x53: {  	s26 =	sadd.s32 $0x80, s26;
	s30 =	sand.u32 $0x40, s29;
	v10 =	vld [tilespmem:s1+$0x0]  }
0x54: {  	s31 =	sand.u32 $0x1F00, s26;
	s29 =	sadd.s32 $0x40, s29;
	s0 =	sor.u32 s24, s30;
	v11 =	vld [tilespmem:s28+$0x4000];
	v12 =	vsub.f32 v15, v13;
	v5 =	vadd.f32 v16, v5;
	v13 =	vmul.f32 v14, v14  }
0x55: {  	s0 =	sor.u32 s31, s0;
	v14 =	vld [tilespmem:s28+$0x0]  }
0x56: {  	s1 =	sor.u32 s22, s30;
	v15 =	vld [tilespmem:s0+$0x4000]  }
0x57: {  	s1 =	sor.u32 s31, s1;
	v16 =	vld [tilespmem:s0+$0x0]  }
0x58: {  	s29 =	sor.u32 s23, s30;
	v17 =	vld [tilespmem:s1+$0x4000]  }
0x59: {  	s0 =	sor.u32 s31, s29;
	v18 =	vld [tilespmem:s1+$0x0]  }
0x5a: {  	s30 =	sor.u32 s25, s30;
	v19 =	vld [tilespmem:s0+$0x4000]  }
0x5b: {  	s1 =	sor.u32 s31, s30;
	v20 =	vld [tilespmem:s0+$0x0]  }
0x5c: {  	v6 =	vsub.f32 v6, v8;
	v55 =	vld [tilespmem:s1+$0x4000]  }
0x5d: {  	v12 =	vmul.f32 v12, v12;
	v21 =	vld [tilespmem:s1+$0x0]  }
0x5e: {  	v9 =	vadd.f32 v13, v9;
	v6 =	vmul.f32 v6, v6  }
0x5f: {  	v7 =	vsub.f32 v7, v10;
	v3 =	vadd.f32 v12, v3  }
0x60: {  	v56 =	vsub.f32 v11, v14;
	v4 =	vadd.f32 v6, v4  }
0x61: {  	v7 =	vmul.f32 v7, v7;
	v57 =	vsub.f32 v15, v16;
	v58 =	vsub.f32 v17, v18  }
0x62: {  	v10 =	vmul.f32 v56, v56;
	v59 =	vsub.f32 v19, v20;
	v8 =	vsub.f32 v55, v21  }
0x63: {  	v5 =	vadd.f32 v7, v5;
	v6 =	vmul.f32 v57, v57;
	v60 =	vmul.f32 v58, v58  }
0x64: {  	v9 =	vadd.f32 v10, v9;
	v61 =	vmul.f32 v59, v59;
	v8 =	vmul.f32 v8, v8  }
0x65: {  	v3 =	vadd.f32 v6, v3;
	v4 =	vadd.f32 v60, v4  }
0x66: {  	v5 =	vadd.f32 v61, v5;
	v62 =	vadd.f32 v8, v9;
	_ =	sdelay $0x1  }
0x67: {  	v4 =	vadd.f32 v5, v4;
	v3 =	vadd.f32 v3, v62;
	_ =	sdelay $0x1  }
0x68: {  	v3 =	vadd.f32 v3, v4;
	_ =	sdelay $0x1  }
0x69: {  	(xrf2) =	vadd.scan.msk.f32 $0xffff, v3;
	_ =	sdelay $0x8  }
.Ltmp1:
0x6a: {  	_ = 	snop;
	(pc) =	sbr.rel @p0 .LBB2_2-.Ltmp1, $4  }
0x6b: {  	v3, _, _ =	vpop (xrf2)  }
0x6c: {  	v63 =	vmov s21;
	v3 =	vbroadcast v3, $0xF  }
0x6d: {  	vm0 =	veq.s32 v63, v0  }
0x6e: {  	s21 =	simm.s32 $0x1;
	p1 =	por $0x0, $0x0;
	v1 =	vsel vm0, v3, v1  }
0x6f: {  	s21 =	simm.s32 $0x0;
	s0 =	rddreg [dreg:$0x6]  }
0x70: {  	[tilespmem:s21], [sflag:$0x1] =	stream.strided.gather [hbm4b:s0+s9], $0x2000, s10, s9, $0x38;
	[tilespmem:$0x8080] =	vst v63  }
0x71: {  	s31 =	rddreg [dreg:$0x7]  }
0x72: {  	[tilespmem:s11], [sflag:$0x3] =	stream.strided.gather [hbm4b:s31+s9], $0x2000, s10, s9, $0x38;
	[tilespmem:$0x8080] =	vst v63  }
0x73: {  	_ =	swait.ge [sflag:s16], $0x2000  }
0x74: {  	[sflag:s16] =	ssyncset.done $0x0  }
0x75: {  	[sflag:s16] =	ssyncadd.s32 $0xFFFFE000  }
0x76: {  	_ =	swait.ge [sflag:s17], $0x2000  }
0x77: {  	[sflag:s17] =	ssyncset.done $0x0  }
0x78: {  	p1 =	por $0x1, $0x1;
	s22 =	simm.s32 $0x0;
	[sflag:s17] =	ssyncadd.s32 $0xFFFFE000  }
.LBB2_6:
0x79: {  	s23 =	sshll.u32 s22, $0x7;
	s0 =	sand.u32 $0x40, s21  }
0x7a: {  	s1 =	sand.u32 $0x1F00, s21;
	s26 =	sor.u32 s23, s0  }
0x7b: {  	s25 =	sor.u32 $0x30, s23;
	s28 =	sor.u32 s1, s26  }
0x7c: {  	s2 =	sor.u32 s25, s0;
	v4 =	vld [tilespmem:s28+$0x6000]  }
0x7d: {  	s24 =	sor.u32 $0x10, s23;
	s2 =	sor.u32 s1, s2;
	v5 =	vld [tilespmem:s28+$0x2000]  }
0x7e: {  	s3 =	sor.u32 s24, s0;
	v2 =	vld [tilespmem:s2+$0x6000]  }
0x7f: {  	s26 =	sor.u32 $0x20, s23;
	v3 =	vld [tilespmem:s2+$0x2000];
	s2 =	sor.u32 s1, s3  }
0x80: {  	s28 =	simm.s32 $0x40;
	s0 =	sor.u32 s26, s0;
	v6 =	vld [tilespmem:s2+$0x6000]  }
0x81: {  	s0 =	sor.u32 s1, s0;
	s1 =	sand.u32 $0x40, s28;
	s3 =	simm.s32 $0x80;
	v7 =	vld [tilespmem:s2+$0x2000]  }
0x82: {  	s2 =	sand.u32 $0x1F00, s3;
	s28 =	sor.u32 s25, s1;
	v9 =	vld [tilespmem:s0+$0x6000]  }
0x83: {  	v10 =	vld [tilespmem:s0+$0x2000];
	s28 =	sor.u32 s2, s28  }
0x84: {  	v11 =	vld [tilespmem:s28+$0x6000]  }
0x85: {  	s3 =	sor.u32 s23, s1;
	v12 =	vld [tilespmem:s28+$0x2000]  }
0x86: {  	s0 =	sor.u32 s2, s3;
	v2 =	vsub.f32 v2, v3  }
0x87: {  	s28 =	sor.u32 s24, s1;
	v8 =	vld [tilespmem:s0+$0x2000];
	v3 =	vsub.f32 v4, v5;
	v4 =	vsub.f32 v6, v7  }
0x88: {  	s28 =	sor.u32 s2, s28;
	v5 =	vld [tilespmem:s0+$0x6000];
	v13 =	vsub.f32 v9, v10;
	v6 =	vmul.f32 v2, v2  }
0x89: {  	p0 =	por p1, p1;
	s3 =	simm.s32 $0x80;
	s1 =	sor.u32 s26, s1;
	v7 =	vld [tilespmem:s28+$0x6000];
	v3 =	vmul.f32 v3, v3;
	v2 =	vimm.f32 $0.0e+00;
	v14 =	vmul.f32 v4, v4  }
0x8a: {  	s29 =	sor.u32 s2, s1;
	s0 =	sand.u32 $0x40, s3;
	v9 =	vld [tilespmem:s28+$0x2000];
	s28 =	simm.s32 $0x100;
	v11 =	vsub.f32 v11, v12;
	v4 =	vadd.f32 v6, v2  }
0x8b: {  	s30 =	simm.s32 $0xC0;
	s2 =	sor.u32 s25, s0;
	v10 =	vld [tilespmem:s29+$0x6000];
	s31 =	sand.u32 $0x1F00, s28;
	v12 =	vmul.f32 v13, v13;
	v3 =	vadd.f32 v3, v2;
	v6 =	vadd.f32 v14, v2  }
.LBB2_7:
0x8c: {  	p1 =	sne.s32 s30, $0xFC0;
	s1 =	sor.u32 s23, s0;
	s2 =	sor.u32 s31, s2;
	v13 =	vld [tilespmem:s29+$0x2000]  }
0x8d: {  	s29 =	sor.u32 s24, s0;
	s0 =	sor.u32 s26, s0;
	s1 =	sor.u32 s31, s1;
	v14 =	vld [tilespmem:s2+$0x6000];
	v8 =	vsub.f32 v5, v8;
	v11 =	vmul.f32 v11, v11;
	v2 =	vadd.f32 v12, v2  }
0x8e: {  	s3 =	sor.u32 s31, s29;
	s29 =	sor.u32 s31, s0;
	v12 =	vld [tilespmem:s2+$0x2000]  }
.Ltmp2:
0x8f: {  	v5 =	vld [tilespmem:s1+$0x6000];
	v9 =	vsub.f32 v7, v9;
	v15 =	vmul.f32 v8, v8;
	v4 =	vadd.f32 v11, v4;
	(pc) =	sbr.rel @p1 .LBB2_7-.Ltmp2, $4  }
0x90: {  	v8 =	vld [tilespmem:s1+$0x2000]  }
0x91: {  	v7 =	vld [tilespmem:s3+$0x6000];
	v13 =	vsub.f32 v10, v13;
	v3 =	vadd.f32 v15, v3;
	v15 =	vmul.f32 v9, v9  }
0x92: {  	s28 =	sadd.s32 $0x80, s28;
	s0 =	sand.u32 $0x40, s30;
	v9 =	vld [tilespmem:s3+$0x2000]  }
0x93: {  	s31 =	sand.u32 $0x1F00, s28;
	s30 =	sadd.s32 $0x40, s30;
	s2 =	sor.u32 s25, s0;
	v10 =	vld [tilespmem:s29+$0x6000];
	v11 =	vsub.f32 v14, v12;
	v6 =	vadd.f32 v15, v6;
	v12 =	vmul.f32 v13, v13  }
0x94: {  	s1 =	sor.u32 s31, s2;
	v13 =	vld [tilespmem:s29+$0x2000]  }
0x95: {  	s28 =	sor.u32 s23, s0;
	v14 =	vld [tilespmem:s1+$0x6000]  }
0x96: {  	s2 =	sor.u32 s31, s28;
	v15 =	vld [tilespmem:s1+$0x2000]  }
0x97: {  	s29 =	sor.u32 s24, s0;
	v16 =	vld [tilespmem:s2+$0x6000]  }
0x98: {  	s1 =	sor.u32 s31, s29;
	v17 =	vld [tilespmem:s2+$0x2000]  }
0x99: {  	s30 =	sor.u32 s26, s0;
	v18 =	vld [tilespmem:s1+$0x6000]  }
0x9a: {  	s0 =	sor.u32 s31, s30;
	v19 =	vld [tilespmem:s1+$0x2000]  }
0x9b: {  	v5 =	vsub.f32 v5, v8;
	v56 =	vld [tilespmem:s0+$0x6000]  }
0x9c: {  	v11 =	vmul.f32 v11, v11;
	v20 =	vld [tilespmem:s0+$0x2000]  }
0x9d: {  	v2 =	vadd.f32 v12, v2;
	v5 =	vmul.f32 v5, v5  }
0x9e: {  	v7 =	vsub.f32 v7, v9;
	v4 =	vadd.f32 v11, v4  }
0x9f: {  	v57 =	vsub.f32 v10, v13;
	v3 =	vadd.f32 v5, v3  }
0xa0: {  	v7 =	vmul.f32 v7, v7;
	v58 =	vsub.f32 v14, v15;
	v59 =	vsub.f32 v16, v17  }
0xa1: {  	v9 =	vmul.f32 v57, v57;
	v60 =	vsub.f32 v18, v19;
	v8 =	vsub.f32 v56, v20  }
0xa2: {  	v6 =	vadd.f32 v7, v6;
	v5 =	vmul.f32 v58, v58;
	v61 =	vmul.f32 v59, v59  }
0xa3: {  	v2 =	vadd.f32 v9, v2;
	v62 =	vmul.f32 v60, v60;
	v8 =	vmul.f32 v8, v8  }
0xa4: {  	v4 =	vadd.f32 v5, v4;
	v3 =	vadd.f32 v61, v3  }
0xa5: {  	v63 =	vadd.f32 v62, v6;
	v2 =	vadd.f32 v8, v2;
	_ =	sdelay $0x1  }
0xa6: {  	v3 =	vadd.f32 v63, v3;
	v2 =	vadd.f32 v4, v2;
	_ =	sdelay $0x1  }
0xa7: {  	v2 =	vadd.f32 v2, v3;
	_ =	sdelay $0x1  }
0xa8: {  	(xrf2) =	vadd.scan.msk.f32 $0xffff, v2;
	_ =	sdelay $0x8  }
.Ltmp3:
0xa9: {  	_ = 	snop;
	(pc) =	sbr.rel @p0 .LBB2_6-.Ltmp3, $4  }
0xaa: {  	s31 =	sor.u32 $0x2, s22;
	v2, _, _ =	vpop (xrf2)  }
0xab: {  	v3 =	vmov s31;
	v2 =	vbroadcast v2, $0xF  }
0xac: {  	vm0 =	veq.s32 v3, v0  }
0xad: {  	p1 =	por $0x0, $0x0;
	s22 =	simm.s32 $0x1;
	v1 =	vsel vm0, v2, v1  }
0xae: {  	s0 =	rddreg [dreg:$0x8]  }
0xaf: {  	[tilespmem:s12], [sflag:$0x2] =	stream.strided.gather [hbm4b:s0+s9], $0x2000, s10, s9, $0x38;
	[tilespmem:$0x8080] =	vst v63  }
0xb0: {  	s31 =	rddreg [dreg:$0x9]  }
0xb1: {  	[tilespmem:s13], [sflag:$0x4] =	stream.strided.gather [hbm4b:s31+s9], $0x2000, s10, s9, $0x38;
	[tilespmem:$0x8080] =	vst v63  }
0xb2: {  	_ =	swait.ge [sflag:s14], $0x2000  }
0xb3: {  	[sflag:s14] =	ssyncset.done $0x0  }
0xb4: {  	[sflag:s14] =	ssyncadd.s32 $0xFFFFE000  }
0xb5: {  	_ =	swait.ge [sflag:s15], $0x2000  }
0xb6: {  	s21 =	simm.s32 $0x0;
	[sflag:s15] =	ssyncset.done $0x0  }
0xb7: {  	p1 =	por $0x1, $0x1;
	s22 =	simm.s32 $0x0;
	[sflag:s15] =	ssyncadd.s32 $0xFFFFE000  }
.LBB2_10:
0xb8: {  	s23 =	sshll.u32 s22, $0x7;
	s0 =	sand.u32 $0x40, s21  }
0xb9: {  	s1 =	sand.u32 $0x1F00, s21;
	s25 =	sor.u32 $0x30, s23;
	s3 =	sor.u32 s23, s0  }
0xba: {  	s2 =	sor.u32 s25, s0;
	s3 =	sor.u32 s1, s3  }
0xbb: {  	s2 =	sor.u32 s1, s2;
	v4 =	vld [tilespmem:s3+$0x4000]  }
0xbc: {  	s24 =	sor.u32 $0x10, s23;
	v2 =	vld [tilespmem:s2+$0x4000]  }
0xbd: {  	v3 =	vld [tilespmem:s2+$0x0];
	s2 =	sor.u32 s24, s0  }
0xbe: {  	s26 =	sor.u32 $0x20, s23;
	v5 =	vld [tilespmem:s3+$0x0];
	s2 =	sor.u32 s1, s2  }
0xbf: {  	s3 =	simm.s32 $0x40;
	s0 =	sor.u32 s26, s0;
	v6 =	vld [tilespmem:s2+$0x4000]  }
0xc0: {  	s0 =	sor.u32 s1, s0;
	s1 =	sand.u32 $0x40, s3;
	s3 =	simm.s32 $0x80;
	v7 =	vld [tilespmem:s2+$0x0]  }
0xc1: {  	s2 =	sand.u32 $0x1F00, s3;
	s3 =	sor.u32 s25, s1;
	v9 =	vld [tilespmem:s0+$0x4000]  }
0xc2: {  	v10 =	vld [tilespmem:s0+$0x0];
	s3 =	sor.u32 s2, s3  }
0xc3: {  	s0 =	sor.u32 s23, s1;
	v11 =	vld [tilespmem:s3+$0x4000]  }
0xc4: {  	s0 =	sor.u32 s2, s0;
	v12 =	vld [tilespmem:s3+$0x0];
	v2 =	vsub.f32 v2, v3;
	v3 =	vsub.f32 v4, v5  }
0xc5: {  	s3 =	sor.u32 s24, s1;
	v8 =	vld [tilespmem:s0+$0x0];
	v4 =	vsub.f32 v6, v7  }
0xc6: {  	v5 =	vld [tilespmem:s0+$0x4000];
	s3 =	sor.u32 s2, s3;
	v6 =	vmul.f32 v2, v2;
	v3 =	vmul.f32 v3, v3  }
0xc7: {  	s28 =	simm.s32 $0x100;
	s1 =	sor.u32 s26, s1;
	s0 =	simm.s32 $0x80;
	v2 =	vimm.f32 $0.0e+00;
	v7 =	vld [tilespmem:s3+$0x4000];
	v13 =	vsub.f32 v9, v10;
	v14 =	vmul.f32 v4, v4  }
0xc8: {  	p0 =	por p1, p1;
	s29 =	sor.u32 s2, s1;
	s0 =	sand.u32 $0x40, s0;
	v9 =	vld [tilespmem:s3+$0x0];
	v4 =	vadd.f32 v6, v2;
	v3 =	vadd.f32 v3, v2  }
0xc9: {  	s30 =	simm.s32 $0xC0;
	s31 =	sand.u32 $0x1F00, s28;
	s2 =	sor.u32 s25, s0;
	v10 =	vld [tilespmem:s29+$0x4000];
	v11 =	vsub.f32 v11, v12;
	v12 =	vmul.f32 v13, v13;
	v6 =	vadd.f32 v14, v2  }
.LBB2_11:
0xca: {  	p1 =	sne.s32 s30, $0xFC0;
	s1 =	sor.u32 s23, s0;
	s2 =	sor.u32 s31, s2;
	v13 =	vld [tilespmem:s29+$0x0]  }
0xcb: {  	s3 =	sor.u32 s24, s0;
	s0 =	sor.u32 s26, s0;
	s1 =	sor.u32 s31, s1;
	v14 =	vld [tilespmem:s2+$0x4000];
	v8 =	vsub.f32 v5, v8;
	v11 =	vmul.f32 v11, v11;
	v2 =	vadd.f32 v12, v2  }
0xcc: {  	s3 =	sor.u32 s31, s3;
	s29 =	sor.u32 s31, s0;
	v12 =	vld [tilespmem:s2+$0x0]  }
.Ltmp4:
0xcd: {  	v5 =	vld [tilespmem:s1+$0x4000];
	v9 =	vsub.f32 v7, v9;
	v15 =	vmul.f32 v8, v8;
	v4 =	vadd.f32 v11, v4;
	(pc) =	sbr.rel @p1 .LBB2_11-.Ltmp4, $4  }
0xce: {  	v8 =	vld [tilespmem:s1+$0x0]  }
0xcf: {  	v7 =	vld [tilespmem:s3+$0x4000];
	v13 =	vsub.f32 v10, v13;
	v3 =	vadd.f32 v15, v3;
	v15 =	vmul.f32 v9, v9  }
0xd0: {  	s28 =	sadd.s32 $0x80, s28;
	s0 =	sand.u32 $0x40, s30;
	v9 =	vld [tilespmem:s3+$0x0]  }
0xd1: {  	s31 =	sand.u32 $0x1F00, s28;
	s30 =	sadd.s32 $0x40, s30;
	s2 =	sor.u32 s25, s0;
	v10 =	vld [tilespmem:s29+$0x4000];
	v11 =	vsub.f32 v14, v12;
	v6 =	vadd.f32 v15, v6;
	v12 =	vmul.f32 v13, v13  }
0xd2: {  	s1 =	sor.u32 s31, s2;
	v13 =	vld [tilespmem:s29+$0x0]  }
0xd3: {  	s28 =	sor.u32 s23, s0;
	v14 =	vld [tilespmem:s1+$0x4000]  }
0xd4: {  	s2 =	sor.u32 s31, s28;
	v15 =	vld [tilespmem:s1+$0x0]  }
0xd5: {  	s29 =	sor.u32 s24, s0;
	v16 =	vld [tilespmem:s2+$0x4000]  }
0xd6: {  	s1 =	sor.u32 s31, s29;
	v17 =	vld [tilespmem:s2+$0x0]  }
0xd7: {  	s30 =	sor.u32 s26, s0;
	v18 =	vld [tilespmem:s1+$0x4000]  }
0xd8: {  	s0 =	sor.u32 s31, s30;
	v19 =	vld [tilespmem:s1+$0x0]  }
0xd9: {  	v5 =	vsub.f32 v5, v8;
	v56 =	vld [tilespmem:s0+$0x4000]  }
0xda: {  	v11 =	vmul.f32 v11, v11;
	v20 =	vld [tilespmem:s0+$0x0]  }
0xdb: {  	v2 =	vadd.f32 v12, v2;
	v5 =	vmul.f32 v5, v5  }
0xdc: {  	v7 =	vsub.f32 v7, v9;
	v4 =	vadd.f32 v11, v4  }
0xdd: {  	v57 =	vsub.f32 v10, v13;
	v3 =	vadd.f32 v5, v3  }
0xde: {  	v7 =	vmul.f32 v7, v7;
	v58 =	vsub.f32 v14, v15;
	v59 =	vsub.f32 v16, v17  }
0xdf: {  	v9 =	vmul.f32 v57, v57;
	v60 =	vsub.f32 v18, v19;
	v8 =	vsub.f32 v56, v20  }
0xe0: {  	v6 =	vadd.f32 v7, v6;
	v5 =	vmul.f32 v58, v58;
	v61 =	vmul.f32 v59, v59  }
0xe1: {  	v2 =	vadd.f32 v9, v2;
	v62 =	vmul.f32 v60, v60;
	v8 =	vmul.f32 v8, v8  }
0xe2: {  	v4 =	vadd.f32 v5, v4;
	v3 =	vadd.f32 v61, v3  }
0xe3: {  	v63 =	vadd.f32 v62, v6;
	v2 =	vadd.f32 v8, v2;
	_ =	sdelay $0x1  }
0xe4: {  	v3 =	vadd.f32 v63, v3;
	v2 =	vadd.f32 v4, v2;
	_ =	sdelay $0x1  }
0xe5: {  	v2 =	vadd.f32 v2, v3;
	_ =	sdelay $0x1  }
0xe6: {  	(xrf2) =	vadd.scan.msk.f32 $0xffff, v2;
	_ =	sdelay $0x8  }
.Ltmp5:
0xe7: {  	_ = 	snop;
	(pc) =	sbr.rel @p0 .LBB2_10-.Ltmp5, $4  }
0xe8: {  	s31 =	sor.u32 $0x4, s22;
	v2, _, _ =	vpop (xrf2)  }
0xe9: {  	v3 =	vmov s31;
	v2 =	vbroadcast v2, $0xF  }
0xea: {  	vm0 =	veq.s32 v3, v0  }
0xeb: {  	p1 =	por $0x0, $0x0;
	s22 =	simm.s32 $0x1;
	v1 =	vsel vm0, v2, v1  }
0xec: {  	_ =	swait.ge [sflag:s16], $0x2000  }
0xed: {  	[sflag:s16] =	ssyncset.done $0x0  }
0xee: {  	[sflag:s16] =	ssyncadd.s32 $0xFFFFE000  }
0xef: {  	_ =	swait.ge [sflag:s17], $0x2000  }
0xf0: {  	s21 =	simm.s32 $0x0;
	[sflag:s17] =	ssyncset.done $0x0  }
0xf1: {  	p1 =	por $0x0, $0x0;
	s22 =	simm.s32 $0x0;
	[sflag:s17] =	ssyncadd.s32 $0xFFFFE000  }
.LBB2_14:
0xf2: {  	s23 =	sshll.u32 s22, $0x7;
	s0 =	sand.u32 $0x40, s21  }
0xf3: {  	s1 =	sand.u32 $0x1F00, s21;
	s25 =	sor.u32 $0x30, s23;
	s3 =	sor.u32 s23, s0  }
0xf4: {  	s2 =	sor.u32 s25, s0;
	s3 =	sor.u32 s1, s3  }
0xf5: {  	s2 =	sor.u32 s1, s2;
	v4 =	vld [tilespmem:s3+$0x6000]  }
0xf6: {  	s24 =	sor.u32 $0x10, s23;
	v2 =	vld [tilespmem:s2+$0x6000]  }
0xf7: {  	v3 =	vld [tilespmem:s2+$0x2000];
	s2 =	sor.u32 s24, s0  }
0xf8: {  	s26 =	sor.u32 $0x20, s23;
	v5 =	vld [tilespmem:s3+$0x2000];
	s2 =	sor.u32 s1, s2  }
0xf9: {  	s3 =	simm.s32 $0x40;
	s0 =	sor.u32 s26, s0;
	v6 =	vld [tilespmem:s2+$0x6000]  }
0xfa: {  	s0 =	sor.u32 s1, s0;
	s1 =	sand.u32 $0x40, s3;
	s3 =	simm.s32 $0x80;
	v7 =	vld [tilespmem:s2+$0x2000]  }
0xfb: {  	s2 =	sand.u32 $0x1F00, s3;
	s3 =	sor.u32 s25, s1;
	v9 =	vld [tilespmem:s0+$0x6000]  }
0xfc: {  	v10 =	vld [tilespmem:s0+$0x2000];
	s3 =	sor.u32 s2, s3  }
0xfd: {  	s0 =	sor.u32 s23, s1;
	v11 =	vld [tilespmem:s3+$0x6000]  }
0xfe: {  	s0 =	sor.u32 s2, s0;
	v12 =	vld [tilespmem:s3+$0x2000];
	v2 =	vsub.f32 v2, v3;
	v3 =	vsub.f32 v4, v5  }
0xff: {  	s3 =	sor.u32 s24, s1;
	v8 =	vld [tilespmem:s0+$0x2000];
	v4 =	vsub.f32 v6, v7  }
0x100: {  	v5 =	vld [tilespmem:s0+$0x6000];
	s3 =	sor.u32 s2, s3;
	v6 =	vmul.f32 v2, v2;
	v3 =	vmul.f32 v3, v3  }
0x101: {  	s28 =	simm.s32 $0x100;
	s1 =	sor.u32 s26, s1;
	s0 =	simm.s32 $0x80;
	v2 =	vimm.f32 $0.0e+00;
	v7 =	vld [tilespmem:s3+$0x6000];
	v13 =	vsub.f32 v9, v10;
	v14 =	vmul.f32 v4, v4  }
0x102: {  	p0 =	por p1, p1;
	s29 =	sor.u32 s2, s1;
	s0 =	sand.u32 $0x40, s0;
	v9 =	vld [tilespmem:s3+$0x2000];
	v4 =	vadd.f32 v6, v2;
	v3 =	vadd.f32 v3, v2  }
0x103: {  	s30 =	simm.s32 $0xC0;
	s31 =	sand.u32 $0x1F00, s28;
	s2 =	sor.u32 s25, s0;
	v10 =	vld [tilespmem:s29+$0x6000];
	v11 =	vsub.f32 v11, v12;
	v12 =	vmul.f32 v13, v13;
	v6 =	vadd.f32 v14, v2  }
.LBB2_15:
0x104: {  	p1 =	sne.s32 s30, $0xFC0;
	s1 =	sor.u32 s23, s0;
	s2 =	sor.u32 s31, s2;
	v13 =	vld [tilespmem:s29+$0x2000]  }
0x105: {  	s3 =	sor.u32 s24, s0;
	s0 =	sor.u32 s26, s0;
	s1 =	sor.u32 s31, s1;
	v14 =	vld [tilespmem:s2+$0x6000];
	v8 =	vsub.f32 v5, v8;
	v11 =	vmul.f32 v11, v11;
	v2 =	vadd.f32 v12, v2  }
0x106: {  	s3 =	sor.u32 s31, s3;
	s29 =	sor.u32 s31, s0;
	v12 =	vld [tilespmem:s2+$0x2000]  }
.Ltmp6:
0x107: {  	v5 =	vld [tilespmem:s1+$0x6000];
	v9 =	vsub.f32 v7, v9;
	v15 =	vmul.f32 v8, v8;
	v4 =	vadd.f32 v11, v4;
	(pc) =	sbr.rel @p1 .LBB2_15-.Ltmp6, $4  }
0x108: {  	v8 =	vld [tilespmem:s1+$0x2000]  }
0x109: {  	v7 =	vld [tilespmem:s3+$0x6000];
	v13 =	vsub.f32 v10, v13;
	v3 =	vadd.f32 v15, v3;
	v15 =	vmul.f32 v9, v9  }
0x10a: {  	s28 =	sadd.s32 $0x80, s28;
	s0 =	sand.u32 $0x40, s30;
	v9 =	vld [tilespmem:s3+$0x2000]  }
0x10b: {  	s31 =	sand.u32 $0x1F00, s28;
	s30 =	sadd.s32 $0x40, s30;
	s2 =	sor.u32 s25, s0;
	v10 =	vld [tilespmem:s29+$0x6000];
	v11 =	vsub.f32 v14, v12;
	v6 =	vadd.f32 v15, v6;
	v12 =	vmul.f32 v13, v13  }
0x10c: {  	s1 =	sor.u32 s31, s2;
	v13 =	vld [tilespmem:s29+$0x2000]  }
0x10d: {  	s28 =	sor.u32 s23, s0;
	v14 =	vld [tilespmem:s1+$0x6000]  }
0x10e: {  	s2 =	sor.u32 s31, s28;
	v15 =	vld [tilespmem:s1+$0x2000]  }
0x10f: {  	s29 =	sor.u32 s24, s0;
	v16 =	vld [tilespmem:s2+$0x6000]  }
0x110: {  	s1 =	sor.u32 s31, s29;
	v17 =	vld [tilespmem:s2+$0x2000]  }
0x111: {  	s30 =	sor.u32 s26, s0;
	v18 =	vld [tilespmem:s1+$0x6000]  }
0x112: {  	s0 =	sor.u32 s31, s30;
	v19 =	vld [tilespmem:s1+$0x2000]  }
0x113: {  	v5 =	vsub.f32 v5, v8;
	v56 =	vld [tilespmem:s0+$0x6000]  }
0x114: {  	v11 =	vmul.f32 v11, v11;
	v20 =	vld [tilespmem:s0+$0x2000]  }
0x115: {  	v2 =	vadd.f32 v12, v2;
	v5 =	vmul.f32 v5, v5  }
0x116: {  	v7 =	vsub.f32 v7, v9;
	v4 =	vadd.f32 v11, v4  }
0x117: {  	v57 =	vsub.f32 v10, v13;
	v3 =	vadd.f32 v5, v3  }
0x118: {  	v7 =	vmul.f32 v7, v7;
	v58 =	vsub.f32 v14, v15;
	v59 =	vsub.f32 v16, v17  }
0x119: {  	v9 =	vmul.f32 v57, v57;
	v60 =	vsub.f32 v18, v19;
	v8 =	vsub.f32 v56, v20  }
0x11a: {  	v6 =	vadd.f32 v7, v6;
	v5 =	vmul.f32 v58, v58;
	v61 =	vmul.f32 v59, v59  }
0x11b: {  	v2 =	vadd.f32 v9, v2;
	v62 =	vmul.f32 v60, v60;
	v8 =	vmul.f32 v8, v8  }
0x11c: {  	v4 =	vadd.f32 v5, v4;
	v3 =	vadd.f32 v61, v3  }
0x11d: {  	v63 =	vadd.f32 v62, v6;
	v2 =	vadd.f32 v8, v2;
	_ =	sdelay $0x1  }
0x11e: {  	v3 =	vadd.f32 v63, v3;
	v2 =	vadd.f32 v4, v2;
	_ =	sdelay $0x1  }
0x11f: {  	v2 =	vadd.f32 v2, v3;
	_ =	sdelay $0x1  }
0x120: {  	(xrf2) =	vadd.scan.msk.f32 $0xffff, v2;
	_ =	sdelay $0x8  }
.Ltmp7:
0x121: {  	_ = 	snop;
	(pc) =	sbr.rel @!p0 .LBB2_14-.Ltmp7, $4  }
0x122: {  	s31 =	sor.u32 $0x6, s22;
	v2, _, _ =	vpop (xrf2)  }
0x123: {  	v3 =	vmov s31;
	v2 =	vbroadcast v2, $0xF  }
0x124: {  	vm0 =	veq.s32 v3, v0  }
0x125: {  	p1 =	por $0x1, $0x1;
	s22 =	simm.s32 $0x1;
	v1 =	vsel vm0, v2, v1  }
0x126: {  	[tilespmem:$0x8000] =	vst v1;
	s21 =	simm.s32 $0x0  }
0x127: {  	[hbm4b:s4+s21] =	stream.linear.scatter [tilespmem:s18], [sflag:$0x5], $0x8, $0x38;
	[tilespmem:$0x8080] =	vst v63  }
0x128: {  	_ =	swait.ge [sflag:s19], $0x8  }
0x129: {  	[sflag:s19] =	ssyncset.done $0x0  }
0x12a: {  	s0 =	rddreg [dreg:$0xa];
	[sflag:s19] =	ssyncadd.s32 $0xFFFFFFF8  }
0x12b: {  	[tilespmem:s21], [sflag:$0x1] =	stream.strided.gather [hbm4b:s0+s9], $0x2000, s10, s9, $0x38;
	[tilespmem:$0x8080] =	vst v63  }
0x12c: {  	s29 =	rddreg [dreg:$0xe]  }
0x12d: {  	[tilespmem:s11], [sflag:$0x3] =	stream.strided.gather [hbm4b:s29+s9], $0x2000, s10, s9, $0x38;
	[tilespmem:$0x8080] =	vst v63  }
0x12e: {  	s30 =	rddreg [dreg:$0xb]  }
0x12f: {  	[tilespmem:s12], [sflag:$0x2] =	stream.strided.gather [hbm4b:s30+s9], $0x2000, s10, s9, $0x38;
	[tilespmem:$0x8080] =	vst v63  }
0x130: {  	s31 =	rddreg [dreg:$0xf]  }
0x131: {  	[tilespmem:s13], [sflag:$0x4] =	stream.strided.gather [hbm4b:s31+s9], $0x2000, s10, s9, $0x38;
	[tilespmem:$0x8080] =	vst v63  }
0x132: {  	_ =	swait.ge [sflag:s14], $0x2000  }
0x133: {  	[sflag:s14] =	ssyncset.done $0x0  }
0x134: {  	[sflag:s14] =	ssyncadd.s32 $0xFFFFE000  }
0x135: {  	_ =	swait.ge [sflag:s15], $0x2000  }
0x136: {  	[sflag:s15] =	ssyncset.done $0x0  }
0x137: {  	p1 =	por $0x1, $0x1;
	v2 =	vimm.f32 $0.0e+00;
	v1 =	vimm.f32 $0.0e+00;
	s22 =	simm.s32 $0x0;
	[sflag:s15] =	ssyncadd.s32 $0xFFFFE000  }
.LBB2_18:
0x138: {  	s23 =	sshll.u32 s22, $0x7;
	s0 =	sand.u32 $0x40, s21  }
0x139: {  	s1 =	sand.u32 $0x1F00, s21;
	s25 =	sor.u32 $0x30, s23;
	s3 =	sor.u32 s23, s0  }
0x13a: {  	s2 =	sor.u32 s25, s0;
	s3 =	sor.u32 s1, s3  }
0x13b: {  	s2 =	sor.u32 s1, s2;
	v5 =	vld [tilespmem:s3+$0x4000]  }
0x13c: {  	s24 =	sor.u32 $0x10, s23;
	v3 =	vld [tilespmem:s2+$0x4000]  }
0x13d: {  	v4 =	vld [tilespmem:s2+$0x0];
	s2 =	sor.u32 s24, s0  }
0x13e: {  	s26 =	sor.u32 $0x20, s23;
	v6 =	vld [tilespmem:s3+$0x0];
	s2 =	sor.u32 s1, s2  }
0x13f: {  	s3 =	simm.s32 $0x40;
	s0 =	sor.u32 s26, s0;
	v7 =	vld [tilespmem:s2+$0x4000]  }
0x140: {  	s0 =	sor.u32 s1, s0;
	s1 =	sand.u32 $0x40, s3;
	s3 =	simm.s32 $0x80;
	v8 =	vld [tilespmem:s2+$0x0]  }
0x141: {  	s2 =	sand.u32 $0x1F00, s3;
	s3 =	sor.u32 s25, s1;
	v9 =	vld [tilespmem:s0+$0x4000]  }
0x142: {  	v10 =	vld [tilespmem:s0+$0x0];
	s3 =	sor.u32 s2, s3  }
0x143: {  	v11 =	vld [tilespmem:s3+$0x4000]  }
0x144: {  	s0 =	sor.u32 s23, s1;
	v12 =	vld [tilespmem:s3+$0x0];
	v3 =	vsub.f32 v3, v4  }
0x145: {  	s0 =	sor.u32 s2, s0;
	v4 =	vsub.f32 v5, v6  }
0x146: {  	s3 =	sor.u32 s24, s1;
	v6 =	vld [tilespmem:s0+$0x4000];
	v3 =	vmul.f32 v3, v3;
	v5 =	vsub.f32 v7, v8  }
0x147: {  	s3 =	sor.u32 s2, s3;
	v4 =	vmul.f32 v4, v4;
	v8 =	vld [tilespmem:s0+$0x0]  }
0x148: {  	s28 =	simm.s32 $0x100;
	s1 =	sor.u32 s26, s1;
	s0 =	simm.s32 $0x80;
	v7 =	vld [tilespmem:s3+$0x4000];
	v9 =	vsub.f32 v9, v10;
	v3 =	vadd.f32 v3, v2;
	v5 =	vmul.f32 v5, v5  }
0x149: {  	p0 =	por p1, p1;
	s29 =	sor.u32 s2, s1;
	v10 =	vld [tilespmem:s3+$0x0];
	s31 =	sand.u32 $0x40, s0;
	v4 =	vadd.f32 v4, v2;
	v12 =	vsub.f32 v11, v12  }
0x14a: {  	s30 =	simm.s32 $0xC0;
	s0 =	sand.u32 $0x1F00, s28;
	s2 =	sor.u32 s25, s31;
	v11 =	vld [tilespmem:s29+$0x4000];
	v13 =	vmul.f32 v9, v9;
	v9 =	vimm.f32 $0.0e+00;
	v5 =	vadd.f32 v5, v2  }
.LBB2_19:
0x14b: {  	p1 =	sne.s32 s30, $0xFC0;
	s1 =	sor.u32 s23, s31;
	s2 =	sor.u32 s0, s2;
	v14 =	vld [tilespmem:s29+$0x0]  }
0x14c: {  	s3 =	sor.u32 s24, s31;
	s29 =	sor.u32 s26, s31;
	s1 =	sor.u32 s0, s1;
	v15 =	vld [tilespmem:s2+$0x4000];
	v8 =	vsub.f32 v6, v8;
	v12 =	vmul.f32 v12, v12;
	v9 =	vadd.f32 v13, v9  }
0x14d: {  	s3 =	sor.u32 s0, s3;
	s29 =	sor.u32 s0, s29;
	v13 =	vld [tilespmem:s2+$0x0]  }
.Ltmp8:
0x14e: {  	v6 =	vld [tilespmem:s1+$0x4000];
	v10 =	vsub.f32 v7, v10;
	v16 =	vmul.f32 v8, v8;
	v3 =	vadd.f32 v12, v3;
	(pc) =	sbr.rel @p1 .LBB2_19-.Ltmp8, $4  }
0x14f: {  	v8 =	vld [tilespmem:s1+$0x0]  }
0x150: {  	v7 =	vld [tilespmem:s3+$0x4000];
	v14 =	vsub.f32 v11, v14;
	v4 =	vadd.f32 v16, v4;
	v16 =	vmul.f32 v10, v10  }
0x151: {  	s31 =	sand.u32 $0x40, s30;
	s28 =	sadd.s32 $0x80, s28;
	v10 =	vld [tilespmem:s3+$0x0]  }
0x152: {  	s30 =	sadd.s32 $0x40, s30;
	s0 =	sand.u32 $0x1F00, s28;
	s2 =	sor.u32 s25, s31;
	v11 =	vld [tilespmem:s29+$0x4000];
	v12 =	vsub.f32 v15, v13;
	v5 =	vadd.f32 v16, v5;
	v13 =	vmul.f32 v14, v14  }
0x153: {  	s1 =	sor.u32 s0, s2;
	v14 =	vld [tilespmem:s29+$0x0]  }
0x154: {  	s28 =	sor.u32 s23, s31;
	v15 =	vld [tilespmem:s1+$0x4000]  }
0x155: {  	s2 =	sor.u32 s0, s28;
	v16 =	vld [tilespmem:s1+$0x0]  }
0x156: {  	s29 =	sor.u32 s24, s31;
	v17 =	vld [tilespmem:s2+$0x4000]  }
0x157: {  	s1 =	sor.u32 s0, s29;
	v18 =	vld [tilespmem:s2+$0x0]  }
0x158: {  	s30 =	sor.u32 s26, s31;
	v19 =	vld [tilespmem:s1+$0x4000]  }
0x159: {  	s31 =	sor.u32 s0, s30;
	v20 =	vld [tilespmem:s1+$0x0]  }
0x15a: {  	v6 =	vsub.f32 v6, v8;
	v55 =	vld [tilespmem:s31+$0x4000]  }
0x15b: {  	v12 =	vmul.f32 v12, v12;
	v21 =	vld [tilespmem:s31+$0x0]  }
0x15c: {  	v9 =	vadd.f32 v13, v9;
	v6 =	vmul.f32 v6, v6  }
0x15d: {  	v7 =	vsub.f32 v7, v10;
	v3 =	vadd.f32 v12, v3  }
0x15e: {  	v56 =	vsub.f32 v11, v14;
	v4 =	vadd.f32 v6, v4  }
0x15f: {  	v7 =	vmul.f32 v7, v7;
	v57 =	vsub.f32 v15, v16;
	v58 =	vsub.f32 v17, v18  }
0x160: {  	v10 =	vmul.f32 v56, v56;
	v59 =	vsub.f32 v19, v20;
	v8 =	vsub.f32 v55, v21  }
0x161: {  	v5 =	vadd.f32 v7, v5;
	v6 =	vmul.f32 v57, v57;
	v60 =	vmul.f32 v58, v58  }
0x162: {  	v9 =	vadd.f32 v10, v9;
	v61 =	vmul.f32 v59, v59;
	v8 =	vmul.f32 v8, v8  }
0x163: {  	v3 =	vadd.f32 v6, v3;
	v4 =	vadd.f32 v60, v4  }
0x164: {  	v5 =	vadd.f32 v61, v5;
	v62 =	vadd.f32 v8, v9;
	_ =	sdelay $0x1  }
0x165: {  	v4 =	vadd.f32 v5, v4;
	v3 =	vadd.f32 v3, v62;
	_ =	sdelay $0x1  }
0x166: {  	v3 =	vadd.f32 v3, v4;
	_ =	sdelay $0x1  }
0x167: {  	(xrf2) =	vadd.scan.msk.f32 $0xffff, v3;
	_ =	sdelay $0x8  }
.Ltmp9:
0x168: {  	_ = 	snop;
	(pc) =	sbr.rel @p0 .LBB2_18-.Ltmp9, $4  }
0x169: {  	v3, _, _ =	vpop (xrf2)  }
0x16a: {  	v63 =	vmov s22;
	v3 =	vbroadcast v3, $0xF  }
0x16b: {  	vm0 =	veq.s32 v63, v0  }
0x16c: {  	s22 =	simm.s32 $0x1;
	p1 =	por $0x0, $0x0;
	v1 =	vsel vm0, v3, v1  }
0x16d: {  	s21 =	simm.s32 $0x0;
	s0 =	rddreg [dreg:$0xc]  }
0x16e: {  	[tilespmem:s21], [sflag:$0x1] =	stream.strided.gather [hbm4b:s0+s9], $0x2000, s10, s9, $0x38;
	[tilespmem:$0x8080] =	vst v63  }
0x16f: {  	s31 =	rddreg [dreg:$0x10]  }
0x170: {  	[tilespmem:s11], [sflag:$0x3] =	stream.strided.gather [hbm4b:s31+s9], $0x2000, s10, s9, $0x38;
	[tilespmem:$0x8080] =	vst v63  }
0x171: {  	_ =	swait.ge [sflag:s16], $0x2000  }
0x172: {  	[sflag:s16] =	ssyncset.done $0x0  }
0x173: {  	[sflag:s16] =	ssyncadd.s32 $0xFFFFE000  }
0x174: {  	_ =	swait.ge [sflag:s17], $0x2000  }
0x175: {  	[sflag:s17] =	ssyncset.done $0x0  }
0x176: {  	p1 =	por $0x1, $0x1;
	s22 =	simm.s32 $0x0;
	[sflag:s17] =	ssyncadd.s32 $0xFFFFE000  }
.LBB2_22:
0x177: {  	s23 =	sshll.u32 s22, $0x7;
	s0 =	sand.u32 $0x40, s21  }
0x178: {  	s1 =	sand.u32 $0x1F00, s21;
	s25 =	sor.u32 $0x30, s23;
	s3 =	sor.u32 s23, s0  }
0x179: {  	s2 =	sor.u32 s25, s0;
	s3 =	sor.u32 s1, s3  }
0x17a: {  	s2 =	sor.u32 s1, s2;
	v4 =	vld [tilespmem:s3+$0x6000]  }
0x17b: {  	s24 =	sor.u32 $0x10, s23;
	v2 =	vld [tilespmem:s2+$0x6000]  }
0x17c: {  	v3 =	vld [tilespmem:s2+$0x2000];
	s2 =	sor.u32 s24, s0  }
0x17d: {  	s26 =	sor.u32 $0x20, s23;
	v5 =	vld [tilespmem:s3+$0x2000];
	s2 =	sor.u32 s1, s2  }
0x17e: {  	s3 =	simm.s32 $0x40;
	s0 =	sor.u32 s26, s0;
	v6 =	vld [tilespmem:s2+$0x6000]  }
0x17f: {  	s0 =	sor.u32 s1, s0;
	s1 =	sand.u32 $0x40, s3;
	s3 =	simm.s32 $0x80;
	v7 =	vld [tilespmem:s2+$0x2000]  }
0x180: {  	s2 =	sand.u32 $0x1F00, s3;
	s3 =	sor.u32 s25, s1;
	v9 =	vld [tilespmem:s0+$0x6000]  }
0x181: {  	v10 =	vld [tilespmem:s0+$0x2000];
	s3 =	sor.u32 s2, s3  }
0x182: {  	s0 =	sor.u32 s23, s1;
	v11 =	vld [tilespmem:s3+$0x6000]  }
0x183: {  	s0 =	sor.u32 s2, s0;
	v12 =	vld [tilespmem:s3+$0x2000];
	v2 =	vsub.f32 v2, v3;
	v3 =	vsub.f32 v4, v5  }
0x184: {  	s3 =	sor.u32 s24, s1;
	v8 =	vld [tilespmem:s0+$0x2000];
	v4 =	vsub.f32 v6, v7  }
0x185: {  	v5 =	vld [tilespmem:s0+$0x6000];
	s3 =	sor.u32 s2, s3;
	v6 =	vmul.f32 v2, v2;
	v3 =	vmul.f32 v3, v3  }
0x186: {  	s28 =	simm.s32 $0x100;
	s1 =	sor.u32 s26, s1;
	s0 =	simm.s32 $0x80;
	v2 =	vimm.f32 $0.0e+00;
	v7 =	vld [tilespmem:s3+$0x6000];
	v13 =	vsub.f32 v9, v10;
	v14 =	vmul.f32 v4, v4  }
0x187: {  	p0 =	por p1, p1;
	s29 =	sor.u32 s2, s1;
	s31 =	sand.u32 $0x40, s0;
	v9 =	vld [tilespmem:s3+$0x2000];
	v4 =	vadd.f32 v6, v2;
	v3 =	vadd.f32 v3, v2  }
0x188: {  	s30 =	simm.s32 $0xC0;
	s0 =	sand.u32 $0x1F00, s28;
	s2 =	sor.u32 s25, s31;
	v10 =	vld [tilespmem:s29+$0x6000];
	v11 =	vsub.f32 v11, v12;
	v12 =	vmul.f32 v13, v13;
	v6 =	vadd.f32 v14, v2  }
.LBB2_23:
0x189: {  	p1 =	sne.s32 s30, $0xFC0;
	s1 =	sor.u32 s23, s31;
	s2 =	sor.u32 s0, s2;
	v13 =	vld [tilespmem:s29+$0x2000]  }
0x18a: {  	s3 =	sor.u32 s24, s31;
	s29 =	sor.u32 s26, s31;
	s1 =	sor.u32 s0, s1;
	v14 =	vld [tilespmem:s2+$0x6000];
	v8 =	vsub.f32 v5, v8;
	v11 =	vmul.f32 v11, v11;
	v2 =	vadd.f32 v12, v2  }
0x18b: {  	s3 =	sor.u32 s0, s3;
	s29 =	sor.u32 s0, s29;
	v12 =	vld [tilespmem:s2+$0x2000]  }
.Ltmp10:
0x18c: {  	v5 =	vld [tilespmem:s1+$0x6000];
	v9 =	vsub.f32 v7, v9;
	v15 =	vmul.f32 v8, v8;
	v4 =	vadd.f32 v11, v4;
	(pc) =	sbr.rel @p1 .LBB2_23-.Ltmp10, $4  }
0x18d: {  	v8 =	vld [tilespmem:s1+$0x2000]  }
0x18e: {  	v7 =	vld [tilespmem:s3+$0x6000];
	v13 =	vsub.f32 v10, v13;
	v3 =	vadd.f32 v15, v3;
	v15 =	vmul.f32 v9, v9  }
0x18f: {  	s31 =	sand.u32 $0x40, s30;
	s28 =	sadd.s32 $0x80, s28;
	v9 =	vld [tilespmem:s3+$0x2000]  }
0x190: {  	s30 =	sadd.s32 $0x40, s30;
	s0 =	sand.u32 $0x1F00, s28;
	s2 =	sor.u32 s25, s31;
	v10 =	vld [tilespmem:s29+$0x6000];
	v11 =	vsub.f32 v14, v12;
	v6 =	vadd.f32 v15, v6;
	v12 =	vmul.f32 v13, v13  }
0x191: {  	s1 =	sor.u32 s0, s2;
	v13 =	vld [tilespmem:s29+$0x2000]  }
0x192: {  	s25 =	sor.u32 s23, s31;
	v14 =	vld [tilespmem:s1+$0x6000]  }
0x193: {  	s2 =	sor.u32 s0, s25;
	v15 =	vld [tilespmem:s1+$0x2000]  }
0x194: {  	s28 =	sor.u32 s24, s31;
	v16 =	vld [tilespmem:s2+$0x6000]  }
0x195: {  	s1 =	sor.u32 s0, s28;
	v17 =	vld [tilespmem:s2+$0x2000]  }
0x196: {  	s29 =	sor.u32 s26, s31;
	v18 =	vld [tilespmem:s1+$0x6000]  }
0x197: {  	s30 =	sor.u32 s0, s29;
	v19 =	vld [tilespmem:s1+$0x2000]  }
0x198: {  	v5 =	vsub.f32 v5, v8;
	v56 =	vld [tilespmem:s30+$0x6000]  }
0x199: {  	v11 =	vmul.f32 v11, v11;
	v20 =	vld [tilespmem:s30+$0x2000]  }
0x19a: {  	v2 =	vadd.f32 v12, v2;
	v5 =	vmul.f32 v5, v5  }
0x19b: {  	v7 =	vsub.f32 v7, v9;
	v4 =	vadd.f32 v11, v4  }
0x19c: {  	v57 =	vsub.f32 v10, v13;
	v3 =	vadd.f32 v5, v3  }
0x19d: {  	v7 =	vmul.f32 v7, v7;
	v58 =	vsub.f32 v14, v15;
	v59 =	vsub.f32 v16, v17  }
0x19e: {  	v9 =	vmul.f32 v57, v57;
	v60 =	vsub.f32 v18, v19;
	v8 =	vsub.f32 v56, v20  }
0x19f: {  	v6 =	vadd.f32 v7, v6;
	v5 =	vmul.f32 v58, v58;
	v61 =	vmul.f32 v59, v59  }
0x1a0: {  	v2 =	vadd.f32 v9, v2;
	v62 =	vmul.f32 v60, v60;
	v8 =	vmul.f32 v8, v8  }
0x1a1: {  	v4 =	vadd.f32 v5, v4;
	v3 =	vadd.f32 v61, v3  }
0x1a2: {  	v63 =	vadd.f32 v62, v6;
	v2 =	vadd.f32 v8, v2;
	_ =	sdelay $0x1  }
0x1a3: {  	v3 =	vadd.f32 v63, v3;
	v2 =	vadd.f32 v4, v2;
	_ =	sdelay $0x1  }
0x1a4: {  	v2 =	vadd.f32 v2, v3;
	_ =	sdelay $0x1  }
0x1a5: {  	(xrf2) =	vadd.scan.msk.f32 $0xffff, v2;
	_ =	sdelay $0x8  }
.Ltmp11:
0x1a6: {  	_ = 	snop;
	(pc) =	sbr.rel @p0 .LBB2_22-.Ltmp11, $4  }
0x1a7: {  	s31 =	sor.u32 $0x2, s22;
	v2, _, _ =	vpop (xrf2)  }
0x1a8: {  	v3 =	vmov s31;
	v2 =	vbroadcast v2, $0xF  }
0x1a9: {  	vm0 =	veq.s32 v3, v0  }
0x1aa: {  	s22 =	simm.s32 $0x1;
	p1 =	por $0x0, $0x0;
	v1 =	vsel vm0, v2, v1  }
0x1ab: {  	s0 =	rddreg [dreg:$0xd]  }
0x1ac: {  	[tilespmem:s12], [sflag:$0x2] =	stream.strided.gather [hbm4b:s0+s9], $0x2000, s10, s9, $0x38;
	[tilespmem:$0x8080] =	vst v63  }
0x1ad: {  	s31 =	rddreg [dreg:$0x11]  }
0x1ae: {  	[tilespmem:s13], [sflag:$0x4] =	stream.strided.gather [hbm4b:s31+s9], $0x2000, s10, s9, $0x38;
	[tilespmem:$0x8080] =	vst v63  }
0x1af: {  	_ =	swait.ge [sflag:s14], $0x2000  }
0x1b0: {  	[sflag:s14] =	ssyncset.done $0x0  }
0x1b1: {  	[sflag:s14] =	ssyncadd.s32 $0xFFFFE000  }
0x1b2: {  	_ =	swait.ge [sflag:s15], $0x2000  }
0x1b3: {  	s21 =	simm.s32 $0x0;
	[sflag:s15] =	ssyncset.done $0x0  }
0x1b4: {  	p1 =	por $0x1, $0x1;
	s22 =	simm.s32 $0x0;
	[sflag:s15] =	ssyncadd.s32 $0xFFFFE000  }
.LBB2_26:
0x1b5: {  	s23 =	sshll.u32 s22, $0x7;
	s0 =	sand.u32 $0x40, s21  }
0x1b6: {  	s1 =	sand.u32 $0x1F00, s21;
	s25 =	sor.u32 $0x30, s23;
	s3 =	sor.u32 s23, s0  }
0x1b7: {  	s2 =	sor.u32 s25, s0;
	s3 =	sor.u32 s1, s3  }
0x1b8: {  	s2 =	sor.u32 s1, s2;
	v4 =	vld [tilespmem:s3+$0x4000]  }
0x1b9: {  	s24 =	sor.u32 $0x10, s23;
	v2 =	vld [tilespmem:s2+$0x4000]  }
0x1ba: {  	v3 =	vld [tilespmem:s2+$0x0];
	s2 =	sor.u32 s24, s0  }
0x1bb: {  	s26 =	sor.u32 $0x20, s23;
	v5 =	vld [tilespmem:s3+$0x0];
	s2 =	sor.u32 s1, s2  }
0x1bc: {  	s3 =	simm.s32 $0x40;
	s0 =	sor.u32 s26, s0;
	v6 =	vld [tilespmem:s2+$0x4000]  }
0x1bd: {  	s0 =	sor.u32 s1, s0;
	s1 =	sand.u32 $0x40, s3;
	s3 =	simm.s32 $0x80;
	v7 =	vld [tilespmem:s2+$0x0]  }
0x1be: {  	s2 =	sand.u32 $0x1F00, s3;
	s3 =	sor.u32 s25, s1;
	v9 =	vld [tilespmem:s0+$0x4000]  }
0x1bf: {  	v10 =	vld [tilespmem:s0+$0x0];
	s3 =	sor.u32 s2, s3  }
0x1c0: {  	s0 =	sor.u32 s23, s1;
	v11 =	vld [tilespmem:s3+$0x4000]  }
0x1c1: {  	s0 =	sor.u32 s2, s0;
	v12 =	vld [tilespmem:s3+$0x0];
	v2 =	vsub.f32 v2, v3;
	v3 =	vsub.f32 v4, v5  }
0x1c2: {  	s3 =	sor.u32 s24, s1;
	v8 =	vld [tilespmem:s0+$0x0];
	v4 =	vsub.f32 v6, v7  }
0x1c3: {  	v5 =	vld [tilespmem:s0+$0x4000];
	s3 =	sor.u32 s2, s3;
	v6 =	vmul.f32 v2, v2;
	v3 =	vmul.f32 v3, v3  }
0x1c4: {  	s28 =	simm.s32 $0x100;
	s1 =	sor.u32 s26, s1;
	s0 =	simm.s32 $0x80;
	v2 =	vimm.f32 $0.0e+00;
	v7 =	vld [tilespmem:s3+$0x4000];
	v13 =	vsub.f32 v9, v10;
	v14 =	vmul.f32 v4, v4  }
0x1c5: {  	p0 =	por p1, p1;
	s29 =	sor.u32 s2, s1;
	s31 =	sand.u32 $0x40, s0;
	v9 =	vld [tilespmem:s3+$0x0];
	v4 =	vadd.f32 v6, v2;
	v3 =	vadd.f32 v3, v2  }
0x1c6: {  	s30 =	simm.s32 $0xC0;
	s0 =	sand.u32 $0x1F00, s28;
	s2 =	sor.u32 s25, s31;
	v10 =	vld [tilespmem:s29+$0x4000];
	v11 =	vsub.f32 v11, v12;
	v12 =	vmul.f32 v13, v13;
	v6 =	vadd.f32 v14, v2  }
.LBB2_27:
0x1c7: {  	p1 =	sne.s32 s30, $0xFC0;
	s1 =	sor.u32 s23, s31;
	s2 =	sor.u32 s0, s2;
	v13 =	vld [tilespmem:s29+$0x0]  }
0x1c8: {  	s3 =	sor.u32 s24, s31;
	s29 =	sor.u32 s26, s31;
	s1 =	sor.u32 s0, s1;
	v14 =	vld [tilespmem:s2+$0x4000];
	v8 =	vsub.f32 v5, v8;
	v11 =	vmul.f32 v11, v11;
	v2 =	vadd.f32 v12, v2  }
0x1c9: {  	s3 =	sor.u32 s0, s3;
	s29 =	sor.u32 s0, s29;
	v12 =	vld [tilespmem:s2+$0x0]  }
.Ltmp12:
0x1ca: {  	v5 =	vld [tilespmem:s1+$0x4000];
	v9 =	vsub.f32 v7, v9;
	v15 =	vmul.f32 v8, v8;
	v4 =	vadd.f32 v11, v4;
	(pc) =	sbr.rel @p1 .LBB2_27-.Ltmp12, $4  }
0x1cb: {  	v8 =	vld [tilespmem:s1+$0x0]  }
0x1cc: {  	v7 =	vld [tilespmem:s3+$0x4000];
	v13 =	vsub.f32 v10, v13;
	v3 =	vadd.f32 v15, v3;
	v15 =	vmul.f32 v9, v9  }
0x1cd: {  	s31 =	sand.u32 $0x40, s30;
	s28 =	sadd.s32 $0x80, s28;
	v9 =	vld [tilespmem:s3+$0x0]  }
0x1ce: {  	s30 =	sadd.s32 $0x40, s30;
	s0 =	sand.u32 $0x1F00, s28;
	s2 =	sor.u32 s25, s31;
	v10 =	vld [tilespmem:s29+$0x4000];
	v11 =	vsub.f32 v14, v12;
	v6 =	vadd.f32 v15, v6;
	v12 =	vmul.f32 v13, v13  }
0x1cf: {  	s1 =	sor.u32 s0, s2;
	v13 =	vld [tilespmem:s29+$0x0]  }
0x1d0: {  	s25 =	sor.u32 s23, s31;
	v14 =	vld [tilespmem:s1+$0x4000]  }
0x1d1: {  	s2 =	sor.u32 s0, s25;
	v15 =	vld [tilespmem:s1+$0x0]  }
0x1d2: {  	s28 =	sor.u32 s24, s31;
	v16 =	vld [tilespmem:s2+$0x4000]  }
0x1d3: {  	s1 =	sor.u32 s0, s28;
	v17 =	vld [tilespmem:s2+$0x0]  }
0x1d4: {  	s29 =	sor.u32 s26, s31;
	v18 =	vld [tilespmem:s1+$0x4000]  }
0x1d5: {  	s30 =	sor.u32 s0, s29;
	v19 =	vld [tilespmem:s1+$0x0]  }
0x1d6: {  	v5 =	vsub.f32 v5, v8;
	v56 =	vld [tilespmem:s30+$0x4000]  }
0x1d7: {  	v11 =	vmul.f32 v11, v11;
	v20 =	vld [tilespmem:s30+$0x0]  }
0x1d8: {  	v2 =	vadd.f32 v12, v2;
	v5 =	vmul.f32 v5, v5  }
0x1d9: {  	v7 =	vsub.f32 v7, v9;
	v4 =	vadd.f32 v11, v4  }
0x1da: {  	v57 =	vsub.f32 v10, v13;
	v3 =	vadd.f32 v5, v3  }
0x1db: {  	v7 =	vmul.f32 v7, v7;
	v58 =	vsub.f32 v14, v15;
	v59 =	vsub.f32 v16, v17  }
0x1dc: {  	v9 =	vmul.f32 v57, v57;
	v60 =	vsub.f32 v18, v19;
	v8 =	vsub.f32 v56, v20  }
0x1dd: {  	v6 =	vadd.f32 v7, v6;
	v5 =	vmul.f32 v58, v58;
	v61 =	vmul.f32 v59, v59  }
0x1de: {  	v2 =	vadd.f32 v9, v2;
	v62 =	vmul.f32 v60, v60;
	v8 =	vmul.f32 v8, v8  }
0x1df: {  	v4 =	vadd.f32 v5, v4;
	v3 =	vadd.f32 v61, v3  }
0x1e0: {  	v63 =	vadd.f32 v62, v6;
	v2 =	vadd.f32 v8, v2;
	_ =	sdelay $0x1  }
0x1e1: {  	v3 =	vadd.f32 v63, v3;
	v2 =	vadd.f32 v4, v2;
	_ =	sdelay $0x1  }
0x1e2: {  	v2 =	vadd.f32 v2, v3;
	_ =	sdelay $0x1  }
0x1e3: {  	(xrf2) =	vadd.scan.msk.f32 $0xffff, v2;
	_ =	sdelay $0x8  }
.Ltmp13:
0x1e4: {  	_ = 	snop;
	(pc) =	sbr.rel @p0 .LBB2_26-.Ltmp13, $4  }
0x1e5: {  	s31 =	sor.u32 $0x4, s22;
	v2, _, _ =	vpop (xrf2)  }
0x1e6: {  	v3 =	vmov s31;
	v2 =	vbroadcast v2, $0xF  }
0x1e7: {  	vm0 =	veq.s32 v3, v0  }
0x1e8: {  	s22 =	simm.s32 $0x1;
	p1 =	por $0x0, $0x0;
	v1 =	vsel vm0, v2, v1  }
0x1e9: {  	_ =	swait.ge [sflag:s16], $0x2000  }
0x1ea: {  	[sflag:s16] =	ssyncset.done $0x0  }
0x1eb: {  	[sflag:s16] =	ssyncadd.s32 $0xFFFFE000  }
0x1ec: {  	_ =	swait.ge [sflag:s17], $0x2000  }
0x1ed: {  	s21 =	simm.s32 $0x0;
	[sflag:s17] =	ssyncset.done $0x0  }
0x1ee: {  	p1 =	por $0x0, $0x0;
	s22 =	simm.s32 $0x0;
	[sflag:s17] =	ssyncadd.s32 $0xFFFFE000  }
.LBB2_30:
0x1ef: {  	s23 =	sshll.u32 s22, $0x7;
	s0 =	sand.u32 $0x40, s21  }
0x1f0: {  	s1 =	sand.u32 $0x1F00, s21;
	s25 =	sor.u32 $0x30, s23;
	s3 =	sor.u32 s23, s0  }
0x1f1: {  	s2 =	sor.u32 s25, s0;
	s3 =	sor.u32 s1, s3  }
0x1f2: {  	s2 =	sor.u32 s1, s2;
	v4 =	vld [tilespmem:s3+$0x6000]  }
0x1f3: {  	s24 =	sor.u32 $0x10, s23;
	v2 =	vld [tilespmem:s2+$0x6000]  }
0x1f4: {  	v3 =	vld [tilespmem:s2+$0x2000];
	s2 =	sor.u32 s24, s0  }
0x1f5: {  	s26 =	sor.u32 $0x20, s23;
	v5 =	vld [tilespmem:s3+$0x2000];
	s2 =	sor.u32 s1, s2  }
0x1f6: {  	s3 =	simm.s32 $0x40;
	s0 =	sor.u32 s26, s0;
	v6 =	vld [tilespmem:s2+$0x6000]  }
0x1f7: {  	s0 =	sor.u32 s1, s0;
	s1 =	sand.u32 $0x40, s3;
	s3 =	simm.s32 $0x80;
	v7 =	vld [tilespmem:s2+$0x2000]  }
0x1f8: {  	s2 =	sand.u32 $0x1F00, s3;
	s3 =	sor.u32 s25, s1;
	v9 =	vld [tilespmem:s0+$0x6000]  }
0x1f9: {  	v10 =	vld [tilespmem:s0+$0x2000];
	s3 =	sor.u32 s2, s3  }
0x1fa: {  	s0 =	sor.u32 s23, s1;
	v11 =	vld [tilespmem:s3+$0x6000]  }
0x1fb: {  	s0 =	sor.u32 s2, s0;
	v12 =	vld [tilespmem:s3+$0x2000];
	v2 =	vsub.f32 v2, v3;
	v3 =	vsub.f32 v4, v5  }
0x1fc: {  	s3 =	sor.u32 s24, s1;
	v8 =	vld [tilespmem:s0+$0x2000];
	v4 =	vsub.f32 v6, v7  }
0x1fd: {  	v5 =	vld [tilespmem:s0+$0x6000];
	s3 =	sor.u32 s2, s3;
	v6 =	vmul.f32 v2, v2;
	v3 =	vmul.f32 v3, v3  }
0x1fe: {  	s28 =	simm.s32 $0x100;
	s1 =	sor.u32 s26, s1;
	s0 =	simm.s32 $0x80;
	v2 =	vimm.f32 $0.0e+00;
	v7 =	vld [tilespmem:s3+$0x6000];
	v13 =	vsub.f32 v9, v10;
	v14 =	vmul.f32 v4, v4  }
0x1ff: {  	p0 =	por p1, p1;
	s29 =	sor.u32 s2, s1;
	s31 =	sand.u32 $0x40, s0;
	v9 =	vld [tilespmem:s3+$0x2000];
	v4 =	vadd.f32 v6, v2;
	v3 =	vadd.f32 v3, v2  }
0x200: {  	s30 =	simm.s32 $0xC0;
	s0 =	sand.u32 $0x1F00, s28;
	s2 =	sor.u32 s25, s31;
	v10 =	vld [tilespmem:s29+$0x6000];
	v11 =	vsub.f32 v11, v12;
	v12 =	vmul.f32 v13, v13;
	v6 =	vadd.f32 v14, v2  }
.LBB2_31:
0x201: {  	p1 =	sne.s32 s30, $0xFC0;
	s1 =	sor.u32 s23, s31;
	s2 =	sor.u32 s0, s2;
	v13 =	vld [tilespmem:s29+$0x2000]  }
0x202: {  	s3 =	sor.u32 s24, s31;
	s29 =	sor.u32 s26, s31;
	s1 =	sor.u32 s0, s1;
	v14 =	vld [tilespmem:s2+$0x6000];
	v8 =	vsub.f32 v5, v8;
	v11 =	vmul.f32 v11, v11;
	v2 =	vadd.f32 v12, v2  }
0x203: {  	s3 =	sor.u32 s0, s3;
	s29 =	sor.u32 s0, s29;
	v12 =	vld [tilespmem:s2+$0x2000]  }
.Ltmp14:
0x204: {  	v5 =	vld [tilespmem:s1+$0x6000];
	v9 =	vsub.f32 v7, v9;
	v15 =	vmul.f32 v8, v8;
	v4 =	vadd.f32 v11, v4;
	(pc) =	sbr.rel @p1 .LBB2_31-.Ltmp14, $4  }
0x205: {  	v8 =	vld [tilespmem:s1+$0x2000]  }
0x206: {  	v7 =	vld [tilespmem:s3+$0x6000];
	v13 =	vsub.f32 v10, v13;
	v3 =	vadd.f32 v15, v3;
	v15 =	vmul.f32 v9, v9  }
0x207: {  	s31 =	sand.u32 $0x40, s30;
	s28 =	sadd.s32 $0x80, s28;
	v9 =	vld [tilespmem:s3+$0x2000]  }
0x208: {  	s30 =	sadd.s32 $0x40, s30;
	s0 =	sand.u32 $0x1F00, s28;
	s2 =	sor.u32 s25, s31;
	v10 =	vld [tilespmem:s29+$0x6000];
	v11 =	vsub.f32 v14, v12;
	v6 =	vadd.f32 v15, v6;
	v12 =	vmul.f32 v13, v13  }
0x209: {  	s1 =	sor.u32 s0, s2;
	v13 =	vld [tilespmem:s29+$0x2000]  }
0x20a: {  	s25 =	sor.u32 s23, s31;
	v14 =	vld [tilespmem:s1+$0x6000]  }
0x20b: {  	s2 =	sor.u32 s0, s25;
	v15 =	vld [tilespmem:s1+$0x2000]  }
0x20c: {  	s28 =	sor.u32 s24, s31;
	v16 =	vld [tilespmem:s2+$0x6000]  }
0x20d: {  	s1 =	sor.u32 s0, s28;
	v17 =	vld [tilespmem:s2+$0x2000]  }
0x20e: {  	s29 =	sor.u32 s26, s31;
	v18 =	vld [tilespmem:s1+$0x6000]  }
0x20f: {  	s30 =	sor.u32 s0, s29;
	v19 =	vld [tilespmem:s1+$0x2000]  }
0x210: {  	v5 =	vsub.f32 v5, v8;
	v56 =	vld [tilespmem:s30+$0x6000]  }
0x211: {  	v11 =	vmul.f32 v11, v11;
	v20 =	vld [tilespmem:s30+$0x2000]  }
0x212: {  	v2 =	vadd.f32 v12, v2;
	v5 =	vmul.f32 v5, v5  }
0x213: {  	v7 =	vsub.f32 v7, v9;
	v4 =	vadd.f32 v11, v4  }
0x214: {  	v57 =	vsub.f32 v10, v13;
	v3 =	vadd.f32 v5, v3  }
0x215: {  	v7 =	vmul.f32 v7, v7;
	v58 =	vsub.f32 v14, v15;
	v59 =	vsub.f32 v16, v17  }
0x216: {  	v9 =	vmul.f32 v57, v57;
	v60 =	vsub.f32 v18, v19;
	v8 =	vsub.f32 v56, v20  }
0x217: {  	v6 =	vadd.f32 v7, v6;
	v5 =	vmul.f32 v58, v58;
	v61 =	vmul.f32 v59, v59  }
0x218: {  	v2 =	vadd.f32 v9, v2;
	v62 =	vmul.f32 v60, v60;
	v8 =	vmul.f32 v8, v8  }
0x219: {  	v4 =	vadd.f32 v5, v4;
	v3 =	vadd.f32 v61, v3  }
0x21a: {  	v63 =	vadd.f32 v62, v6;
	v2 =	vadd.f32 v8, v2;
	_ =	sdelay $0x1  }
0x21b: {  	v3 =	vadd.f32 v63, v3;
	v2 =	vadd.f32 v4, v2;
	_ =	sdelay $0x1  }
0x21c: {  	v2 =	vadd.f32 v2, v3;
	_ =	sdelay $0x1  }
0x21d: {  	(xrf2) =	vadd.scan.msk.f32 $0xffff, v2;
	_ =	sdelay $0x8  }
.Ltmp15:
0x21e: {  	_ = 	snop;
	(pc) =	sbr.rel @!p0 .LBB2_30-.Ltmp15, $4  }
0x21f: {  	s31 =	sor.u32 $0x6, s22;
	v2, _, _ =	vpop (xrf2)  }
0x220: {  	v3 =	vmov s31;
	v2 =	vbroadcast v2, $0xF  }
0x221: {  	vm0 =	veq.s32 v3, v0  }
0x222: {  	s22 =	simm.s32 $0x1;
	p1 =	por $0x1, $0x1;
	v1 =	vsel vm0, v2, v1  }
0x223: {  	[tilespmem:$0x8000] =	vst v1;
	s21 =	simm.s32 $0x0  }
0x224: {  	[hbm4b:s5+s21] =	stream.linear.scatter [tilespmem:s18], [sflag:$0x5], $0x8, $0x38;
	[tilespmem:$0x8080] =	vst v63  }
0x225: {  	_ =	swait.ge [sflag:s19], $0x8  }
0x226: {  	[sflag:s19] =	ssyncset.done $0x0  }
0x227: {  	s0 =	rddreg [dreg:$0x12];
	[sflag:s19] =	ssyncadd.s32 $0xFFFFFFF8  }
0x228: {  	[tilespmem:s21], [sflag:$0x1] =	stream.strided.gather [hbm4b:s0+s9], $0x2000, s10, s9, $0x38;
	[tilespmem:$0x8080] =	vst v63  }
0x229: {  	s29 =	rddreg [dreg:$0x16]  }
0x22a: {  	[tilespmem:s11], [sflag:$0x3] =	stream.strided.gather [hbm4b:s29+s9], $0x2000, s10, s9, $0x38;
	[tilespmem:$0x8080] =	vst v63  }
0x22b: {  	s30 =	rddreg [dreg:$0x13]  }
0x22c: {  	[tilespmem:s12], [sflag:$0x2] =	stream.strided.gather [hbm4b:s30+s9], $0x2000, s10, s9, $0x38;
	[tilespmem:$0x8080] =	vst v63  }
0x22d: {  	s31 =	rddreg [dreg:$0x17]  }
0x22e: {  	[tilespmem:s13], [sflag:$0x4] =	stream.strided.gather [hbm4b:s31+s9], $0x2000, s10, s9, $0x38;
	[tilespmem:$0x8080] =	vst v63  }
0x22f: {  	_ =	swait.ge [sflag:s14], $0x2000  }
0x230: {  	[sflag:s14] =	ssyncset.done $0x0  }
0x231: {  	[sflag:s14] =	ssyncadd.s32 $0xFFFFE000  }
0x232: {  	_ =	swait.ge [sflag:s15], $0x2000  }
0x233: {  	[sflag:s15] =	ssyncset.done $0x0  }
0x234: {  	p1 =	por $0x1, $0x1;
	v2 =	vimm.f32 $0.0e+00;
	v1 =	vimm.f32 $0.0e+00;
	s22 =	simm.s32 $0x0;
	[sflag:s15] =	ssyncadd.s32 $0xFFFFE000  }
.LBB2_34:
0x235: {  	s23 =	sshll.u32 s22, $0x7;
	s0 =	sand.u32 $0x40, s21  }
0x236: {  	s1 =	sand.u32 $0x1F00, s21;
	s25 =	sor.u32 $0x30, s23;
	s3 =	sor.u32 s23, s0  }
0x237: {  	s2 =	sor.u32 s25, s0;
	s3 =	sor.u32 s1, s3  }
0x238: {  	s2 =	sor.u32 s1, s2;
	v5 =	vld [tilespmem:s3+$0x4000]  }
0x239: {  	s24 =	sor.u32 $0x10, s23;
	v3 =	vld [tilespmem:s2+$0x4000]  }
0x23a: {  	v4 =	vld [tilespmem:s2+$0x0];
	s2 =	sor.u32 s24, s0  }
0x23b: {  	s26 =	sor.u32 $0x20, s23;
	v6 =	vld [tilespmem:s3+$0x0];
	s2 =	sor.u32 s1, s2  }
0x23c: {  	s3 =	simm.s32 $0x40;
	s0 =	sor.u32 s26, s0;
	v7 =	vld [tilespmem:s2+$0x4000]  }
0x23d: {  	s0 =	sor.u32 s1, s0;
	s1 =	sand.u32 $0x40, s3;
	s3 =	simm.s32 $0x80;
	v8 =	vld [tilespmem:s2+$0x0]  }
0x23e: {  	s2 =	sand.u32 $0x1F00, s3;
	s3 =	sor.u32 s25, s1;
	v9 =	vld [tilespmem:s0+$0x4000]  }
0x23f: {  	v10 =	vld [tilespmem:s0+$0x0];
	s3 =	sor.u32 s2, s3  }
0x240: {  	v11 =	vld [tilespmem:s3+$0x4000]  }
0x241: {  	s0 =	sor.u32 s23, s1;
	v12 =	vld [tilespmem:s3+$0x0];
	v3 =	vsub.f32 v3, v4  }
0x242: {  	s0 =	sor.u32 s2, s0;
	v4 =	vsub.f32 v5, v6  }
0x243: {  	s3 =	sor.u32 s24, s1;
	v6 =	vld [tilespmem:s0+$0x4000];
	v3 =	vmul.f32 v3, v3;
	v5 =	vsub.f32 v7, v8  }
0x244: {  	s3 =	sor.u32 s2, s3;
	v4 =	vmul.f32 v4, v4;
	v8 =	vld [tilespmem:s0+$0x0]  }
0x245: {  	s28 =	simm.s32 $0x100;
	s1 =	sor.u32 s26, s1;
	s0 =	simm.s32 $0x80;
	v7 =	vld [tilespmem:s3+$0x4000];
	v9 =	vsub.f32 v9, v10;
	v3 =	vadd.f32 v3, v2;
	v5 =	vmul.f32 v5, v5  }
0x246: {  	p0 =	por p1, p1;
	s29 =	sor.u32 s2, s1;
	v10 =	vld [tilespmem:s3+$0x0];
	s0 =	sand.u32 $0x40, s0;
	v4 =	vadd.f32 v4, v2;
	v12 =	vsub.f32 v11, v12  }
0x247: {  	s30 =	simm.s32 $0xC0;
	s31 =	sand.u32 $0x1F00, s28;
	s2 =	sor.u32 s25, s0;
	v11 =	vld [tilespmem:s29+$0x4000];
	v13 =	vmul.f32 v9, v9;
	v9 =	vimm.f32 $0.0e+00;
	v5 =	vadd.f32 v5, v2  }
.LBB2_35:
0x248: {  	p1 =	sne.s32 s30, $0xFC0;
	s1 =	sor.u32 s23, s0;
	s2 =	sor.u32 s31, s2;
	v14 =	vld [tilespmem:s29+$0x0]  }
0x249: {  	s3 =	sor.u32 s24, s0;
	s0 =	sor.u32 s26, s0;
	s1 =	sor.u32 s31, s1;
	v15 =	vld [tilespmem:s2+$0x4000];
	v8 =	vsub.f32 v6, v8;
	v12 =	vmul.f32 v12, v12;
	v9 =	vadd.f32 v13, v9  }
0x24a: {  	s3 =	sor.u32 s31, s3;
	s29 =	sor.u32 s31, s0;
	v13 =	vld [tilespmem:s2+$0x0]  }
.Ltmp16:
0x24b: {  	v6 =	vld [tilespmem:s1+$0x4000];
	v10 =	vsub.f32 v7, v10;
	v16 =	vmul.f32 v8, v8;
	v3 =	vadd.f32 v12, v3;
	(pc) =	sbr.rel @p1 .LBB2_35-.Ltmp16, $4  }
0x24c: {  	v8 =	vld [tilespmem:s1+$0x0]  }
0x24d: {  	v7 =	vld [tilespmem:s3+$0x4000];
	v14 =	vsub.f32 v11, v14;
	v4 =	vadd.f32 v16, v4;
	v16 =	vmul.f32 v10, v10  }
0x24e: {  	s28 =	sadd.s32 $0x80, s28;
	s0 =	sand.u32 $0x40, s30;
	v10 =	vld [tilespmem:s3+$0x0]  }
0x24f: {  	s31 =	sand.u32 $0x1F00, s28;
	s30 =	sadd.s32 $0x40, s30;
	s2 =	sor.u32 s25, s0;
	v11 =	vld [tilespmem:s29+$0x4000];
	v12 =	vsub.f32 v15, v13;
	v5 =	vadd.f32 v16, v5;
	v13 =	vmul.f32 v14, v14  }
0x250: {  	s1 =	sor.u32 s31, s2;
	v14 =	vld [tilespmem:s29+$0x0]  }
0x251: {  	s28 =	sor.u32 s23, s0;
	v15 =	vld [tilespmem:s1+$0x4000]  }
0x252: {  	s2 =	sor.u32 s31, s28;
	v16 =	vld [tilespmem:s1+$0x0]  }
0x253: {  	s29 =	sor.u32 s24, s0;
	v17 =	vld [tilespmem:s2+$0x4000]  }
0x254: {  	s1 =	sor.u32 s31, s29;
	v18 =	vld [tilespmem:s2+$0x0]  }
0x255: {  	s30 =	sor.u32 s26, s0;
	v19 =	vld [tilespmem:s1+$0x4000]  }
0x256: {  	s0 =	sor.u32 s31, s30;
	v20 =	vld [tilespmem:s1+$0x0]  }
0x257: {  	v6 =	vsub.f32 v6, v8;
	v55 =	vld [tilespmem:s0+$0x4000]  }
0x258: {  	v12 =	vmul.f32 v12, v12;
	v21 =	vld [tilespmem:s0+$0x0]  }
0x259: {  	v9 =	vadd.f32 v13, v9;
	v6 =	vmul.f32 v6, v6  }
0x25a: {  	v7 =	vsub.f32 v7, v10;
	v3 =	vadd.f32 v12, v3  }
0x25b: {  	v56 =	vsub.f32 v11, v14;
	v4 =	vadd.f32 v6, v4  }
0x25c: {  	v7 =	vmul.f32 v7, v7;
	v57 =	vsub.f32 v15, v16;
	v58 =	vsub.f32 v17, v18  }
0x25d: {  	v10 =	vmul.f32 v56, v56;
	v59 =	vsub.f32 v19, v20;
	v8 =	vsub.f32 v55, v21  }
0x25e: {  	v5 =	vadd.f32 v7, v5;
	v6 =	vmul.f32 v57, v57;
	v60 =	vmul.f32 v58, v58  }
0x25f: {  	v9 =	vadd.f32 v10, v9;
	v61 =	vmul.f32 v59, v59;
	v8 =	vmul.f32 v8, v8  }
0x260: {  	v3 =	vadd.f32 v6, v3;
	v4 =	vadd.f32 v60, v4  }
0x261: {  	v5 =	vadd.f32 v61, v5;
	v62 =	vadd.f32 v8, v9;
	_ =	sdelay $0x1  }
0x262: {  	v4 =	vadd.f32 v5, v4;
	v3 =	vadd.f32 v3, v62;
	_ =	sdelay $0x1  }
0x263: {  	v3 =	vadd.f32 v3, v4;
	_ =	sdelay $0x1  }
0x264: {  	(xrf2) =	vadd.scan.msk.f32 $0xffff, v3;
	_ =	sdelay $0x8  }
.Ltmp17:
0x265: {  	_ = 	snop;
	(pc) =	sbr.rel @p0 .LBB2_34-.Ltmp17, $4  }
0x266: {  	v3, _, _ =	vpop (xrf2)  }
0x267: {  	v63 =	vmov s22;
	v3 =	vbroadcast v3, $0xF  }
0x268: {  	vm0 =	veq.s32 v63, v0  }
0x269: {  	s22 =	simm.s32 $0x1;
	p1 =	por $0x0, $0x0;
	v1 =	vsel vm0, v3, v1  }
0x26a: {  	s21 =	simm.s32 $0x0;
	s0 =	rddreg [dreg:$0x14]  }
0x26b: {  	[tilespmem:s21], [sflag:$0x1] =	stream.strided.gather [hbm4b:s0+s9], $0x2000, s10, s9, $0x38;
	[tilespmem:$0x8080] =	vst v63  }
0x26c: {  	s31 =	rddreg [dreg:$0x18]  }
0x26d: {  	[tilespmem:s11], [sflag:$0x3] =	stream.strided.gather [hbm4b:s31+s9], $0x2000, s10, s9, $0x38;
	[tilespmem:$0x8080] =	vst v63  }
0x26e: {  	_ =	swait.ge [sflag:s16], $0x2000  }
0x26f: {  	[sflag:s16] =	ssyncset.done $0x0  }
0x270: {  	[sflag:s16] =	ssyncadd.s32 $0xFFFFE000  }
0x271: {  	_ =	swait.ge [sflag:s17], $0x2000  }
0x272: {  	[sflag:s17] =	ssyncset.done $0x0  }
0x273: {  	p1 =	por $0x1, $0x1;
	s22 =	simm.s32 $0x0;
	[sflag:s17] =	ssyncadd.s32 $0xFFFFE000  }
.LBB2_38:
0x274: {  	s23 =	sshll.u32 s22, $0x7;
	s0 =	sand.u32 $0x40, s21  }
0x275: {  	s1 =	sand.u32 $0x1F00, s21;
	s25 =	sor.u32 $0x30, s23;
	s3 =	sor.u32 s23, s0  }
0x276: {  	s2 =	sor.u32 s25, s0;
	s3 =	sor.u32 s1, s3  }
0x277: {  	s2 =	sor.u32 s1, s2;
	v4 =	vld [tilespmem:s3+$0x6000]  }
0x278: {  	s24 =	sor.u32 $0x10, s23;
	v2 =	vld [tilespmem:s2+$0x6000]  }
0x279: {  	v3 =	vld [tilespmem:s2+$0x2000];
	s2 =	sor.u32 s24, s0  }
0x27a: {  	s26 =	sor.u32 $0x20, s23;
	v5 =	vld [tilespmem:s3+$0x2000];
	s2 =	sor.u32 s1, s2  }
0x27b: {  	s3 =	simm.s32 $0x40;
	s0 =	sor.u32 s26, s0;
	v6 =	vld [tilespmem:s2+$0x6000]  }
0x27c: {  	s0 =	sor.u32 s1, s0;
	s1 =	sand.u32 $0x40, s3;
	s3 =	simm.s32 $0x80;
	v7 =	vld [tilespmem:s2+$0x2000]  }
0x27d: {  	s2 =	sand.u32 $0x1F00, s3;
	s3 =	sor.u32 s25, s1;
	v9 =	vld [tilespmem:s0+$0x6000]  }
0x27e: {  	v10 =	vld [tilespmem:s0+$0x2000];
	s3 =	sor.u32 s2, s3  }
0x27f: {  	s0 =	sor.u32 s23, s1;
	v11 =	vld [tilespmem:s3+$0x6000]  }
0x280: {  	s0 =	sor.u32 s2, s0;
	v12 =	vld [tilespmem:s3+$0x2000];
	v2 =	vsub.f32 v2, v3;
	v3 =	vsub.f32 v4, v5  }
0x281: {  	s3 =	sor.u32 s24, s1;
	v8 =	vld [tilespmem:s0+$0x2000];
	v4 =	vsub.f32 v6, v7  }
0x282: {  	v5 =	vld [tilespmem:s0+$0x6000];
	s3 =	sor.u32 s2, s3;
	v6 =	vmul.f32 v2, v2;
	v3 =	vmul.f32 v3, v3  }
0x283: {  	s28 =	simm.s32 $0x100;
	s1 =	sor.u32 s26, s1;
	s0 =	simm.s32 $0x80;
	v2 =	vimm.f32 $0.0e+00;
	v7 =	vld [tilespmem:s3+$0x6000];
	v13 =	vsub.f32 v9, v10;
	v14 =	vmul.f32 v4, v4  }
0x284: {  	p0 =	por p1, p1;
	s29 =	sor.u32 s2, s1;
	s31 =	sand.u32 $0x40, s0;
	v9 =	vld [tilespmem:s3+$0x2000];
	v4 =	vadd.f32 v6, v2;
	v3 =	vadd.f32 v3, v2  }
0x285: {  	s30 =	simm.s32 $0xC0;
	s0 =	sand.u32 $0x1F00, s28;
	s2 =	sor.u32 s25, s31;
	v10 =	vld [tilespmem:s29+$0x6000];
	v11 =	vsub.f32 v11, v12;
	v12 =	vmul.f32 v13, v13;
	v6 =	vadd.f32 v14, v2  }
.LBB2_39:
0x286: {  	p1 =	sne.s32 s30, $0xFC0;
	s1 =	sor.u32 s23, s31;
	s2 =	sor.u32 s0, s2;
	v13 =	vld [tilespmem:s29+$0x2000]  }
0x287: {  	s3 =	sor.u32 s24, s31;
	s29 =	sor.u32 s26, s31;
	s1 =	sor.u32 s0, s1;
	v14 =	vld [tilespmem:s2+$0x6000];
	v8 =	vsub.f32 v5, v8;
	v11 =	vmul.f32 v11, v11;
	v2 =	vadd.f32 v12, v2  }
0x288: {  	s3 =	sor.u32 s0, s3;
	s29 =	sor.u32 s0, s29;
	v12 =	vld [tilespmem:s2+$0x2000]  }
.Ltmp18:
0x289: {  	v5 =	vld [tilespmem:s1+$0x6000];
	v9 =	vsub.f32 v7, v9;
	v15 =	vmul.f32 v8, v8;
	v4 =	vadd.f32 v11, v4;
	(pc) =	sbr.rel @p1 .LBB2_39-.Ltmp18, $4  }
0x28a: {  	v8 =	vld [tilespmem:s1+$0x2000]  }
0x28b: {  	v7 =	vld [tilespmem:s3+$0x6000];
	v13 =	vsub.f32 v10, v13;
	v3 =	vadd.f32 v15, v3;
	v15 =	vmul.f32 v9, v9  }
0x28c: {  	s31 =	sand.u32 $0x40, s30;
	s28 =	sadd.s32 $0x80, s28;
	v9 =	vld [tilespmem:s3+$0x2000]  }
0x28d: {  	s30 =	sadd.s32 $0x40, s30;
	s0 =	sand.u32 $0x1F00, s28;
	s2 =	sor.u32 s25, s31;
	v10 =	vld [tilespmem:s29+$0x6000];
	v11 =	vsub.f32 v14, v12;
	v6 =	vadd.f32 v15, v6;
	v12 =	vmul.f32 v13, v13  }
0x28e: {  	s1 =	sor.u32 s0, s2;
	v13 =	vld [tilespmem:s29+$0x2000]  }
0x28f: {  	s25 =	sor.u32 s23, s31;
	v14 =	vld [tilespmem:s1+$0x6000]  }
0x290: {  	s2 =	sor.u32 s0, s25;
	v15 =	vld [tilespmem:s1+$0x2000]  }
0x291: {  	s28 =	sor.u32 s24, s31;
	v16 =	vld [tilespmem:s2+$0x6000]  }
0x292: {  	s1 =	sor.u32 s0, s28;
	v17 =	vld [tilespmem:s2+$0x2000]  }
0x293: {  	s29 =	sor.u32 s26, s31;
	v18 =	vld [tilespmem:s1+$0x6000]  }
0x294: {  	s30 =	sor.u32 s0, s29;
	v19 =	vld [tilespmem:s1+$0x2000]  }
0x295: {  	v5 =	vsub.f32 v5, v8;
	v56 =	vld [tilespmem:s30+$0x6000]  }
0x296: {  	v11 =	vmul.f32 v11, v11;
	v20 =	vld [tilespmem:s30+$0x2000]  }
0x297: {  	v2 =	vadd.f32 v12, v2;
	v5 =	vmul.f32 v5, v5  }
0x298: {  	v7 =	vsub.f32 v7, v9;
	v4 =	vadd.f32 v11, v4  }
0x299: {  	v57 =	vsub.f32 v10, v13;
	v3 =	vadd.f32 v5, v3  }
0x29a: {  	v7 =	vmul.f32 v7, v7;
	v58 =	vsub.f32 v14, v15;
	v59 =	vsub.f32 v16, v17  }
0x29b: {  	v9 =	vmul.f32 v57, v57;
	v60 =	vsub.f32 v18, v19;
	v8 =	vsub.f32 v56, v20  }
0x29c: {  	v6 =	vadd.f32 v7, v6;
	v5 =	vmul.f32 v58, v58;
	v61 =	vmul.f32 v59, v59  }
0x29d: {  	v2 =	vadd.f32 v9, v2;
	v62 =	vmul.f32 v60, v60;
	v8 =	vmul.f32 v8, v8  }
0x29e: {  	v4 =	vadd.f32 v5, v4;
	v3 =	vadd.f32 v61, v3  }
0x29f: {  	v63 =	vadd.f32 v62, v6;
	v2 =	vadd.f32 v8, v2;
	_ =	sdelay $0x1  }
0x2a0: {  	v3 =	vadd.f32 v63, v3;
	v2 =	vadd.f32 v4, v2;
	_ =	sdelay $0x1  }
0x2a1: {  	v2 =	vadd.f32 v2, v3;
	_ =	sdelay $0x1  }
0x2a2: {  	(xrf2) =	vadd.scan.msk.f32 $0xffff, v2;
	_ =	sdelay $0x8  }
.Ltmp19:
0x2a3: {  	_ = 	snop;
	(pc) =	sbr.rel @p0 .LBB2_38-.Ltmp19, $4  }
0x2a4: {  	s31 =	sor.u32 $0x2, s22;
	v2, _, _ =	vpop (xrf2)  }
0x2a5: {  	v3 =	vmov s31;
	v2 =	vbroadcast v2, $0xF  }
0x2a6: {  	vm0 =	veq.s32 v3, v0  }
0x2a7: {  	s22 =	simm.s32 $0x1;
	p1 =	por $0x0, $0x0;
	v1 =	vsel vm0, v2, v1  }
0x2a8: {  	s0 =	rddreg [dreg:$0x15]  }
0x2a9: {  	[tilespmem:s12], [sflag:$0x2] =	stream.strided.gather [hbm4b:s0+s9], $0x2000, s10, s9, $0x38;
	[tilespmem:$0x8080] =	vst v63  }
0x2aa: {  	s31 =	rddreg [dreg:$0x19]  }
0x2ab: {  	[tilespmem:s13], [sflag:$0x4] =	stream.strided.gather [hbm4b:s31+s9], $0x2000, s10, s9, $0x38;
	[tilespmem:$0x8080] =	vst v63  }
0x2ac: {  	_ =	swait.ge [sflag:s14], $0x2000  }
0x2ad: {  	[sflag:s14] =	ssyncset.done $0x0  }
0x2ae: {  	[sflag:s14] =	ssyncadd.s32 $0xFFFFE000  }
0x2af: {  	_ =	swait.ge [sflag:s15], $0x2000  }
0x2b0: {  	s21 =	simm.s32 $0x0;
	[sflag:s15] =	ssyncset.done $0x0  }
0x2b1: {  	p1 =	por $0x1, $0x1;
	s22 =	simm.s32 $0x0;
	[sflag:s15] =	ssyncadd.s32 $0xFFFFE000  }
.LBB2_42:
0x2b2: {  	s23 =	sshll.u32 s22, $0x7;
	s0 =	sand.u32 $0x40, s21  }
0x2b3: {  	s1 =	sand.u32 $0x1F00, s21;
	s25 =	sor.u32 $0x30, s23;
	s3 =	sor.u32 s23, s0  }
0x2b4: {  	s2 =	sor.u32 s25, s0;
	s3 =	sor.u32 s1, s3  }
0x2b5: {  	s2 =	sor.u32 s1, s2;
	v4 =	vld [tilespmem:s3+$0x4000]  }
0x2b6: {  	s24 =	sor.u32 $0x10, s23;
	v2 =	vld [tilespmem:s2+$0x4000]  }
0x2b7: {  	v3 =	vld [tilespmem:s2+$0x0];
	s2 =	sor.u32 s24, s0  }
0x2b8: {  	s26 =	sor.u32 $0x20, s23;
	v5 =	vld [tilespmem:s3+$0x0];
	s2 =	sor.u32 s1, s2  }
0x2b9: {  	s3 =	simm.s32 $0x40;
	s0 =	sor.u32 s26, s0;
	v6 =	vld [tilespmem:s2+$0x4000]  }
0x2ba: {  	s0 =	sor.u32 s1, s0;
	s1 =	sand.u32 $0x40, s3;
	s3 =	simm.s32 $0x80;
	v7 =	vld [tilespmem:s2+$0x0]  }
0x2bb: {  	s2 =	sand.u32 $0x1F00, s3;
	s3 =	sor.u32 s25, s1;
	v9 =	vld [tilespmem:s0+$0x4000]  }
0x2bc: {  	v10 =	vld [tilespmem:s0+$0x0];
	s3 =	sor.u32 s2, s3  }
0x2bd: {  	s0 =	sor.u32 s23, s1;
	v11 =	vld [tilespmem:s3+$0x4000]  }
0x2be: {  	s0 =	sor.u32 s2, s0;
	v12 =	vld [tilespmem:s3+$0x0];
	v2 =	vsub.f32 v2, v3;
	v3 =	vsub.f32 v4, v5  }
0x2bf: {  	s3 =	sor.u32 s24, s1;
	v8 =	vld [tilespmem:s0+$0x0];
	v4 =	vsub.f32 v6, v7  }
0x2c0: {  	v5 =	vld [tilespmem:s0+$0x4000];
	s3 =	sor.u32 s2, s3;
	v6 =	vmul.f32 v2, v2;
	v3 =	vmul.f32 v3, v3  }
0x2c1: {  	s28 =	simm.s32 $0x100;
	s1 =	sor.u32 s26, s1;
	s0 =	simm.s32 $0x80;
	v2 =	vimm.f32 $0.0e+00;
	v7 =	vld [tilespmem:s3+$0x4000];
	v13 =	vsub.f32 v9, v10;
	v14 =	vmul.f32 v4, v4  }
0x2c2: {  	p0 =	por p1, p1;
	s29 =	sor.u32 s2, s1;
	s31 =	sand.u32 $0x40, s0;
	v9 =	vld [tilespmem:s3+$0x0];
	v4 =	vadd.f32 v6, v2;
	v3 =	vadd.f32 v3, v2  }
0x2c3: {  	s30 =	simm.s32 $0xC0;
	s0 =	sand.u32 $0x1F00, s28;
	s2 =	sor.u32 s25, s31;
	v10 =	vld [tilespmem:s29+$0x4000];
	v11 =	vsub.f32 v11, v12;
	v12 =	vmul.f32 v13, v13;
	v6 =	vadd.f32 v14, v2  }
.LBB2_43:
0x2c4: {  	p1 =	sne.s32 s30, $0xFC0;
	s1 =	sor.u32 s23, s31;
	s2 =	sor.u32 s0, s2;
	v13 =	vld [tilespmem:s29+$0x0]  }
0x2c5: {  	s3 =	sor.u32 s24, s31;
	s29 =	sor.u32 s26, s31;
	s1 =	sor.u32 s0, s1;
	v14 =	vld [tilespmem:s2+$0x4000];
	v8 =	vsub.f32 v5, v8;
	v11 =	vmul.f32 v11, v11;
	v2 =	vadd.f32 v12, v2  }
0x2c6: {  	s3 =	sor.u32 s0, s3;
	s29 =	sor.u32 s0, s29;
	v12 =	vld [tilespmem:s2+$0x0]  }
.Ltmp20:
0x2c7: {  	v5 =	vld [tilespmem:s1+$0x4000];
	v9 =	vsub.f32 v7, v9;
	v15 =	vmul.f32 v8, v8;
	v4 =	vadd.f32 v11, v4;
	(pc) =	sbr.rel @p1 .LBB2_43-.Ltmp20, $4  }
0x2c8: {  	v8 =	vld [tilespmem:s1+$0x0]  }
0x2c9: {  	v7 =	vld [tilespmem:s3+$0x4000];
	v13 =	vsub.f32 v10, v13;
	v3 =	vadd.f32 v15, v3;
	v15 =	vmul.f32 v9, v9  }
0x2ca: {  	s31 =	sand.u32 $0x40, s30;
	s28 =	sadd.s32 $0x80, s28;
	v9 =	vld [tilespmem:s3+$0x0]  }
0x2cb: {  	s30 =	sadd.s32 $0x40, s30;
	s0 =	sand.u32 $0x1F00, s28;
	s2 =	sor.u32 s25, s31;
	v10 =	vld [tilespmem:s29+$0x4000];
	v11 =	vsub.f32 v14, v12;
	v6 =	vadd.f32 v15, v6;
	v12 =	vmul.f32 v13, v13  }
0x2cc: {  	s1 =	sor.u32 s0, s2;
	v13 =	vld [tilespmem:s29+$0x0]  }
0x2cd: {  	s25 =	sor.u32 s23, s31;
	v14 =	vld [tilespmem:s1+$0x4000]  }
0x2ce: {  	s2 =	sor.u32 s0, s25;
	v15 =	vld [tilespmem:s1+$0x0]  }
0x2cf: {  	s28 =	sor.u32 s24, s31;
	v16 =	vld [tilespmem:s2+$0x4000]  }
0x2d0: {  	s1 =	sor.u32 s0, s28;
	v17 =	vld [tilespmem:s2+$0x0]  }
0x2d1: {  	s29 =	sor.u32 s26, s31;
	v18 =	vld [tilespmem:s1+$0x4000]  }
0x2d2: {  	s30 =	sor.u32 s0, s29;
	v19 =	vld [tilespmem:s1+$0x0]  }
0x2d3: {  	v5 =	vsub.f32 v5, v8;
	v56 =	vld [tilespmem:s30+$0x4000]  }
0x2d4: {  	v11 =	vmul.f32 v11, v11;
	v20 =	vld [tilespmem:s30+$0x0]  }
0x2d5: {  	v2 =	vadd.f32 v12, v2;
	v5 =	vmul.f32 v5, v5  }
0x2d6: {  	v7 =	vsub.f32 v7, v9;
	v4 =	vadd.f32 v11, v4  }
0x2d7: {  	v57 =	vsub.f32 v10, v13;
	v3 =	vadd.f32 v5, v3  }
0x2d8: {  	v7 =	vmul.f32 v7, v7;
	v58 =	vsub.f32 v14, v15;
	v59 =	vsub.f32 v16, v17  }
0x2d9: {  	v9 =	vmul.f32 v57, v57;
	v60 =	vsub.f32 v18, v19;
	v8 =	vsub.f32 v56, v20  }
0x2da: {  	v6 =	vadd.f32 v7, v6;
	v5 =	vmul.f32 v58, v58;
	v61 =	vmul.f32 v59, v59  }
0x2db: {  	v2 =	vadd.f32 v9, v2;
	v62 =	vmul.f32 v60, v60;
	v8 =	vmul.f32 v8, v8  }
0x2dc: {  	v4 =	vadd.f32 v5, v4;
	v3 =	vadd.f32 v61, v3  }
0x2dd: {  	v63 =	vadd.f32 v62, v6;
	v2 =	vadd.f32 v8, v2;
	_ =	sdelay $0x1  }
0x2de: {  	v3 =	vadd.f32 v63, v3;
	v2 =	vadd.f32 v4, v2;
	_ =	sdelay $0x1  }
0x2df: {  	v2 =	vadd.f32 v2, v3;
	_ =	sdelay $0x1  }
0x2e0: {  	(xrf2) =	vadd.scan.msk.f32 $0xffff, v2;
	_ =	sdelay $0x8  }
.Ltmp21:
0x2e1: {  	_ = 	snop;
	(pc) =	sbr.rel @p0 .LBB2_42-.Ltmp21, $4  }
0x2e2: {  	s31 =	sor.u32 $0x4, s22;
	v2, _, _ =	vpop (xrf2)  }
0x2e3: {  	v3 =	vmov s31;
	v2 =	vbroadcast v2, $0xF  }
0x2e4: {  	vm0 =	veq.s32 v3, v0  }
0x2e5: {  	s22 =	simm.s32 $0x1;
	p1 =	por $0x0, $0x0;
	v1 =	vsel vm0, v2, v1  }
0x2e6: {  	_ =	swait.ge [sflag:s16], $0x2000  }
0x2e7: {  	[sflag:s16] =	ssyncset.done $0x0  }
0x2e8: {  	[sflag:s16] =	ssyncadd.s32 $0xFFFFE000  }
0x2e9: {  	_ =	swait.ge [sflag:s17], $0x2000  }
0x2ea: {  	s21 =	simm.s32 $0x0;
	[sflag:s17] =	ssyncset.done $0x0  }
0x2eb: {  	p1 =	por $0x0, $0x0;
	s22 =	simm.s32 $0x0;
	[sflag:s17] =	ssyncadd.s32 $0xFFFFE000  }
.LBB2_46:
0x2ec: {  	s23 =	sshll.u32 s22, $0x7;
	s0 =	sand.u32 $0x40, s21  }
0x2ed: {  	s1 =	sand.u32 $0x1F00, s21;
	s25 =	sor.u32 $0x30, s23;
	s3 =	sor.u32 s23, s0  }
0x2ee: {  	s2 =	sor.u32 s25, s0;
	s3 =	sor.u32 s1, s3  }
0x2ef: {  	s2 =	sor.u32 s1, s2;
	v4 =	vld [tilespmem:s3+$0x6000]  }
0x2f0: {  	s24 =	sor.u32 $0x10, s23;
	v2 =	vld [tilespmem:s2+$0x6000]  }
0x2f1: {  	v3 =	vld [tilespmem:s2+$0x2000];
	s2 =	sor.u32 s24, s0  }
0x2f2: {  	s26 =	sor.u32 $0x20, s23;
	v5 =	vld [tilespmem:s3+$0x2000];
	s2 =	sor.u32 s1, s2  }
0x2f3: {  	s3 =	simm.s32 $0x40;
	s0 =	sor.u32 s26, s0;
	v6 =	vld [tilespmem:s2+$0x6000]  }
0x2f4: {  	s0 =	sor.u32 s1, s0;
	s1 =	sand.u32 $0x40, s3;
	s3 =	simm.s32 $0x80;
	v7 =	vld [tilespmem:s2+$0x2000]  }
0x2f5: {  	s2 =	sand.u32 $0x1F00, s3;
	s3 =	sor.u32 s25, s1;
	v9 =	vld [tilespmem:s0+$0x6000]  }
0x2f6: {  	v10 =	vld [tilespmem:s0+$0x2000];
	s3 =	sor.u32 s2, s3  }
0x2f7: {  	s0 =	sor.u32 s23, s1;
	v11 =	vld [tilespmem:s3+$0x6000]  }
0x2f8: {  	s0 =	sor.u32 s2, s0;
	v12 =	vld [tilespmem:s3+$0x2000];
	v2 =	vsub.f32 v2, v3;
	v3 =	vsub.f32 v4, v5  }
0x2f9: {  	s3 =	sor.u32 s24, s1;
	v8 =	vld [tilespmem:s0+$0x2000];
	v4 =	vsub.f32 v6, v7  }
0x2fa: {  	v5 =	vld [tilespmem:s0+$0x6000];
	s3 =	sor.u32 s2, s3;
	v6 =	vmul.f32 v2, v2;
	v3 =	vmul.f32 v3, v3  }
0x2fb: {  	s28 =	simm.s32 $0x100;
	s1 =	sor.u32 s26, s1;
	s0 =	simm.s32 $0x80;
	v2 =	vimm.f32 $0.0e+00;
	v7 =	vld [tilespmem:s3+$0x6000];
	v13 =	vsub.f32 v9, v10;
	v14 =	vmul.f32 v4, v4  }
0x2fc: {  	p0 =	por p1, p1;
	s29 =	sor.u32 s2, s1;
	s31 =	sand.u32 $0x40, s0;
	v9 =	vld [tilespmem:s3+$0x2000];
	v4 =	vadd.f32 v6, v2;
	v3 =	vadd.f32 v3, v2  }
0x2fd: {  	s30 =	simm.s32 $0xC0;
	s0 =	sand.u32 $0x1F00, s28;
	s2 =	sor.u32 s25, s31;
	v10 =	vld [tilespmem:s29+$0x6000];
	v11 =	vsub.f32 v11, v12;
	v12 =	vmul.f32 v13, v13;
	v6 =	vadd.f32 v14, v2  }
.LBB2_47:
0x2fe: {  	p1 =	sne.s32 s30, $0xFC0;
	s1 =	sor.u32 s23, s31;
	s2 =	sor.u32 s0, s2;
	v13 =	vld [tilespmem:s29+$0x2000]  }
0x2ff: {  	s3 =	sor.u32 s24, s31;
	s29 =	sor.u32 s26, s31;
	s1 =	sor.u32 s0, s1;
	v14 =	vld [tilespmem:s2+$0x6000];
	v8 =	vsub.f32 v5, v8;
	v11 =	vmul.f32 v11, v11;
	v2 =	vadd.f32 v12, v2  }
0x300: {  	s3 =	sor.u32 s0, s3;
	s29 =	sor.u32 s0, s29;
	v12 =	vld [tilespmem:s2+$0x2000]  }
.Ltmp22:
0x301: {  	v5 =	vld [tilespmem:s1+$0x6000];
	v9 =	vsub.f32 v7, v9;
	v15 =	vmul.f32 v8, v8;
	v4 =	vadd.f32 v11, v4;
	(pc) =	sbr.rel @p1 .LBB2_47-.Ltmp22, $4  }
0x302: {  	v8 =	vld [tilespmem:s1+$0x2000]  }
0x303: {  	v7 =	vld [tilespmem:s3+$0x6000];
	v13 =	vsub.f32 v10, v13;
	v3 =	vadd.f32 v15, v3;
	v15 =	vmul.f32 v9, v9  }
0x304: {  	s31 =	sand.u32 $0x40, s30;
	s28 =	sadd.s32 $0x80, s28;
	v9 =	vld [tilespmem:s3+$0x2000]  }
0x305: {  	s30 =	sadd.s32 $0x40, s30;
	s0 =	sand.u32 $0x1F00, s28;
	s2 =	sor.u32 s25, s31;
	v10 =	vld [tilespmem:s29+$0x6000];
	v11 =	vsub.f32 v14, v12;
	v6 =	vadd.f32 v15, v6;
	v12 =	vmul.f32 v13, v13  }
0x306: {  	s1 =	sor.u32 s0, s2;
	v13 =	vld [tilespmem:s29+$0x2000]  }
0x307: {  	s25 =	sor.u32 s23, s31;
	v14 =	vld [tilespmem:s1+$0x6000]  }
0x308: {  	s2 =	sor.u32 s0, s25;
	v15 =	vld [tilespmem:s1+$0x2000]  }
0x309: {  	s28 =	sor.u32 s24, s31;
	v16 =	vld [tilespmem:s2+$0x6000]  }
0x30a: {  	s1 =	sor.u32 s0, s28;
	v17 =	vld [tilespmem:s2+$0x2000]  }
0x30b: {  	s29 =	sor.u32 s26, s31;
	v18 =	vld [tilespmem:s1+$0x6000]  }
0x30c: {  	s30 =	sor.u32 s0, s29;
	v19 =	vld [tilespmem:s1+$0x2000]  }
0x30d: {  	v5 =	vsub.f32 v5, v8;
	v56 =	vld [tilespmem:s30+$0x6000]  }
0x30e: {  	v11 =	vmul.f32 v11, v11;
	v20 =	vld [tilespmem:s30+$0x2000]  }
0x30f: {  	v2 =	vadd.f32 v12, v2;
	v5 =	vmul.f32 v5, v5  }
0x310: {  	v7 =	vsub.f32 v7, v9;
	v4 =	vadd.f32 v11, v4  }
0x311: {  	v57 =	vsub.f32 v10, v13;
	v3 =	vadd.f32 v5, v3  }
0x312: {  	v7 =	vmul.f32 v7, v7;
	v58 =	vsub.f32 v14, v15;
	v59 =	vsub.f32 v16, v17  }
0x313: {  	v9 =	vmul.f32 v57, v57;
	v60 =	vsub.f32 v18, v19;
	v8 =	vsub.f32 v56, v20  }
0x314: {  	v6 =	vadd.f32 v7, v6;
	v5 =	vmul.f32 v58, v58;
	v61 =	vmul.f32 v59, v59  }
0x315: {  	v2 =	vadd.f32 v9, v2;
	v62 =	vmul.f32 v60, v60;
	v8 =	vmul.f32 v8, v8  }
0x316: {  	v4 =	vadd.f32 v5, v4;
	v3 =	vadd.f32 v61, v3  }
0x317: {  	v63 =	vadd.f32 v62, v6;
	v2 =	vadd.f32 v8, v2;
	_ =	sdelay $0x1  }
0x318: {  	v3 =	vadd.f32 v63, v3;
	v2 =	vadd.f32 v4, v2;
	_ =	sdelay $0x1  }
0x319: {  	v2 =	vadd.f32 v2, v3;
	_ =	sdelay $0x1  }
0x31a: {  	(xrf2) =	vadd.scan.msk.f32 $0xffff, v2;
	_ =	sdelay $0x8  }
.Ltmp23:
0x31b: {  	_ = 	snop;
	(pc) =	sbr.rel @!p0 .LBB2_46-.Ltmp23, $4  }
0x31c: {  	s31 =	sor.u32 $0x6, s22;
	v2, _, _ =	vpop (xrf2)  }
0x31d: {  	v3 =	vmov s31;
	v2 =	vbroadcast v2, $0xF  }
0x31e: {  	vm0 =	veq.s32 v3, v0  }
0x31f: {  	s22 =	simm.s32 $0x1;
	p1 =	por $0x1, $0x1;
	v1 =	vsel vm0, v2, v1  }
0x320: {  	[tilespmem:$0x8000] =	vst v1;
	s21 =	simm.s32 $0x0  }
0x321: {  	[hbm4b:s6+s21] =	stream.linear.scatter [tilespmem:s18], [sflag:$0x5], $0x8, $0x38;
	[tilespmem:$0x8080] =	vst v63  }
0x322: {  	_ =	swait.ge [sflag:s19], $0x8  }
0x323: {  	[sflag:s19] =	ssyncset.done $0x0  }
0x324: {  	s0 =	rddreg [dreg:$0x1a];
	[sflag:s19] =	ssyncadd.s32 $0xFFFFFFF8  }
0x325: {  	[tilespmem:s21], [sflag:$0x1] =	stream.strided.gather [hbm4b:s0+s9], $0x2000, s10, s9, $0x38;
	[tilespmem:$0x8080] =	vst v63  }
0x326: {  	s29 =	rddreg [dreg:$0x1b]  }
0x327: {  	[tilespmem:s11], [sflag:$0x3] =	stream.strided.gather [hbm4b:s29+s9], $0x2000, s10, s9, $0x38;
	[tilespmem:$0x8080] =	vst v63  }
0x328: {  	s30 =	rddreg [dreg:$0x1c]  }
0x329: {  	[tilespmem:s12], [sflag:$0x2] =	stream.strided.gather [hbm4b:s30+s9], $0x2000, s10, s9, $0x38;
	[tilespmem:$0x8080] =	vst v63  }
0x32a: {  	s31 =	rddreg [dreg:$0x1d]  }
0x32b: {  	[tilespmem:s13], [sflag:$0x4] =	stream.strided.gather [hbm4b:s31+s9], $0x2000, s10, s9, $0x38;
	[tilespmem:$0x8080] =	vst v63  }
0x32c: {  	_ =	swait.ge [sflag:s14], $0x2000  }
0x32d: {  	[sflag:s14] =	ssyncset.done $0x0  }
0x32e: {  	[sflag:s14] =	ssyncadd.s32 $0xFFFFE000  }
0x32f: {  	_ =	swait.ge [sflag:s15], $0x2000  }
0x330: {  	[sflag:s15] =	ssyncset.done $0x0  }
0x331: {  	p1 =	por $0x1, $0x1;
	v2 =	vimm.f32 $0.0e+00;
	v1 =	vimm.f32 $0.0e+00;
	s22 =	simm.s32 $0x0;
	[sflag:s15] =	ssyncadd.s32 $0xFFFFE000  }
.LBB2_50:
0x332: {  	s23 =	sshll.u32 s22, $0x7;
	s0 =	sand.u32 $0x40, s21  }
0x333: {  	s1 =	sand.u32 $0x1F00, s21;
	s25 =	sor.u32 $0x30, s23;
	s3 =	sor.u32 s23, s0  }
0x334: {  	s2 =	sor.u32 s25, s0;
	s3 =	sor.u32 s1, s3  }
0x335: {  	s2 =	sor.u32 s1, s2;
	v5 =	vld [tilespmem:s3+$0x4000]  }
0x336: {  	s24 =	sor.u32 $0x10, s23;
	v3 =	vld [tilespmem:s2+$0x4000]  }
0x337: {  	v4 =	vld [tilespmem:s2+$0x0];
	s2 =	sor.u32 s24, s0  }
0x338: {  	s26 =	sor.u32 $0x20, s23;
	v6 =	vld [tilespmem:s3+$0x0];
	s2 =	sor.u32 s1, s2  }
0x339: {  	s3 =	simm.s32 $0x40;
	s0 =	sor.u32 s26, s0;
	v7 =	vld [tilespmem:s2+$0x4000]  }
0x33a: {  	s0 =	sor.u32 s1, s0;
	s1 =	sand.u32 $0x40, s3;
	s3 =	simm.s32 $0x80;
	v8 =	vld [tilespmem:s2+$0x0]  }
0x33b: {  	s2 =	sand.u32 $0x1F00, s3;
	s3 =	sor.u32 s25, s1;
	v9 =	vld [tilespmem:s0+$0x4000]  }
0x33c: {  	v10 =	vld [tilespmem:s0+$0x0];
	s3 =	sor.u32 s2, s3  }
0x33d: {  	v11 =	vld [tilespmem:s3+$0x4000]  }
0x33e: {  	s0 =	sor.u32 s23, s1;
	v12 =	vld [tilespmem:s3+$0x0];
	v3 =	vsub.f32 v3, v4  }
0x33f: {  	s0 =	sor.u32 s2, s0;
	v4 =	vsub.f32 v5, v6  }
0x340: {  	s3 =	sor.u32 s24, s1;
	v6 =	vld [tilespmem:s0+$0x4000];
	v3 =	vmul.f32 v3, v3;
	v5 =	vsub.f32 v7, v8  }
0x341: {  	s3 =	sor.u32 s2, s3;
	v4 =	vmul.f32 v4, v4;
	v8 =	vld [tilespmem:s0+$0x0]  }
0x342: {  	s28 =	simm.s32 $0x100;
	s1 =	sor.u32 s26, s1;
	s0 =	simm.s32 $0x80;
	v7 =	vld [tilespmem:s3+$0x4000];
	v9 =	vsub.f32 v9, v10;
	v3 =	vadd.f32 v3, v2;
	v5 =	vmul.f32 v5, v5  }
0x343: {  	p0 =	por p1, p1;
	s29 =	sor.u32 s2, s1;
	v10 =	vld [tilespmem:s3+$0x0];
	s0 =	sand.u32 $0x40, s0;
	v4 =	vadd.f32 v4, v2;
	v12 =	vsub.f32 v11, v12  }
0x344: {  	s30 =	simm.s32 $0xC0;
	s31 =	sand.u32 $0x1F00, s28;
	s2 =	sor.u32 s25, s0;
	v11 =	vld [tilespmem:s29+$0x4000];
	v13 =	vmul.f32 v9, v9;
	v9 =	vimm.f32 $0.0e+00;
	v5 =	vadd.f32 v5, v2  }
.LBB2_51:
0x345: {  	p1 =	sne.s32 s30, $0xFC0;
	s1 =	sor.u32 s23, s0;
	s2 =	sor.u32 s31, s2;
	v14 =	vld [tilespmem:s29+$0x0]  }
0x346: {  	s3 =	sor.u32 s24, s0;
	s0 =	sor.u32 s26, s0;
	s1 =	sor.u32 s31, s1;
	v15 =	vld [tilespmem:s2+$0x4000];
	v8 =	vsub.f32 v6, v8;
	v12 =	vmul.f32 v12, v12;
	v9 =	vadd.f32 v13, v9  }
0x347: {  	s3 =	sor.u32 s31, s3;
	s29 =	sor.u32 s31, s0;
	v13 =	vld [tilespmem:s2+$0x0]  }
.Ltmp24:
0x348: {  	v6 =	vld [tilespmem:s1+$0x4000];
	v10 =	vsub.f32 v7, v10;
	v16 =	vmul.f32 v8, v8;
	v3 =	vadd.f32 v12, v3;
	(pc) =	sbr.rel @p1 .LBB2_51-.Ltmp24, $4  }
0x349: {  	v8 =	vld [tilespmem:s1+$0x0]  }
0x34a: {  	v7 =	vld [tilespmem:s3+$0x4000];
	v14 =	vsub.f32 v11, v14;
	v4 =	vadd.f32 v16, v4;
	v16 =	vmul.f32 v10, v10  }
0x34b: {  	s28 =	sadd.s32 $0x80, s28;
	s0 =	sand.u32 $0x40, s30;
	v10 =	vld [tilespmem:s3+$0x0]  }
0x34c: {  	s31 =	sand.u32 $0x1F00, s28;
	s30 =	sadd.s32 $0x40, s30;
	s2 =	sor.u32 s25, s0;
	v11 =	vld [tilespmem:s29+$0x4000];
	v12 =	vsub.f32 v15, v13;
	v5 =	vadd.f32 v16, v5;
	v13 =	vmul.f32 v14, v14  }
0x34d: {  	s1 =	sor.u32 s31, s2;
	v14 =	vld [tilespmem:s29+$0x0]  }
0x34e: {  	s28 =	sor.u32 s23, s0;
	v15 =	vld [tilespmem:s1+$0x4000]  }
0x34f: {  	s2 =	sor.u32 s31, s28;
	v16 =	vld [tilespmem:s1+$0x0]  }
0x350: {  	s29 =	sor.u32 s24, s0;
	v17 =	vld [tilespmem:s2+$0x4000]  }
0x351: {  	s1 =	sor.u32 s31, s29;
	v18 =	vld [tilespmem:s2+$0x0]  }
0x352: {  	s30 =	sor.u32 s26, s0;
	v19 =	vld [tilespmem:s1+$0x4000]  }
0x353: {  	s0 =	sor.u32 s31, s30;
	v20 =	vld [tilespmem:s1+$0x0]  }
0x354: {  	v6 =	vsub.f32 v6, v8;
	v55 =	vld [tilespmem:s0+$0x4000]  }
0x355: {  	v12 =	vmul.f32 v12, v12;
	v21 =	vld [tilespmem:s0+$0x0]  }
0x356: {  	v9 =	vadd.f32 v13, v9;
	v6 =	vmul.f32 v6, v6  }
0x357: {  	v7 =	vsub.f32 v7, v10;
	v3 =	vadd.f32 v12, v3  }
0x358: {  	v56 =	vsub.f32 v11, v14;
	v4 =	vadd.f32 v6, v4  }
0x359: {  	v7 =	vmul.f32 v7, v7;
	v57 =	vsub.f32 v15, v16;
	v58 =	vsub.f32 v17, v18  }
0x35a: {  	v10 =	vmul.f32 v56, v56;
	v59 =	vsub.f32 v19, v20;
	v8 =	vsub.f32 v55, v21  }
0x35b: {  	v5 =	vadd.f32 v7, v5;
	v6 =	vmul.f32 v57, v57;
	v60 =	vmul.f32 v58, v58  }
0x35c: {  	v9 =	vadd.f32 v10, v9;
	v61 =	vmul.f32 v59, v59;
	v8 =	vmul.f32 v8, v8  }
0x35d: {  	v3 =	vadd.f32 v6, v3;
	v4 =	vadd.f32 v60, v4  }
0x35e: {  	v5 =	vadd.f32 v61, v5;
	v62 =	vadd.f32 v8, v9;
	_ =	sdelay $0x1  }
0x35f: {  	v4 =	vadd.f32 v5, v4;
	v3 =	vadd.f32 v3, v62;
	_ =	sdelay $0x1  }
0x360: {  	v3 =	vadd.f32 v3, v4;
	_ =	sdelay $0x1  }
0x361: {  	(xrf2) =	vadd.scan.msk.f32 $0xffff, v3;
	_ =	sdelay $0x8  }
.Ltmp25:
0x362: {  	_ = 	snop;
	(pc) =	sbr.rel @p0 .LBB2_50-.Ltmp25, $4  }
0x363: {  	v3, _, _ =	vpop (xrf2)  }
0x364: {  	v63 =	vmov s22;
	v3 =	vbroadcast v3, $0xF  }
0x365: {  	vm0 =	veq.s32 v63, v0  }
0x366: {  	s22 =	simm.s32 $0x1;
	p1 =	por $0x0, $0x0;
	v1 =	vsel vm0, v3, v1  }
0x367: {  	s21 =	simm.s32 $0x0;
	s0 =	rddreg [dreg:$0x1e]  }
0x368: {  	[tilespmem:s21], [sflag:$0x1] =	stream.strided.gather [hbm4b:s0+s9], $0x2000, s10, s9, $0x38;
	[tilespmem:$0x8080] =	vst v63  }
0x369: {  	s31 =	rddreg [dreg:$0x1f]  }
0x36a: {  	[tilespmem:s11], [sflag:$0x3] =	stream.strided.gather [hbm4b:s31+s9], $0x2000, s10, s9, $0x38;
	[tilespmem:$0x8080] =	vst v63  }
0x36b: {  	_ =	swait.ge [sflag:s16], $0x2000  }
0x36c: {  	[sflag:s16] =	ssyncset.done $0x0  }
0x36d: {  	[sflag:s16] =	ssyncadd.s32 $0xFFFFE000  }
0x36e: {  	_ =	swait.ge [sflag:s17], $0x2000  }
0x36f: {  	[sflag:s17] =	ssyncset.done $0x0  }
0x370: {  	p1 =	por $0x1, $0x1;
	s22 =	simm.s32 $0x0;
	[sflag:s17] =	ssyncadd.s32 $0xFFFFE000  }
.LBB2_54:
0x371: {  	s23 =	sshll.u32 s22, $0x7;
	s0 =	sand.u32 $0x40, s21  }
0x372: {  	s1 =	sand.u32 $0x1F00, s21;
	s25 =	sor.u32 $0x30, s23;
	s3 =	sor.u32 s23, s0  }
0x373: {  	s2 =	sor.u32 s25, s0;
	s3 =	sor.u32 s1, s3  }
0x374: {  	s2 =	sor.u32 s1, s2;
	v4 =	vld [tilespmem:s3+$0x6000]  }
0x375: {  	s24 =	sor.u32 $0x10, s23;
	v2 =	vld [tilespmem:s2+$0x6000]  }
0x376: {  	v3 =	vld [tilespmem:s2+$0x2000];
	s2 =	sor.u32 s24, s0  }
0x377: {  	s26 =	sor.u32 $0x20, s23;
	v5 =	vld [tilespmem:s3+$0x2000];
	s2 =	sor.u32 s1, s2  }
0x378: {  	s3 =	simm.s32 $0x40;
	s0 =	sor.u32 s26, s0;
	v6 =	vld [tilespmem:s2+$0x6000]  }
0x379: {  	s0 =	sor.u32 s1, s0;
	s1 =	sand.u32 $0x40, s3;
	s3 =	simm.s32 $0x80;
	v7 =	vld [tilespmem:s2+$0x2000]  }
0x37a: {  	s2 =	sand.u32 $0x1F00, s3;
	s3 =	sor.u32 s25, s1;
	v9 =	vld [tilespmem:s0+$0x6000]  }
0x37b: {  	v10 =	vld [tilespmem:s0+$0x2000];
	s3 =	sor.u32 s2, s3  }
0x37c: {  	s0 =	sor.u32 s23, s1;
	v11 =	vld [tilespmem:s3+$0x6000]  }
0x37d: {  	s0 =	sor.u32 s2, s0;
	v12 =	vld [tilespmem:s3+$0x2000];
	v2 =	vsub.f32 v2, v3;
	v3 =	vsub.f32 v4, v5  }
0x37e: {  	s3 =	sor.u32 s24, s1;
	v8 =	vld [tilespmem:s0+$0x2000];
	v4 =	vsub.f32 v6, v7  }
0x37f: {  	v5 =	vld [tilespmem:s0+$0x6000];
	s3 =	sor.u32 s2, s3;
	v6 =	vmul.f32 v2, v2;
	v3 =	vmul.f32 v3, v3  }
0x380: {  	s28 =	simm.s32 $0x100;
	s1 =	sor.u32 s26, s1;
	s0 =	simm.s32 $0x80;
	v2 =	vimm.f32 $0.0e+00;
	v7 =	vld [tilespmem:s3+$0x6000];
	v13 =	vsub.f32 v9, v10;
	v14 =	vmul.f32 v4, v4  }
0x381: {  	p0 =	por p1, p1;
	s29 =	sor.u32 s2, s1;
	s31 =	sand.u32 $0x40, s0;
	v9 =	vld [tilespmem:s3+$0x2000];
	v4 =	vadd.f32 v6, v2;
	v3 =	vadd.f32 v3, v2  }
0x382: {  	s30 =	simm.s32 $0xC0;
	s0 =	sand.u32 $0x1F00, s28;
	s2 =	sor.u32 s25, s31;
	v10 =	vld [tilespmem:s29+$0x6000];
	v11 =	vsub.f32 v11, v12;
	v12 =	vmul.f32 v13, v13;
	v6 =	vadd.f32 v14, v2  }
.LBB2_55:
0x383: {  	p1 =	sne.s32 s30, $0xFC0;
	s1 =	sor.u32 s23, s31;
	s2 =	sor.u32 s0, s2;
	v13 =	vld [tilespmem:s29+$0x2000]  }
0x384: {  	s3 =	sor.u32 s24, s31;
	s29 =	sor.u32 s26, s31;
	s1 =	sor.u32 s0, s1;
	v14 =	vld [tilespmem:s2+$0x6000];
	v8 =	vsub.f32 v5, v8;
	v11 =	vmul.f32 v11, v11;
	v2 =	vadd.f32 v12, v2  }
0x385: {  	s3 =	sor.u32 s0, s3;
	s29 =	sor.u32 s0, s29;
	v12 =	vld [tilespmem:s2+$0x2000]  }
.Ltmp26:
0x386: {  	v5 =	vld [tilespmem:s1+$0x6000];
	v9 =	vsub.f32 v7, v9;
	v15 =	vmul.f32 v8, v8;
	v4 =	vadd.f32 v11, v4;
	(pc) =	sbr.rel @p1 .LBB2_55-.Ltmp26, $4  }
0x387: {  	v8 =	vld [tilespmem:s1+$0x2000]  }
0x388: {  	v7 =	vld [tilespmem:s3+$0x6000];
	v13 =	vsub.f32 v10, v13;
	v3 =	vadd.f32 v15, v3;
	v15 =	vmul.f32 v9, v9  }
0x389: {  	s31 =	sand.u32 $0x40, s30;
	s28 =	sadd.s32 $0x80, s28;
	v9 =	vld [tilespmem:s3+$0x2000]  }
0x38a: {  	s30 =	sadd.s32 $0x40, s30;
	s0 =	sand.u32 $0x1F00, s28;
	s2 =	sor.u32 s25, s31;
	v10 =	vld [tilespmem:s29+$0x6000];
	v11 =	vsub.f32 v14, v12;
	v6 =	vadd.f32 v15, v6;
	v12 =	vmul.f32 v13, v13  }
0x38b: {  	s1 =	sor.u32 s0, s2;
	v13 =	vld [tilespmem:s29+$0x2000]  }
0x38c: {  	s25 =	sor.u32 s23, s31;
	v14 =	vld [tilespmem:s1+$0x6000]  }
0x38d: {  	s2 =	sor.u32 s0, s25;
	v15 =	vld [tilespmem:s1+$0x2000]  }
0x38e: {  	s28 =	sor.u32 s24, s31;
	v16 =	vld [tilespmem:s2+$0x6000]  }
0x38f: {  	s1 =	sor.u32 s0, s28;
	v17 =	vld [tilespmem:s2+$0x2000]  }
0x390: {  	s29 =	sor.u32 s26, s31;
	v18 =	vld [tilespmem:s1+$0x6000]  }
0x391: {  	s30 =	sor.u32 s0, s29;
	v19 =	vld [tilespmem:s1+$0x2000]  }
0x392: {  	v5 =	vsub.f32 v5, v8;
	v56 =	vld [tilespmem:s30+$0x6000]  }
0x393: {  	v11 =	vmul.f32 v11, v11;
	v20 =	vld [tilespmem:s30+$0x2000]  }
0x394: {  	v2 =	vadd.f32 v12, v2;
	v5 =	vmul.f32 v5, v5  }
0x395: {  	v7 =	vsub.f32 v7, v9;
	v4 =	vadd.f32 v11, v4  }
0x396: {  	v57 =	vsub.f32 v10, v13;
	v3 =	vadd.f32 v5, v3  }
0x397: {  	v7 =	vmul.f32 v7, v7;
	v58 =	vsub.f32 v14, v15;
	v59 =	vsub.f32 v16, v17  }
0x398: {  	v9 =	vmul.f32 v57, v57;
	v60 =	vsub.f32 v18, v19;
	v8 =	vsub.f32 v56, v20  }
0x399: {  	v6 =	vadd.f32 v7, v6;
	v5 =	vmul.f32 v58, v58;
	v61 =	vmul.f32 v59, v59  }
0x39a: {  	v2 =	vadd.f32 v9, v2;
	v62 =	vmul.f32 v60, v60;
	v8 =	vmul.f32 v8, v8  }
0x39b: {  	v4 =	vadd.f32 v5, v4;
	v3 =	vadd.f32 v61, v3  }
0x39c: {  	v63 =	vadd.f32 v62, v6;
	v2 =	vadd.f32 v8, v2;
	_ =	sdelay $0x1  }
0x39d: {  	v3 =	vadd.f32 v63, v3;
	v2 =	vadd.f32 v4, v2;
	_ =	sdelay $0x1  }
0x39e: {  	v2 =	vadd.f32 v2, v3;
	_ =	sdelay $0x1  }
0x39f: {  	(xrf2) =	vadd.scan.msk.f32 $0xffff, v2;
	_ =	sdelay $0x8  }
.Ltmp27:
0x3a0: {  	_ = 	snop;
	(pc) =	sbr.rel @p0 .LBB2_54-.Ltmp27, $4  }
0x3a1: {  	s31 =	sor.u32 $0x2, s22;
	v2, _, _ =	vpop (xrf2)  }
0x3a2: {  	v3 =	vmov s31;
	v2 =	vbroadcast v2, $0xF  }
0x3a3: {  	vm0 =	veq.s32 v3, v0  }
0x3a4: {  	s22 =	simm.s32 $0x1;
	p1 =	por $0x0, $0x0;
	v1 =	vsel vm0, v2, v1  }
0x3a5: {  	s0 =	sld [smem:$0x7FC];
	_ =	sdelay $0x1  }
0x3a6: {  	s31 =	sld [smem:$0x7FD]  }
0x3a7: {  	[tilespmem:s12], [sflag:$0x2] =	stream.strided.gather [hbm4b:s0+s9], $0x2000, s10, s9, $0x38;
	[tilespmem:$0x8080] =	vst v63  }
0x3a8: {  	_ = 	snop  }
0x3a9: {  	[tilespmem:s13], [sflag:$0x4] =	stream.strided.gather [hbm4b:s31+s9], $0x2000, s10, s9, $0x38;
	[tilespmem:$0x8080] =	vst v63  }
0x3aa: {  	_ =	swait.ge [sflag:s14], $0x2000  }
0x3ab: {  	[sflag:s14] =	ssyncset.done $0x0  }
0x3ac: {  	[sflag:s14] =	ssyncadd.s32 $0xFFFFE000  }
0x3ad: {  	_ =	swait.ge [sflag:s15], $0x2000  }
0x3ae: {  	s21 =	simm.s32 $0x0;
	[sflag:s15] =	ssyncset.done $0x0  }
0x3af: {  	p1 =	por $0x1, $0x1;
	s22 =	simm.s32 $0x0;
	[sflag:s15] =	ssyncadd.s32 $0xFFFFE000  }
.LBB2_58:
0x3b0: {  	s23 =	sshll.u32 s22, $0x7;
	s0 =	sand.u32 $0x40, s21  }
0x3b1: {  	s1 =	sand.u32 $0x1F00, s21;
	s25 =	sor.u32 $0x30, s23;
	s3 =	sor.u32 s23, s0  }
0x3b2: {  	s2 =	sor.u32 s25, s0;
	s3 =	sor.u32 s1, s3  }
0x3b3: {  	s2 =	sor.u32 s1, s2;
	v4 =	vld [tilespmem:s3+$0x4000]  }
0x3b4: {  	s24 =	sor.u32 $0x10, s23;
	v2 =	vld [tilespmem:s2+$0x4000]  }
0x3b5: {  	v3 =	vld [tilespmem:s2+$0x0];
	s2 =	sor.u32 s24, s0  }
0x3b6: {  	s26 =	sor.u32 $0x20, s23;
	v5 =	vld [tilespmem:s3+$0x0];
	s2 =	sor.u32 s1, s2  }
0x3b7: {  	s3 =	simm.s32 $0x40;
	s0 =	sor.u32 s26, s0;
	v6 =	vld [tilespmem:s2+$0x4000]  }
0x3b8: {  	s0 =	sor.u32 s1, s0;
	s1 =	sand.u32 $0x40, s3;
	s3 =	simm.s32 $0x80;
	v7 =	vld [tilespmem:s2+$0x0]  }
0x3b9: {  	s2 =	sand.u32 $0x1F00, s3;
	s3 =	sor.u32 s25, s1;
	v9 =	vld [tilespmem:s0+$0x4000]  }
0x3ba: {  	v10 =	vld [tilespmem:s0+$0x0];
	s3 =	sor.u32 s2, s3  }
0x3bb: {  	s0 =	sor.u32 s23, s1;
	v11 =	vld [tilespmem:s3+$0x4000]  }
0x3bc: {  	s0 =	sor.u32 s2, s0;
	v12 =	vld [tilespmem:s3+$0x0];
	v2 =	vsub.f32 v2, v3;
	v3 =	vsub.f32 v4, v5  }
0x3bd: {  	s3 =	sor.u32 s24, s1;
	v8 =	vld [tilespmem:s0+$0x0];
	v4 =	vsub.f32 v6, v7  }
0x3be: {  	v5 =	vld [tilespmem:s0+$0x4000];
	s3 =	sor.u32 s2, s3;
	v6 =	vmul.f32 v2, v2;
	v3 =	vmul.f32 v3, v3  }
0x3bf: {  	s28 =	simm.s32 $0x100;
	s1 =	sor.u32 s26, s1;
	s0 =	simm.s32 $0x80;
	v2 =	vimm.f32 $0.0e+00;
	v7 =	vld [tilespmem:s3+$0x4000];
	v13 =	vsub.f32 v9, v10;
	v14 =	vmul.f32 v4, v4  }
0x3c0: {  	p0 =	por p1, p1;
	s29 =	sor.u32 s2, s1;
	s31 =	sand.u32 $0x40, s0;
	v9 =	vld [tilespmem:s3+$0x0];
	v4 =	vadd.f32 v6, v2;
	v3 =	vadd.f32 v3, v2  }
0x3c1: {  	s30 =	simm.s32 $0xC0;
	s0 =	sand.u32 $0x1F00, s28;
	s2 =	sor.u32 s25, s31;
	v10 =	vld [tilespmem:s29+$0x4000];
	v11 =	vsub.f32 v11, v12;
	v12 =	vmul.f32 v13, v13;
	v6 =	vadd.f32 v14, v2  }
.LBB2_59:
0x3c2: {  	p1 =	sne.s32 s30, $0xFC0;
	s1 =	sor.u32 s23, s31;
	s2 =	sor.u32 s0, s2;
	v13 =	vld [tilespmem:s29+$0x0]  }
0x3c3: {  	s3 =	sor.u32 s24, s31;
	s29 =	sor.u32 s26, s31;
	s1 =	sor.u32 s0, s1;
	v14 =	vld [tilespmem:s2+$0x4000];
	v8 =	vsub.f32 v5, v8;
	v11 =	vmul.f32 v11, v11;
	v2 =	vadd.f32 v12, v2  }
0x3c4: {  	s3 =	sor.u32 s0, s3;
	s29 =	sor.u32 s0, s29;
	v12 =	vld [tilespmem:s2+$0x0]  }
.Ltmp28:
0x3c5: {  	v5 =	vld [tilespmem:s1+$0x4000];
	v9 =	vsub.f32 v7, v9;
	v15 =	vmul.f32 v8, v8;
	v4 =	vadd.f32 v11, v4;
	(pc) =	sbr.rel @p1 .LBB2_59-.Ltmp28, $4  }
0x3c6: {  	v8 =	vld [tilespmem:s1+$0x0]  }
0x3c7: {  	v7 =	vld [tilespmem:s3+$0x4000];
	v13 =	vsub.f32 v10, v13;
	v3 =	vadd.f32 v15, v3;
	v15 =	vmul.f32 v9, v9  }
0x3c8: {  	s31 =	sand.u32 $0x40, s30;
	s28 =	sadd.s32 $0x80, s28;
	v9 =	vld [tilespmem:s3+$0x0]  }
0x3c9: {  	s30 =	sadd.s32 $0x40, s30;
	s0 =	sand.u32 $0x1F00, s28;
	s2 =	sor.u32 s25, s31;
	v10 =	vld [tilespmem:s29+$0x4000];
	v11 =	vsub.f32 v14, v12;
	v6 =	vadd.f32 v15, v6;
	v12 =	vmul.f32 v13, v13  }
0x3ca: {  	s1 =	sor.u32 s0, s2;
	v13 =	vld [tilespmem:s29+$0x0]  }
0x3cb: {  	s25 =	sor.u32 s23, s31;
	v14 =	vld [tilespmem:s1+$0x4000]  }
0x3cc: {  	s2 =	sor.u32 s0, s25;
	v15 =	vld [tilespmem:s1+$0x0]  }
0x3cd: {  	s28 =	sor.u32 s24, s31;
	v16 =	vld [tilespmem:s2+$0x4000]  }
0x3ce: {  	s1 =	sor.u32 s0, s28;
	v17 =	vld [tilespmem:s2+$0x0]  }
0x3cf: {  	s29 =	sor.u32 s26, s31;
	v18 =	vld [tilespmem:s1+$0x4000]  }
0x3d0: {  	s30 =	sor.u32 s0, s29;
	v19 =	vld [tilespmem:s1+$0x0]  }
0x3d1: {  	v5 =	vsub.f32 v5, v8;
	v56 =	vld [tilespmem:s30+$0x4000]  }
0x3d2: {  	v11 =	vmul.f32 v11, v11;
	v20 =	vld [tilespmem:s30+$0x0]  }
0x3d3: {  	v2 =	vadd.f32 v12, v2;
	v5 =	vmul.f32 v5, v5  }
0x3d4: {  	v7 =	vsub.f32 v7, v9;
	v4 =	vadd.f32 v11, v4  }
0x3d5: {  	v57 =	vsub.f32 v10, v13;
	v3 =	vadd.f32 v5, v3  }
0x3d6: {  	v7 =	vmul.f32 v7, v7;
	v58 =	vsub.f32 v14, v15;
	v59 =	vsub.f32 v16, v17  }
0x3d7: {  	v9 =	vmul.f32 v57, v57;
	v60 =	vsub.f32 v18, v19;
	v8 =	vsub.f32 v56, v20  }
0x3d8: {  	v6 =	vadd.f32 v7, v6;
	v5 =	vmul.f32 v58, v58;
	v61 =	vmul.f32 v59, v59  }
0x3d9: {  	v2 =	vadd.f32 v9, v2;
	v62 =	vmul.f32 v60, v60;
	v8 =	vmul.f32 v8, v8  }
0x3da: {  	v4 =	vadd.f32 v5, v4;
	v3 =	vadd.f32 v61, v3  }
0x3db: {  	v63 =	vadd.f32 v62, v6;
	v2 =	vadd.f32 v8, v2;
	_ =	sdelay $0x1  }
0x3dc: {  	v3 =	vadd.f32 v63, v3;
	v2 =	vadd.f32 v4, v2;
	_ =	sdelay $0x1  }
0x3dd: {  	v2 =	vadd.f32 v2, v3;
	_ =	sdelay $0x1  }
0x3de: {  	(xrf2) =	vadd.scan.msk.f32 $0xffff, v2;
	_ =	sdelay $0x8  }
.Ltmp29:
0x3df: {  	_ = 	snop;
	(pc) =	sbr.rel @p0 .LBB2_58-.Ltmp29, $4  }
0x3e0: {  	s31 =	sor.u32 $0x4, s22;
	v2, _, _ =	vpop (xrf2)  }
0x3e1: {  	v3 =	vmov s31;
	v2 =	vbroadcast v2, $0xF  }
0x3e2: {  	vm0 =	veq.s32 v3, v0  }
0x3e3: {  	s22 =	simm.s32 $0x1;
	p1 =	por $0x0, $0x0;
	v1 =	vsel vm0, v2, v1  }
0x3e4: {  	_ =	swait.ge [sflag:s16], $0x2000  }
0x3e5: {  	[sflag:s16] =	ssyncset.done $0x0  }
0x3e6: {  	[sflag:s16] =	ssyncadd.s32 $0xFFFFE000  }
0x3e7: {  	_ =	swait.ge [sflag:s17], $0x2000  }
0x3e8: {  	s21 =	simm.s32 $0x0;
	[sflag:s17] =	ssyncset.done $0x0  }
0x3e9: {  	p1 =	por $0x0, $0x0;
	s22 =	simm.s32 $0x0;
	[sflag:s17] =	ssyncadd.s32 $0xFFFFE000  }
.LBB2_62:
0x3ea: {  	s23 =	sshll.u32 s22, $0x7;
	s0 =	sand.u32 $0x40, s21  }
0x3eb: {  	s1 =	sand.u32 $0x1F00, s21;
	s25 =	sor.u32 $0x30, s23;
	s3 =	sor.u32 s23, s0  }
0x3ec: {  	s2 =	sor.u32 s25, s0;
	s3 =	sor.u32 s1, s3  }
0x3ed: {  	s2 =	sor.u32 s1, s2;
	v4 =	vld [tilespmem:s3+$0x6000]  }
0x3ee: {  	s24 =	sor.u32 $0x10, s23;
	v2 =	vld [tilespmem:s2+$0x6000]  }
0x3ef: {  	v3 =	vld [tilespmem:s2+$0x2000];
	s2 =	sor.u32 s24, s0  }
0x3f0: {  	s26 =	sor.u32 $0x20, s23;
	v5 =	vld [tilespmem:s3+$0x2000];
	s2 =	sor.u32 s1, s2  }
0x3f1: {  	s3 =	simm.s32 $0x40;
	s0 =	sor.u32 s26, s0;
	v6 =	vld [tilespmem:s2+$0x6000]  }
0x3f2: {  	s0 =	sor.u32 s1, s0;
	s1 =	sand.u32 $0x40, s3;
	s3 =	simm.s32 $0x80;
	v7 =	vld [tilespmem:s2+$0x2000]  }
0x3f3: {  	s2 =	sand.u32 $0x1F00, s3;
	s3 =	sor.u32 s25, s1;
	v9 =	vld [tilespmem:s0+$0x6000]  }
0x3f4: {  	v10 =	vld [tilespmem:s0+$0x2000];
	s3 =	sor.u32 s2, s3  }
0x3f5: {  	s0 =	sor.u32 s23, s1;
	v11 =	vld [tilespmem:s3+$0x6000]  }
0x3f6: {  	s0 =	sor.u32 s2, s0;
	v12 =	vld [tilespmem:s3+$0x2000];
	v2 =	vsub.f32 v2, v3;
	v3 =	vsub.f32 v4, v5  }
0x3f7: {  	s3 =	sor.u32 s24, s1;
	v8 =	vld [tilespmem:s0+$0x2000];
	v4 =	vsub.f32 v6, v7  }
0x3f8: {  	v5 =	vld [tilespmem:s0+$0x6000];
	s3 =	sor.u32 s2, s3;
	v6 =	vmul.f32 v2, v2;
	v3 =	vmul.f32 v3, v3  }
0x3f9: {  	s28 =	simm.s32 $0x100;
	s1 =	sor.u32 s26, s1;
	s0 =	simm.s32 $0x80;
	v2 =	vimm.f32 $0.0e+00;
	v7 =	vld [tilespmem:s3+$0x6000];
	v13 =	vsub.f32 v9, v10;
	v14 =	vmul.f32 v4, v4  }
0x3fa: {  	p0 =	por p1, p1;
	s29 =	sor.u32 s2, s1;
	s31 =	sand.u32 $0x40, s0;
	v9 =	vld [tilespmem:s3+$0x2000];
	v4 =	vadd.f32 v6, v2;
	v3 =	vadd.f32 v3, v2  }
0x3fb: {  	s30 =	simm.s32 $0xC0;
	s0 =	sand.u32 $0x1F00, s28;
	s2 =	sor.u32 s25, s31;
	v10 =	vld [tilespmem:s29+$0x6000];
	v11 =	vsub.f32 v11, v12;
	v12 =	vmul.f32 v13, v13;
	v6 =	vadd.f32 v14, v2  }
.LBB2_63:
0x3fc: {  	p1 =	sne.s32 s30, $0xFC0;
	s1 =	sor.u32 s23, s31;
	s2 =	sor.u32 s0, s2;
	v13 =	vld [tilespmem:s29+$0x2000]  }
0x3fd: {  	s3 =	sor.u32 s24, s31;
	s29 =	sor.u32 s26, s31;
	s1 =	sor.u32 s0, s1;
	v14 =	vld [tilespmem:s2+$0x6000];
	v8 =	vsub.f32 v5, v8;
	v11 =	vmul.f32 v11, v11;
	v2 =	vadd.f32 v12, v2  }
0x3fe: {  	s3 =	sor.u32 s0, s3;
	s29 =	sor.u32 s0, s29;
	v12 =	vld [tilespmem:s2+$0x2000]  }
.Ltmp30:
0x3ff: {  	v5 =	vld [tilespmem:s1+$0x6000];
	v9 =	vsub.f32 v7, v9;
	v15 =	vmul.f32 v8, v8;
	v4 =	vadd.f32 v11, v4;
	(pc) =	sbr.rel @p1 .LBB2_63-.Ltmp30, $4  }
0x400: {  	v8 =	vld [tilespmem:s1+$0x2000]  }
0x401: {  	v7 =	vld [tilespmem:s3+$0x6000];
	v13 =	vsub.f32 v10, v13;
	v3 =	vadd.f32 v15, v3;
	v15 =	vmul.f32 v9, v9  }
0x402: {  	s31 =	sand.u32 $0x40, s30;
	s28 =	sadd.s32 $0x80, s28;
	v9 =	vld [tilespmem:s3+$0x2000]  }
0x403: {  	s30 =	sadd.s32 $0x40, s30;
	s0 =	sand.u32 $0x1F00, s28;
	s2 =	sor.u32 s25, s31;
	v10 =	vld [tilespmem:s29+$0x6000];
	v11 =	vsub.f32 v14, v12;
	v6 =	vadd.f32 v15, v6;
	v12 =	vmul.f32 v13, v13  }
0x404: {  	s1 =	sor.u32 s0, s2;
	v13 =	vld [tilespmem:s29+$0x2000]  }
0x405: {  	s25 =	sor.u32 s23, s31;
	v14 =	vld [tilespmem:s1+$0x6000]  }
0x406: {  	s2 =	sor.u32 s0, s25;
	v15 =	vld [tilespmem:s1+$0x2000]  }
0x407: {  	s28 =	sor.u32 s24, s31;
	v16 =	vld [tilespmem:s2+$0x6000]  }
0x408: {  	s1 =	sor.u32 s0, s28;
	v17 =	vld [tilespmem:s2+$0x2000]  }
0x409: {  	s29 =	sor.u32 s26, s31;
	v18 =	vld [tilespmem:s1+$0x6000]  }
0x40a: {  	s30 =	sor.u32 s0, s29;
	v19 =	vld [tilespmem:s1+$0x2000]  }
0x40b: {  	v5 =	vsub.f32 v5, v8;
	v56 =	vld [tilespmem:s30+$0x6000]  }
0x40c: {  	v11 =	vmul.f32 v11, v11;
	v20 =	vld [tilespmem:s30+$0x2000]  }
0x40d: {  	v2 =	vadd.f32 v12, v2;
	v5 =	vmul.f32 v5, v5  }
0x40e: {  	v7 =	vsub.f32 v7, v9;
	v4 =	vadd.f32 v11, v4  }
0x40f: {  	v57 =	vsub.f32 v10, v13;
	v3 =	vadd.f32 v5, v3  }
0x410: {  	v7 =	vmul.f32 v7, v7;
	v58 =	vsub.f32 v14, v15;
	v59 =	vsub.f32 v16, v17  }
0x411: {  	v9 =	vmul.f32 v57, v57;
	v60 =	vsub.f32 v18, v19;
	v8 =	vsub.f32 v56, v20  }
0x412: {  	v6 =	vadd.f32 v7, v6;
	v5 =	vmul.f32 v58, v58;
	v61 =	vmul.f32 v59, v59  }
0x413: {  	v2 =	vadd.f32 v9, v2;
	v62 =	vmul.f32 v60, v60;
	v8 =	vmul.f32 v8, v8  }
0x414: {  	v4 =	vadd.f32 v5, v4;
	v3 =	vadd.f32 v61, v3  }
0x415: {  	v63 =	vadd.f32 v62, v6;
	v2 =	vadd.f32 v8, v2;
	_ =	sdelay $0x1  }
0x416: {  	v3 =	vadd.f32 v63, v3;
	v2 =	vadd.f32 v4, v2;
	_ =	sdelay $0x1  }
0x417: {  	v2 =	vadd.f32 v2, v3;
	_ =	sdelay $0x1  }
0x418: {  	(xrf2) =	vadd.scan.msk.f32 $0xffff, v2;
	_ =	sdelay $0x8  }
.Ltmp31:
0x419: {  	_ = 	snop;
	(pc) =	sbr.rel @!p0 .LBB2_62-.Ltmp31, $4  }
0x41a: {  	s31 =	sor.u32 $0x6, s22;
	v2, _, _ =	vpop (xrf2)  }
0x41b: {  	v3 =	vmov s31;
	v2 =	vbroadcast v2, $0xF  }
0x41c: {  	vm0 =	veq.s32 v3, v0  }
0x41d: {  	s22 =	simm.s32 $0x1;
	p1 =	por $0x1, $0x1;
	v1 =	vsel vm0, v2, v1  }
0x41e: {  	s20 =	sadd.s32 $0x1, s20  }
0x41f: {  	p0 =	sne.s32 s20, s8  }
.Ltmp32:
0x420: {  	[tilespmem:$0x8000] =	vst v1;
	s21 =	simm.s32 $0x0;
	(pc) =	sbr.rel @p0 .LBB2_1-.Ltmp32, $4  }
0x421: {  	[hbm4b:s7+s21] =	stream.linear.scatter [tilespmem:s18], [sflag:$0x5], $0x8, $0x38;
	[tilespmem:$0x8080] =	vst v63  }
0x422: {  	_ =	swait.ge [sflag:s19], $0x8  }
0x423: {  	[sflag:s19] =	ssyncset.done $0x0  }
0x424: {  	[sflag:s19] =	ssyncadd.s32 $0xFFFFFFF8  }
0x425: {  	_ =	sfence.sel $0x180000  }
0x426: {  	[bflag:$0x0] =	sbarrier.arrive $0xFFFF  }
0x427: {  	_ =	strace $0x90000047  }
0x428: {  	s0 =	stileid.u32;
	[bflag:$0x2] =	sbarrier.arrive $0xFFFF  }
0x429: {  	p0 =	sne.s32 s0, $0x0;
	s0 =	rddreg [dreg:$0x1]  }
0x42a: {  	s0 =	sadd.s32 @!p0 $0x100000, s0  }
0x42b: {  	[sflag:s0] =	ssyncadd.tile.s32 @!p0 $0x1;
	_ =	shalt  }
.Lfunc_end2:
_tile_overlayer_lowered:
.L_overlay_start_2:
0x42c: {  	(tag) =	ssettag $0x2  }
0x42d: {  	s0 =	rddreg [dreg:$0x0];
	s2 =	stileid.u32  }
0x42e: {  	s1 =	rddreg [dreg:$0x1];
	p0 =	sne.s32 s2, $0x0  }
0x42f: {  	s3 =	rddreg [dreg:$0x2];
	[bflag:$0x3] =	sbarrier.arrive $0xFFFF;
	s2 =	simm.s32 @!p0 $0x1C05  }
0x430: {  	[timem:s3], [sflag:s2] =	dma.local @!p0 [hbm:s0], s1  }
0x431: {  	s0 =	simm.s32 @!p0 $0x5  }
0x432: {  	_ =	swait.ge @!p0 [sflag:s0], s1  }
0x433: {  	s1 =	ssub.s32 @!p0 $0x0, s1;
	[sflag:s0] =	ssyncset.done @!p0 $0x0  }
0x434: {  	[sflag:s0] =	ssyncadd.s32 @!p0 s1  }
0x435: {  	[bflag:$0x3] =	sbarrier.arrive $0xFFFF  }
0x436: {  	_ =	shalt  }

// kernel: kernel.8.cloned.1.call-start
scs
__scs_entry_jumppad:
0x0: {  	(pc) =	sbr.rel $0x88, $3  }
0x1: {  	(tag) =	ssettag $0x0;
	lr =	simm.s32 $0x1  }
0x2: {  	[smem:$0x3F95] =	sst lr;
	_ =	strace $0xD0000000  }
0x3: {  	_ = 	snop  }
0x4: {  	_ = 	snop  }
0x5: {  	_ = 	snop  }
0x6: {  	_ = 	snop  }
0x7: {  	_ = 	snop  }
__scs_overlays_trampoline_lowered:
0x8: {  	[smem:$0x3FA4] =	sst s0  }
0x9: {  	[smem:$0x3FA5] =	sst s1  }
0xa: {  	[smem:$0x3FA6] =	sst s2  }
0xb: {  	[smem:$0x3FA7] =	sst s3  }
0xc: {  	[smem:$0x3FA8] =	sst s4  }
0xd: {  	[smem:$0x3FA9] =	sst s5  }
0xe: {  	[smem:$0x3FAA] =	sst s6  }
0xf: {  	[smem:$0x3FAB] =	sst s7  }
0x10: {  	[smem:$0x3FAC] =	sst s8  }
0x11: {  	[smem:$0x3FAD] =	sst s9;
	s0 =	simm.s32 @!p0 $0x0  }
0x12: {  	s1 =	sld [smem:$0x3F93];
	s0 =	simm.s32 @p0 $0x1  }
0x13: {  	[smem:$0x3FAE] =	sst s0;
	s0 =	simm.s32 @!p1 $0x0  }
0x14: {  	s2 =	sld [smem:$0x3F92];
	s0 =	simm.s32 @p1 $0x1  }
0x15: {  	[smem:$0x3FAF] =	sst s0;
	s0 =	simm.s32 @!p2 $0x0  }
0x16: {  	s3 =	sld [smem:$0x3FDB];
	s0 =	simm.s32 @p2 $0x1  }
0x17: {  	s4 =	simm.s32 $0x1BF5;
	[smem:$0x3FB1] =	sst s0  }
0x18: {  	s0 =	sld [smem:$0x3F94];
	_ =	swait.ge [sflag:s4], $0x0  }
0x19: {  	s7 =	sld [smem:$0x3F95]  }
0x1a: {  	s8 =	sadd.s32 $0xFFFFE003, lr  }
0x1b: {  	s9 =	sadd.s32 $0xFFFFFEF7, lr;
	s5 =	simm.s32 $0xFFFFFFFF;
	p2 =	slt.u32 s8, $0xFFFFF086  }
0x1c: {  	p1 =	slt.u32 s9, $0xF7A;
	s5 =	simm.s32 @!p2 $0x0  }
0x1d: {  	s5 =	simm.s32 @p1 $0x1;
	p0 =	seq.s32 s7, s2  }
0x1e: {  	s7 =	smul.u32 @!p0 $0xF7A, s2;
	p2 =	seq.s32 @!p0 s5, $0x0  }
0x1f: {  	s9 =	smul.u32 $0xF7A, s1;
	s8 =	simm.s32 @!p0 $0x1BF5;
	p2 =	por !p2, p0  }
0x20: {  	[sflag:s8] =	ssyncset.s32 @!p0 $0xFFFFF086;
	s6 =	sadd.s32 @!p0 s3, s7;
	s7 =	simm.s32 @!p0 $0x108  }
0x21: {  	s3 =	sadd.s32 s3, s9;
	s6 =	sadd.s32 @!p0 $0x88, s6;
	s7 =	simm.s32 @p2 $0x1082  }
0x22: {  	[simem:s7], [sflag:s8] =	dma.local @!p0 [hbm:s6], $0xF7A  }
0x23: {  	s9 =	sor.u32 $0xD0000000, s2;
	s6 =	simm.s32 $0x108;
	_ =	swait.ge @!p0 [sflag:s8], $0x0  }
0x24: {  	s3 =	sadd.s32 $0x88, s3;
	s6 =	simm.s32 @!p1 $0x1082;
	[sflag:s4] =	ssyncset.s32 $0xFFFFF086  }
0x25: {  	[simem:s6], [sflag:s4] =	dma.local [hbm:s3], $0xF7A  }
0x26: {  	[smem:$0x3F95] =	sst s1;
	(tag) =	ssettag s2;
	_ =	strace s9  }
0x27: {  	s1 =	sld [smem:$0x3FA5]  }
0x28: {  	s2 =	sld [smem:$0x3FA6]  }
0x29: {  	s4 =	sld [smem:$0x3FA8]  }
0x2a: {  	p0 =	seq.s32 s5, $0x0;
	s5 =	sld [smem:$0x3FA9]  }
0x2b: {  	s6 =	sld [smem:$0x3FAA]  }
0x2c: {  	s7 =	sld [smem:$0x3FAB]  }
0x2d: {  	s3 =	simm.s32 $0x108;
	s8 =	sld [smem:$0x3FAC]  }
0x2e: {  	s3 =	simm.s32 @!p0 $0x1082;
	s9 =	sld [smem:$0x3FAD]  }
0x2f: {  	lr =	sadd.s32 s0, s3;
	s0 =	sld [smem:$0x3FA4]  }
0x30: {  	s3 =	sld [smem:$0x3FA7]  }
0x31: {  	[smem:$0x3FB0] =	sst s10  }
0x32: {  	s10 =	sld [smem:$0x3FAE];
	_ =	sdelay $0x3  }
0x33: {  	p0 =	seq.s32 s10, $0x1;
	s10 =	sld [smem:$0x3FB0];
	_ =	sdelay $0x3  }
0x34: {  	[smem:$0x3FB0] =	sst s10  }
0x35: {  	s10 =	sld [smem:$0x3FAF];
	_ =	sdelay $0x3  }
0x36: {  	p1 =	seq.s32 s10, $0x1;
	s10 =	sld [smem:$0x3FB0];
	_ =	sdelay $0x3  }
0x37: {  	[smem:$0x3FB0] =	sst s10  }
0x38: {  	s10 =	sld [smem:$0x3FB1]  }
0x39: {  	_ = 	snop;
	(pc) =	sbr.ind lr, $3  }
0x3a: {  	_ = 	snop  }
0x3b: {  	_ = 	snop  }
0x3c: {  	p2 =	seq.s32 s10, $0x1;
	s10 =	sld [smem:$0x3FB0]  }
0x3d: {  	_ =	shalt  }
0x3e: {  	_ =	shalt  }
0x3f: {  	_ =	shalt  }
0x40: {  	_ =	shalt  }
0x41: {  	_ =	shalt  }
0x42: {  	_ =	shalt  }
0x43: {  	_ =	shalt  }
0x44: {  	_ =	shalt  }
0x45: {  	_ =	shalt  }
0x46: {  	_ =	shalt  }
0x47: {  	_ =	shalt  }
0x48: {  	_ =	shalt  }
0x49: {  	_ =	shalt  }
0x4a: {  	_ =	shalt  }
0x4b: {  	_ =	shalt  }
0x4c: {  	_ =	shalt  }
0x4d: {  	_ =	shalt  }
0x4e: {  	_ =	shalt  }
0x4f: {  	_ =	shalt  }
0x50: {  	_ =	shalt  }
0x51: {  	_ =	shalt  }
0x52: {  	_ =	shalt  }
0x53: {  	_ =	shalt  }
0x54: {  	_ =	shalt  }
0x55: {  	_ =	shalt  }
0x56: {  	_ =	shalt  }
0x57: {  	_ =	shalt  }
0x58: {  	_ =	shalt  }
0x59: {  	_ =	shalt  }
0x5a: {  	_ =	shalt  }
0x5b: {  	_ =	shalt  }
0x5c: {  	_ =	shalt  }
0x5d: {  	_ =	shalt  }
0x5e: {  	_ =	shalt  }
0x5f: {  	_ =	shalt  }
0x60: {  	_ =	shalt  }
0x61: {  	_ =	shalt  }
0x62: {  	_ =	shalt  }
0x63: {  	_ =	shalt  }
0x64: {  	_ =	shalt  }
0x65: {  	_ =	shalt  }
0x66: {  	_ =	shalt  }
0x67: {  	_ =	shalt  }
0x68: {  	_ =	shalt  }
0x69: {  	_ =	shalt  }
0x6a: {  	_ =	shalt  }
0x6b: {  	_ =	shalt  }
0x6c: {  	_ =	shalt  }
0x6d: {  	_ =	shalt  }
0x6e: {  	_ =	shalt  }
0x6f: {  	_ =	shalt  }
0x70: {  	_ =	shalt  }
0x71: {  	_ =	shalt  }
0x72: {  	_ =	shalt  }
0x73: {  	_ =	shalt  }
0x74: {  	_ =	shalt  }
0x75: {  	_ =	shalt  }
0x76: {  	_ =	shalt  }
0x77: {  	_ =	shalt  }
0x78: {  	_ =	shalt  }
0x79: {  	_ =	shalt  }
0x7a: {  	_ =	shalt  }
0x7b: {  	_ =	shalt  }
0x7c: {  	_ =	shalt  }
0x7d: {  	_ =	shalt  }
0x7e: {  	_ =	shalt  }
0x7f: {  	_ =	shalt  }
0x80: {  	_ =	shalt  }
0x81: {  	_ =	shalt  }
0x82: {  	_ =	shalt  }
0x83: {  	_ =	shalt  }
0x84: {  	_ =	shalt  }
0x85: {  	_ =	shalt  }
0x86: {  	_ =	shalt  }
0x87: {  	_ =	shalt  }
.Lfunc_end0:
.L_simem_size_0:
called_computation.1_lowered:
.L_overlay_start_0:
0x88: {  	s2 =	sld [smem:$0x3FD9]  }
0x89: {  	s3 =	sld [smem:$0x3FFE];
	_ =	sdelay $0x1  }
0x8a: {  	s1 =	srdreg.scid  }
0x8b: {  	s0 =	sand.u32 $0x1, s1  }
0x8c: {  	s17 =	sshll.u32 s0, $0xA;
	s2 =	sadd.s32 s3, s2  }
0x8d: {  	s2 =	sadd.s32 s2, s17  }
0x8e: {  	[smem:$0x3FBC] =	sst s2  }
0x8f: {  	_ = 	snop  }
0x90: {  	s2 =	sld [smem:$0x3FD0];
	(tm) =	ssettm $0x1  }
0x91: {  	s18 =	sld [smem:$0x3FFB];
	_ =	sdelay $0x3  }
0x92: {  	_ =	strace s18  }
0x93: {  	s3 =	sld [smem:$0x3FFC];
	_ =	sdelay $0x3  }
0x94: {  	_ =	strace s3  }
0x95: {  	s3 =	sld [smem:$0x3FFD];
	_ =	sdelay $0x3  }
0x96: {  	_ =	strace s3  }
0x97: {  	_ =	strace $0x8FFFFFFF  }
0x98: {  	s19 =	sld [smem:$0x3FDB];
	_ =	sdelay $0x1  }
0x99: {  	s4 =	simm.s32 $_scs_section_size  }
0x9a: {  	s5 =	simm.s32 $_size__tile_overlayer_lowered;
	s6 =	simm.s32 $_tile_overlayer_lowered  }
0x9b: {  	s22 =	simm.s32 $0x1BFF;
	s21 =	sshll.u32 s6, $0x1;
	s3 =	sadd.s32 s4, s19  }
0x9c: {  	s7 =	simm.s32 $0x0;
	s20 =	sshll.u32 s5, $0x1;
	s5 =	sadd.s32 s21, s3  }
0x9d: {  	[timem:s7], [sflag:s22] =	dma.local [hbm:s5], s20  }
0x9e: {  	_ =	swait.ge [sflag:s22], s20  }
0x9f: {  	s4 =	ssub.s32 $0x0, s20;
	[sflag:s22] =	ssyncset.done $0x0  }
0xa0: {  	[sflag:s22] =	ssyncadd.s32 s4;
	_ =	sdelay $0x1  }
0xa1: {  	s23 =	simm.s32 $0x1B8B  }
0xa2: {  	_ =	swait.ge [sflag:s23], $0x1  }
0xa3: {  	[sflag:s23] =	ssyncset.done $0x0  }
0xa4: {  	s25 =	simm.s32 $0x1B8E;
	s24 =	sld [smem:$0x3FFE];
	[sflag:s23] =	ssyncadd.s32 $0xFFFFFFFF  }
0xa5: {  	s26 =	simm.s32 $execute0_lowered;
	[smem:$0x3FD2] =	sst s25  }
0xa6: {  	s5 =	sshll.u32 s26, $0x1;
	_ =	strace $0x80000049;
	[dreg:$0x1] =	wrdreg $0xFFFFFFFF  }
0xa7: {  	s28 =	simm.s32 $_size_execute0_lowered;
	s3 =	sadd.s32 s3, s5;
	[dreg:$0x0] =	wrdreg $0x0  }
0xa8: {  	s5 =	sshll.u32 s28, $0x1;
	[dreg:$0x2] =	wrdreg s3  }
0xa9: {  	[dreg:$0x3] =	wrdreg s5  }
0xaa: {  	[dreg:$0x4] =	wrdreg $0xC0  }
0xab: {  	_ =	task [dreg:s7], $0x5FFFF  }
0xac: {  	[dreg:$0x1] =	wrdreg $0xFFFFFFFF  }
0xad: {  	[dreg:$0x0] =	wrdreg $0x60  }
0xae: {  	[dreg:$0x2] =	wrdreg s24  }
0xaf: {  	[dreg:$0x3] =	wrdreg s2  }
0xb0: {  	[dreg:$0x4] =	wrdreg $0x9  }
0xb1: {  	_ =	task.clear_ibuf [dreg:s7], $0x5FFFF;
	_ =	strace $0x90000049  }
0xb2: {  	s29 =	simm.s32 $0x9;
	_ =	strace $0x8000004B  }
0xb3: {  	_ =	swait.ge [sflag:s29], $0x1  }
0xb4: {  	[sflag:s29] =	ssyncadd.s32 $0xFFFFFFFF  }
0xb5: {  	_ =	strace $0x9000004B  }
0xb6: {  	_ =	sfence  }
0xb7: {  	s30 =	sld [smem:$0x0];
	_ =	sdelay $0x2  }
0xb8: {  	s31 =	sshll.u32 s1, $0xD;
	s1 =	sshrl.u32 s1, $0x2  }
0xb9: {  	s3 =	sand.u32 $0x4000, s31;
	s1 =	sadd.s32 s1, s30  }
0xba: {  	s0 =	sor.u32 s3, s0;
	s1 =	sshll.u32 s1, $0x11  }
0xbb: {  	s0 =	sor.u32 s1, s0  }
0xbc: {  	s0 =	sadd.s32 $0x8F2B, s0  }
0xbd: {  	[sflag:s0] =	ssyncadd.remote.s32 $0x1  }
0xbe: {  	_ =	sfence.sel $0xFFFF  }
0xbf: {  	[dreg:$0x0] =	wrdreg $0xFFFFFFFF;
	(pc) =	sbr.abs _section_cstart, $3  }
0xc0: {  	[dreg:$0x1] =	wrdreg $0xFFFFFFFF  }
0xc1: {  	_ =	task.clear_ibuf [dreg:s7], $0x2FFFF;
	_ =	strace $0x9FFFFFFF  }
0xc2: {  	(tm) =	ssettm $0x7FFFFFFF  }
0xc3: {  	_ =	shalt  }
tec
execute0_lowered:
.L_overlay_start_1:
0x0: {  	(tag) =	ssettag $0x1  }
0x1: {  	s0 =	srdreg.scid  }
0x2: {  	s1 =	stileid.u32;
	s4 =	sand.u32 $0x1, s0  }
0x3: {  	s5 =	sor.u32 s1, s4  }
0x4: {  	p0 =	sne.s32 s5, $0x0  }
.Ltmp0:
0x5: {  	_ = 	snop;
	(pc) =	sbr.rel @p0 .LBB2_15-.Ltmp0, $4  }
0x6: {  	s12 =	rddreg [dreg:$0x0]  }
0x7: {  	s2 =	rddreg [dreg:$0x1];
	s3 =	simm.s32 $0x0  }
0x8: {  	[smem:$0x7FF] =	sst s3  }
0x9: {  	s0 =	rddreg [dreg:$0x2];
	_ =	strace $0x8000004A  }
0xa: {  	s6 =	ssub.s32 $0x2, s4;
	s4 =	sadd.s32 $0x404600, s12  }
0xb: {  	s5 =	sadd.s32 $0x4400, s12;
	s8 =	sadd.s32 $0x404620, s12  }
0xc: {  	s9 =	sadd.s32 $0x4410, s12;
	s10 =	sadd.s32 $0x4420, s12;
	s11 =	sadd.s32 $0x404630, s12  }
0xd: {  	s13 =	simm.s32 $0x80;
	s14 =	simm.s32 $0x200;
	s15 =	simm.s32 $0x1  }
0xe: {  	s16 =	simm.s32 $0x400;
	s17 =	simm.s32 $0x800;
	s18 =	simm.s32 $0xC00  }
0xf: {  	s19 =	simm.s32 $0x1000;
	s20 =	simm.s32 $0x0;
	s7 =	sshrl.u32 s6, $0x1  }
0x10: {  	v0 =	vimm.f32 $0.0e+00;
	v1 =	vimm.f32 $1.000000000e+00;
	s6 =	ssub.s32 s6, s7;
	s7 =	sadd.s32 $0x404610, s12;
	s12 =	sadd.s32 $0x4430, s12  }
.LBB2_2:
0x11: {  	s21 =	simm.s32 $0x40;
	s22 =	simm.s32 $0x0  }
.LBB2_3:
0x12: {  	p0 =	sne.s32 s21, $0xFC0;
	[tilespmem:s22+$0x800] =	vst v0;
	s23 =	smov.u32 s21;
	s21 =	sadd.s32 $0x40, s21  }
.Ltmp1:
0x13: {  	[tilespmem:s22+$0xC00] =	vst v0;
	(pc) =	sbr.rel @p0 .LBB2_3-.Ltmp1, $2  }
0x14: {  	_ =	sdelay $0x2  }
0x15: {  	s22 =	sshra.s32 s23, $0x2  }
0x16: {  	[tilespmem:s22+$0x800] =	vst v0  }
0x17: {  	[tilespmem:s22+$0xC00] =	vst v0;
	s21 =	simm.s32 $0x0  }
0x18: {  	[tilespmem:s21], [sflag:$0x1] =	stream.strided.gather [hbm4b:s4+s13], $0x400, s14, s13, $0x38;
	[tilespmem:$0x1080] =	vst v63  }
0x19: {  	_ =	swait.ge [sflag:s15], $0x400  }
0x1a: {  	[sflag:s15] =	ssyncset.done $0x0  }
0x1b: {  	[sflag:s15] =	ssyncadd.s32 $0xFFFFFC00  }
0x1c: {  	[tilespmem:s16], [sflag:$0x1] =	stream.strided.gather [hbm4b:s5+s13], $0x400, s14, s13, $0x38;
	[tilespmem:$0x1080] =	vst v63  }
0x1d: {  	_ =	swait.ge [sflag:s15], $0x400  }
0x1e: {  	[sflag:s15] =	ssyncset.done $0x0  }
0x1f: {  	s22 =	simm.s32 $0x0;
	[sflag:s15] =	ssyncadd.s32 $0xFFFFFC00  }
0x20: {  	s21 =	simm.s32 $0x40;
	v2 =	vld [tilespmem:s22+$0x0]  }
.LBB2_5:
0x21: {  	p0 =	sne.s32 s21, $0xFC0;
	_ =	sdelay $0x1  }
0x22: {  	v3 =	vld [tilespmem:s22+$0x400];
	_ =	sdelay $0x2  }
.Ltmp2:
0x23: {  	(pc) =	sbr.rel @p0 .LBB2_5-.Ltmp2, $4  }
0x24: {  	_ = 	snop  }
0x25: {  	[tilespmem:v2+s17+$0x0] =	vst.idx.add.f32.msk $0xffff, v3  }
0x26: {  	s22 =	sshra.s32 s21, $0x2;
	[tilespmem:v2+s18+$0x0] =	vst.idx.add.f32.msk $0xffff, v1  }
0x27: {  	s21 =	sadd.s32 $0x40, s21;
	v2 =	vld [tilespmem:s22+$0x0]  }
0x28: {  	_ =	sdelay $0x2  }
0x29: {  	v3 =	vld [tilespmem:s22+$0x400];
	_ =	sdelay $0x4  }
0x2a: {  	[tilespmem:v2+s17+$0x0] =	vst.idx.add.f32.msk $0xffff, v3  }
0x2b: {  	s21 =	simm.s32 $0x0;
	[tilespmem:v2+s18+$0x0] =	vst.idx.add.f32.msk $0xffff, v1  }
0x2c: {  	[tilespmem:s21], [sflag:$0x1] =	stream.strided.gather [hbm4b:s7+s13], $0x400, s14, s13, $0x38;
	[tilespmem:$0x1080] =	vst v63  }
0x2d: {  	_ =	swait.ge [sflag:s15], $0x400  }
0x2e: {  	[sflag:s15] =	ssyncset.done $0x0  }
0x2f: {  	[sflag:s15] =	ssyncadd.s32 $0xFFFFFC00  }
0x30: {  	[tilespmem:s16], [sflag:$0x1] =	stream.strided.gather [hbm4b:s9+s13], $0x400, s14, s13, $0x38;
	[tilespmem:$0x1080] =	vst v63  }
0x31: {  	_ =	swait.ge [sflag:s15], $0x400  }
0x32: {  	[sflag:s15] =	ssyncset.done $0x0  }
0x33: {  	s22 =	simm.s32 $0x0;
	[sflag:s15] =	ssyncadd.s32 $0xFFFFFC00  }
0x34: {  	s21 =	simm.s32 $0x40;
	v2 =	vld [tilespmem:s22+$0x0]  }
.LBB2_7:
0x35: {  	p0 =	sne.s32 s21, $0xFC0;
	_ =	sdelay $0x1  }
0x36: {  	v3 =	vld [tilespmem:s22+$0x400];
	_ =	sdelay $0x2  }
.Ltmp3:
0x37: {  	(pc) =	sbr.rel @p0 .LBB2_7-.Ltmp3, $4  }
0x38: {  	_ = 	snop  }
0x39: {  	[tilespmem:v2+s17+$0x0] =	vst.idx.add.f32.msk $0xffff, v3  }
0x3a: {  	s22 =	sshra.s32 s21, $0x2;
	[tilespmem:v2+s18+$0x0] =	vst.idx.add.f32.msk $0xffff, v1  }
0x3b: {  	s21 =	sadd.s32 $0x40, s21;
	v2 =	vld [tilespmem:s22+$0x0]  }
0x3c: {  	_ =	sdelay $0x2  }
0x3d: {  	v3 =	vld [tilespmem:s22+$0x400];
	_ =	sdelay $0x4  }
0x3e: {  	[tilespmem:v2+s17+$0x0] =	vst.idx.add.f32.msk $0xffff, v3  }
0x3f: {  	s21 =	simm.s32 $0x0;
	[tilespmem:v2+s18+$0x0] =	vst.idx.add.f32.msk $0xffff, v1  }
0x40: {  	[tilespmem:s21], [sflag:$0x1] =	stream.strided.gather [hbm4b:s8+s13], $0x400, s14, s13, $0x38;
	[tilespmem:$0x1080] =	vst v63  }
0x41: {  	_ =	swait.ge [sflag:s15], $0x400  }
0x42: {  	[sflag:s15] =	ssyncset.done $0x0  }
0x43: {  	[sflag:s15] =	ssyncadd.s32 $0xFFFFFC00  }
0x44: {  	[tilespmem:s16], [sflag:$0x1] =	stream.strided.gather [hbm4b:s10+s13], $0x400, s14, s13, $0x38;
	[tilespmem:$0x1080] =	vst v63  }
0x45: {  	_ =	swait.ge [sflag:s15], $0x400  }
0x46: {  	[sflag:s15] =	ssyncset.done $0x0  }
0x47: {  	s22 =	simm.s32 $0x0;
	[sflag:s15] =	ssyncadd.s32 $0xFFFFFC00  }
0x48: {  	s21 =	simm.s32 $0x40;
	v2 =	vld [tilespmem:s22+$0x0]  }
.LBB2_9:
0x49: {  	p0 =	sne.s32 s21, $0xFC0;
	_ =	sdelay $0x1  }
0x4a: {  	v3 =	vld [tilespmem:s22+$0x400];
	_ =	sdelay $0x2  }
.Ltmp4:
0x4b: {  	(pc) =	sbr.rel @p0 .LBB2_9-.Ltmp4, $4  }
0x4c: {  	_ = 	snop  }
0x4d: {  	[tilespmem:v2+s17+$0x0] =	vst.idx.add.f32.msk $0xffff, v3  }
0x4e: {  	s22 =	sshra.s32 s21, $0x2;
	[tilespmem:v2+s18+$0x0] =	vst.idx.add.f32.msk $0xffff, v1  }
0x4f: {  	s21 =	sadd.s32 $0x40, s21;
	v2 =	vld [tilespmem:s22+$0x0]  }
0x50: {  	_ =	sdelay $0x2  }
0x51: {  	v3 =	vld [tilespmem:s22+$0x400];
	_ =	sdelay $0x4  }
0x52: {  	[tilespmem:v2+s17+$0x0] =	vst.idx.add.f32.msk $0xffff, v3  }
0x53: {  	s21 =	simm.s32 $0x0;
	[tilespmem:v2+s18+$0x0] =	vst.idx.add.f32.msk $0xffff, v1  }
0x54: {  	[tilespmem:s21], [sflag:$0x1] =	stream.strided.gather [hbm4b:s11+s13], $0x400, s14, s13, $0x38;
	[tilespmem:$0x1080] =	vst v63  }
0x55: {  	_ =	swait.ge [sflag:s15], $0x400  }
0x56: {  	[sflag:s15] =	ssyncset.done $0x0  }
0x57: {  	[sflag:s15] =	ssyncadd.s32 $0xFFFFFC00  }
0x58: {  	[tilespmem:s16], [sflag:$0x1] =	stream.strided.gather [hbm4b:s12+s13], $0x400, s14, s13, $0x38;
	[tilespmem:$0x1080] =	vst v63  }
0x59: {  	_ =	swait.ge [sflag:s15], $0x400  }
0x5a: {  	[sflag:s15] =	ssyncset.done $0x0  }
0x5b: {  	[sflag:s15] =	ssyncadd.s32 $0xFFFFFC00  }
.LBB2_11:
0x5c: {  	s22 =	sshra.s32 s21, $0x2  }
0x5d: {  	v2 =	vld [tilespmem:s22+$0x0];
	_ =	sdelay $0x2  }
0x5e: {  	v3 =	vld [tilespmem:s22+$0x400]  }
0x5f: {  	p0 =	sne.s32 s21, $0xFC0  }
.Ltmp5:
0x60: {  	_ = 	snop;
	(pc) =	sbr.rel @p0 .LBB2_11-.Ltmp5, $3  }
0x61: {  	_ =	sdelay $0x1  }
0x62: {  	[tilespmem:v2+s17+$0x0] =	vst.idx.add.f32.msk $0xffff, v3  }
0x63: {  	s21 =	sadd.s32 $0x40, s21;
	[tilespmem:v2+s18+$0x0] =	vst.idx.add.f32.msk $0xffff, v1  }
0x64: {  	s21 =	simm.s32 $0x0  }
0x65: {  	v2 =	vld [tilespmem:s21+$0xC00];
	_ =	sdelay $0x4  }
0x66: {  	(erf) = vrcp.f32 v2;
	_ =	sdelay $0x2  }
0x67: {  	s23 =	simm.s32 $0x10  }
0x68: {  	v4 =	vld [tilespmem:s23+$0xC00];
	_ =	sdelay $0x3  }
0x69: {  	v5 =	vld [tilespmem:s21+$0x800]  }
0x6a: {  	s21 =	simm.s32 $0x20;
	v6 =	vpop (erf);
	(erf) = vrcp.f32 v4  }
0x6b: {  	v3 =	vld [tilespmem:s21+$0xC00];
	_ =	sdelay $0x2  }
0x6c: {  	v5 =	vmul.f32 v6, v5  }
0x6d: {  	s22 =	simm.s32 $0xC0;
	v2 =	vimm.f32 $0.0e+00;
	v4 =	vld [tilespmem:s23+$0x800]  }
.LBB2_13:
0x6e: {  	s23 =	sshra.s32 s22, $0x2;
	p0 =	sne.s32 s22, $0xFC0;
	s22 =	sadd.s32 $0x40, s22;
	(erf) = vrcp.f32 v3;
	v2 =	vadd.f32 v5, v2  }
.Ltmp6:
0x6f: {  	v3 =	vld [tilespmem:s23+$0xC00];
	(pc) =	sbr.rel @p0 .LBB2_13-.Ltmp6, $4  }
0x70: {  	_ = 	snop  }
0x71: {  	v5 =	vpop (erf)  }
0x72: {  	v5 =	vmul.f32 v5, v4  }
0x73: {  	v4 =	vld [tilespmem:s21+$0x800];
	s21 =	smov.u32 s23  }
0x74: {  	(erf) = vrcp.f32 v3;
	_ =	sdelay $0x4  }
0x75: {  	v3 =	vld [tilespmem:s21+$0x800];
	_ =	sdelay $0x1  }
0x76: {  	v6 =	vpop (erf)  }
0x77: {  	v2 =	vadd.f32 v5, v2;
	v4 =	vmul.f32 v6, v4  }
0x78: {  	v63 =	vpop (erf)  }
0x79: {  	v2 =	vadd.f32 v4, v2;
	v3 =	vmul.f32 v63, v3;
	_ =	sdelay $0x1  }
0x7a: {  	v2 =	vadd.f32 v3, v2;
	_ =	sdelay $0x1  }
0x7b: {  	(xrf2) =	vadd.scan.msk.f32 $0xffff, v2;
	_ =	sdelay $0x9  }
0x7c: {  	v2, _, _ =	vpop (xrf2)  }
0x7d: {  	(v2sf) =	vpush v2, $0xF;
	_ =	sdelay $0xe  }
0x7e: {  	s31 =	spop (v2sf)  }
0x7f: {  	s21 =	smul.f32 $9.765625000e-04, s31  }
0x80: {  	s20 =	sadd.s32 $0x1, s20  }
0x81: {  	p0 =	sne.s32 s20, s6;
	v2 =	vmov s21  }
.Ltmp7:
0x82: {  	[tilespmem:$0x1000] =	vst v2;
	(pc) =	sbr.rel @p0 .LBB2_2-.Ltmp7, $4  }
0x83: {  	[hbm4b:s2+s3] =	stream.linear.scatter [tilespmem:s19], [sflag:$0x1], $0x80, $0x38;
	[tilespmem:$0x1080] =	vst v63  }
0x84: {  	_ =	swait.ge [sflag:s15], $0x80  }
0x85: {  	[sflag:s15] =	ssyncset.done $0x0  }
0x86: {  	[sflag:s15] =	ssyncadd.s32 $0xFFFFFF80  }
.LBB2_15:
0x87: {  	_ =	sfence.sel $0x180000  }
0x88: {  	[bflag:$0x0] =	sbarrier.arrive $0xFFFF  }
0x89: {  	p0 =	sne.s32 s1, $0x0;
	_ =	strace $0x9000004A  }
0x8a: {  	s0 =	sadd.s32 @!p0 $0x100000, s0;
	[bflag:$0x2] =	sbarrier.arrive $0xFFFF  }
0x8b: {  	[sflag:s0] =	ssyncadd.tile.s32 @!p0 $0x1;
	_ =	shalt  }
.Lfunc_end2:
_tile_overlayer_lowered:
.L_overlay_start_2:
0x8c: {  	(tag) =	ssettag $0x2  }
0x8d: {  	s0 =	rddreg [dreg:$0x0];
	s2 =	stileid.u32  }
0x8e: {  	s1 =	rddreg [dreg:$0x1];
	p0 =	sne.s32 s2, $0x0  }
0x8f: {  	s3 =	rddreg [dreg:$0x2];
	[bflag:$0x3] =	sbarrier.arrive $0xFFFF;
	s2 =	simm.s32 @!p0 $0x1C01  }
0x90: {  	[timem:s3], [sflag:s2] =	dma.local @!p0 [hbm:s0], s1  }
0x91: {  	s0 =	simm.s32 @!p0 $0x1  }
0x92: {  	_ =	swait.ge @!p0 [sflag:s0], s1  }
0x93: {  	s1 =	ssub.s32 @!p0 $0x0, s1;
	[sflag:s0] =	ssyncset.done @!p0 $0x0  }
0x94: {  	[sflag:s0] =	ssyncadd.s32 @!p0 s1  }
0x95: {  	[bflag:$0x3] =	sbarrier.arrive $0xFFFF  }
0x96: {  	_ =	shalt  }

</sc_bundles>
